<compile_context>
chip_gen: v7x
topology: tpu7x:2x2x1
jax: 0.10.2.dev20260603
libtpu: 0.0.44.dev20260713+nightly
codegen_flags: <defaults>
</compile_context>

<pallas_src>
import functools

import jax
import jax.numpy as jnp
from jax.experimental import pallas as pl
from jax.experimental.pallas import tpu as pltpu
from jax.experimental.pallas import tpu_sc as plsc

_SIZE = 8192
_DIM = 32
_N_TOK = 2048
_TOK_TILE = 128
_N_TILES = _N_TOK // _TOK_TILE
_LANE = 128

_NC = 2
_NS = 16
_NW = _NC * _NS
_B_PER_W = _N_TOK // _NW
_L = 16


_CROW = 32
_N_CCH = _SIZE // _CROW
_HROW = _SIZE // _LANE


def _argmin_body(z3_ref, cb_ref, z2_ref, c2b_ref, idx_ref, ppl_ref, cnt_scr):
    i = pl.program_id(0)
    zb = z3_ref[0]
    cb = cb_ref[...]
    zb2 = zb + zb
    mm2 = jax.lax.dot_general(cb, zb2, (((1,), (0,)), ((), ())),
                              preferred_element_type=jnp.float32)
    z2 = z2_ref[0]
    z2b = jnp.broadcast_to(z2, (_CROW, _TOK_TILE))
    accv = jnp.full((_CROW, _TOK_TILE), jnp.inf, jnp.float32)
    acci = jnp.zeros((_CROW, _TOK_TILE), jnp.int32)
    for j in range(_N_CCH):
        d = (z2b + c2b_ref[j * _CROW:(j + 1) * _CROW, :]) \
            - mm2[j * _CROW:(j + 1) * _CROW, :]
        lt = d < accv
        accv = jnp.where(lt, d, accv)
        acci = jnp.where(lt, jnp.int32(j), acci)
    row = jax.lax.broadcasted_iota(jnp.int32, (_CROW, _TOK_TILE), 0)
    cand = acci * _CROW + row
    minv = jnp.min(accv, axis=0, keepdims=True)
    idx = jnp.min(jnp.where(accv == minv, cand, jnp.int32(2**30)), axis=0)
    idx_ref[...] = idx
    rr = (idx >> 7)[None, :]
    ll = (idx & 127)[None, :]
    r_io = jax.lax.broadcasted_iota(jnp.int32, (_HROW, _TOK_TILE), 0)
    l_io = jax.lax.broadcasted_iota(jnp.int32, (_LANE, _TOK_TILE), 0)
    er = (r_io == rr).astype(jnp.float32)
    el = (l_io == ll).astype(jnp.float32)
    cnt = jax.lax.dot_general(er, el, (((1,), (1,)), ((), ())),
                              preferred_element_type=jnp.float32)

    @pl.when(i == 0)
    def _():
        cnt_scr[...] = cnt

    @pl.when(i > 0)
    def _():
        cnt_scr[...] = cnt_scr[...] + cnt

    @pl.when(i == _N_TILES - 1)
    def _():
        e = cnt_scr[...] * (1.0 / _N_TOK)
        ent = jnp.sum(e * jnp.log(e + 1e-10))
        ppl_ref[...] = jnp.reshape(jnp.exp(-ent), (1, 1))


def _argmin_call(z3, codebook, z2r, c2b):
    return pl.pallas_call(
        _argmin_body,
        grid=(_N_TILES,),
        in_specs=[
            pl.BlockSpec((1, _DIM, _TOK_TILE), lambda i: (i // 8, 0, i % 8)),
            pl.BlockSpec((_SIZE, _DIM), lambda i: (0, 0)),
            pl.BlockSpec((1, 1, _TOK_TILE), lambda i: (i // 8, 0, i % 8)),
            pl.BlockSpec((_SIZE, _TOK_TILE), lambda i: (0, 0)),
        ],
        out_specs=[
            pl.BlockSpec((_TOK_TILE,), lambda i: (i,)),
            pl.BlockSpec((1, 1), lambda i: (0, 0)),
        ],
        out_shape=[
            jax.ShapeDtypeStruct((_N_TOK,), jnp.int32),
            jax.ShapeDtypeStruct((1, 1), jnp.float32),
        ],
        scratch_shapes=[pltpu.VMEM((_HROW, _LANE), jnp.float32)],
        compiler_params=pltpu.CompilerParams(
            dimension_semantics=("arbitrary",),
            allow_input_fusion=[False, False, True, True]),
    )(z3, codebook, z2r, c2b)


def _make_sc_kernel():
    mesh = plsc.VectorSubcoreMesh(core_axis_name="c", subcore_axis_name="s",
                                  num_cores=_NC, num_subcores=_NS)

    @functools.partial(
        pl.kernel,
        out_type=[
            jax.ShapeDtypeStruct((2, _DIM, 1024), jnp.float32),
            jax.ShapeDtypeStruct((_NW, _L), jnp.float32),
        ],
        mesh=mesh,
        scratch_types=[
            pltpu.VMEM((_B_PER_W,), jnp.int32),
            pltpu.VMEM((_B_PER_W, _DIM), jnp.float32),
            pltpu.VMEM((_DIM, _B_PER_W), jnp.float32),
            pltpu.VMEM((_DIM, _B_PER_W), jnp.float32),
            pltpu.VMEM((_L,), jnp.float32),
            pltpu.SemaphoreType.DMA,
        ],
        compiler_params=pltpu.CompilerParams(use_tc_tiling_on_sc=False,
                                             needs_layout_passes=False),
    )
    def _sc_body(cb_hbm, idx_hbm, z3_hbm, st_hbm, part_hbm,
                 idx_v, rows_v, zp_t, st_t, acc_v, sem):
        wid = jax.lax.axis_index("s") * _NC + jax.lax.axis_index("c")
        b = wid // 16
        toff = (wid % 16) * _B_PER_W
        base = wid * _B_PER_W
        pltpu.sync_copy(idx_hbm.at[pl.ds(base, _B_PER_W)], idx_v)
        pltpu.async_copy(cb_hbm.at[idx_v], rows_v, sem).wait()
        pltpu.sync_copy(z3_hbm.at[b, :, pl.ds(toff, _B_PER_W)], zp_t)
        lane = jax.lax.broadcasted_iota(jnp.int32, (_L,), 0)
        rows0 = lane
        rows1 = lane + _L
        accs = [jnp.zeros((_L,), jnp.float32) for _ in range(4)]
        for ii2 in range(_B_PER_W // 2):
            for h in range(2):
                ii = ii2 * 2 + h
                col = jnp.full((_L,), ii, jnp.int32)
                for g in range(2):
                    rows_idx = rows0 if g == 0 else rows1
                    zq_p = rows_v[ii, pl.ds(g * _L, _L)]
                    zp_p = plsc.load_gather(zp_t, [rows_idx, col])
                    t = zq_p - zp_p
                    plsc.store_scatter(st_t, [rows_idx, col], zp_p + t)
                    accs[h * 2 + g] = accs[h * 2 + g] + t * t
        acc_v[...] = (accs[0] + accs[1]) + (accs[2] + accs[3])
        pltpu.sync_copy(st_t, st_hbm.at[b, :, pl.ds(toff, _B_PER_W)])
        pltpu.sync_copy(acc_v, part_hbm.at[wid])

    return _sc_body


def kernel(z, codebook):
    z3 = z.reshape(2, _DIM, 1024)
    z_flat = jnp.transpose(z, (0, 2, 3, 4, 1)).reshape(-1, _DIM)
    z2 = jnp.sum(z_flat ** 2, axis=1, keepdims=True)
    z2r = z2.reshape(2, 1, 1024)
    c2 = jnp.sum(codebook ** 2, axis=1, keepdims=True)
    c2b = jnp.broadcast_to(c2, (_SIZE, _TOK_TILE))
    idx, ppl = _argmin_call(z3, codebook, z2r, c2b)
    st3, parts = _make_sc_kernel()(codebook, idx, z3)
    m = jnp.sum(parts) * (1.0 / (_N_TOK * _DIM))
    loss = m + 0.25 * m
    return st3.reshape(z.shape), loss, ppl[0, 0], idx[:, None]

# --- scband reference (transcript-rebuilt; emitter-appended) ---
"""Pipeline reference for scband-codebook-37306085933614 (READ-ONLY COPY).

The authoritative reference and input builder live on the scoring server;
editing this copy changes nothing except your own understanding.
"""

import jax, jax.numpy as jnp
import numpy as np

SIZE = 8192
LATENT_DIM = 32
BETA_C = 0.25


def setup_inputs(seed: int = 0) -> dict:
    key = jax.random.key(seed)
    k1, k2 = jax.random.split(key)
    z = jax.random.normal(k1, (2, LATENT_DIM, 4, 16, 16), dtype=jnp.float32)
    codebook = jax.random.uniform(k2, (SIZE, LATENT_DIM), dtype=jnp.float32,
                                  minval=-1.0 / SIZE, maxval=1.0 / SIZE)
    return {"z": z, "codebook": codebook}


def reference(z, codebook):
    sg = jax.lax.stop_gradient
    # permute B,C,D,H,W -> B,D,H,W,C
    z_p = jnp.transpose(z, (0, 2, 3, 4, 1))
    z_flat = z_p.reshape(-1, LATENT_DIM)
    d = (jnp.sum(z_flat ** 2, axis=1, keepdims=True)
         + jnp.sum(codebook ** 2, axis=1)
         - 2.0 * jnp.matmul(z_flat, codebook.T))
    min_encoding_indices = jnp.argmin(d, axis=1)
    min_encodings = jax.nn.one_hot(min_encoding_indices, SIZE, dtype=z.dtype)
    z_q = jnp.matmul(min_encodings, codebook).reshape(z_p.shape)
    # legacy loss
    loss = (jnp.mean((sg(z_q) - z_p) ** 2)
            + BETA_C * jnp.mean((z_q - sg(z_p)) ** 2))
    e_mean = jnp.mean(min_encodings, axis=0)
    perplexity = jnp.exp(-jnp.sum(e_mean * jnp.log(e_mean + 1e-10)))
    # straight-through estimator
    z_q_st = z_p + sg(z_q - z_p)
    z_q_out = jnp.transpose(z_q_st, (0, 4, 1, 2, 3))
    return (z_q_out, loss, perplexity, min_encoding_indices[:, None])

if __name__ == "__main__":
    import jax
    _d = setup_inputs()
    print(jax.jit(kernel)(*tuple(_d.values())))

</pallas_src>

<mosaic_0001>
#map = affine_map<(d0, d1) -> (0, 0)>
#map1 = affine_map<(d0, d1) -> (0)>
#map2 = affine_map<(d0, d1) -> (0, 0, 0)>
module attributes {stable_mosaic.version = 14 : i64} {
  func.func @_sc_body(%arg0: i32, %arg1: i32, %arg2: memref<8192x32xf32, #tpu.memory_space<hbm>>, %arg3: memref<2048xi32, #tpu.memory_space<hbm>>, %arg4: memref<2x32x1024xf32, #tpu.memory_space<hbm>>, %arg5: memref<2x32x1024xf32, #tpu.memory_space<hbm>>, %arg6: memref<32x16xf32, #tpu.memory_space<hbm>>, %arg7: memref<64xi32, #tpu.memory_space<vmem>>, %arg8: memref<64x32xf32, #tpu.memory_space<vmem>>, %arg9: memref<32x64xf32, #tpu.memory_space<vmem>>, %arg10: memref<32x64xf32, #tpu.memory_space<vmem>>, %arg11: memref<16xf32, #tpu.memory_space<vmem>>, %arg12: memref<!tpu.dma_semaphore, #tpu.memory_space<semaphore_mem>>) attributes {dimension_semantics = [#tpu.dimension_semantics<core_parallel>, #tpu.dimension_semantics<subcore_parallel>], iteration_bounds = array<i64: 2, 16>, scalar_prefetch = 0 : i64, scratch_operands = 6 : i64, tpu.core_type = #tpu.core_type<sc_vector_subcore>, window_params = [{transform_indices = #map}, {transform_indices = #map1}, {transform_indices = #map2}, {transform_indices = #map2}, {transform_indices = #map}]} {
    %mul3A = arith.constant 2 : i32
    %mul3A_0 = arith.muli %arg1, %mul3A : i32
    %add3A = arith.addi %mul3A_0, %arg0 : i32
    %jit3A = arith.constant 16 : i32
    %div3A = arith.divsi %add3A, %jit3A : i32
    %sign3A = arith.constant 0 : i32
    %sign3A_1 = arith.cmpi sgt, %add3A, %sign3A : i32
    %sign3A_2 = arith.extui %sign3A_1 : i1 to i32
    %sign3A_3 = arith.constant 0 : i32
    %sign3A_4 = arith.cmpi slt, %add3A, %sign3A_3 : i32
    %sign3A_5 = arith.extui %sign3A_4 : i1 to i32
    %sign3A_6 = arith.subi %sign3A_2, %sign3A_5 : i32
    %sign3A_7 = arith.constant 0 : i32
    %sign3A_8 = arith.cmpi sgt, %jit3A, %sign3A_7 : i32
    %sign3A_9 = arith.extui %sign3A_8 : i1 to i32
    %sign3A_10 = arith.constant 0 : i32
    %sign3A_11 = arith.cmpi slt, %jit3A, %sign3A_10 : i32
    %sign3A_12 = arith.extui %sign3A_11 : i1 to i32
    %sign3A_13 = arith.subi %sign3A_9, %sign3A_12 : i32
    %ne3A = arith.cmpi ne, %sign3A_6, %sign3A_13 : i32
    %rem3A = arith.remsi %add3A, %jit3A : i32
    %ne3A_14 = arith.constant 0 : i32
    %ne3A_15 = arith.cmpi ne, %rem3A, %ne3A_14 : i32
    %and3A = arith.andi %ne3A, %ne3A_15 : i1
    %sub3A = arith.constant 1 : i32
    %sub3A_16 = arith.subi %div3A, %sub3A : i32
    %select_n3A = arith.select %and3A, %sub3A_16, %div3A : i32
    %jit3A_17 = arith.constant 16 : i32
    %eq3A = arith.constant 0 : i32
    %eq3A_18 = arith.cmpi eq, %jit3A_17, %eq3A : i32
    %jit3A_19 = arith.constant 1 : i32
    %select_n3A_20 = arith.select %eq3A_18, %jit3A_19, %jit3A_17 : i32
    %rem3A_21 = arith.remsi %add3A, %select_n3A_20 : i32
    %ne3A_22 = arith.constant 0 : i32
    %ne3A_23 = arith.cmpi ne, %rem3A_21, %ne3A_22 : i32
    %lt3A = arith.constant 0 : i32
    %lt3A_24 = arith.cmpi slt, %rem3A_21, %lt3A : i32
    %lt3A_25 = arith.constant 0 : i32
    %lt3A_26 = arith.cmpi slt, %select_n3A_20, %lt3A_25 : i32
    %ne3A_27 = arith.xori %lt3A_24, %lt3A_26 : i1
    %and3A_28 = arith.andi %ne3A_27, %ne3A_23 : i1
    %add3A_29 = arith.addi %rem3A_21, %select_n3A_20 : i32
    %select_n3A_30 = arith.select %and3A_28, %add3A_29, %rem3A_21 : i32
    %mul3A_31 = arith.constant 64 : i32
    %mul3A_32 = arith.muli %select_n3A_30, %mul3A_31 : i32
    %mul3A_33 = arith.constant 64 : i32
    %mul3A_34 = arith.muli %add3A, %mul3A_33 : i32
    "tpu.region"() ({
      %run_scoped3A = tpu.sem_alloc : memref<!tpu.dma_semaphore, #tpu.memory_space<semaphore_mem>>
      %dma_start3A_1331 = tpu.memref_slice %arg3[%mul3A_34] : memref<2048xi32, #tpu.memory_space<hbm>> -> memref<64xi32, #tpu.memory_space<hbm>>
      %dma_start3A_1332 = tpu.memref_slice %arg3[%mul3A_34] : memref<2048xi32, #tpu.memory_space<hbm>> -> memref<64xi32, #tpu.memory_space<hbm>>
      tpu.enqueue_dma source(%dma_start3A_1332 : memref<64xi32, #tpu.memory_space<hbm>>) target(%arg7 : memref<64xi32, #tpu.memory_space<vmem>>) target_semaphore(%run_scoped3A : memref<!tpu.dma_semaphore, #tpu.memory_space<semaphore_mem>>)
      %dma_wait3A_1333 = tpu.memref_slice %arg3[%mul3A_34] : memref<2048xi32, #tpu.memory_space<hbm>> -> memref<64xi32, #tpu.memory_space<hbm>>
      %dma_wait3A_1334 = tpu.memref_slice %arg3[%mul3A_34] : memref<2048xi32, #tpu.memory_space<hbm>> -> memref<64xi32, #tpu.memory_space<hbm>>
      tpu.wait_dma2 semaphore(%run_scoped3A : memref<!tpu.dma_semaphore, #tpu.memory_space<semaphore_mem>>) src(%dma_wait3A_1334 : memref<64xi32, #tpu.memory_space<hbm>>) dst(%arg7 : memref<64xi32, #tpu.memory_space<vmem>>)
      tpu.yield
    }) : () -> ()
    %dma_start3A = arith.constant 0 : i32
    %dma_start3A_35 = arith.constant 0 : i32
    %dma_start3A_36 = tpu.memref_slice %arg2[%dma_start3A, %dma_start3A_35] : memref<8192x32xf32, #tpu.memory_space<hbm>> -> memref<8192x32xf32, #tpu.memory_space<hbm>>
    tpu.enqueue_indirect_dma source(%dma_start3A_36 : memref<8192x32xf32, #tpu.memory_space<hbm>>) target(%arg8 : memref<64x32xf32, #tpu.memory_space<vmem>>) offsets(%arg7 : memref<64xi32, #tpu.memory_space<vmem>>) semaphore(%arg12 : memref<!tpu.dma_semaphore, #tpu.memory_space<semaphore_mem>>)
    %dma_wait3A = arith.constant 0 : i32
    %dma_wait3A_37 = arith.constant 0 : i32
    %dma_wait3A_38 = tpu.memref_slice %arg2[%dma_wait3A, %dma_wait3A_37] : memref<8192x32xf32, #tpu.memory_space<hbm>> -> memref<8192x32xf32, #tpu.memory_space<hbm>>
    tpu.wait_indirect_dma semaphore(%arg12 : memref<!tpu.dma_semaphore, #tpu.memory_space<semaphore_mem>>) src(%dma_wait3A_38 : memref<8192x32xf32, #tpu.memory_space<hbm>>) dst(%arg8 : memref<64x32xf32, #tpu.memory_space<vmem>>)
    "tpu.region"() ({
      %run_scoped3A = tpu.sem_alloc : memref<!tpu.dma_semaphore, #tpu.memory_space<semaphore_mem>>
      %dma_start3A_1331 = arith.constant 0 : i32
      %dma_start3A_1332 = tpu.memref_slice %arg4[%select_n3A, %dma_start3A_1331, %mul3A_32] : memref<2x32x1024xf32, #tpu.memory_space<hbm>> -> memref<1x32x64xf32, #tpu.memory_space<hbm>>
      %dma_start3A_1333 = tpu.memref_squeeze %dma_start3A_1332 : memref<1x32x64xf32, #tpu.memory_space<hbm>> -> memref<32x64xf32, #tpu.memory_space<hbm>>
      %dma_start3A_1334 = arith.constant 0 : i32
      %dma_start3A_1335 = tpu.memref_slice %arg4[%select_n3A, %dma_start3A_1334, %mul3A_32] : memref<2x32x1024xf32, #tpu.memory_space<hbm>> -> memref<1x32x64xf32, #tpu.memory_space<hbm>>
      %dma_start3A_1336 = tpu.memref_squeeze %dma_start3A_1335 : memref<1x32x64xf32, #tpu.memory_space<hbm>> -> memref<32x64xf32, #tpu.memory_space<hbm>>
      tpu.enqueue_dma source(%dma_start3A_1336 : memref<32x64xf32, #tpu.memory_space<hbm>>) target(%arg9 : memref<32x64xf32, #tpu.memory_space<vmem>>) target_semaphore(%run_scoped3A : memref<!tpu.dma_semaphore, #tpu.memory_space<semaphore_mem>>)
      %dma_wait3A_1337 = arith.constant 0 : i32
      %dma_wait3A_1338 = tpu.memref_slice %arg4[%select_n3A, %dma_wait3A_1337, %mul3A_32] : memref<2x32x1024xf32, #tpu.memory_space<hbm>> -> memref<1x32x64xf32, #tpu.memory_space<hbm>>
      %dma_wait3A_1339 = tpu.memref_squeeze %dma_wait3A_1338 : memref<1x32x64xf32, #tpu.memory_space<hbm>> -> memref<32x64xf32, #tpu.memory_space<hbm>>
      %dma_wait3A_1340 = arith.constant 0 : i32
      %dma_wait3A_1341 = tpu.memref_slice %arg4[%select_n3A, %dma_wait3A_1340, %mul3A_32] : memref<2x32x1024xf32, #tpu.memory_space<hbm>> -> memref<1x32x64xf32, #tpu.memory_space<hbm>>
      %dma_wait3A_1342 = tpu.memref_squeeze %dma_wait3A_1341 : memref<1x32x64xf32, #tpu.memory_space<hbm>> -> memref<32x64xf32, #tpu.memory_space<hbm>>
      tpu.wait_dma2 semaphore(%run_scoped3A : memref<!tpu.dma_semaphore, #tpu.memory_space<semaphore_mem>>) src(%dma_wait3A_1342 : memref<32x64xf32, #tpu.memory_space<hbm>>) dst(%arg9 : memref<32x64xf32, #tpu.memory_space<vmem>>)
      tpu.yield
    }) : () -> ()
    %iota3A = tpu.iota {dimensions = array<i32: 0>} : vector<16xi32>
    %add3A_39 = arith.constant 16 : i32
    %add3A_40 = vector.broadcast %add3A_39 : i32 to vector<16xi32>
    %add3A_41 = arith.addi %iota3A, %add3A_40 : vector<16xi32>
    %broadcast_in_dim3A = arith.constant 0.000000e+00 : f32
    %broadcast_in_dim3A_42 = vector.broadcast %broadcast_in_dim3A : f32 to vector<16xf32>
    %broadcast_in_dim3A_43 = arith.constant 0.000000e+00 : f32
    %broadcast_in_dim3A_44 = vector.broadcast %broadcast_in_dim3A_43 : f32 to vector<16xf32>
    %broadcast_in_dim3A_45 = arith.constant 0.000000e+00 : f32
    %broadcast_in_dim3A_46 = vector.broadcast %broadcast_in_dim3A_45 : f32 to vector<16xf32>
    %broadcast_in_dim3A_47 = arith.constant 0.000000e+00 : f32
    %broadcast_in_dim3A_48 = vector.broadcast %broadcast_in_dim3A_47 : f32 to vector<16xf32>
    %broadcast_in_dim3A_49 = arith.constant 0 : i32
    %broadcast_in_dim3A_50 = vector.broadcast %broadcast_in_dim3A_49 : i32 to vector<16xi32>
    %get3A = arith.constant 0 : i32
    %get3A_51 = arith.index_cast %get3A : i32 to index
    %get3A_52 = arith.constant 0 : index
    %get3A_53 = tpu.vector_load %arg8[%get3A_51, %get3A_52] {strides = array<i32>} : memref<64x32xf32, #tpu.memory_space<vmem>>, vector<16xf32>,
    %gather3A = tpu.vector_load_idx %arg9[%iota3A, %broadcast_in_dim3A_50] : memref<32x64xf32, #tpu.memory_space<vmem>>[vector<16xi32>, vector<16xi32>], vector<16xf32>,
    %sub3A_54 = arith.subf %get3A_53, %gather3A : vector<16xf32>
    %add3A_55 = arith.addf %gather3A, %sub3A_54 : vector<16xf32>
    tpu.vector_store_idx %arg10[%iota3A, %broadcast_in_dim3A_50], %add3A_55 : memref<32x64xf32, #tpu.memory_space<vmem>>[vector<16xi32>, vector<16xi32>], vector<16xf32>,
    %mul3A_56 = arith.mulf %sub3A_54, %sub3A_54 : vector<16xf32>
    %add3A_57 = arith.addf %broadcast_in_dim3A_42, %mul3A_56 : vector<16xf32>
    %get3A_58 = arith.constant 0 : i32
    %get3A_59 = arith.index_cast %get3A_58 : i32 to index
    %get3A_60 = arith.constant 16 : index
    %get3A_61 = tpu.vector_load %arg8[%get3A_59, %get3A_60] {strides = array<i32>} : memref<64x32xf32, #tpu.memory_space<vmem>>, vector<16xf32>,
    %gather3A_62 = tpu.vector_load_idx %arg9[%add3A_41, %broadcast_in_dim3A_50] : memref<32x64xf32, #tpu.memory_space<vmem>>[vector<16xi32>, vector<16xi32>], vector<16xf32>,
    %sub3A_63 = arith.subf %get3A_61, %gather3A_62 : vector<16xf32>
    %add3A_64 = arith.addf %gather3A_62, %sub3A_63 : vector<16xf32>
    tpu.vector_store_idx %arg10[%add3A_41, %broadcast_in_dim3A_50], %add3A_64 : memref<32x64xf32, #tpu.memory_space<vmem>>[vector<16xi32>, vector<16xi32>], vector<16xf32>,
    %mul3A_65 = arith.mulf %sub3A_63, %sub3A_63 : vector<16xf32>
    %add3A_66 = arith.addf %broadcast_in_dim3A_44, %mul3A_65 : vector<16xf32>
    %broadcast_in_dim3A_67 = arith.constant 1 : i32
    %broadcast_in_dim3A_68 = vector.broadcast %broadcast_in_dim3A_67 : i32 to vector<16xi32>
    %get3A_69 = arith.constant 1 : i32
    %get3A_70 = arith.index_cast %get3A_69 : i32 to index
    %get3A_71 = arith.constant 0 : index
    %get3A_72 = tpu.vector_load %arg8[%get3A_70, %get3A_71] {strides = array<i32>} : memref<64x32xf32, #tpu.memory_space<vmem>>, vector<16xf32>,
    %gather3A_73 = tpu.vector_load_idx %arg9[%iota3A, %broadcast_in_dim3A_68] : memref<32x64xf32, #tpu.memory_space<vmem>>[vector<16xi32>, vector<16xi32>], vector<16xf32>,
    %sub3A_74 = arith.subf %get3A_72, %gather3A_73 : vector<16xf32>
    %add3A_75 = arith.addf %gather3A_73, %sub3A_74 : vector<16xf32>
    tpu.vector_store_idx %arg10[%iota3A, %broadcast_in_dim3A_68], %add3A_75 : memref<32x64xf32, #tpu.memory_space<vmem>>[vector<16xi32>, vector<16xi32>], vector<16xf32>,
    %mul3A_76 = arith.mulf %sub3A_74, %sub3A_74 : vector<16xf32>
    %add3A_77 = arith.addf %broadcast_in_dim3A_46, %mul3A_76 : vector<16xf32>
    %get3A_78 = arith.constant 1 : i32
    %get3A_79 = arith.index_cast %get3A_78 : i32 to index
    %get3A_80 = arith.constant 16 : index
    %get3A_81 = tpu.vector_load %arg8[%get3A_79, %get3A_80] {strides = array<i32>} : memref<64x32xf32, #tpu.memory_space<vmem>>, vector<16xf32>,
    %gather3A_82 = tpu.vector_load_idx %arg9[%add3A_41, %broadcast_in_dim3A_68] : memref<32x64xf32, #tpu.memory_space<vmem>>[vector<16xi32>, vector<16xi32>], vector<16xf32>,
    %sub3A_83 = arith.subf %get3A_81, %gather3A_82 : vector<16xf32>
    %add3A_84 = arith.addf %gather3A_82, %sub3A_83 : vector<16xf32>
    tpu.vector_store_idx %arg10[%add3A_41, %broadcast_in_dim3A_68], %add3A_84 : memref<32x64xf32, #tpu.memory_space<vmem>>[vector<16xi32>, vector<16xi32>], vector<16xf32>,
    %mul3A_85 = arith.mulf %sub3A_83, %sub3A_83 : vector<16xf32>
    %add3A_86 = arith.addf %broadcast_in_dim3A_48, %mul3A_85 : vector<16xf32>
    %broadcast_in_dim3A_87 = arith.constant 2 : i32
    %broadcast_in_dim3A_88 = vector.broadcast %broadcast_in_dim3A_87 : i32 to vector<16xi32>
    %get3A_89 = arith.constant 2 : i32
    %get3A_90 = arith.index_cast %get3A_89 : i32 to index
    %get3A_91 = arith.constant 0 : index
    %get3A_92 = tpu.vector_load %arg8[%get3A_90, %get3A_91] {strides = array<i32>} : memref<64x32xf32, #tpu.memory_space<vmem>>, vector<16xf32>,
    %gather3A_93 = tpu.vector_load_idx %arg9[%iota3A, %broadcast_in_dim3A_88] : memref<32x64xf32, #tpu.memory_space<vmem>>[vector<16xi32>, vector<16xi32>], vector<16xf32>,
    %sub3A_94 = arith.subf %get3A_92, %gather3A_93 : vector<16xf32>
    %add3A_95 = arith.addf %gather3A_93, %sub3A_94 : vector<16xf32>
    tpu.vector_store_idx %arg10[%iota3A, %broadcast_in_dim3A_88], %add3A_95 : memref<32x64xf32, #tpu.memory_space<vmem>>[vector<16xi32>, vector<16xi32>], vector<16xf32>,
    %mul3A_96 = arith.mulf %sub3A_94, %sub3A_94 : vector<16xf32>
    %add3A_97 = arith.addf %add3A_57, %mul3A_96 : vector<16xf32>
    %get3A_98 = arith.constant 2 : i32
    %get3A_99 = arith.index_cast %get3A_98 : i32 to index
    %get3A_100 = arith.constant 16 : index
    %get3A_101 = tpu.vector_load %arg8[%get3A_99, %get3A_100] {strides = array<i32>} : memref<64x32xf32, #tpu.memory_space<vmem>>, vector<16xf32>,
    %gather3A_102 = tpu.vector_load_idx %arg9[%add3A_41, %broadcast_in_dim3A_88] : memref<32x64xf32, #tpu.memory_space<vmem>>[vector<16xi32>, vector<16xi32>], vector<16xf32>,
    %sub3A_103 = arith.subf %get3A_101, %gather3A_102 : vector<16xf32>
    %add3A_104 = arith.addf %gather3A_102, %sub3A_103 : vector<16xf32>
    tpu.vector_store_idx %arg10[%add3A_41, %broadcast_in_dim3A_88], %add3A_104 : memref<32x64xf32, #tpu.memory_space<vmem>>[vector<16xi32>, vector<16xi32>], vector<16xf32>,
    %mul3A_105 = arith.mulf %sub3A_103, %sub3A_103 : vector<16xf32>
    %add3A_106 = arith.addf %add3A_66, %mul3A_105 : vector<16xf32>
    %broadcast_in_dim3A_107 = arith.constant 3 : i32
    %broadcast_in_dim3A_108 = vector.broadcast %broadcast_in_dim3A_107 : i32 to vector<16xi32>
    %get3A_109 = arith.constant 3 : i32
    %get3A_110 = arith.index_cast %get3A_109 : i32 to index
    %get3A_111 = arith.constant 0 : index
    %get3A_112 = tpu.vector_load %arg8[%get3A_110, %get3A_111] {strides = array<i32>} : memref<64x32xf32, #tpu.memory_space<vmem>>, vector<16xf32>,
    %gather3A_113 = tpu.vector_load_idx %arg9[%iota3A, %broadcast_in_dim3A_108] : memref<32x64xf32, #tpu.memory_space<vmem>>[vector<16xi32>, vector<16xi32>], vector<16xf32>,
    %sub3A_114 = arith.subf %get3A_112, %gather3A_113 : vector<16xf32>
    %add3A_115 = arith.addf %gather3A_113, %sub3A_114 : vector<16xf32>
    tpu.vector_store_idx %arg10[%iota3A, %broadcast_in_dim3A_108], %add3A_115 : memref<32x64xf32, #tpu.memory_space<vmem>>[vector<16xi32>, vector<16xi32>], vector<16xf32>,
    %mul3A_116 = arith.mulf %sub3A_114, %sub3A_114 : vector<16xf32>
    %add3A_117 = arith.addf %add3A_77, %mul3A_116 : vector<16xf32>
    %get3A_118 = arith.constant 3 : i32
    %get3A_119 = arith.index_cast %get3A_118 : i32 to index
    %get3A_120 = arith.constant 16 : index
    %get3A_121 = tpu.vector_load %arg8[%get3A_119, %get3A_120] {strides = array<i32>} : memref<64x32xf32, #tpu.memory_space<vmem>>, vector<16xf32>,
    %gather3A_122 = tpu.vector_load_idx %arg9[%add3A_41, %broadcast_in_dim3A_108] : memref<32x64xf32, #tpu.memory_space<vmem>>[vector<16xi32>, vector<16xi32>], vector<16xf32>,
    %sub3A_123 = arith.subf %get3A_121, %gather3A_122 : vector<16xf32>
    %add3A_124 = arith.addf %gather3A_122, %sub3A_123 : vector<16xf32>
    tpu.vector_store_idx %arg10[%add3A_41, %broadcast_in_dim3A_108], %add3A_124 : memref<32x64xf32, #tpu.memory_space<vmem>>[vector<16xi32>, vector<16xi32>], vector<16xf32>,
    %mul3A_125 = arith.mulf %sub3A_123, %sub3A_123 : vector<16xf32>
    %add3A_126 = arith.addf %add3A_86, %mul3A_125 : vector<16xf32>
    %broadcast_in_dim3A_127 = arith.constant 4 : i32
    %broadcast_in_dim3A_128 = vector.broadcast %broadcast_in_dim3A_127 : i32 to vector<16xi32>
    %get3A_129 = arith.constant 4 : i32
    %get3A_130 = arith.index_cast %get3A_129 : i32 to index
    %get3A_131 = arith.constant 0 : index
    %get3A_132 = tpu.vector_load %arg8[%get3A_130, %get3A_131] {strides = array<i32>} : memref<64x32xf32, #tpu.memory_space<vmem>>, vector<16xf32>,
    %gather3A_133 = tpu.vector_load_idx %arg9[%iota3A, %broadcast_in_dim3A_128] : memref<32x64xf32, #tpu.memory_space<vmem>>[vector<16xi32>, vector<16xi32>], vector<16xf32>,
    %sub3A_134 = arith.subf %get3A_132, %gather3A_133 : vector<16xf32>
    %add3A_135 = arith.addf %gather3A_133, %sub3A_134 : vector<16xf32>
    tpu.vector_store_idx %arg10[%iota3A, %broadcast_in_dim3A_128], %add3A_135 : memref<32x64xf32, #tpu.memory_space<vmem>>[vector<16xi32>, vector<16xi32>], vector<16xf32>,
    %mul3A_136 = arith.mulf %sub3A_134, %sub3A_134 : vector<16xf32>
    %add3A_137 = arith.addf %add3A_97, %mul3A_136 : vector<16xf32>
    %get3A_138 = arith.constant 4 : i32
    %get3A_139 = arith.index_cast %get3A_138 : i32 to index
    %get3A_140 = arith.constant 16 : index
    %get3A_141 = tpu.vector_load %arg8[%get3A_139, %get3A_140] {strides = array<i32>} : memref<64x32xf32, #tpu.memory_space<vmem>>, vector<16xf32>,
    %gather3A_142 = tpu.vector_load_idx %arg9[%add3A_41, %broadcast_in_dim3A_128] : memref<32x64xf32, #tpu.memory_space<vmem>>[vector<16xi32>, vector<16xi32>], vector<16xf32>,
    %sub3A_143 = arith.subf %get3A_141, %gather3A_142 : vector<16xf32>
    %add3A_144 = arith.addf %gather3A_142, %sub3A_143 : vector<16xf32>
    tpu.vector_store_idx %arg10[%add3A_41, %broadcast_in_dim3A_128], %add3A_144 : memref<32x64xf32, #tpu.memory_space<vmem>>[vector<16xi32>, vector<16xi32>], vector<16xf32>,
    %mul3A_145 = arith.mulf %sub3A_143, %sub3A_143 : vector<16xf32>
    %add3A_146 = arith.addf %add3A_106, %mul3A_145 : vector<16xf32>
    %broadcast_in_dim3A_147 = arith.constant 5 : i32
    %broadcast_in_dim3A_148 = vector.broadcast %broadcast_in_dim3A_147 : i32 to vector<16xi32>
    %get3A_149 = arith.constant 5 : i32
    %get3A_150 = arith.index_cast %get3A_149 : i32 to index
    %get3A_151 = arith.constant 0 : index
    %get3A_152 = tpu.vector_load %arg8[%get3A_150, %get3A_151] {strides = array<i32>} : memref<64x32xf32, #tpu.memory_space<vmem>>, vector<16xf32>,
    %gather3A_153 = tpu.vector_load_idx %arg9[%iota3A, %broadcast_in_dim3A_148] : memref<32x64xf32, #tpu.memory_space<vmem>>[vector<16xi32>, vector<16xi32>], vector<16xf32>,
    %sub3A_154 = arith.subf %get3A_152, %gather3A_153 : vector<16xf32>
    %add3A_155 = arith.addf %gather3A_153, %sub3A_154 : vector<16xf32>
    tpu.vector_store_idx %arg10[%iota3A, %broadcast_in_dim3A_148], %add3A_155 : memref<32x64xf32, #tpu.memory_space<vmem>>[vector<16xi32>, vector<16xi32>], vector<16xf32>,
    %mul3A_156 = arith.mulf %sub3A_154, %sub3A_154 : vector<16xf32>
    %add3A_157 = arith.addf %add3A_117, %mul3A_156 : vector<16xf32>
    %get3A_158 = arith.constant 5 : i32
    %get3A_159 = arith.index_cast %get3A_158 : i32 to index
    %get3A_160 = arith.constant 16 : index
    %get3A_161 = tpu.vector_load %arg8[%get3A_159, %get3A_160] {strides = array<i32>} : memref<64x32xf32, #tpu.memory_space<vmem>>, vector<16xf32>,
    %gather3A_162 = tpu.vector_load_idx %arg9[%add3A_41, %broadcast_in_dim3A_148] : memref<32x64xf32, #tpu.memory_space<vmem>>[vector<16xi32>, vector<16xi32>], vector<16xf32>,
    %sub3A_163 = arith.subf %get3A_161, %gather3A_162 : vector<16xf32>
    %add3A_164 = arith.addf %gather3A_162, %sub3A_163 : vector<16xf32>
    tpu.vector_store_idx %arg10[%add3A_41, %broadcast_in_dim3A_148], %add3A_164 : memref<32x64xf32, #tpu.memory_space<vmem>>[vector<16xi32>, vector<16xi32>], vector<16xf32>,
    %mul3A_165 = arith.mulf %sub3A_163, %sub3A_163 : vector<16xf32>
    %add3A_166 = arith.addf %add3A_126, %mul3A_165 : vector<16xf32>
    %broadcast_in_dim3A_167 = arith.constant 6 : i32
    %broadcast_in_dim3A_168 = vector.broadcast %broadcast_in_dim3A_167 : i32 to vector<16xi32>
    %get3A_169 = arith.constant 6 : i32
    %get3A_170 = arith.index_cast %get3A_169 : i32 to index
    %get3A_171 = arith.constant 0 : index
    %get3A_172 = tpu.vector_load %arg8[%get3A_170, %get3A_171] {strides = array<i32>} : memref<64x32xf32, #tpu.memory_space<vmem>>, vector<16xf32>,
    %gather3A_173 = tpu.vector_load_idx %arg9[%iota3A, %broadcast_in_dim3A_168] : memref<32x64xf32, #tpu.memory_space<vmem>>[vector<16xi32>, vector<16xi32>], vector<16xf32>,
    %sub3A_174 = arith.subf %get3A_172, %gather3A_173 : vector<16xf32>
    %add3A_175 = arith.addf %gather3A_173, %sub3A_174 : vector<16xf32>
    tpu.vector_store_idx %arg10[%iota3A, %broadcast_in_dim3A_168], %add3A_175 : memref<32x64xf32, #tpu.memory_space<vmem>>[vector<16xi32>, vector<16xi32>], vector<16xf32>,
    %mul3A_176 = arith.mulf %sub3A_174, %sub3A_174 : vector<16xf32>
    %add3A_177 = arith.addf %add3A_137, %mul3A_176 : vector<16xf32>
    %get3A_178 = arith.constant 6 : i32
    %get3A_179 = arith.index_cast %get3A_178 : i32 to index
    %get3A_180 = arith.constant 16 : index
    %get3A_181 = tpu.vector_load %arg8[%get3A_179, %get3A_180] {strides = array<i32>} : memref<64x32xf32, #tpu.memory_space<vmem>>, vector<16xf32>,
    %gather3A_182 = tpu.vector_load_idx %arg9[%add3A_41, %broadcast_in_dim3A_168] : memref<32x64xf32, #tpu.memory_space<vmem>>[vector<16xi32>, vector<16xi32>], vector<16xf32>,
    %sub3A_183 = arith.subf %get3A_181, %gather3A_182 : vector<16xf32>
    %add3A_184 = arith.addf %gather3A_182, %sub3A_183 : vector<16xf32>
    tpu.vector_store_idx %arg10[%add3A_41, %broadcast_in_dim3A_168], %add3A_184 : memref<32x64xf32, #tpu.memory_space<vmem>>[vector<16xi32>, vector<16xi32>], vector<16xf32>,
    %mul3A_185 = arith.mulf %sub3A_183, %sub3A_183 : vector<16xf32>
    %add3A_186 = arith.addf %add3A_146, %mul3A_185 : vector<16xf32>
    %broadcast_in_dim3A_187 = arith.constant 7 : i32
    %broadcast_in_dim3A_188 = vector.broadcast %broadcast_in_dim3A_187 : i32 to vector<16xi32>
    %get3A_189 = arith.constant 7 : i32
    %get3A_190 = arith.index_cast %get3A_189 : i32 to index
    %get3A_191 = arith.constant 0 : index
    %get3A_192 = tpu.vector_load %arg8[%get3A_190, %get3A_191] {strides = array<i32>} : memref<64x32xf32, #tpu.memory_space<vmem>>, vector<16xf32>,
    %gather3A_193 = tpu.vector_load_idx %arg9[%iota3A, %broadcast_in_dim3A_188] : memref<32x64xf32, #tpu.memory_space<vmem>>[vector<16xi32>, vector<16xi32>], vector<16xf32>,
    %sub3A_194 = arith.subf %get3A_192, %gather3A_193 : vector<16xf32>
    %add3A_195 = arith.addf %gather3A_193, %sub3A_194 : vector<16xf32>
    tpu.vector_store_idx %arg10[%iota3A, %broadcast_in_dim3A_188], %add3A_195 : memref<32x64xf32, #tpu.memory_space<vmem>>[vector<16xi32>, vector<16xi32>], vector<16xf32>,
    %mul3A_196 = arith.mulf %sub3A_194, %sub3A_194 : vector<16xf32>
    %add3A_197 = arith.addf %add3A_157, %mul3A_196 : vector<16xf32>
    %get3A_198 = arith.constant 7 : i32
    %get3A_199 = arith.index_cast %get3A_198 : i32 to index
    %get3A_200 = arith.constant 16 : index
    %get3A_201 = tpu.vector_load %arg8[%get3A_199, %get3A_200] {strides = array<i32>} : memref<64x32xf32, #tpu.memory_space<vmem>>, vector<16xf32>,
    %gather3A_202 = tpu.vector_load_idx %arg9[%add3A_41, %broadcast_in_dim3A_188] : memref<32x64xf32, #tpu.memory_space<vmem>>[vector<16xi32>, vector<16xi32>], vector<16xf32>,
    %sub3A_203 = arith.subf %get3A_201, %gather3A_202 : vector<16xf32>
    %add3A_204 = arith.addf %gather3A_202, %sub3A_203 : vector<16xf32>
    tpu.vector_store_idx %arg10[%add3A_41, %broadcast_in_dim3A_188], %add3A_204 : memref<32x64xf32, #tpu.memory_space<vmem>>[vector<16xi32>, vector<16xi32>], vector<16xf32>,
    %mul3A_205 = arith.mulf %sub3A_203, %sub3A_203 : vector<16xf32>
    %add3A_206 = arith.addf %add3A_166, %mul3A_205 : vector<16xf32>
    %broadcast_in_dim3A_207 = arith.constant 8 : i32
    %broadcast_in_dim3A_208 = vector.broadcast %broadcast_in_dim3A_207 : i32 to vector<16xi32>
    %get3A_209 = arith.constant 8 : i32
    %get3A_210 = arith.index_cast %get3A_209 : i32 to index
    %get3A_211 = arith.constant 0 : index
    %get3A_212 = tpu.vector_load %arg8[%get3A_210, %get3A_211] {strides = array<i32>} : memref<64x32xf32, #tpu.memory_space<vmem>>, vector<16xf32>,
    %gather3A_213 = tpu.vector_load_idx %arg9[%iota3A, %broadcast_in_dim3A_208] : memref<32x64xf32, #tpu.memory_space<vmem>>[vector<16xi32>, vector<16xi32>], vector<16xf32>,
    %sub3A_214 = arith.subf %get3A_212, %gather3A_213 : vector<16xf32>
    %add3A_215 = arith.addf %gather3A_213, %sub3A_214 : vector<16xf32>
    tpu.vector_store_idx %arg10[%iota3A, %broadcast_in_dim3A_208], %add3A_215 : memref<32x64xf32, #tpu.memory_space<vmem>>[vector<16xi32>, vector<16xi32>], vector<16xf32>,
    %mul3A_216 = arith.mulf %sub3A_214, %sub3A_214 : vector<16xf32>
    %add3A_217 = arith.addf %add3A_177, %mul3A_216 : vector<16xf32>
    %get3A_218 = arith.constant 8 : i32
    %get3A_219 = arith.index_cast %get3A_218 : i32 to index
    %get3A_220 = arith.constant 16 : index
    %get3A_221 = tpu.vector_load %arg8[%get3A_219, %get3A_220] {strides = array<i32>} : memref<64x32xf32, #tpu.memory_space<vmem>>, vector<16xf32>,
    %gather3A_222 = tpu.vector_load_idx %arg9[%add3A_41, %broadcast_in_dim3A_208] : memref<32x64xf32, #tpu.memory_space<vmem>>[vector<16xi32>, vector<16xi32>], vector<16xf32>,
    %sub3A_223 = arith.subf %get3A_221, %gather3A_222 : vector<16xf32>
    %add3A_224 = arith.addf %gather3A_222, %sub3A_223 : vector<16xf32>
    tpu.vector_store_idx %arg10[%add3A_41, %broadcast_in_dim3A_208], %add3A_224 : memref<32x64xf32, #tpu.memory_space<vmem>>[vector<16xi32>, vector<16xi32>], vector<16xf32>,
    %mul3A_225 = arith.mulf %sub3A_223, %sub3A_223 : vector<16xf32>
    %add3A_226 = arith.addf %add3A_186, %mul3A_225 : vector<16xf32>
    %broadcast_in_dim3A_227 = arith.constant 9 : i32
    %broadcast_in_dim3A_228 = vector.broadcast %broadcast_in_dim3A_227 : i32 to vector<16xi32>
    %get3A_229 = arith.constant 9 : i32
    %get3A_230 = arith.index_cast %get3A_229 : i32 to index
    %get3A_231 = arith.constant 0 : index
    %get3A_232 = tpu.vector_load %arg8[%get3A_230, %get3A_231] {strides = array<i32>} : memref<64x32xf32, #tpu.memory_space<vmem>>, vector<16xf32>,
    %gather3A_233 = tpu.vector_load_idx %arg9[%iota3A, %broadcast_in_dim3A_228] : memref<32x64xf32, #tpu.memory_space<vmem>>[vector<16xi32>, vector<16xi32>], vector<16xf32>,
    %sub3A_234 = arith.subf %get3A_232, %gather3A_233 : vector<16xf32>
    %add3A_235 = arith.addf %gather3A_233, %sub3A_234 : vector<16xf32>
    tpu.vector_store_idx %arg10[%iota3A, %broadcast_in_dim3A_228], %add3A_235 : memref<32x64xf32, #tpu.memory_space<vmem>>[vector<16xi32>, vector<16xi32>], vector<16xf32>,
    %mul3A_236 = arith.mulf %sub3A_234, %sub3A_234 : vector<16xf32>
    %add3A_237 = arith.addf %add3A_197, %mul3A_236 : vector<16xf32>
    %get3A_238 = arith.constant 9 : i32
    %get3A_239 = arith.index_cast %get3A_238 : i32 to index
    %get3A_240 = arith.constant 16 : index
    %get3A_241 = tpu.vector_load %arg8[%get3A_239, %get3A_240] {strides = array<i32>} : memref<64x32xf32, #tpu.memory_space<vmem>>, vector<16xf32>,
    %gather3A_242 = tpu.vector_load_idx %arg9[%add3A_41, %broadcast_in_dim3A_228] : memref<32x64xf32, #tpu.memory_space<vmem>>[vector<16xi32>, vector<16xi32>], vector<16xf32>,
    %sub3A_243 = arith.subf %get3A_241, %gather3A_242 : vector<16xf32>
    %add3A_244 = arith.addf %gather3A_242, %sub3A_243 : vector<16xf32>
    tpu.vector_store_idx %arg10[%add3A_41, %broadcast_in_dim3A_228], %add3A_244 : memref<32x64xf32, #tpu.memory_space<vmem>>[vector<16xi32>, vector<16xi32>], vector<16xf32>,
    %mul3A_245 = arith.mulf %sub3A_243, %sub3A_243 : vector<16xf32>
    %add3A_246 = arith.addf %add3A_206, %mul3A_245 : vector<16xf32>
    %broadcast_in_dim3A_247 = arith.constant 10 : i32
    %broadcast_in_dim3A_248 = vector.broadcast %broadcast_in_dim3A_247 : i32 to vector<16xi32>
    %get3A_249 = arith.constant 10 : i32
    %get3A_250 = arith.index_cast %get3A_249 : i32 to index
    %get3A_251 = arith.constant 0 : index
    %get3A_252 = tpu.vector_load %arg8[%get3A_250, %get3A_251] {strides = array<i32>} : memref<64x32xf32, #tpu.memory_space<vmem>>, vector<16xf32>,
    %gather3A_253 = tpu.vector_load_idx %arg9[%iota3A, %broadcast_in_dim3A_248] : memref<32x64xf32, #tpu.memory_space<vmem>>[vector<16xi32>, vector<16xi32>], vector<16xf32>,
    %sub3A_254 = arith.subf %get3A_252, %gather3A_253 : vector<16xf32>
    %add3A_255 = arith.addf %gather3A_253, %sub3A_254 : vector<16xf32>
    tpu.vector_store_idx %arg10[%iota3A, %broadcast_in_dim3A_248], %add3A_255 : memref<32x64xf32, #tpu.memory_space<vmem>>[vector<16xi32>, vector<16xi32>], vector<16xf32>,
    %mul3A_256 = arith.mulf %sub3A_254, %sub3A_254 : vector<16xf32>
    %add3A_257 = arith.addf %add3A_217, %mul3A_256 : vector<16xf32>
    %get3A_258 = arith.constant 10 : i32
    %get3A_259 = arith.index_cast %get3A_258 : i32 to index
    %get3A_260 = arith.constant 16 : index
    %get3A_261 = tpu.vector_load %arg8[%get3A_259, %get3A_260] {strides = array<i32>} : memref<64x32xf32, #tpu.memory_space<vmem>>, vector<16xf32>,
    %gather3A_262 = tpu.vector_load_idx %arg9[%add3A_41, %broadcast_in_dim3A_248] : memref<32x64xf32, #tpu.memory_space<vmem>>[vector<16xi32>, vector<16xi32>], vector<16xf32>,
    %sub3A_263 = arith.subf %get3A_261, %gather3A_262 : vector<16xf32>
    %add3A_264 = arith.addf %gather3A_262, %sub3A_263 : vector<16xf32>
    tpu.vector_store_idx %arg10[%add3A_41, %broadcast_in_dim3A_248], %add3A_264 : memref<32x64xf32, #tpu.memory_space<vmem>>[vector<16xi32>, vector<16xi32>], vector<16xf32>,
    %mul3A_265 = arith.mulf %sub3A_263, %sub3A_263 : vector<16xf32>
    %add3A_266 = arith.addf %add3A_226, %mul3A_265 : vector<16xf32>
    %broadcast_in_dim3A_267 = arith.constant 11 : i32
    %broadcast_in_dim3A_268 = vector.broadcast %broadcast_in_dim3A_267 : i32 to vector<16xi32>
    %get3A_269 = arith.constant 11 : i32
    %get3A_270 = arith.index_cast %get3A_269 : i32 to index
    %get3A_271 = arith.constant 0 : index
    %get3A_272 = tpu.vector_load %arg8[%get3A_270, %get3A_271] {strides = array<i32>} : memref<64x32xf32, #tpu.memory_space<vmem>>, vector<16xf32>,
    %gather3A_273 = tpu.vector_load_idx %arg9[%iota3A, %broadcast_in_dim3A_268] : memref<32x64xf32, #tpu.memory_space<vmem>>[vector<16xi32>, vector<16xi32>], vector<16xf32>,
    %sub3A_274 = arith.subf %get3A_272, %gather3A_273 : vector<16xf32>
    %add3A_275 = arith.addf %gather3A_273, %sub3A_274 : vector<16xf32>
    tpu.vector_store_idx %arg10[%iota3A, %broadcast_in_dim3A_268], %add3A_275 : memref<32x64xf32, #tpu.memory_space<vmem>>[vector<16xi32>, vector<16xi32>], vector<16xf32>,
    %mul3A_276 = arith.mulf %sub3A_274, %sub3A_274 : vector<16xf32>
    %add3A_277 = arith.addf %add3A_237, %mul3A_276 : vector<16xf32>
    %get3A_278 = arith.constant 11 : i32
    %get3A_279 = arith.index_cast %get3A_278 : i32 to index
    %get3A_280 = arith.constant 16 : index
    %get3A_281 = tpu.vector_load %arg8[%get3A_279, %get3A_280] {strides = array<i32>} : memref<64x32xf32, #tpu.memory_space<vmem>>, vector<16xf32>,
    %gather3A_282 = tpu.vector_load_idx %arg9[%add3A_41, %broadcast_in_dim3A_268] : memref<32x64xf32, #tpu.memory_space<vmem>>[vector<16xi32>, vector<16xi32>], vector<16xf32>,
    %sub3A_283 = arith.subf %get3A_281, %gather3A_282 : vector<16xf32>
    %add3A_284 = arith.addf %gather3A_282, %sub3A_283 : vector<16xf32>
    tpu.vector_store_idx %arg10[%add3A_41, %broadcast_in_dim3A_268], %add3A_284 : memref<32x64xf32, #tpu.memory_space<vmem>>[vector<16xi32>, vector<16xi32>], vector<16xf32>,
    %mul3A_285 = arith.mulf %sub3A_283, %sub3A_283 : vector<16xf32>
    %add3A_286 = arith.addf %add3A_246, %mul3A_285 : vector<16xf32>
    %broadcast_in_dim3A_287 = arith.constant 12 : i32
    %broadcast_in_dim3A_288 = vector.broadcast %broadcast_in_dim3A_287 : i32 to vector<16xi32>
    %get3A_289 = arith.constant 12 : i32
    %get3A_290 = arith.index_cast %get3A_289 : i32 to index
    %get3A_291 = arith.constant 0 : index
    %get3A_292 = tpu.vector_load %arg8[%get3A_290, %get3A_291] {strides = array<i32>} : memref<64x32xf32, #tpu.memory_space<vmem>>, vector<16xf32>,
    %gather3A_293 = tpu.vector_load_idx %arg9[%iota3A, %broadcast_in_dim3A_288] : memref<32x64xf32, #tpu.memory_space<vmem>>[vector<16xi32>, vector<16xi32>], vector<16xf32>,
    %sub3A_294 = arith.subf %get3A_292, %gather3A_293 : vector<16xf32>
    %add3A_295 = arith.addf %gather3A_293, %sub3A_294 : vector<16xf32>
    tpu.vector_store_idx %arg10[%iota3A, %broadcast_in_dim3A_288], %add3A_295 : memref<32x64xf32, #tpu.memory_space<vmem>>[vector<16xi32>, vector<16xi32>], vector<16xf32>,
    %mul3A_296 = arith.mulf %sub3A_294, %sub3A_294 : vector<16xf32>
    %add3A_297 = arith.addf %add3A_257, %mul3A_296 : vector<16xf32>
    %get3A_298 = arith.constant 12 : i32
    %get3A_299 = arith.index_cast %get3A_298 : i32 to index
    %get3A_300 = arith.constant 16 : index
    %get3A_301 = tpu.vector_load %arg8[%get3A_299, %get3A_300] {strides = array<i32>} : memref<64x32xf32, #tpu.memory_space<vmem>>, vector<16xf32>,
    %gather3A_302 = tpu.vector_load_idx %arg9[%add3A_41, %broadcast_in_dim3A_288] : memref<32x64xf32, #tpu.memory_space<vmem>>[vector<16xi32>, vector<16xi32>], vector<16xf32>,
    %sub3A_303 = arith.subf %get3A_301, %gather3A_302 : vector<16xf32>
    %add3A_304 = arith.addf %gather3A_302, %sub3A_303 : vector<16xf32>
    tpu.vector_store_idx %arg10[%add3A_41, %broadcast_in_dim3A_288], %add3A_304 : memref<32x64xf32, #tpu.memory_space<vmem>>[vector<16xi32>, vector<16xi32>], vector<16xf32>,
    %mul3A_305 = arith.mulf %sub3A_303, %sub3A_303 : vector<16xf32>
    %add3A_306 = arith.addf %add3A_266, %mul3A_305 : vector<16xf32>
    %broadcast_in_dim3A_307 = arith.constant 13 : i32
    %broadcast_in_dim3A_308 = vector.broadcast %broadcast_in_dim3A_307 : i32 to vector<16xi32>
    %get3A_309 = arith.constant 13 : i32
    %get3A_310 = arith.index_cast %get3A_309 : i32 to index
    %get3A_311 = arith.constant 0 : index
    %get3A_312 = tpu.vector_load %arg8[%get3A_310, %get3A_311] {strides = array<i32>} : memref<64x32xf32, #tpu.memory_space<vmem>>, vector<16xf32>,
    %gather3A_313 = tpu.vector_load_idx %arg9[%iota3A, %broadcast_in_dim3A_308] : memref<32x64xf32, #tpu.memory_space<vmem>>[vector<16xi32>, vector<16xi32>], vector<16xf32>,
    %sub3A_314 = arith.subf %get3A_312, %gather3A_313 : vector<16xf32>
    %add3A_315 = arith.addf %gather3A_313, %sub3A_314 : vector<16xf32>
    tpu.vector_store_idx %arg10[%iota3A, %broadcast_in_dim3A_308], %add3A_315 : memref<32x64xf32, #tpu.memory_space<vmem>>[vector<16xi32>, vector<16xi32>], vector<16xf32>,
    %mul3A_316 = arith.mulf %sub3A_314, %sub3A_314 : vector<16xf32>
    %add3A_317 = arith.addf %add3A_277, %mul3A_316 : vector<16xf32>
    %get3A_318 = arith.constant 13 : i32
    %get3A_319 = arith.index_cast %get3A_318 : i32 to index
    %get3A_320 = arith.constant 16 : index
    %get3A_321 = tpu.vector_load %arg8[%get3A_319, %get3A_320] {strides = array<i32>} : memref<64x32xf32, #tpu.memory_space<vmem>>, vector<16xf32>,
    %gather3A_322 = tpu.vector_load_idx %arg9[%add3A_41, %broadcast_in_dim3A_308] : memref<32x64xf32, #tpu.memory_space<vmem>>[vector<16xi32>, vector<16xi32>], vector<16xf32>,
    %sub3A_323 = arith.subf %get3A_321, %gather3A_322 : vector<16xf32>
    %add3A_324 = arith.addf %gather3A_322, %sub3A_323 : vector<16xf32>
    tpu.vector_store_idx %arg10[%add3A_41, %broadcast_in_dim3A_308], %add3A_324 : memref<32x64xf32, #tpu.memory_space<vmem>>[vector<16xi32>, vector<16xi32>], vector<16xf32>,
    %mul3A_325 = arith.mulf %sub3A_323, %sub3A_323 : vector<16xf32>
    %add3A_326 = arith.addf %add3A_286, %mul3A_325 : vector<16xf32>
    %broadcast_in_dim3A_327 = arith.constant 14 : i32
    %broadcast_in_dim3A_328 = vector.broadcast %broadcast_in_dim3A_327 : i32 to vector<16xi32>
    %get3A_329 = arith.constant 14 : i32
    %get3A_330 = arith.index_cast %get3A_329 : i32 to index
    %get3A_331 = arith.constant 0 : index
    %get3A_332 = tpu.vector_load %arg8[%get3A_330, %get3A_331] {strides = array<i32>} : memref<64x32xf32, #tpu.memory_space<vmem>>, vector<16xf32>,
    %gather3A_333 = tpu.vector_load_idx %arg9[%iota3A, %broadcast_in_dim3A_328] : memref<32x64xf32, #tpu.memory_space<vmem>>[vector<16xi32>, vector<16xi32>], vector<16xf32>,
    %sub3A_334 = arith.subf %get3A_332, %gather3A_333 : vector<16xf32>
    %add3A_335 = arith.addf %gather3A_333, %sub3A_334 : vector<16xf32>
    tpu.vector_store_idx %arg10[%iota3A, %broadcast_in_dim3A_328], %add3A_335 : memref<32x64xf32, #tpu.memory_space<vmem>>[vector<16xi32>, vector<16xi32>], vector<16xf32>,
    %mul3A_336 = arith.mulf %sub3A_334, %sub3A_334 : vector<16xf32>
    %add3A_337 = arith.addf %add3A_297, %mul3A_336 : vector<16xf32>
    %get3A_338 = arith.constant 14 : i32
    %get3A_339 = arith.index_cast %get3A_338 : i32 to index
    %get3A_340 = arith.constant 16 : index
    %get3A_341 = tpu.vector_load %arg8[%get3A_339, %get3A_340] {strides = array<i32>} : memref<64x32xf32, #tpu.memory_space<vmem>>, vector<16xf32>,
    %gather3A_342 = tpu.vector_load_idx %arg9[%add3A_41, %broadcast_in_dim3A_328] : memref<32x64xf32, #tpu.memory_space<vmem>>[vector<16xi32>, vector<16xi32>], vector<16xf32>,
    %sub3A_343 = arith.subf %get3A_341, %gather3A_342 : vector<16xf32>
    %add3A_344 = arith.addf %gather3A_342, %sub3A_343 : vector<16xf32>
    tpu.vector_store_idx %arg10[%add3A_41, %broadcast_in_dim3A_328], %add3A_344 : memref<32x64xf32, #tpu.memory_space<vmem>>[vector<16xi32>, vector<16xi32>], vector<16xf32>,
    %mul3A_345 = arith.mulf %sub3A_343, %sub3A_343 : vector<16xf32>
    %add3A_346 = arith.addf %add3A_306, %mul3A_345 : vector<16xf32>
    %broadcast_in_dim3A_347 = arith.constant 15 : i32
    %broadcast_in_dim3A_348 = vector.broadcast %broadcast_in_dim3A_347 : i32 to vector<16xi32>
    %get3A_349 = arith.constant 15 : i32
    %get3A_350 = arith.index_cast %get3A_349 : i32 to index
    %get3A_351 = arith.constant 0 : index
    %get3A_352 = tpu.vector_load %arg8[%get3A_350, %get3A_351] {strides = array<i32>} : memref<64x32xf32, #tpu.memory_space<vmem>>, vector<16xf32>,
    %gather3A_353 = tpu.vector_load_idx %arg9[%iota3A, %broadcast_in_dim3A_348] : memref<32x64xf32, #tpu.memory_space<vmem>>[vector<16xi32>, vector<16xi32>], vector<16xf32>,
    %sub3A_354 = arith.subf %get3A_352, %gather3A_353 : vector<16xf32>
    %add3A_355 = arith.addf %gather3A_353, %sub3A_354 : vector<16xf32>
    tpu.vector_store_idx %arg10[%iota3A, %broadcast_in_dim3A_348], %add3A_355 : memref<32x64xf32, #tpu.memory_space<vmem>>[vector<16xi32>, vector<16xi32>], vector<16xf32>,
    %mul3A_356 = arith.mulf %sub3A_354, %sub3A_354 : vector<16xf32>
    %add3A_357 = arith.addf %add3A_317, %mul3A_356 : vector<16xf32>
    %get3A_358 = arith.constant 15 : i32
    %get3A_359 = arith.index_cast %get3A_358 : i32 to index
    %get3A_360 = arith.constant 16 : index
    %get3A_361 = tpu.vector_load %arg8[%get3A_359, %get3A_360] {strides = array<i32>} : memref<64x32xf32, #tpu.memory_space<vmem>>, vector<16xf32>,
    %gather3A_362 = tpu.vector_load_idx %arg9[%add3A_41, %broadcast_in_dim3A_348] : memref<32x64xf32, #tpu.memory_space<vmem>>[vector<16xi32>, vector<16xi32>], vector<16xf32>,
    %sub3A_363 = arith.subf %get3A_361, %gather3A_362 : vector<16xf32>
    %add3A_364 = arith.addf %gather3A_362, %sub3A_363 : vector<16xf32>
    tpu.vector_store_idx %arg10[%add3A_41, %broadcast_in_dim3A_348], %add3A_364 : memref<32x64xf32, #tpu.memory_space<vmem>>[vector<16xi32>, vector<16xi32>], vector<16xf32>,
    %mul3A_365 = arith.mulf %sub3A_363, %sub3A_363 : vector<16xf32>
    %add3A_366 = arith.addf %add3A_326, %mul3A_365 : vector<16xf32>
    %broadcast_in_dim3A_367 = arith.constant 16 : i32
    %broadcast_in_dim3A_368 = vector.broadcast %broadcast_in_dim3A_367 : i32 to vector<16xi32>
    %get3A_369 = arith.constant 16 : i32
    %get3A_370 = arith.index_cast %get3A_369 : i32 to index
    %get3A_371 = arith.constant 0 : index
    %get3A_372 = tpu.vector_load %arg8[%get3A_370, %get3A_371] {strides = array<i32>} : memref<64x32xf32, #tpu.memory_space<vmem>>, vector<16xf32>,
    %gather3A_373 = tpu.vector_load_idx %arg9[%iota3A, %broadcast_in_dim3A_368] : memref<32x64xf32, #tpu.memory_space<vmem>>[vector<16xi32>, vector<16xi32>], vector<16xf32>,
    %sub3A_374 = arith.subf %get3A_372, %gather3A_373 : vector<16xf32>
    %add3A_375 = arith.addf %gather3A_373, %sub3A_374 : vector<16xf32>
    tpu.vector_store_idx %arg10[%iota3A, %broadcast_in_dim3A_368], %add3A_375 : memref<32x64xf32, #tpu.memory_space<vmem>>[vector<16xi32>, vector<16xi32>], vector<16xf32>,
    %mul3A_376 = arith.mulf %sub3A_374, %sub3A_374 : vector<16xf32>
    %add3A_377 = arith.addf %add3A_337, %mul3A_376 : vector<16xf32>
    %get3A_378 = arith.constant 16 : i32
    %get3A_379 = arith.index_cast %get3A_378 : i32 to index
    %get3A_380 = arith.constant 16 : index
    %get3A_381 = tpu.vector_load %arg8[%get3A_379, %get3A_380] {strides = array<i32>} : memref<64x32xf32, #tpu.memory_space<vmem>>, vector<16xf32>,
    %gather3A_382 = tpu.vector_load_idx %arg9[%add3A_41, %broadcast_in_dim3A_368] : memref<32x64xf32, #tpu.memory_space<vmem>>[vector<16xi32>, vector<16xi32>], vector<16xf32>,
    %sub3A_383 = arith.subf %get3A_381, %gather3A_382 : vector<16xf32>
    %add3A_384 = arith.addf %gather3A_382, %sub3A_383 : vector<16xf32>
    tpu.vector_store_idx %arg10[%add3A_41, %broadcast_in_dim3A_368], %add3A_384 : memref<32x64xf32, #tpu.memory_space<vmem>>[vector<16xi32>, vector<16xi32>], vector<16xf32>,
    %mul3A_385 = arith.mulf %sub3A_383, %sub3A_383 : vector<16xf32>
    %add3A_386 = arith.addf %add3A_346, %mul3A_385 : vector<16xf32>
    %broadcast_in_dim3A_387 = arith.constant 17 : i32
    %broadcast_in_dim3A_388 = vector.broadcast %broadcast_in_dim3A_387 : i32 to vector<16xi32>
    %get3A_389 = arith.constant 17 : i32
    %get3A_390 = arith.index_cast %get3A_389 : i32 to index
    %get3A_391 = arith.constant 0 : index
    %get3A_392 = tpu.vector_load %arg8[%get3A_390, %get3A_391] {strides = array<i32>} : memref<64x32xf32, #tpu.memory_space<vmem>>, vector<16xf32>,
    %gather3A_393 = tpu.vector_load_idx %arg9[%iota3A, %broadcast_in_dim3A_388] : memref<32x64xf32, #tpu.memory_space<vmem>>[vector<16xi32>, vector<16xi32>], vector<16xf32>,
    %sub3A_394 = arith.subf %get3A_392, %gather3A_393 : vector<16xf32>
    %add3A_395 = arith.addf %gather3A_393, %sub3A_394 : vector<16xf32>
    tpu.vector_store_idx %arg10[%iota3A, %broadcast_in_dim3A_388], %add3A_395 : memref<32x64xf32, #tpu.memory_space<vmem>>[vector<16xi32>, vector<16xi32>], vector<16xf32>,
    %mul3A_396 = arith.mulf %sub3A_394, %sub3A_394 : vector<16xf32>
    %add3A_397 = arith.addf %add3A_357, %mul3A_396 : vector<16xf32>
    %get3A_398 = arith.constant 17 : i32
    %get3A_399 = arith.index_cast %get3A_398 : i32 to index
    %get3A_400 = arith.constant 16 : index
    %get3A_401 = tpu.vector_load %arg8[%get3A_399, %get3A_400] {strides = array<i32>} : memref<64x32xf32, #tpu.memory_space<vmem>>, vector<16xf32>,
    %gather3A_402 = tpu.vector_load_idx %arg9[%add3A_41, %broadcast_in_dim3A_388] : memref<32x64xf32, #tpu.memory_space<vmem>>[vector<16xi32>, vector<16xi32>], vector<16xf32>,
    %sub3A_403 = arith.subf %get3A_401, %gather3A_402 : vector<16xf32>
    %add3A_404 = arith.addf %gather3A_402, %sub3A_403 : vector<16xf32>
    tpu.vector_store_idx %arg10[%add3A_41, %broadcast_in_dim3A_388], %add3A_404 : memref<32x64xf32, #tpu.memory_space<vmem>>[vector<16xi32>, vector<16xi32>], vector<16xf32>,
    %mul3A_405 = arith.mulf %sub3A_403, %sub3A_403 : vector<16xf32>
    %add3A_406 = arith.addf %add3A_366, %mul3A_405 : vector<16xf32>
    %broadcast_in_dim3A_407 = arith.constant 18 : i32
    %broadcast_in_dim3A_408 = vector.broadcast %broadcast_in_dim3A_407 : i32 to vector<16xi32>
    %get3A_409 = arith.constant 18 : i32
    %get3A_410 = arith.index_cast %get3A_409 : i32 to index
    %get3A_411 = arith.constant 0 : index
    %get3A_412 = tpu.vector_load %arg8[%get3A_410, %get3A_411] {strides = array<i32>} : memref<64x32xf32, #tpu.memory_space<vmem>>, vector<16xf32>,
    %gather3A_413 = tpu.vector_load_idx %arg9[%iota3A, %broadcast_in_dim3A_408] : memref<32x64xf32, #tpu.memory_space<vmem>>[vector<16xi32>, vector<16xi32>], vector<16xf32>,
    %sub3A_414 = arith.subf %get3A_412, %gather3A_413 : vector<16xf32>
    %add3A_415 = arith.addf %gather3A_413, %sub3A_414 : vector<16xf32>
    tpu.vector_store_idx %arg10[%iota3A, %broadcast_in_dim3A_408], %add3A_415 : memref<32x64xf32, #tpu.memory_space<vmem>>[vector<16xi32>, vector<16xi32>], vector<16xf32>,
    %mul3A_416 = arith.mulf %sub3A_414, %sub3A_414 : vector<16xf32>
    %add3A_417 = arith.addf %add3A_377, %mul3A_416 : vector<16xf32>
    %get3A_418 = arith.constant 18 : i32
    %get3A_419 = arith.index_cast %get3A_418 : i32 to index
    %get3A_420 = arith.constant 16 : index
    %get3A_421 = tpu.vector_load %arg8[%get3A_419, %get3A_420] {strides = array<i32>} : memref<64x32xf32, #tpu.memory_space<vmem>>, vector<16xf32>,
    %gather3A_422 = tpu.vector_load_idx %arg9[%add3A_41, %broadcast_in_dim3A_408] : memref<32x64xf32, #tpu.memory_space<vmem>>[vector<16xi32>, vector<16xi32>], vector<16xf32>,
    %sub3A_423 = arith.subf %get3A_421, %gather3A_422 : vector<16xf32>
    %add3A_424 = arith.addf %gather3A_422, %sub3A_423 : vector<16xf32>
    tpu.vector_store_idx %arg10[%add3A_41, %broadcast_in_dim3A_408], %add3A_424 : memref<32x64xf32, #tpu.memory_space<vmem>>[vector<16xi32>, vector<16xi32>], vector<16xf32>,
    %mul3A_425 = arith.mulf %sub3A_423, %sub3A_423 : vector<16xf32>
    %add3A_426 = arith.addf %add3A_386, %mul3A_425 : vector<16xf32>
    %broadcast_in_dim3A_427 = arith.constant 19 : i32
    %broadcast_in_dim3A_428 = vector.broadcast %broadcast_in_dim3A_427 : i32 to vector<16xi32>
    %get3A_429 = arith.constant 19 : i32
    %get3A_430 = arith.index_cast %get3A_429 : i32 to index
    %get3A_431 = arith.constant 0 : index
    %get3A_432 = tpu.vector_load %arg8[%get3A_430, %get3A_431] {strides = array<i32>} : memref<64x32xf32, #tpu.memory_space<vmem>>, vector<16xf32>,
    %gather3A_433 = tpu.vector_load_idx %arg9[%iota3A, %broadcast_in_dim3A_428] : memref<32x64xf32, #tpu.memory_space<vmem>>[vector<16xi32>, vector<16xi32>], vector<16xf32>,
    %sub3A_434 = arith.subf %get3A_432, %gather3A_433 : vector<16xf32>
    %add3A_435 = arith.addf %gather3A_433, %sub3A_434 : vector<16xf32>
    tpu.vector_store_idx %arg10[%iota3A, %broadcast_in_dim3A_428], %add3A_435 : memref<32x64xf32, #tpu.memory_space<vmem>>[vector<16xi32>, vector<16xi32>], vector<16xf32>,
    %mul3A_436 = arith.mulf %sub3A_434, %sub3A_434 : vector<16xf32>
    %add3A_437 = arith.addf %add3A_397, %mul3A_436 : vector<16xf32>
    %get3A_438 = arith.constant 19 : i32
    %get3A_439 = arith.index_cast %get3A_438 : i32 to index
    %get3A_440 = arith.constant 16 : index
    %get3A_441 = tpu.vector_load %arg8[%get3A_439, %get3A_440] {strides = array<i32>} : memref<64x32xf32, #tpu.memory_space<vmem>>, vector<16xf32>,
    %gather3A_442 = tpu.vector_load_idx %arg9[%add3A_41, %broadcast_in_dim3A_428] : memref<32x64xf32, #tpu.memory_space<vmem>>[vector<16xi32>, vector<16xi32>], vector<16xf32>,
    %sub3A_443 = arith.subf %get3A_441, %gather3A_442 : vector<16xf32>
    %add3A_444 = arith.addf %gather3A_442, %sub3A_443 : vector<16xf32>
    tpu.vector_store_idx %arg10[%add3A_41, %broadcast_in_dim3A_428], %add3A_444 : memref<32x64xf32, #tpu.memory_space<vmem>>[vector<16xi32>, vector<16xi32>], vector<16xf32>,
    %mul3A_445 = arith.mulf %sub3A_443, %sub3A_443 : vector<16xf32>
    %add3A_446 = arith.addf %add3A_406, %mul3A_445 : vector<16xf32>
    %broadcast_in_dim3A_447 = arith.constant 20 : i32
    %broadcast_in_dim3A_448 = vector.broadcast %broadcast_in_dim3A_447 : i32 to vector<16xi32>
    %get3A_449 = arith.constant 20 : i32
    %get3A_450 = arith.index_cast %get3A_449 : i32 to index
    %get3A_451 = arith.constant 0 : index
    %get3A_452 = tpu.vector_load %arg8[%get3A_450, %get3A_451] {strides = array<i32>} : memref<64x32xf32, #tpu.memory_space<vmem>>, vector<16xf32>,
    %gather3A_453 = tpu.vector_load_idx %arg9[%iota3A, %broadcast_in_dim3A_448] : memref<32x64xf32, #tpu.memory_space<vmem>>[vector<16xi32>, vector<16xi32>], vector<16xf32>,
    %sub3A_454 = arith.subf %get3A_452, %gather3A_453 : vector<16xf32>
    %add3A_455 = arith.addf %gather3A_453, %sub3A_454 : vector<16xf32>
    tpu.vector_store_idx %arg10[%iota3A, %broadcast_in_dim3A_448], %add3A_455 : memref<32x64xf32, #tpu.memory_space<vmem>>[vector<16xi32>, vector<16xi32>], vector<16xf32>,
    %mul3A_456 = arith.mulf %sub3A_454, %sub3A_454 : vector<16xf32>
    %add3A_457 = arith.addf %add3A_417, %mul3A_456 : vector<16xf32>
    %get3A_458 = arith.constant 20 : i32
    %get3A_459 = arith.index_cast %get3A_458 : i32 to index
    %get3A_460 = arith.constant 16 : index
    %get3A_461 = tpu.vector_load %arg8[%get3A_459, %get3A_460] {strides = array<i32>} : memref<64x32xf32, #tpu.memory_space<vmem>>, vector<16xf32>,
    %gather3A_462 = tpu.vector_load_idx %arg9[%add3A_41, %broadcast_in_dim3A_448] : memref<32x64xf32, #tpu.memory_space<vmem>>[vector<16xi32>, vector<16xi32>], vector<16xf32>,
    %sub3A_463 = arith.subf %get3A_461, %gather3A_462 : vector<16xf32>
    %add3A_464 = arith.addf %gather3A_462, %sub3A_463 : vector<16xf32>
    tpu.vector_store_idx %arg10[%add3A_41, %broadcast_in_dim3A_448], %add3A_464 : memref<32x64xf32, #tpu.memory_space<vmem>>[vector<16xi32>, vector<16xi32>], vector<16xf32>,
    %mul3A_465 = arith.mulf %sub3A_463, %sub3A_463 : vector<16xf32>
    %add3A_466 = arith.addf %add3A_426, %mul3A_465 : vector<16xf32>
    %broadcast_in_dim3A_467 = arith.constant 21 : i32
    %broadcast_in_dim3A_468 = vector.broadcast %broadcast_in_dim3A_467 : i32 to vector<16xi32>
    %get3A_469 = arith.constant 21 : i32
    %get3A_470 = arith.index_cast %get3A_469 : i32 to index
    %get3A_471 = arith.constant 0 : index
    %get3A_472 = tpu.vector_load %arg8[%get3A_470, %get3A_471] {strides = array<i32>} : memref<64x32xf32, #tpu.memory_space<vmem>>, vector<16xf32>,
    %gather3A_473 = tpu.vector_load_idx %arg9[%iota3A, %broadcast_in_dim3A_468] : memref<32x64xf32, #tpu.memory_space<vmem>>[vector<16xi32>, vector<16xi32>], vector<16xf32>,
    %sub3A_474 = arith.subf %get3A_472, %gather3A_473 : vector<16xf32>
    %add3A_475 = arith.addf %gather3A_473, %sub3A_474 : vector<16xf32>
    tpu.vector_store_idx %arg10[%iota3A, %broadcast_in_dim3A_468], %add3A_475 : memref<32x64xf32, #tpu.memory_space<vmem>>[vector<16xi32>, vector<16xi32>], vector<16xf32>,
    %mul3A_476 = arith.mulf %sub3A_474, %sub3A_474 : vector<16xf32>
    %add3A_477 = arith.addf %add3A_437, %mul3A_476 : vector<16xf32>
    %get3A_478 = arith.constant 21 : i32
    %get3A_479 = arith.index_cast %get3A_478 : i32 to index
    %get3A_480 = arith.constant 16 : index
    %get3A_481 = tpu.vector_load %arg8[%get3A_479, %get3A_480] {strides = array<i32>} : memref<64x32xf32, #tpu.memory_space<vmem>>, vector<16xf32>,
    %gather3A_482 = tpu.vector_load_idx %arg9[%add3A_41, %broadcast_in_dim3A_468] : memref<32x64xf32, #tpu.memory_space<vmem>>[vector<16xi32>, vector<16xi32>], vector<16xf32>,
    %sub3A_483 = arith.subf %get3A_481, %gather3A_482 : vector<16xf32>
    %add3A_484 = arith.addf %gather3A_482, %sub3A_483 : vector<16xf32>
    tpu.vector_store_idx %arg10[%add3A_41, %broadcast_in_dim3A_468], %add3A_484 : memref<32x64xf32, #tpu.memory_space<vmem>>[vector<16xi32>, vector<16xi32>], vector<16xf32>,
    %mul3A_485 = arith.mulf %sub3A_483, %sub3A_483 : vector<16xf32>
    %add3A_486 = arith.addf %add3A_446, %mul3A_485 : vector<16xf32>
    %broadcast_in_dim3A_487 = arith.constant 22 : i32
    %broadcast_in_dim3A_488 = vector.broadcast %broadcast_in_dim3A_487 : i32 to vector<16xi32>
    %get3A_489 = arith.constant 22 : i32
    %get3A_490 = arith.index_cast %get3A_489 : i32 to index
    %get3A_491 = arith.constant 0 : index
    %get3A_492 = tpu.vector_load %arg8[%get3A_490, %get3A_491] {strides = array<i32>} : memref<64x32xf32, #tpu.memory_space<vmem>>, vector<16xf32>,
    %gather3A_493 = tpu.vector_load_idx %arg9[%iota3A, %broadcast_in_dim3A_488] : memref<32x64xf32, #tpu.memory_space<vmem>>[vector<16xi32>, vector<16xi32>], vector<16xf32>,
    %sub3A_494 = arith.subf %get3A_492, %gather3A_493 : vector<16xf32>
    %add3A_495 = arith.addf %gather3A_493, %sub3A_494 : vector<16xf32>
    tpu.vector_store_idx %arg10[%iota3A, %broadcast_in_dim3A_488], %add3A_495 : memref<32x64xf32, #tpu.memory_space<vmem>>[vector<16xi32>, vector<16xi32>], vector<16xf32>,
    %mul3A_496 = arith.mulf %sub3A_494, %sub3A_494 : vector<16xf32>
    %add3A_497 = arith.addf %add3A_457, %mul3A_496 : vector<16xf32>
    %get3A_498 = arith.constant 22 : i32
    %get3A_499 = arith.index_cast %get3A_498 : i32 to index
    %get3A_500 = arith.constant 16 : index
    %get3A_501 = tpu.vector_load %arg8[%get3A_499, %get3A_500] {strides = array<i32>} : memref<64x32xf32, #tpu.memory_space<vmem>>, vector<16xf32>,
    %gather3A_502 = tpu.vector_load_idx %arg9[%add3A_41, %broadcast_in_dim3A_488] : memref<32x64xf32, #tpu.memory_space<vmem>>[vector<16xi32>, vector<16xi32>], vector<16xf32>,
    %sub3A_503 = arith.subf %get3A_501, %gather3A_502 : vector<16xf32>
    %add3A_504 = arith.addf %gather3A_502, %sub3A_503 : vector<16xf32>
    tpu.vector_store_idx %arg10[%add3A_41, %broadcast_in_dim3A_488], %add3A_504 : memref<32x64xf32, #tpu.memory_space<vmem>>[vector<16xi32>, vector<16xi32>], vector<16xf32>,
    %mul3A_505 = arith.mulf %sub3A_503, %sub3A_503 : vector<16xf32>
    %add3A_506 = arith.addf %add3A_466, %mul3A_505 : vector<16xf32>
    %broadcast_in_dim3A_507 = arith.constant 23 : i32
    %broadcast_in_dim3A_508 = vector.broadcast %broadcast_in_dim3A_507 : i32 to vector<16xi32>
    %get3A_509 = arith.constant 23 : i32
    %get3A_510 = arith.index_cast %get3A_509 : i32 to index
    %get3A_511 = arith.constant 0 : index
    %get3A_512 = tpu.vector_load %arg8[%get3A_510, %get3A_511] {strides = array<i32>} : memref<64x32xf32, #tpu.memory_space<vmem>>, vector<16xf32>,
    %gather3A_513 = tpu.vector_load_idx %arg9[%iota3A, %broadcast_in_dim3A_508] : memref<32x64xf32, #tpu.memory_space<vmem>>[vector<16xi32>, vector<16xi32>], vector<16xf32>,
    %sub3A_514 = arith.subf %get3A_512, %gather3A_513 : vector<16xf32>
    %add3A_515 = arith.addf %gather3A_513, %sub3A_514 : vector<16xf32>
    tpu.vector_store_idx %arg10[%iota3A, %broadcast_in_dim3A_508], %add3A_515 : memref<32x64xf32, #tpu.memory_space<vmem>>[vector<16xi32>, vector<16xi32>], vector<16xf32>,
    %mul3A_516 = arith.mulf %sub3A_514, %sub3A_514 : vector<16xf32>
    %add3A_517 = arith.addf %add3A_477, %mul3A_516 : vector<16xf32>
    %get3A_518 = arith.constant 23 : i32
    %get3A_519 = arith.index_cast %get3A_518 : i32 to index
    %get3A_520 = arith.constant 16 : index
    %get3A_521 = tpu.vector_load %arg8[%get3A_519, %get3A_520] {strides = array<i32>} : memref<64x32xf32, #tpu.memory_space<vmem>>, vector<16xf32>,
    %gather3A_522 = tpu.vector_load_idx %arg9[%add3A_41, %broadcast_in_dim3A_508] : memref<32x64xf32, #tpu.memory_space<vmem>>[vector<16xi32>, vector<16xi32>], vector<16xf32>,
    %sub3A_523 = arith.subf %get3A_521, %gather3A_522 : vector<16xf32>
    %add3A_524 = arith.addf %gather3A_522, %sub3A_523 : vector<16xf32>
    tpu.vector_store_idx %arg10[%add3A_41, %broadcast_in_dim3A_508], %add3A_524 : memref<32x64xf32, #tpu.memory_space<vmem>>[vector<16xi32>, vector<16xi32>], vector<16xf32>,
    %mul3A_525 = arith.mulf %sub3A_523, %sub3A_523 : vector<16xf32>
    %add3A_526 = arith.addf %add3A_486, %mul3A_525 : vector<16xf32>
    %broadcast_in_dim3A_527 = arith.constant 24 : i32
    %broadcast_in_dim3A_528 = vector.broadcast %broadcast_in_dim3A_527 : i32 to vector<16xi32>
    %get3A_529 = arith.constant 24 : i32
    %get3A_530 = arith.index_cast %get3A_529 : i32 to index
    %get3A_531 = arith.constant 0 : index
    %get3A_532 = tpu.vector_load %arg8[%get3A_530, %get3A_531] {strides = array<i32>} : memref<64x32xf32, #tpu.memory_space<vmem>>, vector<16xf32>,
    %gather3A_533 = tpu.vector_load_idx %arg9[%iota3A, %broadcast_in_dim3A_528] : memref<32x64xf32, #tpu.memory_space<vmem>>[vector<16xi32>, vector<16xi32>], vector<16xf32>,
    %sub3A_534 = arith.subf %get3A_532, %gather3A_533 : vector<16xf32>
    %add3A_535 = arith.addf %gather3A_533, %sub3A_534 : vector<16xf32>
    tpu.vector_store_idx %arg10[%iota3A, %broadcast_in_dim3A_528], %add3A_535 : memref<32x64xf32, #tpu.memory_space<vmem>>[vector<16xi32>, vector<16xi32>], vector<16xf32>,
    %mul3A_536 = arith.mulf %sub3A_534, %sub3A_534 : vector<16xf32>
    %add3A_537 = arith.addf %add3A_497, %mul3A_536 : vector<16xf32>
    %get3A_538 = arith.constant 24 : i32
    %get3A_539 = arith.index_cast %get3A_538 : i32 to index
    %get3A_540 = arith.constant 16 : index
    %get3A_541 = tpu.vector_load %arg8[%get3A_539, %get3A_540] {strides = array<i32>} : memref<64x32xf32, #tpu.memory_space<vmem>>, vector<16xf32>,
    %gather3A_542 = tpu.vector_load_idx %arg9[%add3A_41, %broadcast_in_dim3A_528] : memref<32x64xf32, #tpu.memory_space<vmem>>[vector<16xi32>, vector<16xi32>], vector<16xf32>,
    %sub3A_543 = arith.subf %get3A_541, %gather3A_542 : vector<16xf32>
    %add3A_544 = arith.addf %gather3A_542, %sub3A_543 : vector<16xf32>
    tpu.vector_store_idx %arg10[%add3A_41, %broadcast_in_dim3A_528], %add3A_544 : memref<32x64xf32, #tpu.memory_space<vmem>>[vector<16xi32>, vector<16xi32>], vector<16xf32>,
    %mul3A_545 = arith.mulf %sub3A_543, %sub3A_543 : vector<16xf32>
    %add3A_546 = arith.addf %add3A_506, %mul3A_545 : vector<16xf32>
    %broadcast_in_dim3A_547 = arith.constant 25 : i32
    %broadcast_in_dim3A_548 = vector.broadcast %broadcast_in_dim3A_547 : i32 to vector<16xi32>
    %get3A_549 = arith.constant 25 : i32
    %get3A_550 = arith.index_cast %get3A_549 : i32 to index
    %get3A_551 = arith.constant 0 : index
    %get3A_552 = tpu.vector_load %arg8[%get3A_550, %get3A_551] {strides = array<i32>} : memref<64x32xf32, #tpu.memory_space<vmem>>, vector<16xf32>,
    %gather3A_553 = tpu.vector_load_idx %arg9[%iota3A, %broadcast_in_dim3A_548] : memref<32x64xf32, #tpu.memory_space<vmem>>[vector<16xi32>, vector<16xi32>], vector<16xf32>,
    %sub3A_554 = arith.subf %get3A_552, %gather3A_553 : vector<16xf32>
    %add3A_555 = arith.addf %gather3A_553, %sub3A_554 : vector<16xf32>
    tpu.vector_store_idx %arg10[%iota3A, %broadcast_in_dim3A_548], %add3A_555 : memref<32x64xf32, #tpu.memory_space<vmem>>[vector<16xi32>, vector<16xi32>], vector<16xf32>,
    %mul3A_556 = arith.mulf %sub3A_554, %sub3A_554 : vector<16xf32>
    %add3A_557 = arith.addf %add3A_517, %mul3A_556 : vector<16xf32>
    %get3A_558 = arith.constant 25 : i32
    %get3A_559 = arith.index_cast %get3A_558 : i32 to index
    %get3A_560 = arith.constant 16 : index
    %get3A_561 = tpu.vector_load %arg8[%get3A_559, %get3A_560] {strides = array<i32>} : memref<64x32xf32, #tpu.memory_space<vmem>>, vector<16xf32>,
    %gather3A_562 = tpu.vector_load_idx %arg9[%add3A_41, %broadcast_in_dim3A_548] : memref<32x64xf32, #tpu.memory_space<vmem>>[vector<16xi32>, vector<16xi32>], vector<16xf32>,
    %sub3A_563 = arith.subf %get3A_561, %gather3A_562 : vector<16xf32>
    %add3A_564 = arith.addf %gather3A_562, %sub3A_563 : vector<16xf32>
    tpu.vector_store_idx %arg10[%add3A_41, %broadcast_in_dim3A_548], %add3A_564 : memref<32x64xf32, #tpu.memory_space<vmem>>[vector<16xi32>, vector<16xi32>], vector<16xf32>,
    %mul3A_565 = arith.mulf %sub3A_563, %sub3A_563 : vector<16xf32>
    %add3A_566 = arith.addf %add3A_526, %mul3A_565 : vector<16xf32>
    %broadcast_in_dim3A_567 = arith.constant 26 : i32
    %broadcast_in_dim3A_568 = vector.broadcast %broadcast_in_dim3A_567 : i32 to vector<16xi32>
    %get3A_569 = arith.constant 26 : i32
    %get3A_570 = arith.index_cast %get3A_569 : i32 to index
    %get3A_571 = arith.constant 0 : index
    %get3A_572 = tpu.vector_load %arg8[%get3A_570, %get3A_571] {strides = array<i32>} : memref<64x32xf32, #tpu.memory_space<vmem>>, vector<16xf32>,
    %gather3A_573 = tpu.vector_load_idx %arg9[%iota3A, %broadcast_in_dim3A_568] : memref<32x64xf32, #tpu.memory_space<vmem>>[vector<16xi32>, vector<16xi32>], vector<16xf32>,
    %sub3A_574 = arith.subf %get3A_572, %gather3A_573 : vector<16xf32>
    %add3A_575 = arith.addf %gather3A_573, %sub3A_574 : vector<16xf32>
    tpu.vector_store_idx %arg10[%iota3A, %broadcast_in_dim3A_568], %add3A_575 : memref<32x64xf32, #tpu.memory_space<vmem>>[vector<16xi32>, vector<16xi32>], vector<16xf32>,
    %mul3A_576 = arith.mulf %sub3A_574, %sub3A_574 : vector<16xf32>
    %add3A_577 = arith.addf %add3A_537, %mul3A_576 : vector<16xf32>
    %get3A_578 = arith.constant 26 : i32
    %get3A_579 = arith.index_cast %get3A_578 : i32 to index
    %get3A_580 = arith.constant 16 : index
    %get3A_581 = tpu.vector_load %arg8[%get3A_579, %get3A_580] {strides = array<i32>} : memref<64x32xf32, #tpu.memory_space<vmem>>, vector<16xf32>,
    %gather3A_582 = tpu.vector_load_idx %arg9[%add3A_41, %broadcast_in_dim3A_568] : memref<32x64xf32, #tpu.memory_space<vmem>>[vector<16xi32>, vector<16xi32>], vector<16xf32>,
    %sub3A_583 = arith.subf %get3A_581, %gather3A_582 : vector<16xf32>
    %add3A_584 = arith.addf %gather3A_582, %sub3A_583 : vector<16xf32>
    tpu.vector_store_idx %arg10[%add3A_41, %broadcast_in_dim3A_568], %add3A_584 : memref<32x64xf32, #tpu.memory_space<vmem>>[vector<16xi32>, vector<16xi32>], vector<16xf32>,
    %mul3A_585 = arith.mulf %sub3A_583, %sub3A_583 : vector<16xf32>
    %add3A_586 = arith.addf %add3A_546, %mul3A_585 : vector<16xf32>
    %broadcast_in_dim3A_587 = arith.constant 27 : i32
    %broadcast_in_dim3A_588 = vector.broadcast %broadcast_in_dim3A_587 : i32 to vector<16xi32>
    %get3A_589 = arith.constant 27 : i32
    %get3A_590 = arith.index_cast %get3A_589 : i32 to index
    %get3A_591 = arith.constant 0 : index
    %get3A_592 = tpu.vector_load %arg8[%get3A_590, %get3A_591] {strides = array<i32>} : memref<64x32xf32, #tpu.memory_space<vmem>>, vector<16xf32>,
    %gather3A_593 = tpu.vector_load_idx %arg9[%iota3A, %broadcast_in_dim3A_588] : memref<32x64xf32, #tpu.memory_space<vmem>>[vector<16xi32>, vector<16xi32>], vector<16xf32>,
    %sub3A_594 = arith.subf %get3A_592, %gather3A_593 : vector<16xf32>
    %add3A_595 = arith.addf %gather3A_593, %sub3A_594 : vector<16xf32>
    tpu.vector_store_idx %arg10[%iota3A, %broadcast_in_dim3A_588], %add3A_595 : memref<32x64xf32, #tpu.memory_space<vmem>>[vector<16xi32>, vector<16xi32>], vector<16xf32>,
    %mul3A_596 = arith.mulf %sub3A_594, %sub3A_594 : vector<16xf32>
    %add3A_597 = arith.addf %add3A_557, %mul3A_596 : vector<16xf32>
    %get3A_598 = arith.constant 27 : i32
    %get3A_599 = arith.index_cast %get3A_598 : i32 to index
    %get3A_600 = arith.constant 16 : index
    %get3A_601 = tpu.vector_load %arg8[%get3A_599, %get3A_600] {strides = array<i32>} : memref<64x32xf32, #tpu.memory_space<vmem>>, vector<16xf32>,
    %gather3A_602 = tpu.vector_load_idx %arg9[%add3A_41, %broadcast_in_dim3A_588] : memref<32x64xf32, #tpu.memory_space<vmem>>[vector<16xi32>, vector<16xi32>], vector<16xf32>,
    %sub3A_603 = arith.subf %get3A_601, %gather3A_602 : vector<16xf32>
    %add3A_604 = arith.addf %gather3A_602, %sub3A_603 : vector<16xf32>
    tpu.vector_store_idx %arg10[%add3A_41, %broadcast_in_dim3A_588], %add3A_604 : memref<32x64xf32, #tpu.memory_space<vmem>>[vector<16xi32>, vector<16xi32>], vector<16xf32>,
    %mul3A_605 = arith.mulf %sub3A_603, %sub3A_603 : vector<16xf32>
    %add3A_606 = arith.addf %add3A_566, %mul3A_605 : vector<16xf32>
    %broadcast_in_dim3A_607 = arith.constant 28 : i32
    %broadcast_in_dim3A_608 = vector.broadcast %broadcast_in_dim3A_607 : i32 to vector<16xi32>
    %get3A_609 = arith.constant 28 : i32
    %get3A_610 = arith.index_cast %get3A_609 : i32 to index
    %get3A_611 = arith.constant 0 : index
    %get3A_612 = tpu.vector_load %arg8[%get3A_610, %get3A_611] {strides = array<i32>} : memref<64x32xf32, #tpu.memory_space<vmem>>, vector<16xf32>,
    %gather3A_613 = tpu.vector_load_idx %arg9[%iota3A, %broadcast_in_dim3A_608] : memref<32x64xf32, #tpu.memory_space<vmem>>[vector<16xi32>, vector<16xi32>], vector<16xf32>,
    %sub3A_614 = arith.subf %get3A_612, %gather3A_613 : vector<16xf32>
    %add3A_615 = arith.addf %gather3A_613, %sub3A_614 : vector<16xf32>
    tpu.vector_store_idx %arg10[%iota3A, %broadcast_in_dim3A_608], %add3A_615 : memref<32x64xf32, #tpu.memory_space<vmem>>[vector<16xi32>, vector<16xi32>], vector<16xf32>,
    %mul3A_616 = arith.mulf %sub3A_614, %sub3A_614 : vector<16xf32>
    %add3A_617 = arith.addf %add3A_577, %mul3A_616 : vector<16xf32>
    %get3A_618 = arith.constant 28 : i32
    %get3A_619 = arith.index_cast %get3A_618 : i32 to index
    %get3A_620 = arith.constant 16 : index
    %get3A_621 = tpu.vector_load %arg8[%get3A_619, %get3A_620] {strides = array<i32>} : memref<64x32xf32, #tpu.memory_space<vmem>>, vector<16xf32>,
    %gather3A_622 = tpu.vector_load_idx %arg9[%add3A_41, %broadcast_in_dim3A_608] : memref<32x64xf32, #tpu.memory_space<vmem>>[vector<16xi32>, vector<16xi32>], vector<16xf32>,
    %sub3A_623 = arith.subf %get3A_621, %gather3A_622 : vector<16xf32>
    %add3A_624 = arith.addf %gather3A_622, %sub3A_623 : vector<16xf32>
    tpu.vector_store_idx %arg10[%add3A_41, %broadcast_in_dim3A_608], %add3A_624 : memref<32x64xf32, #tpu.memory_space<vmem>>[vector<16xi32>, vector<16xi32>], vector<16xf32>,
    %mul3A_625 = arith.mulf %sub3A_623, %sub3A_623 : vector<16xf32>
    %add3A_626 = arith.addf %add3A_586, %mul3A_625 : vector<16xf32>
    %broadcast_in_dim3A_627 = arith.constant 29 : i32
    %broadcast_in_dim3A_628 = vector.broadcast %broadcast_in_dim3A_627 : i32 to vector<16xi32>
    %get3A_629 = arith.constant 29 : i32
    %get3A_630 = arith.index_cast %get3A_629 : i32 to index
    %get3A_631 = arith.constant 0 : index
    %get3A_632 = tpu.vector_load %arg8[%get3A_630, %get3A_631] {strides = array<i32>} : memref<64x32xf32, #tpu.memory_space<vmem>>, vector<16xf32>,
    %gather3A_633 = tpu.vector_load_idx %arg9[%iota3A, %broadcast_in_dim3A_628] : memref<32x64xf32, #tpu.memory_space<vmem>>[vector<16xi32>, vector<16xi32>], vector<16xf32>,
    %sub3A_634 = arith.subf %get3A_632, %gather3A_633 : vector<16xf32>
    %add3A_635 = arith.addf %gather3A_633, %sub3A_634 : vector<16xf32>
    tpu.vector_store_idx %arg10[%iota3A, %broadcast_in_dim3A_628], %add3A_635 : memref<32x64xf32, #tpu.memory_space<vmem>>[vector<16xi32>, vector<16xi32>], vector<16xf32>,
    %mul3A_636 = arith.mulf %sub3A_634, %sub3A_634 : vector<16xf32>
    %add3A_637 = arith.addf %add3A_597, %mul3A_636 : vector<16xf32>
    %get3A_638 = arith.constant 29 : i32
    %get3A_639 = arith.index_cast %get3A_638 : i32 to index
    %get3A_640 = arith.constant 16 : index
    %get3A_641 = tpu.vector_load %arg8[%get3A_639, %get3A_640] {strides = array<i32>} : memref<64x32xf32, #tpu.memory_space<vmem>>, vector<16xf32>,
    %gather3A_642 = tpu.vector_load_idx %arg9[%add3A_41, %broadcast_in_dim3A_628] : memref<32x64xf32, #tpu.memory_space<vmem>>[vector<16xi32>, vector<16xi32>], vector<16xf32>,
    %sub3A_643 = arith.subf %get3A_641, %gather3A_642 : vector<16xf32>
    %add3A_644 = arith.addf %gather3A_642, %sub3A_643 : vector<16xf32>
    tpu.vector_store_idx %arg10[%add3A_41, %broadcast_in_dim3A_628], %add3A_644 : memref<32x64xf32, #tpu.memory_space<vmem>>[vector<16xi32>, vector<16xi32>], vector<16xf32>,
    %mul3A_645 = arith.mulf %sub3A_643, %sub3A_643 : vector<16xf32>
    %add3A_646 = arith.addf %add3A_606, %mul3A_645 : vector<16xf32>
    %broadcast_in_dim3A_647 = arith.constant 30 : i32
    %broadcast_in_dim3A_648 = vector.broadcast %broadcast_in_dim3A_647 : i32 to vector<16xi32>
    %get3A_649 = arith.constant 30 : i32
    %get3A_650 = arith.index_cast %get3A_649 : i32 to index
    %get3A_651 = arith.constant 0 : index
    %get3A_652 = tpu.vector_load %arg8[%get3A_650, %get3A_651] {strides = array<i32>} : memref<64x32xf32, #tpu.memory_space<vmem>>, vector<16xf32>,
    %gather3A_653 = tpu.vector_load_idx %arg9[%iota3A, %broadcast_in_dim3A_648] : memref<32x64xf32, #tpu.memory_space<vmem>>[vector<16xi32>, vector<16xi32>], vector<16xf32>,
    %sub3A_654 = arith.subf %get3A_652, %gather3A_653 : vector<16xf32>
    %add3A_655 = arith.addf %gather3A_653, %sub3A_654 : vector<16xf32>
    tpu.vector_store_idx %arg10[%iota3A, %broadcast_in_dim3A_648], %add3A_655 : memref<32x64xf32, #tpu.memory_space<vmem>>[vector<16xi32>, vector<16xi32>], vector<16xf32>,
    %mul3A_656 = arith.mulf %sub3A_654, %sub3A_654 : vector<16xf32>
    %add3A_657 = arith.addf %add3A_617, %mul3A_656 : vector<16xf32>
    %get3A_658 = arith.constant 30 : i32
    %get3A_659 = arith.index_cast %get3A_658 : i32 to index
    %get3A_660 = arith.constant 16 : index
    %get3A_661 = tpu.vector_load %arg8[%get3A_659, %get3A_660] {strides = array<i32>} : memref<64x32xf32, #tpu.memory_space<vmem>>, vector<16xf32>,
    %gather3A_662 = tpu.vector_load_idx %arg9[%add3A_41, %broadcast_in_dim3A_648] : memref<32x64xf32, #tpu.memory_space<vmem>>[vector<16xi32>, vector<16xi32>], vector<16xf32>,
    %sub3A_663 = arith.subf %get3A_661, %gather3A_662 : vector<16xf32>
    %add3A_664 = arith.addf %gather3A_662, %sub3A_663 : vector<16xf32>
    tpu.vector_store_idx %arg10[%add3A_41, %broadcast_in_dim3A_648], %add3A_664 : memref<32x64xf32, #tpu.memory_space<vmem>>[vector<16xi32>, vector<16xi32>], vector<16xf32>,
    %mul3A_665 = arith.mulf %sub3A_663, %sub3A_663 : vector<16xf32>
    %add3A_666 = arith.addf %add3A_626, %mul3A_665 : vector<16xf32>
    %broadcast_in_dim3A_667 = arith.constant 31 : i32
    %broadcast_in_dim3A_668 = vector.broadcast %broadcast_in_dim3A_667 : i32 to vector<16xi32>
    %get3A_669 = arith.constant 31 : i32
    %get3A_670 = arith.index_cast %get3A_669 : i32 to index
    %get3A_671 = arith.constant 0 : index
    %get3A_672 = tpu.vector_load %arg8[%get3A_670, %get3A_671] {strides = array<i32>} : memref<64x32xf32, #tpu.memory_space<vmem>>, vector<16xf32>,
    %gather3A_673 = tpu.vector_load_idx %arg9[%iota3A, %broadcast_in_dim3A_668] : memref<32x64xf32, #tpu.memory_space<vmem>>[vector<16xi32>, vector<16xi32>], vector<16xf32>,
    %sub3A_674 = arith.subf %get3A_672, %gather3A_673 : vector<16xf32>
    %add3A_675 = arith.addf %gather3A_673, %sub3A_674 : vector<16xf32>
    tpu.vector_store_idx %arg10[%iota3A, %broadcast_in_dim3A_668], %add3A_675 : memref<32x64xf32, #tpu.memory_space<vmem>>[vector<16xi32>, vector<16xi32>], vector<16xf32>,
    %mul3A_676 = arith.mulf %sub3A_674, %sub3A_674 : vector<16xf32>
    %add3A_677 = arith.addf %add3A_637, %mul3A_676 : vector<16xf32>
    %get3A_678 = arith.constant 31 : i32
    %get3A_679 = arith.index_cast %get3A_678 : i32 to index
    %get3A_680 = arith.constant 16 : index
    %get3A_681 = tpu.vector_load %arg8[%get3A_679, %get3A_680] {strides = array<i32>} : memref<64x32xf32, #tpu.memory_space<vmem>>, vector<16xf32>,
    %gather3A_682 = tpu.vector_load_idx %arg9[%add3A_41, %broadcast_in_dim3A_668] : memref<32x64xf32, #tpu.memory_space<vmem>>[vector<16xi32>, vector<16xi32>], vector<16xf32>,
    %sub3A_683 = arith.subf %get3A_681, %gather3A_682 : vector<16xf32>
    %add3A_684 = arith.addf %gather3A_682, %sub3A_683 : vector<16xf32>
    tpu.vector_store_idx %arg10[%add3A_41, %broadcast_in_dim3A_668], %add3A_684 : memref<32x64xf32, #tpu.memory_space<vmem>>[vector<16xi32>, vector<16xi32>], vector<16xf32>,
    %mul3A_685 = arith.mulf %sub3A_683, %sub3A_683 : vector<16xf32>
    %add3A_686 = arith.addf %add3A_646, %mul3A_685 : vector<16xf32>
    %broadcast_in_dim3A_687 = arith.constant 32 : i32
    %broadcast_in_dim3A_688 = vector.broadcast %broadcast_in_dim3A_687 : i32 to vector<16xi32>
    %get3A_689 = arith.constant 32 : i32
    %get3A_690 = arith.index_cast %get3A_689 : i32 to index
    %get3A_691 = arith.constant 0 : index
    %get3A_692 = tpu.vector_load %arg8[%get3A_690, %get3A_691] {strides = array<i32>} : memref<64x32xf32, #tpu.memory_space<vmem>>, vector<16xf32>,
    %gather3A_693 = tpu.vector_load_idx %arg9[%iota3A, %broadcast_in_dim3A_688] : memref<32x64xf32, #tpu.memory_space<vmem>>[vector<16xi32>, vector<16xi32>], vector<16xf32>,
    %sub3A_694 = arith.subf %get3A_692, %gather3A_693 : vector<16xf32>
    %add3A_695 = arith.addf %gather3A_693, %sub3A_694 : vector<16xf32>
    tpu.vector_store_idx %arg10[%iota3A, %broadcast_in_dim3A_688], %add3A_695 : memref<32x64xf32, #tpu.memory_space<vmem>>[vector<16xi32>, vector<16xi32>], vector<16xf32>,
    %mul3A_696 = arith.mulf %sub3A_694, %sub3A_694 : vector<16xf32>
    %add3A_697 = arith.addf %add3A_657, %mul3A_696 : vector<16xf32>
    %get3A_698 = arith.constant 32 : i32
    %get3A_699 = arith.index_cast %get3A_698 : i32 to index
    %get3A_700 = arith.constant 16 : index
    %get3A_701 = tpu.vector_load %arg8[%get3A_699, %get3A_700] {strides = array<i32>} : memref<64x32xf32, #tpu.memory_space<vmem>>, vector<16xf32>,
    %gather3A_702 = tpu.vector_load_idx %arg9[%add3A_41, %broadcast_in_dim3A_688] : memref<32x64xf32, #tpu.memory_space<vmem>>[vector<16xi32>, vector<16xi32>], vector<16xf32>,
    %sub3A_703 = arith.subf %get3A_701, %gather3A_702 : vector<16xf32>
    %add3A_704 = arith.addf %gather3A_702, %sub3A_703 : vector<16xf32>
    tpu.vector_store_idx %arg10[%add3A_41, %broadcast_in_dim3A_688], %add3A_704 : memref<32x64xf32, #tpu.memory_space<vmem>>[vector<16xi32>, vector<16xi32>], vector<16xf32>,
    %mul3A_705 = arith.mulf %sub3A_703, %sub3A_703 : vector<16xf32>
    %add3A_706 = arith.addf %add3A_666, %mul3A_705 : vector<16xf32>
    %broadcast_in_dim3A_707 = arith.constant 33 : i32
    %broadcast_in_dim3A_708 = vector.broadcast %broadcast_in_dim3A_707 : i32 to vector<16xi32>
    %get3A_709 = arith.constant 33 : i32
    %get3A_710 = arith.index_cast %get3A_709 : i32 to index
    %get3A_711 = arith.constant 0 : index
    %get3A_712 = tpu.vector_load %arg8[%get3A_710, %get3A_711] {strides = array<i32>} : memref<64x32xf32, #tpu.memory_space<vmem>>, vector<16xf32>,
    %gather3A_713 = tpu.vector_load_idx %arg9[%iota3A, %broadcast_in_dim3A_708] : memref<32x64xf32, #tpu.memory_space<vmem>>[vector<16xi32>, vector<16xi32>], vector<16xf32>,
    %sub3A_714 = arith.subf %get3A_712, %gather3A_713 : vector<16xf32>
    %add3A_715 = arith.addf %gather3A_713, %sub3A_714 : vector<16xf32>
    tpu.vector_store_idx %arg10[%iota3A, %broadcast_in_dim3A_708], %add3A_715 : memref<32x64xf32, #tpu.memory_space<vmem>>[vector<16xi32>, vector<16xi32>], vector<16xf32>,
    %mul3A_716 = arith.mulf %sub3A_714, %sub3A_714 : vector<16xf32>
    %add3A_717 = arith.addf %add3A_677, %mul3A_716 : vector<16xf32>
    %get3A_718 = arith.constant 33 : i32
    %get3A_719 = arith.index_cast %get3A_718 : i32 to index
    %get3A_720 = arith.constant 16 : index
    %get3A_721 = tpu.vector_load %arg8[%get3A_719, %get3A_720] {strides = array<i32>} : memref<64x32xf32, #tpu.memory_space<vmem>>, vector<16xf32>,
    %gather3A_722 = tpu.vector_load_idx %arg9[%add3A_41, %broadcast_in_dim3A_708] : memref<32x64xf32, #tpu.memory_space<vmem>>[vector<16xi32>, vector<16xi32>], vector<16xf32>,
    %sub3A_723 = arith.subf %get3A_721, %gather3A_722 : vector<16xf32>
    %add3A_724 = arith.addf %gather3A_722, %sub3A_723 : vector<16xf32>
    tpu.vector_store_idx %arg10[%add3A_41, %broadcast_in_dim3A_708], %add3A_724 : memref<32x64xf32, #tpu.memory_space<vmem>>[vector<16xi32>, vector<16xi32>], vector<16xf32>,
    %mul3A_725 = arith.mulf %sub3A_723, %sub3A_723 : vector<16xf32>
    %add3A_726 = arith.addf %add3A_686, %mul3A_725 : vector<16xf32>
    %broadcast_in_dim3A_727 = arith.constant 34 : i32
    %broadcast_in_dim3A_728 = vector.broadcast %broadcast_in_dim3A_727 : i32 to vector<16xi32>
    %get3A_729 = arith.constant 34 : i32
    %get3A_730 = arith.index_cast %get3A_729 : i32 to index
    %get3A_731 = arith.constant 0 : index
    %get3A_732 = tpu.vector_load %arg8[%get3A_730, %get3A_731] {strides = array<i32>} : memref<64x32xf32, #tpu.memory_space<vmem>>, vector<16xf32>,
    %gather3A_733 = tpu.vector_load_idx %arg9[%iota3A, %broadcast_in_dim3A_728] : memref<32x64xf32, #tpu.memory_space<vmem>>[vector<16xi32>, vector<16xi32>], vector<16xf32>,
    %sub3A_734 = arith.subf %get3A_732, %gather3A_733 : vector<16xf32>
    %add3A_735 = arith.addf %gather3A_733, %sub3A_734 : vector<16xf32>
    tpu.vector_store_idx %arg10[%iota3A, %broadcast_in_dim3A_728], %add3A_735 : memref<32x64xf32, #tpu.memory_space<vmem>>[vector<16xi32>, vector<16xi32>], vector<16xf32>,
    %mul3A_736 = arith.mulf %sub3A_734, %sub3A_734 : vector<16xf32>
    %add3A_737 = arith.addf %add3A_697, %mul3A_736 : vector<16xf32>
    %get3A_738 = arith.constant 34 : i32
    %get3A_739 = arith.index_cast %get3A_738 : i32 to index
    %get3A_740 = arith.constant 16 : index
    %get3A_741 = tpu.vector_load %arg8[%get3A_739, %get3A_740] {strides = array<i32>} : memref<64x32xf32, #tpu.memory_space<vmem>>, vector<16xf32>,
    %gather3A_742 = tpu.vector_load_idx %arg9[%add3A_41, %broadcast_in_dim3A_728] : memref<32x64xf32, #tpu.memory_space<vmem>>[vector<16xi32>, vector<16xi32>], vector<16xf32>,
    %sub3A_743 = arith.subf %get3A_741, %gather3A_742 : vector<16xf32>
    %add3A_744 = arith.addf %gather3A_742, %sub3A_743 : vector<16xf32>
    tpu.vector_store_idx %arg10[%add3A_41, %broadcast_in_dim3A_728], %add3A_744 : memref<32x64xf32, #tpu.memory_space<vmem>>[vector<16xi32>, vector<16xi32>], vector<16xf32>,
    %mul3A_745 = arith.mulf %sub3A_743, %sub3A_743 : vector<16xf32>
    %add3A_746 = arith.addf %add3A_706, %mul3A_745 : vector<16xf32>
    %broadcast_in_dim3A_747 = arith.constant 35 : i32
    %broadcast_in_dim3A_748 = vector.broadcast %broadcast_in_dim3A_747 : i32 to vector<16xi32>
    %get3A_749 = arith.constant 35 : i32
    %get3A_750 = arith.index_cast %get3A_749 : i32 to index
    %get3A_751 = arith.constant 0 : index
    %get3A_752 = tpu.vector_load %arg8[%get3A_750, %get3A_751] {strides = array<i32>} : memref<64x32xf32, #tpu.memory_space<vmem>>, vector<16xf32>,
    %gather3A_753 = tpu.vector_load_idx %arg9[%iota3A, %broadcast_in_dim3A_748] : memref<32x64xf32, #tpu.memory_space<vmem>>[vector<16xi32>, vector<16xi32>], vector<16xf32>,
    %sub3A_754 = arith.subf %get3A_752, %gather3A_753 : vector<16xf32>
    %add3A_755 = arith.addf %gather3A_753, %sub3A_754 : vector<16xf32>
    tpu.vector_store_idx %arg10[%iota3A, %broadcast_in_dim3A_748], %add3A_755 : memref<32x64xf32, #tpu.memory_space<vmem>>[vector<16xi32>, vector<16xi32>], vector<16xf32>,
    %mul3A_756 = arith.mulf %sub3A_754, %sub3A_754 : vector<16xf32>
    %add3A_757 = arith.addf %add3A_717, %mul3A_756 : vector<16xf32>
    %get3A_758 = arith.constant 35 : i32
    %get3A_759 = arith.index_cast %get3A_758 : i32 to index
    %get3A_760 = arith.constant 16 : index
    %get3A_761 = tpu.vector_load %arg8[%get3A_759, %get3A_760] {strides = array<i32>} : memref<64x32xf32, #tpu.memory_space<vmem>>, vector<16xf32>,
    %gather3A_762 = tpu.vector_load_idx %arg9[%add3A_41, %broadcast_in_dim3A_748] : memref<32x64xf32, #tpu.memory_space<vmem>>[vector<16xi32>, vector<16xi32>], vector<16xf32>,
    %sub3A_763 = arith.subf %get3A_761, %gather3A_762 : vector<16xf32>
    %add3A_764 = arith.addf %gather3A_762, %sub3A_763 : vector<16xf32>
    tpu.vector_store_idx %arg10[%add3A_41, %broadcast_in_dim3A_748], %add3A_764 : memref<32x64xf32, #tpu.memory_space<vmem>>[vector<16xi32>, vector<16xi32>], vector<16xf32>,
    %mul3A_765 = arith.mulf %sub3A_763, %sub3A_763 : vector<16xf32>
    %add3A_766 = arith.addf %add3A_726, %mul3A_765 : vector<16xf32>
    %broadcast_in_dim3A_767 = arith.constant 36 : i32
    %broadcast_in_dim3A_768 = vector.broadcast %broadcast_in_dim3A_767 : i32 to vector<16xi32>
    %get3A_769 = arith.constant 36 : i32
    %get3A_770 = arith.index_cast %get3A_769 : i32 to index
    %get3A_771 = arith.constant 0 : index
    %get3A_772 = tpu.vector_load %arg8[%get3A_770, %get3A_771] {strides = array<i32>} : memref<64x32xf32, #tpu.memory_space<vmem>>, vector<16xf32>,
    %gather3A_773 = tpu.vector_load_idx %arg9[%iota3A, %broadcast_in_dim3A_768] : memref<32x64xf32, #tpu.memory_space<vmem>>[vector<16xi32>, vector<16xi32>], vector<16xf32>,
    %sub3A_774 = arith.subf %get3A_772, %gather3A_773 : vector<16xf32>
    %add3A_775 = arith.addf %gather3A_773, %sub3A_774 : vector<16xf32>
    tpu.vector_store_idx %arg10[%iota3A, %broadcast_in_dim3A_768], %add3A_775 : memref<32x64xf32, #tpu.memory_space<vmem>>[vector<16xi32>, vector<16xi32>], vector<16xf32>,
    %mul3A_776 = arith.mulf %sub3A_774, %sub3A_774 : vector<16xf32>
    %add3A_777 = arith.addf %add3A_737, %mul3A_776 : vector<16xf32>
    %get3A_778 = arith.constant 36 : i32
    %get3A_779 = arith.index_cast %get3A_778 : i32 to index
    %get3A_780 = arith.constant 16 : index
    %get3A_781 = tpu.vector_load %arg8[%get3A_779, %get3A_780] {strides = array<i32>} : memref<64x32xf32, #tpu.memory_space<vmem>>, vector<16xf32>,
    %gather3A_782 = tpu.vector_load_idx %arg9[%add3A_41, %broadcast_in_dim3A_768] : memref<32x64xf32, #tpu.memory_space<vmem>>[vector<16xi32>, vector<16xi32>], vector<16xf32>,
    %sub3A_783 = arith.subf %get3A_781, %gather3A_782 : vector<16xf32>
    %add3A_784 = arith.addf %gather3A_782, %sub3A_783 : vector<16xf32>
    tpu.vector_store_idx %arg10[%add3A_41, %broadcast_in_dim3A_768], %add3A_784 : memref<32x64xf32, #tpu.memory_space<vmem>>[vector<16xi32>, vector<16xi32>], vector<16xf32>,
    %mul3A_785 = arith.mulf %sub3A_783, %sub3A_783 : vector<16xf32>
    %add3A_786 = arith.addf %add3A_746, %mul3A_785 : vector<16xf32>
    %broadcast_in_dim3A_787 = arith.constant 37 : i32
    %broadcast_in_dim3A_788 = vector.broadcast %broadcast_in_dim3A_787 : i32 to vector<16xi32>
    %get3A_789 = arith.constant 37 : i32
    %get3A_790 = arith.index_cast %get3A_789 : i32 to index
    %get3A_791 = arith.constant 0 : index
    %get3A_792 = tpu.vector_load %arg8[%get3A_790, %get3A_791] {strides = array<i32>} : memref<64x32xf32, #tpu.memory_space<vmem>>, vector<16xf32>,
    %gather3A_793 = tpu.vector_load_idx %arg9[%iota3A, %broadcast_in_dim3A_788] : memref<32x64xf32, #tpu.memory_space<vmem>>[vector<16xi32>, vector<16xi32>], vector<16xf32>,
    %sub3A_794 = arith.subf %get3A_792, %gather3A_793 : vector<16xf32>
    %add3A_795 = arith.addf %gather3A_793, %sub3A_794 : vector<16xf32>
    tpu.vector_store_idx %arg10[%iota3A, %broadcast_in_dim3A_788], %add3A_795 : memref<32x64xf32, #tpu.memory_space<vmem>>[vector<16xi32>, vector<16xi32>], vector<16xf32>,
    %mul3A_796 = arith.mulf %sub3A_794, %sub3A_794 : vector<16xf32>
    %add3A_797 = arith.addf %add3A_757, %mul3A_796 : vector<16xf32>
    %get3A_798 = arith.constant 37 : i32
    %get3A_799 = arith.index_cast %get3A_798 : i32 to index
    %get3A_800 = arith.constant 16 : index
    %get3A_801 = tpu.vector_load %arg8[%get3A_799, %get3A_800] {strides = array<i32>} : memref<64x32xf32, #tpu.memory_space<vmem>>, vector<16xf32>,
    %gather3A_802 = tpu.vector_load_idx %arg9[%add3A_41, %broadcast_in_dim3A_788] : memref<32x64xf32, #tpu.memory_space<vmem>>[vector<16xi32>, vector<16xi32>], vector<16xf32>,
    %sub3A_803 = arith.subf %get3A_801, %gather3A_802 : vector<16xf32>
    %add3A_804 = arith.addf %gather3A_802, %sub3A_803 : vector<16xf32>
    tpu.vector_store_idx %arg10[%add3A_41, %broadcast_in_dim3A_788], %add3A_804 : memref<32x64xf32, #tpu.memory_space<vmem>>[vector<16xi32>, vector<16xi32>], vector<16xf32>,
    %mul3A_805 = arith.mulf %sub3A_803, %sub3A_803 : vector<16xf32>
    %add3A_806 = arith.addf %add3A_766, %mul3A_805 : vector<16xf32>
    %broadcast_in_dim3A_807 = arith.constant 38 : i32
    %broadcast_in_dim3A_808 = vector.broadcast %broadcast_in_dim3A_807 : i32 to vector<16xi32>
    %get3A_809 = arith.constant 38 : i32
    %get3A_810 = arith.index_cast %get3A_809 : i32 to index
    %get3A_811 = arith.constant 0 : index
    %get3A_812 = tpu.vector_load %arg8[%get3A_810, %get3A_811] {strides = array<i32>} : memref<64x32xf32, #tpu.memory_space<vmem>>, vector<16xf32>,
    %gather3A_813 = tpu.vector_load_idx %arg9[%iota3A, %broadcast_in_dim3A_808] : memref<32x64xf32, #tpu.memory_space<vmem>>[vector<16xi32>, vector<16xi32>], vector<16xf32>,
    %sub3A_814 = arith.subf %get3A_812, %gather3A_813 : vector<16xf32>
    %add3A_815 = arith.addf %gather3A_813, %sub3A_814 : vector<16xf32>
    tpu.vector_store_idx %arg10[%iota3A, %broadcast_in_dim3A_808], %add3A_815 : memref<32x64xf32, #tpu.memory_space<vmem>>[vector<16xi32>, vector<16xi32>], vector<16xf32>,
    %mul3A_816 = arith.mulf %sub3A_814, %sub3A_814 : vector<16xf32>
    %add3A_817 = arith.addf %add3A_777, %mul3A_816 : vector<16xf32>
    %get3A_818 = arith.constant 38 : i32
    %get3A_819 = arith.index_cast %get3A_818 : i32 to index
    %get3A_820 = arith.constant 16 : index
    %get3A_821 = tpu.vector_load %arg8[%get3A_819, %get3A_820] {strides = array<i32>} : memref<64x32xf32, #tpu.memory_space<vmem>>, vector<16xf32>,
    %gather3A_822 = tpu.vector_load_idx %arg9[%add3A_41, %broadcast_in_dim3A_808] : memref<32x64xf32, #tpu.memory_space<vmem>>[vector<16xi32>, vector<16xi32>], vector<16xf32>,
    %sub3A_823 = arith.subf %get3A_821, %gather3A_822 : vector<16xf32>
    %add3A_824 = arith.addf %gather3A_822, %sub3A_823 : vector<16xf32>
    tpu.vector_store_idx %arg10[%add3A_41, %broadcast_in_dim3A_808], %add3A_824 : memref<32x64xf32, #tpu.memory_space<vmem>>[vector<16xi32>, vector<16xi32>], vector<16xf32>,
    %mul3A_825 = arith.mulf %sub3A_823, %sub3A_823 : vector<16xf32>
    %add3A_826 = arith.addf %add3A_786, %mul3A_825 : vector<16xf32>
    %broadcast_in_dim3A_827 = arith.constant 39 : i32
    %broadcast_in_dim3A_828 = vector.broadcast %broadcast_in_dim3A_827 : i32 to vector<16xi32>
    %get3A_829 = arith.constant 39 : i32
    %get3A_830 = arith.index_cast %get3A_829 : i32 to index
    %get3A_831 = arith.constant 0 : index
    %get3A_832 = tpu.vector_load %arg8[%get3A_830, %get3A_831] {strides = array<i32>} : memref<64x32xf32, #tpu.memory_space<vmem>>, vector<16xf32>,
    %gather3A_833 = tpu.vector_load_idx %arg9[%iota3A, %broadcast_in_dim3A_828] : memref<32x64xf32, #tpu.memory_space<vmem>>[vector<16xi32>, vector<16xi32>], vector<16xf32>,
    %sub3A_834 = arith.subf %get3A_832, %gather3A_833 : vector<16xf32>
    %add3A_835 = arith.addf %gather3A_833, %sub3A_834 : vector<16xf32>
    tpu.vector_store_idx %arg10[%iota3A, %broadcast_in_dim3A_828], %add3A_835 : memref<32x64xf32, #tpu.memory_space<vmem>>[vector<16xi32>, vector<16xi32>], vector<16xf32>,
    %mul3A_836 = arith.mulf %sub3A_834, %sub3A_834 : vector<16xf32>
    %add3A_837 = arith.addf %add3A_797, %mul3A_836 : vector<16xf32>
    %get3A_838 = arith.constant 39 : i32
    %get3A_839 = arith.index_cast %get3A_838 : i32 to index
    %get3A_840 = arith.constant 16 : index
    %get3A_841 = tpu.vector_load %arg8[%get3A_839, %get3A_840] {strides = array<i32>} : memref<64x32xf32, #tpu.memory_space<vmem>>, vector<16xf32>,
    %gather3A_842 = tpu.vector_load_idx %arg9[%add3A_41, %broadcast_in_dim3A_828] : memref<32x64xf32, #tpu.memory_space<vmem>>[vector<16xi32>, vector<16xi32>], vector<16xf32>,
    %sub3A_843 = arith.subf %get3A_841, %gather3A_842 : vector<16xf32>
    %add3A_844 = arith.addf %gather3A_842, %sub3A_843 : vector<16xf32>
    tpu.vector_store_idx %arg10[%add3A_41, %broadcast_in_dim3A_828], %add3A_844 : memref<32x64xf32, #tpu.memory_space<vmem>>[vector<16xi32>, vector<16xi32>], vector<16xf32>,
    %mul3A_845 = arith.mulf %sub3A_843, %sub3A_843 : vector<16xf32>
    %add3A_846 = arith.addf %add3A_806, %mul3A_845 : vector<16xf32>
    %broadcast_in_dim3A_847 = arith.constant 40 : i32
    %broadcast_in_dim3A_848 = vector.broadcast %broadcast_in_dim3A_847 : i32 to vector<16xi32>
    %get3A_849 = arith.constant 40 : i32
    %get3A_850 = arith.index_cast %get3A_849 : i32 to index
    %get3A_851 = arith.constant 0 : index
    %get3A_852 = tpu.vector_load %arg8[%get3A_850, %get3A_851] {strides = array<i32>} : memref<64x32xf32, #tpu.memory_space<vmem>>, vector<16xf32>,
    %gather3A_853 = tpu.vector_load_idx %arg9[%iota3A, %broadcast_in_dim3A_848] : memref<32x64xf32, #tpu.memory_space<vmem>>[vector<16xi32>, vector<16xi32>], vector<16xf32>,
    %sub3A_854 = arith.subf %get3A_852, %gather3A_853 : vector<16xf32>
    %add3A_855 = arith.addf %gather3A_853, %sub3A_854 : vector<16xf32>
    tpu.vector_store_idx %arg10[%iota3A, %broadcast_in_dim3A_848], %add3A_855 : memref<32x64xf32, #tpu.memory_space<vmem>>[vector<16xi32>, vector<16xi32>], vector<16xf32>,
    %mul3A_856 = arith.mulf %sub3A_854, %sub3A_854 : vector<16xf32>
    %add3A_857 = arith.addf %add3A_817, %mul3A_856 : vector<16xf32>
    %get3A_858 = arith.constant 40 : i32
    %get3A_859 = arith.index_cast %get3A_858 : i32 to index
    %get3A_860 = arith.constant 16 : index
    %get3A_861 = tpu.vector_load %arg8[%get3A_859, %get3A_860] {strides = array<i32>} : memref<64x32xf32, #tpu.memory_space<vmem>>, vector<16xf32>,
    %gather3A_862 = tpu.vector_load_idx %arg9[%add3A_41, %broadcast_in_dim3A_848] : memref<32x64xf32, #tpu.memory_space<vmem>>[vector<16xi32>, vector<16xi32>], vector<16xf32>,
    %sub3A_863 = arith.subf %get3A_861, %gather3A_862 : vector<16xf32>
    %add3A_864 = arith.addf %gather3A_862, %sub3A_863 : vector<16xf32>
    tpu.vector_store_idx %arg10[%add3A_41, %broadcast_in_dim3A_848], %add3A_864 : memref<32x64xf32, #tpu.memory_space<vmem>>[vector<16xi32>, vector<16xi32>], vector<16xf32>,
    %mul3A_865 = arith.mulf %sub3A_863, %sub3A_863 : vector<16xf32>
    %add3A_866 = arith.addf %add3A_826, %mul3A_865 : vector<16xf32>
    %broadcast_in_dim3A_867 = arith.constant 41 : i32
    %broadcast_in_dim3A_868 = vector.broadcast %broadcast_in_dim3A_867 : i32 to vector<16xi32>
    %get3A_869 = arith.constant 41 : i32
    %get3A_870 = arith.index_cast %get3A_869 : i32 to index
    %get3A_871 = arith.constant 0 : index
    %get3A_872 = tpu.vector_load %arg8[%get3A_870, %get3A_871] {strides = array<i32>} : memref<64x32xf32, #tpu.memory_space<vmem>>, vector<16xf32>,
    %gather3A_873 = tpu.vector_load_idx %arg9[%iota3A, %broadcast_in_dim3A_868] : memref<32x64xf32, #tpu.memory_space<vmem>>[vector<16xi32>, vector<16xi32>], vector<16xf32>,
    %sub3A_874 = arith.subf %get3A_872, %gather3A_873 : vector<16xf32>
    %add3A_875 = arith.addf %gather3A_873, %sub3A_874 : vector<16xf32>
    tpu.vector_store_idx %arg10[%iota3A, %broadcast_in_dim3A_868], %add3A_875 : memref<32x64xf32, #tpu.memory_space<vmem>>[vector<16xi32>, vector<16xi32>], vector<16xf32>,
    %mul3A_876 = arith.mulf %sub3A_874, %sub3A_874 : vector<16xf32>
    %add3A_877 = arith.addf %add3A_837, %mul3A_876 : vector<16xf32>
    %get3A_878 = arith.constant 41 : i32
    %get3A_879 = arith.index_cast %get3A_878 : i32 to index
    %get3A_880 = arith.constant 16 : index
    %get3A_881 = tpu.vector_load %arg8[%get3A_879, %get3A_880] {strides = array<i32>} : memref<64x32xf32, #tpu.memory_space<vmem>>, vector<16xf32>,
    %gather3A_882 = tpu.vector_load_idx %arg9[%add3A_41, %broadcast_in_dim3A_868] : memref<32x64xf32, #tpu.memory_space<vmem>>[vector<16xi32>, vector<16xi32>], vector<16xf32>,
    %sub3A_883 = arith.subf %get3A_881, %gather3A_882 : vector<16xf32>
    %add3A_884 = arith.addf %gather3A_882, %sub3A_883 : vector<16xf32>
    tpu.vector_store_idx %arg10[%add3A_41, %broadcast_in_dim3A_868], %add3A_884 : memref<32x64xf32, #tpu.memory_space<vmem>>[vector<16xi32>, vector<16xi32>], vector<16xf32>,
    %mul3A_885 = arith.mulf %sub3A_883, %sub3A_883 : vector<16xf32>
    %add3A_886 = arith.addf %add3A_846, %mul3A_885 : vector<16xf32>
    %broadcast_in_dim3A_887 = arith.constant 42 : i32
    %broadcast_in_dim3A_888 = vector.broadcast %broadcast_in_dim3A_887 : i32 to vector<16xi32>
    %get3A_889 = arith.constant 42 : i32
    %get3A_890 = arith.index_cast %get3A_889 : i32 to index
    %get3A_891 = arith.constant 0 : index
    %get3A_892 = tpu.vector_load %arg8[%get3A_890, %get3A_891] {strides = array<i32>} : memref<64x32xf32, #tpu.memory_space<vmem>>, vector<16xf32>,
    %gather3A_893 = tpu.vector_load_idx %arg9[%iota3A, %broadcast_in_dim3A_888] : memref<32x64xf32, #tpu.memory_space<vmem>>[vector<16xi32>, vector<16xi32>], vector<16xf32>,
    %sub3A_894 = arith.subf %get3A_892, %gather3A_893 : vector<16xf32>
    %add3A_895 = arith.addf %gather3A_893, %sub3A_894 : vector<16xf32>
    tpu.vector_store_idx %arg10[%iota3A, %broadcast_in_dim3A_888], %add3A_895 : memref<32x64xf32, #tpu.memory_space<vmem>>[vector<16xi32>, vector<16xi32>], vector<16xf32>,
    %mul3A_896 = arith.mulf %sub3A_894, %sub3A_894 : vector<16xf32>
    %add3A_897 = arith.addf %add3A_857, %mul3A_896 : vector<16xf32>
    %get3A_898 = arith.constant 42 : i32
    %get3A_899 = arith.index_cast %get3A_898 : i32 to index
    %get3A_900 = arith.constant 16 : index
    %get3A_901 = tpu.vector_load %arg8[%get3A_899, %get3A_900] {strides = array<i32>} : memref<64x32xf32, #tpu.memory_space<vmem>>, vector<16xf32>,
    %gather3A_902 = tpu.vector_load_idx %arg9[%add3A_41, %broadcast_in_dim3A_888] : memref<32x64xf32, #tpu.memory_space<vmem>>[vector<16xi32>, vector<16xi32>], vector<16xf32>,
    %sub3A_903 = arith.subf %get3A_901, %gather3A_902 : vector<16xf32>
    %add3A_904 = arith.addf %gather3A_902, %sub3A_903 : vector<16xf32>
    tpu.vector_store_idx %arg10[%add3A_41, %broadcast_in_dim3A_888], %add3A_904 : memref<32x64xf32, #tpu.memory_space<vmem>>[vector<16xi32>, vector<16xi32>], vector<16xf32>,
    %mul3A_905 = arith.mulf %sub3A_903, %sub3A_903 : vector<16xf32>
    %add3A_906 = arith.addf %add3A_866, %mul3A_905 : vector<16xf32>
    %broadcast_in_dim3A_907 = arith.constant 43 : i32
    %broadcast_in_dim3A_908 = vector.broadcast %broadcast_in_dim3A_907 : i32 to vector<16xi32>
    %get3A_909 = arith.constant 43 : i32
    %get3A_910 = arith.index_cast %get3A_909 : i32 to index
    %get3A_911 = arith.constant 0 : index
    %get3A_912 = tpu.vector_load %arg8[%get3A_910, %get3A_911] {strides = array<i32>} : memref<64x32xf32, #tpu.memory_space<vmem>>, vector<16xf32>,
    %gather3A_913 = tpu.vector_load_idx %arg9[%iota3A, %broadcast_in_dim3A_908] : memref<32x64xf32, #tpu.memory_space<vmem>>[vector<16xi32>, vector<16xi32>], vector<16xf32>,
    %sub3A_914 = arith.subf %get3A_912, %gather3A_913 : vector<16xf32>
    %add3A_915 = arith.addf %gather3A_913, %sub3A_914 : vector<16xf32>
    tpu.vector_store_idx %arg10[%iota3A, %broadcast_in_dim3A_908], %add3A_915 : memref<32x64xf32, #tpu.memory_space<vmem>>[vector<16xi32>, vector<16xi32>], vector<16xf32>,
    %mul3A_916 = arith.mulf %sub3A_914, %sub3A_914 : vector<16xf32>
    %add3A_917 = arith.addf %add3A_877, %mul3A_916 : vector<16xf32>
    %get3A_918 = arith.constant 43 : i32
    %get3A_919 = arith.index_cast %get3A_918 : i32 to index
    %get3A_920 = arith.constant 16 : index
    %get3A_921 = tpu.vector_load %arg8[%get3A_919, %get3A_920] {strides = array<i32>} : memref<64x32xf32, #tpu.memory_space<vmem>>, vector<16xf32>,
    %gather3A_922 = tpu.vector_load_idx %arg9[%add3A_41, %broadcast_in_dim3A_908] : memref<32x64xf32, #tpu.memory_space<vmem>>[vector<16xi32>, vector<16xi32>], vector<16xf32>,
    %sub3A_923 = arith.subf %get3A_921, %gather3A_922 : vector<16xf32>
    %add3A_924 = arith.addf %gather3A_922, %sub3A_923 : vector<16xf32>
    tpu.vector_store_idx %arg10[%add3A_41, %broadcast_in_dim3A_908], %add3A_924 : memref<32x64xf32, #tpu.memory_space<vmem>>[vector<16xi32>, vector<16xi32>], vector<16xf32>,
    %mul3A_925 = arith.mulf %sub3A_923, %sub3A_923 : vector<16xf32>
    %add3A_926 = arith.addf %add3A_886, %mul3A_925 : vector<16xf32>
    %broadcast_in_dim3A_927 = arith.constant 44 : i32
    %broadcast_in_dim3A_928 = vector.broadcast %broadcast_in_dim3A_927 : i32 to vector<16xi32>
    %get3A_929 = arith.constant 44 : i32
    %get3A_930 = arith.index_cast %get3A_929 : i32 to index
    %get3A_931 = arith.constant 0 : index
    %get3A_932 = tpu.vector_load %arg8[%get3A_930, %get3A_931] {strides = array<i32>} : memref<64x32xf32, #tpu.memory_space<vmem>>, vector<16xf32>,
    %gather3A_933 = tpu.vector_load_idx %arg9[%iota3A, %broadcast_in_dim3A_928] : memref<32x64xf32, #tpu.memory_space<vmem>>[vector<16xi32>, vector<16xi32>], vector<16xf32>,
    %sub3A_934 = arith.subf %get3A_932, %gather3A_933 : vector<16xf32>
    %add3A_935 = arith.addf %gather3A_933, %sub3A_934 : vector<16xf32>
    tpu.vector_store_idx %arg10[%iota3A, %broadcast_in_dim3A_928], %add3A_935 : memref<32x64xf32, #tpu.memory_space<vmem>>[vector<16xi32>, vector<16xi32>], vector<16xf32>,
    %mul3A_936 = arith.mulf %sub3A_934, %sub3A_934 : vector<16xf32>
    %add3A_937 = arith.addf %add3A_897, %mul3A_936 : vector<16xf32>
    %get3A_938 = arith.constant 44 : i32
    %get3A_939 = arith.index_cast %get3A_938 : i32 to index
    %get3A_940 = arith.constant 16 : index
    %get3A_941 = tpu.vector_load %arg8[%get3A_939, %get3A_940] {strides = array<i32>} : memref<64x32xf32, #tpu.memory_space<vmem>>, vector<16xf32>,
    %gather3A_942 = tpu.vector_load_idx %arg9[%add3A_41, %broadcast_in_dim3A_928] : memref<32x64xf32, #tpu.memory_space<vmem>>[vector<16xi32>, vector<16xi32>], vector<16xf32>,
    %sub3A_943 = arith.subf %get3A_941, %gather3A_942 : vector<16xf32>
    %add3A_944 = arith.addf %gather3A_942, %sub3A_943 : vector<16xf32>
    tpu.vector_store_idx %arg10[%add3A_41, %broadcast_in_dim3A_928], %add3A_944 : memref<32x64xf32, #tpu.memory_space<vmem>>[vector<16xi32>, vector<16xi32>], vector<16xf32>,
    %mul3A_945 = arith.mulf %sub3A_943, %sub3A_943 : vector<16xf32>
    %add3A_946 = arith.addf %add3A_906, %mul3A_945 : vector<16xf32>
    %broadcast_in_dim3A_947 = arith.constant 45 : i32
    %broadcast_in_dim3A_948 = vector.broadcast %broadcast_in_dim3A_947 : i32 to vector<16xi32>
    %get3A_949 = arith.constant 45 : i32
    %get3A_950 = arith.index_cast %get3A_949 : i32 to index
    %get3A_951 = arith.constant 0 : index
    %get3A_952 = tpu.vector_load %arg8[%get3A_950, %get3A_951] {strides = array<i32>} : memref<64x32xf32, #tpu.memory_space<vmem>>, vector<16xf32>,
    %gather3A_953 = tpu.vector_load_idx %arg9[%iota3A, %broadcast_in_dim3A_948] : memref<32x64xf32, #tpu.memory_space<vmem>>[vector<16xi32>, vector<16xi32>], vector<16xf32>,
    %sub3A_954 = arith.subf %get3A_952, %gather3A_953 : vector<16xf32>
    %add3A_955 = arith.addf %gather3A_953, %sub3A_954 : vector<16xf32>
    tpu.vector_store_idx %arg10[%iota3A, %broadcast_in_dim3A_948], %add3A_955 : memref<32x64xf32, #tpu.memory_space<vmem>>[vector<16xi32>, vector<16xi32>], vector<16xf32>,
    %mul3A_956 = arith.mulf %sub3A_954, %sub3A_954 : vector<16xf32>
    %add3A_957 = arith.addf %add3A_917, %mul3A_956 : vector<16xf32>
    %get3A_958 = arith.constant 45 : i32
    %get3A_959 = arith.index_cast %get3A_958 : i32 to index
    %get3A_960 = arith.constant 16 : index
    %get3A_961 = tpu.vector_load %arg8[%get3A_959, %get3A_960] {strides = array<i32>} : memref<64x32xf32, #tpu.memory_space<vmem>>, vector<16xf32>,
    %gather3A_962 = tpu.vector_load_idx %arg9[%add3A_41, %broadcast_in_dim3A_948] : memref<32x64xf32, #tpu.memory_space<vmem>>[vector<16xi32>, vector<16xi32>], vector<16xf32>,
    %sub3A_963 = arith.subf %get3A_961, %gather3A_962 : vector<16xf32>
    %add3A_964 = arith.addf %gather3A_962, %sub3A_963 : vector<16xf32>
    tpu.vector_store_idx %arg10[%add3A_41, %broadcast_in_dim3A_948], %add3A_964 : memref<32x64xf32, #tpu.memory_space<vmem>>[vector<16xi32>, vector<16xi32>], vector<16xf32>,
    %mul3A_965 = arith.mulf %sub3A_963, %sub3A_963 : vector<16xf32>
    %add3A_966 = arith.addf %add3A_926, %mul3A_965 : vector<16xf32>
    %broadcast_in_dim3A_967 = arith.constant 46 : i32
    %broadcast_in_dim3A_968 = vector.broadcast %broadcast_in_dim3A_967 : i32 to vector<16xi32>
    %get3A_969 = arith.constant 46 : i32
    %get3A_970 = arith.index_cast %get3A_969 : i32 to index
    %get3A_971 = arith.constant 0 : index
    %get3A_972 = tpu.vector_load %arg8[%get3A_970, %get3A_971] {strides = array<i32>} : memref<64x32xf32, #tpu.memory_space<vmem>>, vector<16xf32>,
    %gather3A_973 = tpu.vector_load_idx %arg9[%iota3A, %broadcast_in_dim3A_968] : memref<32x64xf32, #tpu.memory_space<vmem>>[vector<16xi32>, vector<16xi32>], vector<16xf32>,
    %sub3A_974 = arith.subf %get3A_972, %gather3A_973 : vector<16xf32>
    %add3A_975 = arith.addf %gather3A_973, %sub3A_974 : vector<16xf32>
    tpu.vector_store_idx %arg10[%iota3A, %broadcast_in_dim3A_968], %add3A_975 : memref<32x64xf32, #tpu.memory_space<vmem>>[vector<16xi32>, vector<16xi32>], vector<16xf32>,
    %mul3A_976 = arith.mulf %sub3A_974, %sub3A_974 : vector<16xf32>
    %add3A_977 = arith.addf %add3A_937, %mul3A_976 : vector<16xf32>
    %get3A_978 = arith.constant 46 : i32
    %get3A_979 = arith.index_cast %get3A_978 : i32 to index
    %get3A_980 = arith.constant 16 : index
    %get3A_981 = tpu.vector_load %arg8[%get3A_979, %get3A_980] {strides = array<i32>} : memref<64x32xf32, #tpu.memory_space<vmem>>, vector<16xf32>,
    %gather3A_982 = tpu.vector_load_idx %arg9[%add3A_41, %broadcast_in_dim3A_968] : memref<32x64xf32, #tpu.memory_space<vmem>>[vector<16xi32>, vector<16xi32>], vector<16xf32>,
    %sub3A_983 = arith.subf %get3A_981, %gather3A_982 : vector<16xf32>
    %add3A_984 = arith.addf %gather3A_982, %sub3A_983 : vector<16xf32>
    tpu.vector_store_idx %arg10[%add3A_41, %broadcast_in_dim3A_968], %add3A_984 : memref<32x64xf32, #tpu.memory_space<vmem>>[vector<16xi32>, vector<16xi32>], vector<16xf32>,
    %mul3A_985 = arith.mulf %sub3A_983, %sub3A_983 : vector<16xf32>
    %add3A_986 = arith.addf %add3A_946, %mul3A_985 : vector<16xf32>
    %broadcast_in_dim3A_987 = arith.constant 47 : i32
    %broadcast_in_dim3A_988 = vector.broadcast %broadcast_in_dim3A_987 : i32 to vector<16xi32>
    %get3A_989 = arith.constant 47 : i32
    %get3A_990 = arith.index_cast %get3A_989 : i32 to index
    %get3A_991 = arith.constant 0 : index
    %get3A_992 = tpu.vector_load %arg8[%get3A_990, %get3A_991] {strides = array<i32>} : memref<64x32xf32, #tpu.memory_space<vmem>>, vector<16xf32>,
    %gather3A_993 = tpu.vector_load_idx %arg9[%iota3A, %broadcast_in_dim3A_988] : memref<32x64xf32, #tpu.memory_space<vmem>>[vector<16xi32>, vector<16xi32>], vector<16xf32>,
    %sub3A_994 = arith.subf %get3A_992, %gather3A_993 : vector<16xf32>
    %add3A_995 = arith.addf %gather3A_993, %sub3A_994 : vector<16xf32>
    tpu.vector_store_idx %arg10[%iota3A, %broadcast_in_dim3A_988], %add3A_995 : memref<32x64xf32, #tpu.memory_space<vmem>>[vector<16xi32>, vector<16xi32>], vector<16xf32>,
    %mul3A_996 = arith.mulf %sub3A_994, %sub3A_994 : vector<16xf32>
    %add3A_997 = arith.addf %add3A_957, %mul3A_996 : vector<16xf32>
    %get3A_998 = arith.constant 47 : i32
    %get3A_999 = arith.index_cast %get3A_998 : i32 to index
    %get3A_1000 = arith.constant 16 : index
    %get3A_1001 = tpu.vector_load %arg8[%get3A_999, %get3A_1000] {strides = array<i32>} : memref<64x32xf32, #tpu.memory_space<vmem>>, vector<16xf32>,
    %gather3A_1002 = tpu.vector_load_idx %arg9[%add3A_41, %broadcast_in_dim3A_988] : memref<32x64xf32, #tpu.memory_space<vmem>>[vector<16xi32>, vector<16xi32>], vector<16xf32>,
    %sub3A_1003 = arith.subf %get3A_1001, %gather3A_1002 : vector<16xf32>
    %add3A_1004 = arith.addf %gather3A_1002, %sub3A_1003 : vector<16xf32>
    tpu.vector_store_idx %arg10[%add3A_41, %broadcast_in_dim3A_988], %add3A_1004 : memref<32x64xf32, #tpu.memory_space<vmem>>[vector<16xi32>, vector<16xi32>], vector<16xf32>,
    %mul3A_1005 = arith.mulf %sub3A_1003, %sub3A_1003 : vector<16xf32>
    %add3A_1006 = arith.addf %add3A_966, %mul3A_1005 : vector<16xf32>
    %broadcast_in_dim3A_1007 = arith.constant 48 : i32
    %broadcast_in_dim3A_1008 = vector.broadcast %broadcast_in_dim3A_1007 : i32 to vector<16xi32>
    %get3A_1009 = arith.constant 48 : i32
    %get3A_1010 = arith.index_cast %get3A_1009 : i32 to index
    %get3A_1011 = arith.constant 0 : index
    %get3A_1012 = tpu.vector_load %arg8[%get3A_1010, %get3A_1011] {strides = array<i32>} : memref<64x32xf32, #tpu.memory_space<vmem>>, vector<16xf32>,
    %gather3A_1013 = tpu.vector_load_idx %arg9[%iota3A, %broadcast_in_dim3A_1008] : memref<32x64xf32, #tpu.memory_space<vmem>>[vector<16xi32>, vector<16xi32>], vector<16xf32>,
    %sub3A_1014 = arith.subf %get3A_1012, %gather3A_1013 : vector<16xf32>
    %add3A_1015 = arith.addf %gather3A_1013, %sub3A_1014 : vector<16xf32>
    tpu.vector_store_idx %arg10[%iota3A, %broadcast_in_dim3A_1008], %add3A_1015 : memref<32x64xf32, #tpu.memory_space<vmem>>[vector<16xi32>, vector<16xi32>], vector<16xf32>,
    %mul3A_1016 = arith.mulf %sub3A_1014, %sub3A_1014 : vector<16xf32>
    %add3A_1017 = arith.addf %add3A_977, %mul3A_1016 : vector<16xf32>
    %get3A_1018 = arith.constant 48 : i32
    %get3A_1019 = arith.index_cast %get3A_1018 : i32 to index
    %get3A_1020 = arith.constant 16 : index
    %get3A_1021 = tpu.vector_load %arg8[%get3A_1019, %get3A_1020] {strides = array<i32>} : memref<64x32xf32, #tpu.memory_space<vmem>>, vector<16xf32>,
    %gather3A_1022 = tpu.vector_load_idx %arg9[%add3A_41, %broadcast_in_dim3A_1008] : memref<32x64xf32, #tpu.memory_space<vmem>>[vector<16xi32>, vector<16xi32>], vector<16xf32>,
    %sub3A_1023 = arith.subf %get3A_1021, %gather3A_1022 : vector<16xf32>
    %add3A_1024 = arith.addf %gather3A_1022, %sub3A_1023 : vector<16xf32>
    tpu.vector_store_idx %arg10[%add3A_41, %broadcast_in_dim3A_1008], %add3A_1024 : memref<32x64xf32, #tpu.memory_space<vmem>>[vector<16xi32>, vector<16xi32>], vector<16xf32>,
    %mul3A_1025 = arith.mulf %sub3A_1023, %sub3A_1023 : vector<16xf32>
    %add3A_1026 = arith.addf %add3A_986, %mul3A_1025 : vector<16xf32>
    %broadcast_in_dim3A_1027 = arith.constant 49 : i32
    %broadcast_in_dim3A_1028 = vector.broadcast %broadcast_in_dim3A_1027 : i32 to vector<16xi32>
    %get3A_1029 = arith.constant 49 : i32
    %get3A_1030 = arith.index_cast %get3A_1029 : i32 to index
    %get3A_1031 = arith.constant 0 : index
    %get3A_1032 = tpu.vector_load %arg8[%get3A_1030, %get3A_1031] {strides = array<i32>} : memref<64x32xf32, #tpu.memory_space<vmem>>, vector<16xf32>,
    %gather3A_1033 = tpu.vector_load_idx %arg9[%iota3A, %broadcast_in_dim3A_1028] : memref<32x64xf32, #tpu.memory_space<vmem>>[vector<16xi32>, vector<16xi32>], vector<16xf32>,
    %sub3A_1034 = arith.subf %get3A_1032, %gather3A_1033 : vector<16xf32>
    %add3A_1035 = arith.addf %gather3A_1033, %sub3A_1034 : vector<16xf32>
    tpu.vector_store_idx %arg10[%iota3A, %broadcast_in_dim3A_1028], %add3A_1035 : memref<32x64xf32, #tpu.memory_space<vmem>>[vector<16xi32>, vector<16xi32>], vector<16xf32>,
    %mul3A_1036 = arith.mulf %sub3A_1034, %sub3A_1034 : vector<16xf32>
    %add3A_1037 = arith.addf %add3A_997, %mul3A_1036 : vector<16xf32>
    %get3A_1038 = arith.constant 49 : i32
    %get3A_1039 = arith.index_cast %get3A_1038 : i32 to index
    %get3A_1040 = arith.constant 16 : index
    %get3A_1041 = tpu.vector_load %arg8[%get3A_1039, %get3A_1040] {strides = array<i32>} : memref<64x32xf32, #tpu.memory_space<vmem>>, vector<16xf32>,
    %gather3A_1042 = tpu.vector_load_idx %arg9[%add3A_41, %broadcast_in_dim3A_1028] : memref<32x64xf32, #tpu.memory_space<vmem>>[vector<16xi32>, vector<16xi32>], vector<16xf32>,
    %sub3A_1043 = arith.subf %get3A_1041, %gather3A_1042 : vector<16xf32>
    %add3A_1044 = arith.addf %gather3A_1042, %sub3A_1043 : vector<16xf32>
    tpu.vector_store_idx %arg10[%add3A_41, %broadcast_in_dim3A_1028], %add3A_1044 : memref<32x64xf32, #tpu.memory_space<vmem>>[vector<16xi32>, vector<16xi32>], vector<16xf32>,
    %mul3A_1045 = arith.mulf %sub3A_1043, %sub3A_1043 : vector<16xf32>
    %add3A_1046 = arith.addf %add3A_1006, %mul3A_1045 : vector<16xf32>
    %broadcast_in_dim3A_1047 = arith.constant 50 : i32
    %broadcast_in_dim3A_1048 = vector.broadcast %broadcast_in_dim3A_1047 : i32 to vector<16xi32>
    %get3A_1049 = arith.constant 50 : i32
    %get3A_1050 = arith.index_cast %get3A_1049 : i32 to index
    %get3A_1051 = arith.constant 0 : index
    %get3A_1052 = tpu.vector_load %arg8[%get3A_1050, %get3A_1051] {strides = array<i32>} : memref<64x32xf32, #tpu.memory_space<vmem>>, vector<16xf32>,
    %gather3A_1053 = tpu.vector_load_idx %arg9[%iota3A, %broadcast_in_dim3A_1048] : memref<32x64xf32, #tpu.memory_space<vmem>>[vector<16xi32>, vector<16xi32>], vector<16xf32>,
    %sub3A_1054 = arith.subf %get3A_1052, %gather3A_1053 : vector<16xf32>
    %add3A_1055 = arith.addf %gather3A_1053, %sub3A_1054 : vector<16xf32>
    tpu.vector_store_idx %arg10[%iota3A, %broadcast_in_dim3A_1048], %add3A_1055 : memref<32x64xf32, #tpu.memory_space<vmem>>[vector<16xi32>, vector<16xi32>], vector<16xf32>,
    %mul3A_1056 = arith.mulf %sub3A_1054, %sub3A_1054 : vector<16xf32>
    %add3A_1057 = arith.addf %add3A_1017, %mul3A_1056 : vector<16xf32>
    %get3A_1058 = arith.constant 50 : i32
    %get3A_1059 = arith.index_cast %get3A_1058 : i32 to index
    %get3A_1060 = arith.constant 16 : index
    %get3A_1061 = tpu.vector_load %arg8[%get3A_1059, %get3A_1060] {strides = array<i32>} : memref<64x32xf32, #tpu.memory_space<vmem>>, vector<16xf32>,
    %gather3A_1062 = tpu.vector_load_idx %arg9[%add3A_41, %broadcast_in_dim3A_1048] : memref<32x64xf32, #tpu.memory_space<vmem>>[vector<16xi32>, vector<16xi32>], vector<16xf32>,
    %sub3A_1063 = arith.subf %get3A_1061, %gather3A_1062 : vector<16xf32>
    %add3A_1064 = arith.addf %gather3A_1062, %sub3A_1063 : vector<16xf32>
    tpu.vector_store_idx %arg10[%add3A_41, %broadcast_in_dim3A_1048], %add3A_1064 : memref<32x64xf32, #tpu.memory_space<vmem>>[vector<16xi32>, vector<16xi32>], vector<16xf32>,
    %mul3A_1065 = arith.mulf %sub3A_1063, %sub3A_1063 : vector<16xf32>
    %add3A_1066 = arith.addf %add3A_1026, %mul3A_1065 : vector<16xf32>
    %broadcast_in_dim3A_1067 = arith.constant 51 : i32
    %broadcast_in_dim3A_1068 = vector.broadcast %broadcast_in_dim3A_1067 : i32 to vector<16xi32>
    %get3A_1069 = arith.constant 51 : i32
    %get3A_1070 = arith.index_cast %get3A_1069 : i32 to index
    %get3A_1071 = arith.constant 0 : index
    %get3A_1072 = tpu.vector_load %arg8[%get3A_1070, %get3A_1071] {strides = array<i32>} : memref<64x32xf32, #tpu.memory_space<vmem>>, vector<16xf32>,
    %gather3A_1073 = tpu.vector_load_idx %arg9[%iota3A, %broadcast_in_dim3A_1068] : memref<32x64xf32, #tpu.memory_space<vmem>>[vector<16xi32>, vector<16xi32>], vector<16xf32>,
    %sub3A_1074 = arith.subf %get3A_1072, %gather3A_1073 : vector<16xf32>
    %add3A_1075 = arith.addf %gather3A_1073, %sub3A_1074 : vector<16xf32>
    tpu.vector_store_idx %arg10[%iota3A, %broadcast_in_dim3A_1068], %add3A_1075 : memref<32x64xf32, #tpu.memory_space<vmem>>[vector<16xi32>, vector<16xi32>], vector<16xf32>,
    %mul3A_1076 = arith.mulf %sub3A_1074, %sub3A_1074 : vector<16xf32>
    %add3A_1077 = arith.addf %add3A_1037, %mul3A_1076 : vector<16xf32>
    %get3A_1078 = arith.constant 51 : i32
    %get3A_1079 = arith.index_cast %get3A_1078 : i32 to index
    %get3A_1080 = arith.constant 16 : index
    %get3A_1081 = tpu.vector_load %arg8[%get3A_1079, %get3A_1080] {strides = array<i32>} : memref<64x32xf32, #tpu.memory_space<vmem>>, vector<16xf32>,
    %gather3A_1082 = tpu.vector_load_idx %arg9[%add3A_41, %broadcast_in_dim3A_1068] : memref<32x64xf32, #tpu.memory_space<vmem>>[vector<16xi32>, vector<16xi32>], vector<16xf32>,
    %sub3A_1083 = arith.subf %get3A_1081, %gather3A_1082 : vector<16xf32>
    %add3A_1084 = arith.addf %gather3A_1082, %sub3A_1083 : vector<16xf32>
    tpu.vector_store_idx %arg10[%add3A_41, %broadcast_in_dim3A_1068], %add3A_1084 : memref<32x64xf32, #tpu.memory_space<vmem>>[vector<16xi32>, vector<16xi32>], vector<16xf32>,
    %mul3A_1085 = arith.mulf %sub3A_1083, %sub3A_1083 : vector<16xf32>
    %add3A_1086 = arith.addf %add3A_1046, %mul3A_1085 : vector<16xf32>
    %broadcast_in_dim3A_1087 = arith.constant 52 : i32
    %broadcast_in_dim3A_1088 = vector.broadcast %broadcast_in_dim3A_1087 : i32 to vector<16xi32>
    %get3A_1089 = arith.constant 52 : i32
    %get3A_1090 = arith.index_cast %get3A_1089 : i32 to index
    %get3A_1091 = arith.constant 0 : index
    %get3A_1092 = tpu.vector_load %arg8[%get3A_1090, %get3A_1091] {strides = array<i32>} : memref<64x32xf32, #tpu.memory_space<vmem>>, vector<16xf32>,
    %gather3A_1093 = tpu.vector_load_idx %arg9[%iota3A, %broadcast_in_dim3A_1088] : memref<32x64xf32, #tpu.memory_space<vmem>>[vector<16xi32>, vector<16xi32>], vector<16xf32>,
    %sub3A_1094 = arith.subf %get3A_1092, %gather3A_1093 : vector<16xf32>
    %add3A_1095 = arith.addf %gather3A_1093, %sub3A_1094 : vector<16xf32>
    tpu.vector_store_idx %arg10[%iota3A, %broadcast_in_dim3A_1088], %add3A_1095 : memref<32x64xf32, #tpu.memory_space<vmem>>[vector<16xi32>, vector<16xi32>], vector<16xf32>,
    %mul3A_1096 = arith.mulf %sub3A_1094, %sub3A_1094 : vector<16xf32>
    %add3A_1097 = arith.addf %add3A_1057, %mul3A_1096 : vector<16xf32>
    %get3A_1098 = arith.constant 52 : i32
    %get3A_1099 = arith.index_cast %get3A_1098 : i32 to index
    %get3A_1100 = arith.constant 16 : index
    %get3A_1101 = tpu.vector_load %arg8[%get3A_1099, %get3A_1100] {strides = array<i32>} : memref<64x32xf32, #tpu.memory_space<vmem>>, vector<16xf32>,
    %gather3A_1102 = tpu.vector_load_idx %arg9[%add3A_41, %broadcast_in_dim3A_1088] : memref<32x64xf32, #tpu.memory_space<vmem>>[vector<16xi32>, vector<16xi32>], vector<16xf32>,
    %sub3A_1103 = arith.subf %get3A_1101, %gather3A_1102 : vector<16xf32>
    %add3A_1104 = arith.addf %gather3A_1102, %sub3A_1103 : vector<16xf32>
    tpu.vector_store_idx %arg10[%add3A_41, %broadcast_in_dim3A_1088], %add3A_1104 : memref<32x64xf32, #tpu.memory_space<vmem>>[vector<16xi32>, vector<16xi32>], vector<16xf32>,
    %mul3A_1105 = arith.mulf %sub3A_1103, %sub3A_1103 : vector<16xf32>
    %add3A_1106 = arith.addf %add3A_1066, %mul3A_1105 : vector<16xf32>
    %broadcast_in_dim3A_1107 = arith.constant 53 : i32
    %broadcast_in_dim3A_1108 = vector.broadcast %broadcast_in_dim3A_1107 : i32 to vector<16xi32>
    %get3A_1109 = arith.constant 53 : i32
    %get3A_1110 = arith.index_cast %get3A_1109 : i32 to index
    %get3A_1111 = arith.constant 0 : index
    %get3A_1112 = tpu.vector_load %arg8[%get3A_1110, %get3A_1111] {strides = array<i32>} : memref<64x32xf32, #tpu.memory_space<vmem>>, vector<16xf32>,
    %gather3A_1113 = tpu.vector_load_idx %arg9[%iota3A, %broadcast_in_dim3A_1108] : memref<32x64xf32, #tpu.memory_space<vmem>>[vector<16xi32>, vector<16xi32>], vector<16xf32>,
    %sub3A_1114 = arith.subf %get3A_1112, %gather3A_1113 : vector<16xf32>
    %add3A_1115 = arith.addf %gather3A_1113, %sub3A_1114 : vector<16xf32>
    tpu.vector_store_idx %arg10[%iota3A, %broadcast_in_dim3A_1108], %add3A_1115 : memref<32x64xf32, #tpu.memory_space<vmem>>[vector<16xi32>, vector<16xi32>], vector<16xf32>,
    %mul3A_1116 = arith.mulf %sub3A_1114, %sub3A_1114 : vector<16xf32>
    %add3A_1117 = arith.addf %add3A_1077, %mul3A_1116 : vector<16xf32>
    %get3A_1118 = arith.constant 53 : i32
    %get3A_1119 = arith.index_cast %get3A_1118 : i32 to index
    %get3A_1120 = arith.constant 16 : index
    %get3A_1121 = tpu.vector_load %arg8[%get3A_1119, %get3A_1120] {strides = array<i32>} : memref<64x32xf32, #tpu.memory_space<vmem>>, vector<16xf32>,
    %gather3A_1122 = tpu.vector_load_idx %arg9[%add3A_41, %broadcast_in_dim3A_1108] : memref<32x64xf32, #tpu.memory_space<vmem>>[vector<16xi32>, vector<16xi32>], vector<16xf32>,
    %sub3A_1123 = arith.subf %get3A_1121, %gather3A_1122 : vector<16xf32>
    %add3A_1124 = arith.addf %gather3A_1122, %sub3A_1123 : vector<16xf32>
    tpu.vector_store_idx %arg10[%add3A_41, %broadcast_in_dim3A_1108], %add3A_1124 : memref<32x64xf32, #tpu.memory_space<vmem>>[vector<16xi32>, vector<16xi32>], vector<16xf32>,
    %mul3A_1125 = arith.mulf %sub3A_1123, %sub3A_1123 : vector<16xf32>
    %add3A_1126 = arith.addf %add3A_1086, %mul3A_1125 : vector<16xf32>
    %broadcast_in_dim3A_1127 = arith.constant 54 : i32
    %broadcast_in_dim3A_1128 = vector.broadcast %broadcast_in_dim3A_1127 : i32 to vector<16xi32>
    %get3A_1129 = arith.constant 54 : i32
    %get3A_1130 = arith.index_cast %get3A_1129 : i32 to index
    %get3A_1131 = arith.constant 0 : index
    %get3A_1132 = tpu.vector_load %arg8[%get3A_1130, %get3A_1131] {strides = array<i32>} : memref<64x32xf32, #tpu.memory_space<vmem>>, vector<16xf32>,
    %gather3A_1133 = tpu.vector_load_idx %arg9[%iota3A, %broadcast_in_dim3A_1128] : memref<32x64xf32, #tpu.memory_space<vmem>>[vector<16xi32>, vector<16xi32>], vector<16xf32>,
    %sub3A_1134 = arith.subf %get3A_1132, %gather3A_1133 : vector<16xf32>
    %add3A_1135 = arith.addf %gather3A_1133, %sub3A_1134 : vector<16xf32>
    tpu.vector_store_idx %arg10[%iota3A, %broadcast_in_dim3A_1128], %add3A_1135 : memref<32x64xf32, #tpu.memory_space<vmem>>[vector<16xi32>, vector<16xi32>], vector<16xf32>,
    %mul3A_1136 = arith.mulf %sub3A_1134, %sub3A_1134 : vector<16xf32>
    %add3A_1137 = arith.addf %add3A_1097, %mul3A_1136 : vector<16xf32>
    %get3A_1138 = arith.constant 54 : i32
    %get3A_1139 = arith.index_cast %get3A_1138 : i32 to index
    %get3A_1140 = arith.constant 16 : index
    %get3A_1141 = tpu.vector_load %arg8[%get3A_1139, %get3A_1140] {strides = array<i32>} : memref<64x32xf32, #tpu.memory_space<vmem>>, vector<16xf32>,
    %gather3A_1142 = tpu.vector_load_idx %arg9[%add3A_41, %broadcast_in_dim3A_1128] : memref<32x64xf32, #tpu.memory_space<vmem>>[vector<16xi32>, vector<16xi32>], vector<16xf32>,
    %sub3A_1143 = arith.subf %get3A_1141, %gather3A_1142 : vector<16xf32>
    %add3A_1144 = arith.addf %gather3A_1142, %sub3A_1143 : vector<16xf32>
    tpu.vector_store_idx %arg10[%add3A_41, %broadcast_in_dim3A_1128], %add3A_1144 : memref<32x64xf32, #tpu.memory_space<vmem>>[vector<16xi32>, vector<16xi32>], vector<16xf32>,
    %mul3A_1145 = arith.mulf %sub3A_1143, %sub3A_1143 : vector<16xf32>
    %add3A_1146 = arith.addf %add3A_1106, %mul3A_1145 : vector<16xf32>
    %broadcast_in_dim3A_1147 = arith.constant 55 : i32
    %broadcast_in_dim3A_1148 = vector.broadcast %broadcast_in_dim3A_1147 : i32 to vector<16xi32>
    %get3A_1149 = arith.constant 55 : i32
    %get3A_1150 = arith.index_cast %get3A_1149 : i32 to index
    %get3A_1151 = arith.constant 0 : index
    %get3A_1152 = tpu.vector_load %arg8[%get3A_1150, %get3A_1151] {strides = array<i32>} : memref<64x32xf32, #tpu.memory_space<vmem>>, vector<16xf32>,
    %gather3A_1153 = tpu.vector_load_idx %arg9[%iota3A, %broadcast_in_dim3A_1148] : memref<32x64xf32, #tpu.memory_space<vmem>>[vector<16xi32>, vector<16xi32>], vector<16xf32>,
    %sub3A_1154 = arith.subf %get3A_1152, %gather3A_1153 : vector<16xf32>
    %add3A_1155 = arith.addf %gather3A_1153, %sub3A_1154 : vector<16xf32>
    tpu.vector_store_idx %arg10[%iota3A, %broadcast_in_dim3A_1148], %add3A_1155 : memref<32x64xf32, #tpu.memory_space<vmem>>[vector<16xi32>, vector<16xi32>], vector<16xf32>,
    %mul3A_1156 = arith.mulf %sub3A_1154, %sub3A_1154 : vector<16xf32>
    %add3A_1157 = arith.addf %add3A_1117, %mul3A_1156 : vector<16xf32>
    %get3A_1158 = arith.constant 55 : i32
    %get3A_1159 = arith.index_cast %get3A_1158 : i32 to index
    %get3A_1160 = arith.constant 16 : index
    %get3A_1161 = tpu.vector_load %arg8[%get3A_1159, %get3A_1160] {strides = array<i32>} : memref<64x32xf32, #tpu.memory_space<vmem>>, vector<16xf32>,
    %gather3A_1162 = tpu.vector_load_idx %arg9[%add3A_41, %broadcast_in_dim3A_1148] : memref<32x64xf32, #tpu.memory_space<vmem>>[vector<16xi32>, vector<16xi32>], vector<16xf32>,
    %sub3A_1163 = arith.subf %get3A_1161, %gather3A_1162 : vector<16xf32>
    %add3A_1164 = arith.addf %gather3A_1162, %sub3A_1163 : vector<16xf32>
    tpu.vector_store_idx %arg10[%add3A_41, %broadcast_in_dim3A_1148], %add3A_1164 : memref<32x64xf32, #tpu.memory_space<vmem>>[vector<16xi32>, vector<16xi32>], vector<16xf32>,
    %mul3A_1165 = arith.mulf %sub3A_1163, %sub3A_1163 : vector<16xf32>
    %add3A_1166 = arith.addf %add3A_1126, %mul3A_1165 : vector<16xf32>
    %broadcast_in_dim3A_1167 = arith.constant 56 : i32
    %broadcast_in_dim3A_1168 = vector.broadcast %broadcast_in_dim3A_1167 : i32 to vector<16xi32>
    %get3A_1169 = arith.constant 56 : i32
    %get3A_1170 = arith.index_cast %get3A_1169 : i32 to index
    %get3A_1171 = arith.constant 0 : index
    %get3A_1172 = tpu.vector_load %arg8[%get3A_1170, %get3A_1171] {strides = array<i32>} : memref<64x32xf32, #tpu.memory_space<vmem>>, vector<16xf32>,
    %gather3A_1173 = tpu.vector_load_idx %arg9[%iota3A, %broadcast_in_dim3A_1168] : memref<32x64xf32, #tpu.memory_space<vmem>>[vector<16xi32>, vector<16xi32>], vector<16xf32>,
    %sub3A_1174 = arith.subf %get3A_1172, %gather3A_1173 : vector<16xf32>
    %add3A_1175 = arith.addf %gather3A_1173, %sub3A_1174 : vector<16xf32>
    tpu.vector_store_idx %arg10[%iota3A, %broadcast_in_dim3A_1168], %add3A_1175 : memref<32x64xf32, #tpu.memory_space<vmem>>[vector<16xi32>, vector<16xi32>], vector<16xf32>,
    %mul3A_1176 = arith.mulf %sub3A_1174, %sub3A_1174 : vector<16xf32>
    %add3A_1177 = arith.addf %add3A_1137, %mul3A_1176 : vector<16xf32>
    %get3A_1178 = arith.constant 56 : i32
    %get3A_1179 = arith.index_cast %get3A_1178 : i32 to index
    %get3A_1180 = arith.constant 16 : index
    %get3A_1181 = tpu.vector_load %arg8[%get3A_1179, %get3A_1180] {strides = array<i32>} : memref<64x32xf32, #tpu.memory_space<vmem>>, vector<16xf32>,
    %gather3A_1182 = tpu.vector_load_idx %arg9[%add3A_41, %broadcast_in_dim3A_1168] : memref<32x64xf32, #tpu.memory_space<vmem>>[vector<16xi32>, vector<16xi32>], vector<16xf32>,
    %sub3A_1183 = arith.subf %get3A_1181, %gather3A_1182 : vector<16xf32>
    %add3A_1184 = arith.addf %gather3A_1182, %sub3A_1183 : vector<16xf32>
    tpu.vector_store_idx %arg10[%add3A_41, %broadcast_in_dim3A_1168], %add3A_1184 : memref<32x64xf32, #tpu.memory_space<vmem>>[vector<16xi32>, vector<16xi32>], vector<16xf32>,
    %mul3A_1185 = arith.mulf %sub3A_1183, %sub3A_1183 : vector<16xf32>
    %add3A_1186 = arith.addf %add3A_1146, %mul3A_1185 : vector<16xf32>
    %broadcast_in_dim3A_1187 = arith.constant 57 : i32
    %broadcast_in_dim3A_1188 = vector.broadcast %broadcast_in_dim3A_1187 : i32 to vector<16xi32>
    %get3A_1189 = arith.constant 57 : i32
    %get3A_1190 = arith.index_cast %get3A_1189 : i32 to index
    %get3A_1191 = arith.constant 0 : index
    %get3A_1192 = tpu.vector_load %arg8[%get3A_1190, %get3A_1191] {strides = array<i32>} : memref<64x32xf32, #tpu.memory_space<vmem>>, vector<16xf32>,
    %gather3A_1193 = tpu.vector_load_idx %arg9[%iota3A, %broadcast_in_dim3A_1188] : memref<32x64xf32, #tpu.memory_space<vmem>>[vector<16xi32>, vector<16xi32>], vector<16xf32>,
    %sub3A_1194 = arith.subf %get3A_1192, %gather3A_1193 : vector<16xf32>
    %add3A_1195 = arith.addf %gather3A_1193, %sub3A_1194 : vector<16xf32>
    tpu.vector_store_idx %arg10[%iota3A, %broadcast_in_dim3A_1188], %add3A_1195 : memref<32x64xf32, #tpu.memory_space<vmem>>[vector<16xi32>, vector<16xi32>], vector<16xf32>,
    %mul3A_1196 = arith.mulf %sub3A_1194, %sub3A_1194 : vector<16xf32>
    %add3A_1197 = arith.addf %add3A_1157, %mul3A_1196 : vector<16xf32>
    %get3A_1198 = arith.constant 57 : i32
    %get3A_1199 = arith.index_cast %get3A_1198 : i32 to index
    %get3A_1200 = arith.constant 16 : index
    %get3A_1201 = tpu.vector_load %arg8[%get3A_1199, %get3A_1200] {strides = array<i32>} : memref<64x32xf32, #tpu.memory_space<vmem>>, vector<16xf32>,
    %gather3A_1202 = tpu.vector_load_idx %arg9[%add3A_41, %broadcast_in_dim3A_1188] : memref<32x64xf32, #tpu.memory_space<vmem>>[vector<16xi32>, vector<16xi32>], vector<16xf32>,
    %sub3A_1203 = arith.subf %get3A_1201, %gather3A_1202 : vector<16xf32>
    %add3A_1204 = arith.addf %gather3A_1202, %sub3A_1203 : vector<16xf32>
    tpu.vector_store_idx %arg10[%add3A_41, %broadcast_in_dim3A_1188], %add3A_1204 : memref<32x64xf32, #tpu.memory_space<vmem>>[vector<16xi32>, vector<16xi32>], vector<16xf32>,
    %mul3A_1205 = arith.mulf %sub3A_1203, %sub3A_1203 : vector<16xf32>
    %add3A_1206 = arith.addf %add3A_1166, %mul3A_1205 : vector<16xf32>
    %broadcast_in_dim3A_1207 = arith.constant 58 : i32
    %broadcast_in_dim3A_1208 = vector.broadcast %broadcast_in_dim3A_1207 : i32 to vector<16xi32>
    %get3A_1209 = arith.constant 58 : i32
    %get3A_1210 = arith.index_cast %get3A_1209 : i32 to index
    %get3A_1211 = arith.constant 0 : index
    %get3A_1212 = tpu.vector_load %arg8[%get3A_1210, %get3A_1211] {strides = array<i32>} : memref<64x32xf32, #tpu.memory_space<vmem>>, vector<16xf32>,
    %gather3A_1213 = tpu.vector_load_idx %arg9[%iota3A, %broadcast_in_dim3A_1208] : memref<32x64xf32, #tpu.memory_space<vmem>>[vector<16xi32>, vector<16xi32>], vector<16xf32>,
    %sub3A_1214 = arith.subf %get3A_1212, %gather3A_1213 : vector<16xf32>
    %add3A_1215 = arith.addf %gather3A_1213, %sub3A_1214 : vector<16xf32>
    tpu.vector_store_idx %arg10[%iota3A, %broadcast_in_dim3A_1208], %add3A_1215 : memref<32x64xf32, #tpu.memory_space<vmem>>[vector<16xi32>, vector<16xi32>], vector<16xf32>,
    %mul3A_1216 = arith.mulf %sub3A_1214, %sub3A_1214 : vector<16xf32>
    %add3A_1217 = arith.addf %add3A_1177, %mul3A_1216 : vector<16xf32>
    %get3A_1218 = arith.constant 58 : i32
    %get3A_1219 = arith.index_cast %get3A_1218 : i32 to index
    %get3A_1220 = arith.constant 16 : index
    %get3A_1221 = tpu.vector_load %arg8[%get3A_1219, %get3A_1220] {strides = array<i32>} : memref<64x32xf32, #tpu.memory_space<vmem>>, vector<16xf32>,
    %gather3A_1222 = tpu.vector_load_idx %arg9[%add3A_41, %broadcast_in_dim3A_1208] : memref<32x64xf32, #tpu.memory_space<vmem>>[vector<16xi32>, vector<16xi32>], vector<16xf32>,
    %sub3A_1223 = arith.subf %get3A_1221, %gather3A_1222 : vector<16xf32>
    %add3A_1224 = arith.addf %gather3A_1222, %sub3A_1223 : vector<16xf32>
    tpu.vector_store_idx %arg10[%add3A_41, %broadcast_in_dim3A_1208], %add3A_1224 : memref<32x64xf32, #tpu.memory_space<vmem>>[vector<16xi32>, vector<16xi32>], vector<16xf32>,
    %mul3A_1225 = arith.mulf %sub3A_1223, %sub3A_1223 : vector<16xf32>
    %add3A_1226 = arith.addf %add3A_1186, %mul3A_1225 : vector<16xf32>
    %broadcast_in_dim3A_1227 = arith.constant 59 : i32
    %broadcast_in_dim3A_1228 = vector.broadcast %broadcast_in_dim3A_1227 : i32 to vector<16xi32>
    %get3A_1229 = arith.constant 59 : i32
    %get3A_1230 = arith.index_cast %get3A_1229 : i32 to index
    %get3A_1231 = arith.constant 0 : index
    %get3A_1232 = tpu.vector_load %arg8[%get3A_1230, %get3A_1231] {strides = array<i32>} : memref<64x32xf32, #tpu.memory_space<vmem>>, vector<16xf32>,
    %gather3A_1233 = tpu.vector_load_idx %arg9[%iota3A, %broadcast_in_dim3A_1228] : memref<32x64xf32, #tpu.memory_space<vmem>>[vector<16xi32>, vector<16xi32>], vector<16xf32>,
    %sub3A_1234 = arith.subf %get3A_1232, %gather3A_1233 : vector<16xf32>
    %add3A_1235 = arith.addf %gather3A_1233, %sub3A_1234 : vector<16xf32>
    tpu.vector_store_idx %arg10[%iota3A, %broadcast_in_dim3A_1228], %add3A_1235 : memref<32x64xf32, #tpu.memory_space<vmem>>[vector<16xi32>, vector<16xi32>], vector<16xf32>,
    %mul3A_1236 = arith.mulf %sub3A_1234, %sub3A_1234 : vector<16xf32>
    %add3A_1237 = arith.addf %add3A_1197, %mul3A_1236 : vector<16xf32>
    %get3A_1238 = arith.constant 59 : i32
    %get3A_1239 = arith.index_cast %get3A_1238 : i32 to index
    %get3A_1240 = arith.constant 16 : index
    %get3A_1241 = tpu.vector_load %arg8[%get3A_1239, %get3A_1240] {strides = array<i32>} : memref<64x32xf32, #tpu.memory_space<vmem>>, vector<16xf32>,
    %gather3A_1242 = tpu.vector_load_idx %arg9[%add3A_41, %broadcast_in_dim3A_1228] : memref<32x64xf32, #tpu.memory_space<vmem>>[vector<16xi32>, vector<16xi32>], vector<16xf32>,
    %sub3A_1243 = arith.subf %get3A_1241, %gather3A_1242 : vector<16xf32>
    %add3A_1244 = arith.addf %gather3A_1242, %sub3A_1243 : vector<16xf32>
    tpu.vector_store_idx %arg10[%add3A_41, %broadcast_in_dim3A_1228], %add3A_1244 : memref<32x64xf32, #tpu.memory_space<vmem>>[vector<16xi32>, vector<16xi32>], vector<16xf32>,
    %mul3A_1245 = arith.mulf %sub3A_1243, %sub3A_1243 : vector<16xf32>
    %add3A_1246 = arith.addf %add3A_1206, %mul3A_1245 : vector<16xf32>
    %broadcast_in_dim3A_1247 = arith.constant 60 : i32
    %broadcast_in_dim3A_1248 = vector.broadcast %broadcast_in_dim3A_1247 : i32 to vector<16xi32>
    %get3A_1249 = arith.constant 60 : i32
    %get3A_1250 = arith.index_cast %get3A_1249 : i32 to index
    %get3A_1251 = arith.constant 0 : index
    %get3A_1252 = tpu.vector_load %arg8[%get3A_1250, %get3A_1251] {strides = array<i32>} : memref<64x32xf32, #tpu.memory_space<vmem>>, vector<16xf32>,
    %gather3A_1253 = tpu.vector_load_idx %arg9[%iota3A, %broadcast_in_dim3A_1248] : memref<32x64xf32, #tpu.memory_space<vmem>>[vector<16xi32>, vector<16xi32>], vector<16xf32>,
    %sub3A_1254 = arith.subf %get3A_1252, %gather3A_1253 : vector<16xf32>
    %add3A_1255 = arith.addf %gather3A_1253, %sub3A_1254 : vector<16xf32>
    tpu.vector_store_idx %arg10[%iota3A, %broadcast_in_dim3A_1248], %add3A_1255 : memref<32x64xf32, #tpu.memory_space<vmem>>[vector<16xi32>, vector<16xi32>], vector<16xf32>,
    %mul3A_1256 = arith.mulf %sub3A_1254, %sub3A_1254 : vector<16xf32>
    %add3A_1257 = arith.addf %add3A_1217, %mul3A_1256 : vector<16xf32>
    %get3A_1258 = arith.constant 60 : i32
    %get3A_1259 = arith.index_cast %get3A_1258 : i32 to index
    %get3A_1260 = arith.constant 16 : index
    %get3A_1261 = tpu.vector_load %arg8[%get3A_1259, %get3A_1260] {strides = array<i32>} : memref<64x32xf32, #tpu.memory_space<vmem>>, vector<16xf32>,
    %gather3A_1262 = tpu.vector_load_idx %arg9[%add3A_41, %broadcast_in_dim3A_1248] : memref<32x64xf32, #tpu.memory_space<vmem>>[vector<16xi32>, vector<16xi32>], vector<16xf32>,
    %sub3A_1263 = arith.subf %get3A_1261, %gather3A_1262 : vector<16xf32>
    %add3A_1264 = arith.addf %gather3A_1262, %sub3A_1263 : vector<16xf32>
    tpu.vector_store_idx %arg10[%add3A_41, %broadcast_in_dim3A_1248], %add3A_1264 : memref<32x64xf32, #tpu.memory_space<vmem>>[vector<16xi32>, vector<16xi32>], vector<16xf32>,
    %mul3A_1265 = arith.mulf %sub3A_1263, %sub3A_1263 : vector<16xf32>
    %add3A_1266 = arith.addf %add3A_1226, %mul3A_1265 : vector<16xf32>
    %broadcast_in_dim3A_1267 = arith.constant 61 : i32
    %broadcast_in_dim3A_1268 = vector.broadcast %broadcast_in_dim3A_1267 : i32 to vector<16xi32>
    %get3A_1269 = arith.constant 61 : i32
    %get3A_1270 = arith.index_cast %get3A_1269 : i32 to index
    %get3A_1271 = arith.constant 0 : index
    %get3A_1272 = tpu.vector_load %arg8[%get3A_1270, %get3A_1271] {strides = array<i32>} : memref<64x32xf32, #tpu.memory_space<vmem>>, vector<16xf32>,
    %gather3A_1273 = tpu.vector_load_idx %arg9[%iota3A, %broadcast_in_dim3A_1268] : memref<32x64xf32, #tpu.memory_space<vmem>>[vector<16xi32>, vector<16xi32>], vector<16xf32>,
    %sub3A_1274 = arith.subf %get3A_1272, %gather3A_1273 : vector<16xf32>
    %add3A_1275 = arith.addf %gather3A_1273, %sub3A_1274 : vector<16xf32>
    tpu.vector_store_idx %arg10[%iota3A, %broadcast_in_dim3A_1268], %add3A_1275 : memref<32x64xf32, #tpu.memory_space<vmem>>[vector<16xi32>, vector<16xi32>], vector<16xf32>,
    %mul3A_1276 = arith.mulf %sub3A_1274, %sub3A_1274 : vector<16xf32>
    %add3A_1277 = arith.addf %add3A_1237, %mul3A_1276 : vector<16xf32>
    %get3A_1278 = arith.constant 61 : i32
    %get3A_1279 = arith.index_cast %get3A_1278 : i32 to index
    %get3A_1280 = arith.constant 16 : index
    %get3A_1281 = tpu.vector_load %arg8[%get3A_1279, %get3A_1280] {strides = array<i32>} : memref<64x32xf32, #tpu.memory_space<vmem>>, vector<16xf32>,
    %gather3A_1282 = tpu.vector_load_idx %arg9[%add3A_41, %broadcast_in_dim3A_1268] : memref<32x64xf32, #tpu.memory_space<vmem>>[vector<16xi32>, vector<16xi32>], vector<16xf32>,
    %sub3A_1283 = arith.subf %get3A_1281, %gather3A_1282 : vector<16xf32>
    %add3A_1284 = arith.addf %gather3A_1282, %sub3A_1283 : vector<16xf32>
    tpu.vector_store_idx %arg10[%add3A_41, %broadcast_in_dim3A_1268], %add3A_1284 : memref<32x64xf32, #tpu.memory_space<vmem>>[vector<16xi32>, vector<16xi32>], vector<16xf32>,
    %mul3A_1285 = arith.mulf %sub3A_1283, %sub3A_1283 : vector<16xf32>
    %add3A_1286 = arith.addf %add3A_1246, %mul3A_1285 : vector<16xf32>
    %broadcast_in_dim3A_1287 = arith.constant 62 : i32
    %broadcast_in_dim3A_1288 = vector.broadcast %broadcast_in_dim3A_1287 : i32 to vector<16xi32>
    %get3A_1289 = arith.constant 62 : i32
    %get3A_1290 = arith.index_cast %get3A_1289 : i32 to index
    %get3A_1291 = arith.constant 0 : index
    %get3A_1292 = tpu.vector_load %arg8[%get3A_1290, %get3A_1291] {strides = array<i32>} : memref<64x32xf32, #tpu.memory_space<vmem>>, vector<16xf32>,
    %gather3A_1293 = tpu.vector_load_idx %arg9[%iota3A, %broadcast_in_dim3A_1288] : memref<32x64xf32, #tpu.memory_space<vmem>>[vector<16xi32>, vector<16xi32>], vector<16xf32>,
    %sub3A_1294 = arith.subf %get3A_1292, %gather3A_1293 : vector<16xf32>
    %add3A_1295 = arith.addf %gather3A_1293, %sub3A_1294 : vector<16xf32>
    tpu.vector_store_idx %arg10[%iota3A, %broadcast_in_dim3A_1288], %add3A_1295 : memref<32x64xf32, #tpu.memory_space<vmem>>[vector<16xi32>, vector<16xi32>], vector<16xf32>,
    %mul3A_1296 = arith.mulf %sub3A_1294, %sub3A_1294 : vector<16xf32>
    %add3A_1297 = arith.addf %add3A_1257, %mul3A_1296 : vector<16xf32>
    %get3A_1298 = arith.constant 62 : i32
    %get3A_1299 = arith.index_cast %get3A_1298 : i32 to index
    %get3A_1300 = arith.constant 16 : index
    %get3A_1301 = tpu.vector_load %arg8[%get3A_1299, %get3A_1300] {strides = array<i32>} : memref<64x32xf32, #tpu.memory_space<vmem>>, vector<16xf32>,
    %gather3A_1302 = tpu.vector_load_idx %arg9[%add3A_41, %broadcast_in_dim3A_1288] : memref<32x64xf32, #tpu.memory_space<vmem>>[vector<16xi32>, vector<16xi32>], vector<16xf32>,
    %sub3A_1303 = arith.subf %get3A_1301, %gather3A_1302 : vector<16xf32>
    %add3A_1304 = arith.addf %gather3A_1302, %sub3A_1303 : vector<16xf32>
    tpu.vector_store_idx %arg10[%add3A_41, %broadcast_in_dim3A_1288], %add3A_1304 : memref<32x64xf32, #tpu.memory_space<vmem>>[vector<16xi32>, vector<16xi32>], vector<16xf32>,
    %mul3A_1305 = arith.mulf %sub3A_1303, %sub3A_1303 : vector<16xf32>
    %add3A_1306 = arith.addf %add3A_1266, %mul3A_1305 : vector<16xf32>
    %broadcast_in_dim3A_1307 = arith.constant 63 : i32
    %broadcast_in_dim3A_1308 = vector.broadcast %broadcast_in_dim3A_1307 : i32 to vector<16xi32>
    %get3A_1309 = arith.constant 63 : i32
    %get3A_1310 = arith.index_cast %get3A_1309 : i32 to index
    %get3A_1311 = arith.constant 0 : index
    %get3A_1312 = tpu.vector_load %arg8[%get3A_1310, %get3A_1311] {strides = array<i32>} : memref<64x32xf32, #tpu.memory_space<vmem>>, vector<16xf32>,
    %gather3A_1313 = tpu.vector_load_idx %arg9[%iota3A, %broadcast_in_dim3A_1308] : memref<32x64xf32, #tpu.memory_space<vmem>>[vector<16xi32>, vector<16xi32>], vector<16xf32>,
    %sub3A_1314 = arith.subf %get3A_1312, %gather3A_1313 : vector<16xf32>
    %add3A_1315 = arith.addf %gather3A_1313, %sub3A_1314 : vector<16xf32>
    tpu.vector_store_idx %arg10[%iota3A, %broadcast_in_dim3A_1308], %add3A_1315 : memref<32x64xf32, #tpu.memory_space<vmem>>[vector<16xi32>, vector<16xi32>], vector<16xf32>,
    %mul3A_1316 = arith.mulf %sub3A_1314, %sub3A_1314 : vector<16xf32>
    %add3A_1317 = arith.addf %add3A_1277, %mul3A_1316 : vector<16xf32>
    %get3A_1318 = arith.constant 63 : i32
    %get3A_1319 = arith.index_cast %get3A_1318 : i32 to index
    %get3A_1320 = arith.constant 16 : index
    %get3A_1321 = tpu.vector_load %arg8[%get3A_1319, %get3A_1320] {strides = array<i32>} : memref<64x32xf32, #tpu.memory_space<vmem>>, vector<16xf32>,
    %gather3A_1322 = tpu.vector_load_idx %arg9[%add3A_41, %broadcast_in_dim3A_1308] : memref<32x64xf32, #tpu.memory_space<vmem>>[vector<16xi32>, vector<16xi32>], vector<16xf32>,
    %sub3A_1323 = arith.subf %get3A_1321, %gather3A_1322 : vector<16xf32>
    %add3A_1324 = arith.addf %gather3A_1322, %sub3A_1323 : vector<16xf32>
    tpu.vector_store_idx %arg10[%add3A_41, %broadcast_in_dim3A_1308], %add3A_1324 : memref<32x64xf32, #tpu.memory_space<vmem>>[vector<16xi32>, vector<16xi32>], vector<16xf32>,
    %mul3A_1325 = arith.mulf %sub3A_1323, %sub3A_1323 : vector<16xf32>
    %add3A_1326 = arith.addf %add3A_1286, %mul3A_1325 : vector<16xf32>
    %add3A_1327 = arith.addf %add3A_1297, %add3A_1306 : vector<16xf32>
    %add3A_1328 = arith.addf %add3A_1317, %add3A_1326 : vector<16xf32>
    %add3A_1329 = arith.addf %add3A_1327, %add3A_1328 : vector<16xf32>
    %swap3A = arith.constant 0 : index
    %swap3A_1330 = tpu.vector_load %arg11[%swap3A] {strides = array<i32>} : memref<16xf32, #tpu.memory_space<vmem>>, vector<16xf32>,
    tpu.vector_store %arg11[%swap3A], %add3A_1329 {strides = array<i32>} : memref<16xf32, #tpu.memory_space<vmem>>, vector<16xf32>,
    "tpu.region"() ({
      %run_scoped3A = tpu.sem_alloc : memref<!tpu.dma_semaphore, #tpu.memory_space<semaphore_mem>>
      %dma_start3A_1331 = arith.constant 0 : i32
      %dma_start3A_1332 = tpu.memref_slice %arg5[%select_n3A, %dma_start3A_1331, %mul3A_32] : memref<2x32x1024xf32, #tpu.memory_space<hbm>> -> memref<1x32x64xf32, #tpu.memory_space<hbm>>
      %dma_start3A_1333 = tpu.memref_squeeze %dma_start3A_1332 : memref<1x32x64xf32, #tpu.memory_space<hbm>> -> memref<32x64xf32, #tpu.memory_space<hbm>>
      %dma_start3A_1334 = arith.constant 0 : i32
      %dma_start3A_1335 = tpu.memref_slice %arg5[%select_n3A, %dma_start3A_1334, %mul3A_32] : memref<2x32x1024xf32, #tpu.memory_space<hbm>> -> memref<1x32x64xf32, #tpu.memory_space<hbm>>
      %dma_start3A_1336 = tpu.memref_squeeze %dma_start3A_1335 : memref<1x32x64xf32, #tpu.memory_space<hbm>> -> memref<32x64xf32, #tpu.memory_space<hbm>>
      tpu.enqueue_dma source(%arg10 : memref<32x64xf32, #tpu.memory_space<vmem>>) target(%dma_start3A_1336 : memref<32x64xf32, #tpu.memory_space<hbm>>) target_semaphore(%run_scoped3A : memref<!tpu.dma_semaphore, #tpu.memory_space<semaphore_mem>>)
      %dma_wait3A_1337 = arith.constant 0 : i32
      %dma_wait3A_1338 = tpu.memref_slice %arg5[%select_n3A, %dma_wait3A_1337, %mul3A_32] : memref<2x32x1024xf32, #tpu.memory_space<hbm>> -> memref<1x32x64xf32, #tpu.memory_space<hbm>>
      %dma_wait3A_1339 = tpu.memref_squeeze %dma_wait3A_1338 : memref<1x32x64xf32, #tpu.memory_space<hbm>> -> memref<32x64xf32, #tpu.memory_space<hbm>>
      %dma_wait3A_1340 = arith.constant 0 : i32
      %dma_wait3A_1341 = tpu.memref_slice %arg5[%select_n3A, %dma_wait3A_1340, %mul3A_32] : memref<2x32x1024xf32, #tpu.memory_space<hbm>> -> memref<1x32x64xf32, #tpu.memory_space<hbm>>
      %dma_wait3A_1342 = tpu.memref_squeeze %dma_wait3A_1341 : memref<1x32x64xf32, #tpu.memory_space<hbm>> -> memref<32x64xf32, #tpu.memory_space<hbm>>
      tpu.wait_dma2 semaphore(%run_scoped3A : memref<!tpu.dma_semaphore, #tpu.memory_space<semaphore_mem>>) src(%arg10 : memref<32x64xf32, #tpu.memory_space<vmem>>) dst(%dma_wait3A_1342 : memref<32x64xf32, #tpu.memory_space<hbm>>)
      tpu.yield
    }) : () -> ()
    "tpu.region"() ({
      %run_scoped3A = tpu.sem_alloc : memref<!tpu.dma_semaphore, #tpu.memory_space<semaphore_mem>>
      %dma_start3A_1331 = arith.constant 0 : i32
      %dma_start3A_1332 = tpu.memref_slice %arg6[%add3A, %dma_start3A_1331] : memref<32x16xf32, #tpu.memory_space<hbm>> -> memref<1x16xf32, #tpu.memory_space<hbm>>
      %dma_start3A_1333 = tpu.memref_squeeze %dma_start3A_1332 : memref<1x16xf32, #tpu.memory_space<hbm>> -> memref<16xf32, #tpu.memory_space<hbm>>
      %dma_start3A_1334 = arith.constant 0 : i32
      %dma_start3A_1335 = tpu.memref_slice %arg6[%add3A, %dma_start3A_1334] : memref<32x16xf32, #tpu.memory_space<hbm>> -> memref<1x16xf32, #tpu.memory_space<hbm>>
      %dma_start3A_1336 = tpu.memref_squeeze %dma_start3A_1335 : memref<1x16xf32, #tpu.memory_space<hbm>> -> memref<16xf32, #tpu.memory_space<hbm>>
      tpu.enqueue_dma source(%arg11 : memref<16xf32, #tpu.memory_space<vmem>>) target(%dma_start3A_1336 : memref<16xf32, #tpu.memory_space<hbm>>) target_semaphore(%run_scoped3A : memref<!tpu.dma_semaphore, #tpu.memory_space<semaphore_mem>>)
      %dma_wait3A_1337 = arith.constant 0 : i32
      %dma_wait3A_1338 = tpu.memref_slice %arg6[%add3A, %dma_wait3A_1337] : memref<32x16xf32, #tpu.memory_space<hbm>> -> memref<1x16xf32, #tpu.memory_space<hbm>>
      %dma_wait3A_1339 = tpu.memref_squeeze %dma_wait3A_1338 : memref<1x16xf32, #tpu.memory_space<hbm>> -> memref<16xf32, #tpu.memory_space<hbm>>
      %dma_wait3A_1340 = arith.constant 0 : i32
      %dma_wait3A_1341 = tpu.memref_slice %arg6[%add3A, %dma_wait3A_1340] : memref<32x16xf32, #tpu.memory_space<hbm>> -> memref<1x16xf32, #tpu.memory_space<hbm>>
      %dma_wait3A_1342 = tpu.memref_squeeze %dma_wait3A_1341 : memref<1x16xf32, #tpu.memory_space<hbm>> -> memref<16xf32, #tpu.memory_space<hbm>>
      tpu.wait_dma2 semaphore(%run_scoped3A : memref<!tpu.dma_semaphore, #tpu.memory_space<semaphore_mem>>) src(%arg11 : memref<16xf32, #tpu.memory_space<vmem>>) dst(%dma_wait3A_1342 : memref<16xf32, #tpu.memory_space<hbm>>)
      tpu.yield
    }) : () -> ()
    return
  }
}

module attributes {stable_mosaic.version = 14 : i64} {
  func.func @_argmin_body(%arg0: i32, %arg1: memref<1x32x128xf32, #tpu.memory_space<vmem>>, %arg2: memref<8192x32xf32, #tpu.memory_space<vmem>>, %arg3: memref<1x1x128xf32, #tpu.memory_space<vmem>>, %arg4: memref<8192x128xf32, #tpu.memory_space<vmem>>, %arg5: memref<128xi32, #tpu.memory_space<vmem>>, %arg6: memref<1x1xf32, #tpu.memory_space<vmem>>, %arg7: memref<64x128xf32, #tpu.memory_space<vmem>>) attributes {dimension_semantics = [#tpu.dimension_semantics<arbitrary>], iteration_bounds = array<i64: 16>, scalar_prefetch = 0 : i64, scratch_operands = 1 : i64, tpu.core_type = #tpu.core_type<tc>, window_params = [{transform_indices = @transform_0, window_bounds = array<i64: 1, 32, 128>}, {pipeline_mode = #tpu.pipeline_mode<synchronous>, transform_indices = @transform_1, window_bounds = array<i64: 8192, 32>}, {transform_indices = @transform_2, window_bounds = array<i64: 1, 1, 128>}, {pipeline_mode = #tpu.pipeline_mode<synchronous>, transform_indices = @transform_3, window_bounds = array<i64: 8192, 128>}, {transform_indices = @transform_4, window_bounds = array<i64: 128>}, {pipeline_mode = #tpu.pipeline_mode<synchronous>, transform_indices = @transform_5, window_bounds = array<i64: 1, 1>}]} {
    %get3A = arith.constant 0 : index
    %get3A_0 = arith.constant 0 : index
    %get3A_1 = arith.constant 0 : index
    %get3A_2 = vector.load %arg1[%get3A, %get3A_0, %get3A_1] : memref<1x32x128xf32, #tpu.memory_space<vmem>>, vector<1x32x128xf32>
    %get3A_3 = vector.shape_cast %get3A_2 : vector<1x32x128xf32> to vector<32x128xf32>
    %get3A_4 = arith.constant 0 : index
    %get3A_5 = arith.constant 0 : index
    %get3A_6 = vector.load %arg2[%get3A_4, %get3A_5] : memref<8192x32xf32, #tpu.memory_space<vmem>>, vector<8192x32xf32>
    %add3A = arith.addf %get3A_3, %get3A_3 : vector<32x128xf32>
    %dot_general3A = arith.constant dense<0.000000e+00> : vector<8192x128xf32>
    %dot_general3A_7 = tpu.matmul %get3A_6, %add3A, %dot_general3A {dimension_numbers = #tpu.dot_dimension_numbers<[1], [0], [0], [1], [0, 0, 1, 1], [], []>, transpose_lhs_hint = false} : vector<8192x32xf32>, vector<32x128xf32>, vector<8192x128xf32> -> vector<8192x128xf32>
    %get3A_8 = arith.constant 0 : index
    %get3A_9 = arith.constant 0 : index
    %get3A_10 = arith.constant 0 : index
    %get3A_11 = vector.load %arg3[%get3A_8, %get3A_9, %get3A_10] : memref<1x1x128xf32, #tpu.memory_space<vmem>>, vector<1x1x128xf32>
    %get3A_12 = vector.shape_cast %get3A_11 : vector<1x1x128xf32> to vector<1x128xf32>
    %broadcast_in_dim3A = vector.shape_cast %get3A_12 : vector<1x128xf32> to vector<1x128xf32>
    %broadcast_in_dim3A_13 = vector.broadcast %broadcast_in_dim3A : vector<1x128xf32> to vector<32x128xf32>
    %broadcast_in_dim3A_14 = arith.constant 0x7F800000 : f32
    %broadcast_in_dim3A_15 = vector.broadcast %broadcast_in_dim3A_14 : f32 to vector<32x128xf32>
    %broadcast_in_dim3A_16 = arith.constant 0 : i32
    %broadcast_in_dim3A_17 = vector.broadcast %broadcast_in_dim3A_16 : i32 to vector<32x128xi32>
    %get3A_18 = arith.constant 0 : index
    %get3A_19 = arith.constant 0 : index
    %get3A_20 = vector.load %arg4[%get3A_18, %get3A_19] : memref<8192x128xf32, #tpu.memory_space<vmem>>, vector<32x128xf32>
    %add3A_21 = arith.addf %broadcast_in_dim3A_13, %get3A_20 : vector<32x128xf32>
    %slice3A = vector.extract_strided_slice %dot_general3A_7 {offsets = [0, 0], sizes = [32, 128], strides = [1, 1]} : vector<8192x128xf32> to vector<32x128xf32>
    %sub3A = arith.subf %add3A_21, %slice3A : vector<32x128xf32>
    %lt3A = arith.cmpf olt, %sub3A, %broadcast_in_dim3A_15 : vector<32x128xf32>
    %select_n3A = arith.select %lt3A, %sub3A, %broadcast_in_dim3A_15 : vector<32x128xi1>, vector<32x128xf32>
    %jit3A = arith.constant 0 : i32
    %broadcast_in_dim3A_22 = vector.broadcast %jit3A : i32 to vector<32x128xi32>
    %select_n3A_23 = arith.select %lt3A, %broadcast_in_dim3A_22, %broadcast_in_dim3A_17 : vector<32x128xi1>, vector<32x128xi32>
    %get3A_24 = arith.constant 32 : index
    %get3A_25 = arith.constant 0 : index
    %get3A_26 = vector.load %arg4[%get3A_24, %get3A_25] : memref<8192x128xf32, #tpu.memory_space<vmem>>, vector<32x128xf32>
    %add3A_27 = arith.addf %broadcast_in_dim3A_13, %get3A_26 : vector<32x128xf32>
    %slice3A_28 = vector.extract_strided_slice %dot_general3A_7 {offsets = [32, 0], sizes = [32, 128], strides = [1, 1]} : vector<8192x128xf32> to vector<32x128xf32>
    %sub3A_29 = arith.subf %add3A_27, %slice3A_28 : vector<32x128xf32>
    %lt3A_30 = arith.cmpf olt, %sub3A_29, %select_n3A : vector<32x128xf32>
    %select_n3A_31 = arith.select %lt3A_30, %sub3A_29, %select_n3A : vector<32x128xi1>, vector<32x128xf32>
    %jit3A_32 = arith.constant 1 : i32
    %broadcast_in_dim3A_33 = vector.broadcast %jit3A_32 : i32 to vector<32x128xi32>
    %select_n3A_34 = arith.select %lt3A_30, %broadcast_in_dim3A_33, %select_n3A_23 : vector<32x128xi1>, vector<32x128xi32>
    %get3A_35 = arith.constant 64 : index
    %get3A_36 = arith.constant 0 : index
    %get3A_37 = vector.load %arg4[%get3A_35, %get3A_36] : memref<8192x128xf32, #tpu.memory_space<vmem>>, vector<32x128xf32>
    %add3A_38 = arith.addf %broadcast_in_dim3A_13, %get3A_37 : vector<32x128xf32>
    %slice3A_39 = vector.extract_strided_slice %dot_general3A_7 {offsets = [64, 0], sizes = [32, 128], strides = [1, 1]} : vector<8192x128xf32> to vector<32x128xf32>
    %sub3A_40 = arith.subf %add3A_38, %slice3A_39 : vector<32x128xf32>
    %lt3A_41 = arith.cmpf olt, %sub3A_40, %select_n3A_31 : vector<32x128xf32>
    %select_n3A_42 = arith.select %lt3A_41, %sub3A_40, %select_n3A_31 : vector<32x128xi1>, vector<32x128xf32>
    %jit3A_43 = arith.constant 2 : i32
    %broadcast_in_dim3A_44 = vector.broadcast %jit3A_43 : i32 to vector<32x128xi32>
    %select_n3A_45 = arith.select %lt3A_41, %broadcast_in_dim3A_44, %select_n3A_34 : vector<32x128xi1>, vector<32x128xi32>
    %get3A_46 = arith.constant 96 : index
    %get3A_47 = arith.constant 0 : index
    %get3A_48 = vector.load %arg4[%get3A_46, %get3A_47] : memref<8192x128xf32, #tpu.memory_space<vmem>>, vector<32x128xf32>
    %add3A_49 = arith.addf %broadcast_in_dim3A_13, %get3A_48 : vector<32x128xf32>
    %slice3A_50 = vector.extract_strided_slice %dot_general3A_7 {offsets = [96, 0], sizes = [32, 128], strides = [1, 1]} : vector<8192x128xf32> to vector<32x128xf32>
    %sub3A_51 = arith.subf %add3A_49, %slice3A_50 : vector<32x128xf32>
    %lt3A_52 = arith.cmpf olt, %sub3A_51, %select_n3A_42 : vector<32x128xf32>
    %select_n3A_53 = arith.select %lt3A_52, %sub3A_51, %select_n3A_42 : vector<32x128xi1>, vector<32x128xf32>
    %jit3A_54 = arith.constant 3 : i32
    %broadcast_in_dim3A_55 = vector.broadcast %jit3A_54 : i32 to vector<32x128xi32>
    %select_n3A_56 = arith.select %lt3A_52, %broadcast_in_dim3A_55, %select_n3A_45 : vector<32x128xi1>, vector<32x128xi32>
    %get3A_57 = arith.constant 128 : index
    %get3A_58 = arith.constant 0 : index
    %get3A_59 = vector.load %arg4[%get3A_57, %get3A_58] : memref<8192x128xf32, #tpu.memory_space<vmem>>, vector<32x128xf32>
    %add3A_60 = arith.addf %broadcast_in_dim3A_13, %get3A_59 : vector<32x128xf32>
    %slice3A_61 = vector.extract_strided_slice %dot_general3A_7 {offsets = [128, 0], sizes = [32, 128], strides = [1, 1]} : vector<8192x128xf32> to vector<32x128xf32>
    %sub3A_62 = arith.subf %add3A_60, %slice3A_61 : vector<32x128xf32>
    %lt3A_63 = arith.cmpf olt, %sub3A_62, %select_n3A_53 : vector<32x128xf32>
    %select_n3A_64 = arith.select %lt3A_63, %sub3A_62, %select_n3A_53 : vector<32x128xi1>, vector<32x128xf32>
    %jit3A_65 = arith.constant 4 : i32
    %broadcast_in_dim3A_66 = vector.broadcast %jit3A_65 : i32 to vector<32x128xi32>
    %select_n3A_67 = arith.select %lt3A_63, %broadcast_in_dim3A_66, %select_n3A_56 : vector<32x128xi1>, vector<32x128xi32>
    %get3A_68 = arith.constant 160 : index
    %get3A_69 = arith.constant 0 : index
    %get3A_70 = vector.load %arg4[%get3A_68, %get3A_69] : memref<8192x128xf32, #tpu.memory_space<vmem>>, vector<32x128xf32>
    %add3A_71 = arith.addf %broadcast_in_dim3A_13, %get3A_70 : vector<32x128xf32>
    %slice3A_72 = vector.extract_strided_slice %dot_general3A_7 {offsets = [160, 0], sizes = [32, 128], strides = [1, 1]} : vector<8192x128xf32> to vector<32x128xf32>
    %sub3A_73 = arith.subf %add3A_71, %slice3A_72 : vector<32x128xf32>
    %lt3A_74 = arith.cmpf olt, %sub3A_73, %select_n3A_64 : vector<32x128xf32>
    %select_n3A_75 = arith.select %lt3A_74, %sub3A_73, %select_n3A_64 : vector<32x128xi1>, vector<32x128xf32>
    %jit3A_76 = arith.constant 5 : i32
    %broadcast_in_dim3A_77 = vector.broadcast %jit3A_76 : i32 to vector<32x128xi32>
    %select_n3A_78 = arith.select %lt3A_74, %broadcast_in_dim3A_77, %select_n3A_67 : vector<32x128xi1>, vector<32x128xi32>
    %get3A_79 = arith.constant 192 : index
    %get3A_80 = arith.constant 0 : index
    %get3A_81 = vector.load %arg4[%get3A_79, %get3A_80] : memref<8192x128xf32, #tpu.memory_space<vmem>>, vector<32x128xf32>
    %add3A_82 = arith.addf %broadcast_in_dim3A_13, %get3A_81 : vector<32x128xf32>
    %slice3A_83 = vector.extract_strided_slice %dot_general3A_7 {offsets = [192, 0], sizes = [32, 128], strides = [1, 1]} : vector<8192x128xf32> to vector<32x128xf32>
    %sub3A_84 = arith.subf %add3A_82, %slice3A_83 : vector<32x128xf32>
    %lt3A_85 = arith.cmpf olt, %sub3A_84, %select_n3A_75 : vector<32x128xf32>
    %select_n3A_86 = arith.select %lt3A_85, %sub3A_84, %select_n3A_75 : vector<32x128xi1>, vector<32x128xf32>
    %jit3A_87 = arith.constant 6 : i32
    %broadcast_in_dim3A_88 = vector.broadcast %jit3A_87 : i32 to vector<32x128xi32>
    %select_n3A_89 = arith.select %lt3A_85, %broadcast_in_dim3A_88, %select_n3A_78 : vector<32x128xi1>, vector<32x128xi32>
    %get3A_90 = arith.constant 224 : index
    %get3A_91 = arith.constant 0 : index
    %get3A_92 = vector.load %arg4[%get3A_90, %get3A_91] : memref<8192x128xf32, #tpu.memory_space<vmem>>, vector<32x128xf32>
    %add3A_93 = arith.addf %broadcast_in_dim3A_13, %get3A_92 : vector<32x128xf32>
    %slice3A_94 = vector.extract_strided_slice %dot_general3A_7 {offsets = [224, 0], sizes = [32, 128], strides = [1, 1]} : vector<8192x128xf32> to vector<32x128xf32>
    %sub3A_95 = arith.subf %add3A_93, %slice3A_94 : vector<32x128xf32>
    %lt3A_96 = arith.cmpf olt, %sub3A_95, %select_n3A_86 : vector<32x128xf32>
    %select_n3A_97 = arith.select %lt3A_96, %sub3A_95, %select_n3A_86 : vector<32x128xi1>, vector<32x128xf32>
    %jit3A_98 = arith.constant 7 : i32
    %broadcast_in_dim3A_99 = vector.broadcast %jit3A_98 : i32 to vector<32x128xi32>
    %select_n3A_100 = arith.select %lt3A_96, %broadcast_in_dim3A_99, %select_n3A_89 : vector<32x128xi1>, vector<32x128xi32>
    %get3A_101 = arith.constant 256 : index
    %get3A_102 = arith.constant 0 : index
    %get3A_103 = vector.load %arg4[%get3A_101, %get3A_102] : memref<8192x128xf32, #tpu.memory_space<vmem>>, vector<32x128xf32>
    %add3A_104 = arith.addf %broadcast_in_dim3A_13, %get3A_103 : vector<32x128xf32>
    %slice3A_105 = vector.extract_strided_slice %dot_general3A_7 {offsets = [256, 0], sizes = [32, 128], strides = [1, 1]} : vector<8192x128xf32> to vector<32x128xf32>
    %sub3A_106 = arith.subf %add3A_104, %slice3A_105 : vector<32x128xf32>
    %lt3A_107 = arith.cmpf olt, %sub3A_106, %select_n3A_97 : vector<32x128xf32>
    %select_n3A_108 = arith.select %lt3A_107, %sub3A_106, %select_n3A_97 : vector<32x128xi1>, vector<32x128xf32>
    %jit3A_109 = arith.constant 8 : i32
    %broadcast_in_dim3A_110 = vector.broadcast %jit3A_109 : i32 to vector<32x128xi32>
    %select_n3A_111 = arith.select %lt3A_107, %broadcast_in_dim3A_110, %select_n3A_100 : vector<32x128xi1>, vector<32x128xi32>
    %get3A_112 = arith.constant 288 : index
    %get3A_113 = arith.constant 0 : index
    %get3A_114 = vector.load %arg4[%get3A_112, %get3A_113] : memref<8192x128xf32, #tpu.memory_space<vmem>>, vector<32x128xf32>
    %add3A_115 = arith.addf %broadcast_in_dim3A_13, %get3A_114 : vector<32x128xf32>
    %slice3A_116 = vector.extract_strided_slice %dot_general3A_7 {offsets = [288, 0], sizes = [32, 128], strides = [1, 1]} : vector<8192x128xf32> to vector<32x128xf32>
    %sub3A_117 = arith.subf %add3A_115, %slice3A_116 : vector<32x128xf32>
    %lt3A_118 = arith.cmpf olt, %sub3A_117, %select_n3A_108 : vector<32x128xf32>
    %select_n3A_119 = arith.select %lt3A_118, %sub3A_117, %select_n3A_108 : vector<32x128xi1>, vector<32x128xf32>
    %jit3A_120 = arith.constant 9 : i32
    %broadcast_in_dim3A_121 = vector.broadcast %jit3A_120 : i32 to vector<32x128xi32>
    %select_n3A_122 = arith.select %lt3A_118, %broadcast_in_dim3A_121, %select_n3A_111 : vector<32x128xi1>, vector<32x128xi32>
    %get3A_123 = arith.constant 320 : index
    %get3A_124 = arith.constant 0 : index
    %get3A_125 = vector.load %arg4[%get3A_123, %get3A_124] : memref<8192x128xf32, #tpu.memory_space<vmem>>, vector<32x128xf32>
    %add3A_126 = arith.addf %broadcast_in_dim3A_13, %get3A_125 : vector<32x128xf32>
    %slice3A_127 = vector.extract_strided_slice %dot_general3A_7 {offsets = [320, 0], sizes = [32, 128], strides = [1, 1]} : vector<8192x128xf32> to vector<32x128xf32>
    %sub3A_128 = arith.subf %add3A_126, %slice3A_127 : vector<32x128xf32>
    %lt3A_129 = arith.cmpf olt, %sub3A_128, %select_n3A_119 : vector<32x128xf32>
    %select_n3A_130 = arith.select %lt3A_129, %sub3A_128, %select_n3A_119 : vector<32x128xi1>, vector<32x128xf32>
    %jit3A_131 = arith.constant 10 : i32
    %broadcast_in_dim3A_132 = vector.broadcast %jit3A_131 : i32 to vector<32x128xi32>
    %select_n3A_133 = arith.select %lt3A_129, %broadcast_in_dim3A_132, %select_n3A_122 : vector<32x128xi1>, vector<32x128xi32>
    %get3A_134 = arith.constant 352 : index
    %get3A_135 = arith.constant 0 : index
    %get3A_136 = vector.load %arg4[%get3A_134, %get3A_135] : memref<8192x128xf32, #tpu.memory_space<vmem>>, vector<32x128xf32>
    %add3A_137 = arith.addf %broadcast_in_dim3A_13, %get3A_136 : vector<32x128xf32>
    %slice3A_138 = vector.extract_strided_slice %dot_general3A_7 {offsets = [352, 0], sizes = [32, 128], strides = [1, 1]} : vector<8192x128xf32> to vector<32x128xf32>
    %sub3A_139 = arith.subf %add3A_137, %slice3A_138 : vector<32x128xf32>
    %lt3A_140 = arith.cmpf olt, %sub3A_139, %select_n3A_130 : vector<32x128xf32>
    %select_n3A_141 = arith.select %lt3A_140, %sub3A_139, %select_n3A_130 : vector<32x128xi1>, vector<32x128xf32>
    %jit3A_142 = arith.constant 11 : i32
    %broadcast_in_dim3A_143 = vector.broadcast %jit3A_142 : i32 to vector<32x128xi32>
    %select_n3A_144 = arith.select %lt3A_140, %broadcast_in_dim3A_143, %select_n3A_133 : vector<32x128xi1>, vector<32x128xi32>
    %get3A_145 = arith.constant 384 : index
    %get3A_146 = arith.constant 0 : index
    %get3A_147 = vector.load %arg4[%get3A_145, %get3A_146] : memref<8192x128xf32, #tpu.memory_space<vmem>>, vector<32x128xf32>
    %add3A_148 = arith.addf %broadcast_in_dim3A_13, %get3A_147 : vector<32x128xf32>
    %slice3A_149 = vector.extract_strided_slice %dot_general3A_7 {offsets = [384, 0], sizes = [32, 128], strides = [1, 1]} : vector<8192x128xf32> to vector<32x128xf32>
    %sub3A_150 = arith.subf %add3A_148, %slice3A_149 : vector<32x128xf32>
    %lt3A_151 = arith.cmpf olt, %sub3A_150, %select_n3A_141 : vector<32x128xf32>
    %select_n3A_152 = arith.select %lt3A_151, %sub3A_150, %select_n3A_141 : vector<32x128xi1>, vector<32x128xf32>
    %jit3A_153 = arith.constant 12 : i32
    %broadcast_in_dim3A_154 = vector.broadcast %jit3A_153 : i32 to vector<32x128xi32>
    %select_n3A_155 = arith.select %lt3A_151, %broadcast_in_dim3A_154, %select_n3A_144 : vector<32x128xi1>, vector<32x128xi32>
    %get3A_156 = arith.constant 416 : index
    %get3A_157 = arith.constant 0 : index
    %get3A_158 = vector.load %arg4[%get3A_156, %get3A_157] : memref<8192x128xf32, #tpu.memory_space<vmem>>, vector<32x128xf32>
    %add3A_159 = arith.addf %broadcast_in_dim3A_13, %get3A_158 : vector<32x128xf32>
    %slice3A_160 = vector.extract_strided_slice %dot_general3A_7 {offsets = [416, 0], sizes = [32, 128], strides = [1, 1]} : vector<8192x128xf32> to vector<32x128xf32>
    %sub3A_161 = arith.subf %add3A_159, %slice3A_160 : vector<32x128xf32>
    %lt3A_162 = arith.cmpf olt, %sub3A_161, %select_n3A_152 : vector<32x128xf32>
    %select_n3A_163 = arith.select %lt3A_162, %sub3A_161, %select_n3A_152 : vector<32x128xi1>, vector<32x128xf32>
    %jit3A_164 = arith.constant 13 : i32
    %broadcast_in_dim3A_165 = vector.broadcast %jit3A_164 : i32 to vector<32x128xi32>
    %select_n3A_166 = arith.select %lt3A_162, %broadcast_in_dim3A_165, %select_n3A_155 : vector<32x128xi1>, vector<32x128xi32>
    %get3A_167 = arith.constant 448 : index
    %get3A_168 = arith.constant 0 : index
    %get3A_169 = vector.load %arg4[%get3A_167, %get3A_168] : memref<8192x128xf32, #tpu.memory_space<vmem>>, vector<32x128xf32>
    %add3A_170 = arith.addf %broadcast_in_dim3A_13, %get3A_169 : vector<32x128xf32>
    %slice3A_171 = vector.extract_strided_slice %dot_general3A_7 {offsets = [448, 0], sizes = [32, 128], strides = [1, 1]} : vector<8192x128xf32> to vector<32x128xf32>
    %sub3A_172 = arith.subf %add3A_170, %slice3A_171 : vector<32x128xf32>
    %lt3A_173 = arith.cmpf olt, %sub3A_172, %select_n3A_163 : vector<32x128xf32>
    %select_n3A_174 = arith.select %lt3A_173, %sub3A_172, %select_n3A_163 : vector<32x128xi1>, vector<32x128xf32>
    %jit3A_175 = arith.constant 14 : i32
    %broadcast_in_dim3A_176 = vector.broadcast %jit3A_175 : i32 to vector<32x128xi32>
    %select_n3A_177 = arith.select %lt3A_173, %broadcast_in_dim3A_176, %select_n3A_166 : vector<32x128xi1>, vector<32x128xi32>
    %get3A_178 = arith.constant 480 : index
    %get3A_179 = arith.constant 0 : index
    %get3A_180 = vector.load %arg4[%get3A_178, %get3A_179] : memref<8192x128xf32, #tpu.memory_space<vmem>>, vector<32x128xf32>
    %add3A_181 = arith.addf %broadcast_in_dim3A_13, %get3A_180 : vector<32x128xf32>
    %slice3A_182 = vector.extract_strided_slice %dot_general3A_7 {offsets = [480, 0], sizes = [32, 128], strides = [1, 1]} : vector<8192x128xf32> to vector<32x128xf32>
    %sub3A_183 = arith.subf %add3A_181, %slice3A_182 : vector<32x128xf32>
    %lt3A_184 = arith.cmpf olt, %sub3A_183, %select_n3A_174 : vector<32x128xf32>
    %select_n3A_185 = arith.select %lt3A_184, %sub3A_183, %select_n3A_174 : vector<32x128xi1>, vector<32x128xf32>
    %jit3A_186 = arith.constant 15 : i32
    %broadcast_in_dim3A_187 = vector.broadcast %jit3A_186 : i32 to vector<32x128xi32>
    %select_n3A_188 = arith.select %lt3A_184, %broadcast_in_dim3A_187, %select_n3A_177 : vector<32x128xi1>, vector<32x128xi32>
    %get3A_189 = arith.constant 512 : index
    %get3A_190 = arith.constant 0 : index
    %get3A_191 = vector.load %arg4[%get3A_189, %get3A_190] : memref<8192x128xf32, #tpu.memory_space<vmem>>, vector<32x128xf32>
    %add3A_192 = arith.addf %broadcast_in_dim3A_13, %get3A_191 : vector<32x128xf32>
    %slice3A_193 = vector.extract_strided_slice %dot_general3A_7 {offsets = [512, 0], sizes = [32, 128], strides = [1, 1]} : vector<8192x128xf32> to vector<32x128xf32>
    %sub3A_194 = arith.subf %add3A_192, %slice3A_193 : vector<32x128xf32>
    %lt3A_195 = arith.cmpf olt, %sub3A_194, %select_n3A_185 : vector<32x128xf32>
    %select_n3A_196 = arith.select %lt3A_195, %sub3A_194, %select_n3A_185 : vector<32x128xi1>, vector<32x128xf32>
    %jit3A_197 = arith.constant 16 : i32
    %broadcast_in_dim3A_198 = vector.broadcast %jit3A_197 : i32 to vector<32x128xi32>
    %select_n3A_199 = arith.select %lt3A_195, %broadcast_in_dim3A_198, %select_n3A_188 : vector<32x128xi1>, vector<32x128xi32>
    %get3A_200 = arith.constant 544 : index
    %get3A_201 = arith.constant 0 : index
    %get3A_202 = vector.load %arg4[%get3A_200, %get3A_201] : memref<8192x128xf32, #tpu.memory_space<vmem>>, vector<32x128xf32>
    %add3A_203 = arith.addf %broadcast_in_dim3A_13, %get3A_202 : vector<32x128xf32>
    %slice3A_204 = vector.extract_strided_slice %dot_general3A_7 {offsets = [544, 0], sizes = [32, 128], strides = [1, 1]} : vector<8192x128xf32> to vector<32x128xf32>
    %sub3A_205 = arith.subf %add3A_203, %slice3A_204 : vector<32x128xf32>
    %lt3A_206 = arith.cmpf olt, %sub3A_205, %select_n3A_196 : vector<32x128xf32>
    %select_n3A_207 = arith.select %lt3A_206, %sub3A_205, %select_n3A_196 : vector<32x128xi1>, vector<32x128xf32>
    %jit3A_208 = arith.constant 17 : i32
    %broadcast_in_dim3A_209 = vector.broadcast %jit3A_208 : i32 to vector<32x128xi32>
    %select_n3A_210 = arith.select %lt3A_206, %broadcast_in_dim3A_209, %select_n3A_199 : vector<32x128xi1>, vector<32x128xi32>
    %get3A_211 = arith.constant 576 : index
    %get3A_212 = arith.constant 0 : index
    %get3A_213 = vector.load %arg4[%get3A_211, %get3A_212] : memref<8192x128xf32, #tpu.memory_space<vmem>>, vector<32x128xf32>
    %add3A_214 = arith.addf %broadcast_in_dim3A_13, %get3A_213 : vector<32x128xf32>
    %slice3A_215 = vector.extract_strided_slice %dot_general3A_7 {offsets = [576, 0], sizes = [32, 128], strides = [1, 1]} : vector<8192x128xf32> to vector<32x128xf32>
    %sub3A_216 = arith.subf %add3A_214, %slice3A_215 : vector<32x128xf32>
    %lt3A_217 = arith.cmpf olt, %sub3A_216, %select_n3A_207 : vector<32x128xf32>
    %select_n3A_218 = arith.select %lt3A_217, %sub3A_216, %select_n3A_207 : vector<32x128xi1>, vector<32x128xf32>
    %jit3A_219 = arith.constant 18 : i32
    %broadcast_in_dim3A_220 = vector.broadcast %jit3A_219 : i32 to vector<32x128xi32>
    %select_n3A_221 = arith.select %lt3A_217, %broadcast_in_dim3A_220, %select_n3A_210 : vector<32x128xi1>, vector<32x128xi32>
    %get3A_222 = arith.constant 608 : index
    %get3A_223 = arith.constant 0 : index
    %get3A_224 = vector.load %arg4[%get3A_222, %get3A_223] : memref<8192x128xf32, #tpu.memory_space<vmem>>, vector<32x128xf32>
    %add3A_225 = arith.addf %broadcast_in_dim3A_13, %get3A_224 : vector<32x128xf32>
    %slice3A_226 = vector.extract_strided_slice %dot_general3A_7 {offsets = [608, 0], sizes = [32, 128], strides = [1, 1]} : vector<8192x128xf32> to vector<32x128xf32>
    %sub3A_227 = arith.subf %add3A_225, %slice3A_226 : vector<32x128xf32>
    %lt3A_228 = arith.cmpf olt, %sub3A_227, %select_n3A_218 : vector<32x128xf32>
    %select_n3A_229 = arith.select %lt3A_228, %sub3A_227, %select_n3A_218 : vector<32x128xi1>, vector<32x128xf32>
    %jit3A_230 = arith.constant 19 : i32
    %broadcast_in_dim3A_231 = vector.broadcast %jit3A_230 : i32 to vector<32x128xi32>
    %select_n3A_232 = arith.select %lt3A_228, %broadcast_in_dim3A_231, %select_n3A_221 : vector<32x128xi1>, vector<32x128xi32>
    %get3A_233 = arith.constant 640 : index
    %get3A_234 = arith.constant 0 : index
    %get3A_235 = vector.load %arg4[%get3A_233, %get3A_234] : memref<8192x128xf32, #tpu.memory_space<vmem>>, vector<32x128xf32>
    %add3A_236 = arith.addf %broadcast_in_dim3A_13, %get3A_235 : vector<32x128xf32>
    %slice3A_237 = vector.extract_strided_slice %dot_general3A_7 {offsets = [640, 0], sizes = [32, 128], strides = [1, 1]} : vector<8192x128xf32> to vector<32x128xf32>
    %sub3A_238 = arith.subf %add3A_236, %slice3A_237 : vector<32x128xf32>
    %lt3A_239 = arith.cmpf olt, %sub3A_238, %select_n3A_229 : vector<32x128xf32>
    %select_n3A_240 = arith.select %lt3A_239, %sub3A_238, %select_n3A_229 : vector<32x128xi1>, vector<32x128xf32>
    %jit3A_241 = arith.constant 20 : i32
    %broadcast_in_dim3A_242 = vector.broadcast %jit3A_241 : i32 to vector<32x128xi32>
    %select_n3A_243 = arith.select %lt3A_239, %broadcast_in_dim3A_242, %select_n3A_232 : vector<32x128xi1>, vector<32x128xi32>
    %get3A_244 = arith.constant 672 : index
    %get3A_245 = arith.constant 0 : index
    %get3A_246 = vector.load %arg4[%get3A_244, %get3A_245] : memref<8192x128xf32, #tpu.memory_space<vmem>>, vector<32x128xf32>
    %add3A_247 = arith.addf %broadcast_in_dim3A_13, %get3A_246 : vector<32x128xf32>
    %slice3A_248 = vector.extract_strided_slice %dot_general3A_7 {offsets = [672, 0], sizes = [32, 128], strides = [1, 1]} : vector<8192x128xf32> to vector<32x128xf32>
    %sub3A_249 = arith.subf %add3A_247, %slice3A_248 : vector<32x128xf32>
    %lt3A_250 = arith.cmpf olt, %sub3A_249, %select_n3A_240 : vector<32x128xf32>
    %select_n3A_251 = arith.select %lt3A_250, %sub3A_249, %select_n3A_240 : vector<32x128xi1>, vector<32x128xf32>
    %jit3A_252 = arith.constant 21 : i32
    %broadcast_in_dim3A_253 = vector.broadcast %jit3A_252 : i32 to vector<32x128xi32>
    %select_n3A_254 = arith.select %lt3A_250, %broadcast_in_dim3A_253, %select_n3A_243 : vector<32x128xi1>, vector<32x128xi32>
    %get3A_255 = arith.constant 704 : index
    %get3A_256 = arith.constant 0 : index
    %get3A_257 = vector.load %arg4[%get3A_255, %get3A_256] : memref<8192x128xf32, #tpu.memory_space<vmem>>, vector<32x128xf32>
    %add3A_258 = arith.addf %broadcast_in_dim3A_13, %get3A_257 : vector<32x128xf32>
    %slice3A_259 = vector.extract_strided_slice %dot_general3A_7 {offsets = [704, 0], sizes = [32, 128], strides = [1, 1]} : vector<8192x128xf32> to vector<32x128xf32>
    %sub3A_260 = arith.subf %add3A_258, %slice3A_259 : vector<32x128xf32>
    %lt3A_261 = arith.cmpf olt, %sub3A_260, %select_n3A_251 : vector<32x128xf32>
    %select_n3A_262 = arith.select %lt3A_261, %sub3A_260, %select_n3A_251 : vector<32x128xi1>, vector<32x128xf32>
    %jit3A_263 = arith.constant 22 : i32
    %broadcast_in_dim3A_264 = vector.broadcast %jit3A_263 : i32 to vector<32x128xi32>
    %select_n3A_265 = arith.select %lt3A_261, %broadcast_in_dim3A_264, %select_n3A_254 : vector<32x128xi1>, vector<32x128xi32>
    %get3A_266 = arith.constant 736 : index
    %get3A_267 = arith.constant 0 : index
    %get3A_268 = vector.load %arg4[%get3A_266, %get3A_267] : memref<8192x128xf32, #tpu.memory_space<vmem>>, vector<32x128xf32>
    %add3A_269 = arith.addf %broadcast_in_dim3A_13, %get3A_268 : vector<32x128xf32>
    %slice3A_270 = vector.extract_strided_slice %dot_general3A_7 {offsets = [736, 0], sizes = [32, 128], strides = [1, 1]} : vector<8192x128xf32> to vector<32x128xf32>
    %sub3A_271 = arith.subf %add3A_269, %slice3A_270 : vector<32x128xf32>
    %lt3A_272 = arith.cmpf olt, %sub3A_271, %select_n3A_262 : vector<32x128xf32>
    %select_n3A_273 = arith.select %lt3A_272, %sub3A_271, %select_n3A_262 : vector<32x128xi1>, vector<32x128xf32>
    %jit3A_274 = arith.constant 23 : i32
    %broadcast_in_dim3A_275 = vector.broadcast %jit3A_274 : i32 to vector<32x128xi32>
    %select_n3A_276 = arith.select %lt3A_272, %broadcast_in_dim3A_275, %select_n3A_265 : vector<32x128xi1>, vector<32x128xi32>
    %get3A_277 = arith.constant 768 : index
    %get3A_278 = arith.constant 0 : index
    %get3A_279 = vector.load %arg4[%get3A_277, %get3A_278] : memref<8192x128xf32, #tpu.memory_space<vmem>>, vector<32x128xf32>
    %add3A_280 = arith.addf %broadcast_in_dim3A_13, %get3A_279 : vector<32x128xf32>
    %slice3A_281 = vector.extract_strided_slice %dot_general3A_7 {offsets = [768, 0], sizes = [32, 128], strides = [1, 1]} : vector<8192x128xf32> to vector<32x128xf32>
    %sub3A_282 = arith.subf %add3A_280, %slice3A_281 : vector<32x128xf32>
    %lt3A_283 = arith.cmpf olt, %sub3A_282, %select_n3A_273 : vector<32x128xf32>
    %select_n3A_284 = arith.select %lt3A_283, %sub3A_282, %select_n3A_273 : vector<32x128xi1>, vector<32x128xf32>
    %jit3A_285 = arith.constant 24 : i32
    %broadcast_in_dim3A_286 = vector.broadcast %jit3A_285 : i32 to vector<32x128xi32>
    %select_n3A_287 = arith.select %lt3A_283, %broadcast_in_dim3A_286, %select_n3A_276 : vector<32x128xi1>, vector<32x128xi32>
    %get3A_288 = arith.constant 800 : index
    %get3A_289 = arith.constant 0 : index
    %get3A_290 = vector.load %arg4[%get3A_288, %get3A_289] : memref<8192x128xf32, #tpu.memory_space<vmem>>, vector<32x128xf32>
    %add3A_291 = arith.addf %broadcast_in_dim3A_13, %get3A_290 : vector<32x128xf32>
    %slice3A_292 = vector.extract_strided_slice %dot_general3A_7 {offsets = [800, 0], sizes = [32, 128], strides = [1, 1]} : vector<8192x128xf32> to vector<32x128xf32>
    %sub3A_293 = arith.subf %add3A_291, %slice3A_292 : vector<32x128xf32>
    %lt3A_294 = arith.cmpf olt, %sub3A_293, %select_n3A_284 : vector<32x128xf32>
    %select_n3A_295 = arith.select %lt3A_294, %sub3A_293, %select_n3A_284 : vector<32x128xi1>, vector<32x128xf32>
    %jit3A_296 = arith.constant 25 : i32
    %broadcast_in_dim3A_297 = vector.broadcast %jit3A_296 : i32 to vector<32x128xi32>
    %select_n3A_298 = arith.select %lt3A_294, %broadcast_in_dim3A_297, %select_n3A_287 : vector<32x128xi1>, vector<32x128xi32>
    %get3A_299 = arith.constant 832 : index
    %get3A_300 = arith.constant 0 : index
    %get3A_301 = vector.load %arg4[%get3A_299, %get3A_300] : memref<8192x128xf32, #tpu.memory_space<vmem>>, vector<32x128xf32>
    %add3A_302 = arith.addf %broadcast_in_dim3A_13, %get3A_301 : vector<32x128xf32>
    %slice3A_303 = vector.extract_strided_slice %dot_general3A_7 {offsets = [832, 0], sizes = [32, 128], strides = [1, 1]} : vector<8192x128xf32> to vector<32x128xf32>
    %sub3A_304 = arith.subf %add3A_302, %slice3A_303 : vector<32x128xf32>
    %lt3A_305 = arith.cmpf olt, %sub3A_304, %select_n3A_295 : vector<32x128xf32>
    %select_n3A_306 = arith.select %lt3A_305, %sub3A_304, %select_n3A_295 : vector<32x128xi1>, vector<32x128xf32>
    %jit3A_307 = arith.constant 26 : i32
    %broadcast_in_dim3A_308 = vector.broadcast %jit3A_307 : i32 to vector<32x128xi32>
    %select_n3A_309 = arith.select %lt3A_305, %broadcast_in_dim3A_308, %select_n3A_298 : vector<32x128xi1>, vector<32x128xi32>
    %get3A_310 = arith.constant 864 : index
    %get3A_311 = arith.constant 0 : index
    %get3A_312 = vector.load %arg4[%get3A_310, %get3A_311] : memref<8192x128xf32, #tpu.memory_space<vmem>>, vector<32x128xf32>
    %add3A_313 = arith.addf %broadcast_in_dim3A_13, %get3A_312 : vector<32x128xf32>
    %slice3A_314 = vector.extract_strided_slice %dot_general3A_7 {offsets = [864, 0], sizes = [32, 128], strides = [1, 1]} : vector<8192x128xf32> to vector<32x128xf32>
    %sub3A_315 = arith.subf %add3A_313, %slice3A_314 : vector<32x128xf32>
    %lt3A_316 = arith.cmpf olt, %sub3A_315, %select_n3A_306 : vector<32x128xf32>
    %select_n3A_317 = arith.select %lt3A_316, %sub3A_315, %select_n3A_306 : vector<32x128xi1>, vector<32x128xf32>
    %jit3A_318 = arith.constant 27 : i32
    %broadcast_in_dim3A_319 = vector.broadcast %jit3A_318 : i32 to vector<32x128xi32>
    %select_n3A_320 = arith.select %lt3A_316, %broadcast_in_dim3A_319, %select_n3A_309 : vector<32x128xi1>, vector<32x128xi32>
    %get3A_321 = arith.constant 896 : index
    %get3A_322 = arith.constant 0 : index
    %get3A_323 = vector.load %arg4[%get3A_321, %get3A_322] : memref<8192x128xf32, #tpu.memory_space<vmem>>, vector<32x128xf32>
    %add3A_324 = arith.addf %broadcast_in_dim3A_13, %get3A_323 : vector<32x128xf32>
    %slice3A_325 = vector.extract_strided_slice %dot_general3A_7 {offsets = [896, 0], sizes = [32, 128], strides = [1, 1]} : vector<8192x128xf32> to vector<32x128xf32>
    %sub3A_326 = arith.subf %add3A_324, %slice3A_325 : vector<32x128xf32>
    %lt3A_327 = arith.cmpf olt, %sub3A_326, %select_n3A_317 : vector<32x128xf32>
    %select_n3A_328 = arith.select %lt3A_327, %sub3A_326, %select_n3A_317 : vector<32x128xi1>, vector<32x128xf32>
    %jit3A_329 = arith.constant 28 : i32
    %broadcast_in_dim3A_330 = vector.broadcast %jit3A_329 : i32 to vector<32x128xi32>
    %select_n3A_331 = arith.select %lt3A_327, %broadcast_in_dim3A_330, %select_n3A_320 : vector<32x128xi1>, vector<32x128xi32>
    %get3A_332 = arith.constant 928 : index
    %get3A_333 = arith.constant 0 : index
    %get3A_334 = vector.load %arg4[%get3A_332, %get3A_333] : memref<8192x128xf32, #tpu.memory_space<vmem>>, vector<32x128xf32>
    %add3A_335 = arith.addf %broadcast_in_dim3A_13, %get3A_334 : vector<32x128xf32>
    %slice3A_336 = vector.extract_strided_slice %dot_general3A_7 {offsets = [928, 0], sizes = [32, 128], strides = [1, 1]} : vector<8192x128xf32> to vector<32x128xf32>
    %sub3A_337 = arith.subf %add3A_335, %slice3A_336 : vector<32x128xf32>
    %lt3A_338 = arith.cmpf olt, %sub3A_337, %select_n3A_328 : vector<32x128xf32>
    %select_n3A_339 = arith.select %lt3A_338, %sub3A_337, %select_n3A_328 : vector<32x128xi1>, vector<32x128xf32>
    %jit3A_340 = arith.constant 29 : i32
    %broadcast_in_dim3A_341 = vector.broadcast %jit3A_340 : i32 to vector<32x128xi32>
    %select_n3A_342 = arith.select %lt3A_338, %broadcast_in_dim3A_341, %select_n3A_331 : vector<32x128xi1>, vector<32x128xi32>
    %get3A_343 = arith.constant 960 : index
    %get3A_344 = arith.constant 0 : index
    %get3A_345 = vector.load %arg4[%get3A_343, %get3A_344] : memref<8192x128xf32, #tpu.memory_space<vmem>>, vector<32x128xf32>
    %add3A_346 = arith.addf %broadcast_in_dim3A_13, %get3A_345 : vector<32x128xf32>
    %slice3A_347 = vector.extract_strided_slice %dot_general3A_7 {offsets = [960, 0], sizes = [32, 128], strides = [1, 1]} : vector<8192x128xf32> to vector<32x128xf32>
    %sub3A_348 = arith.subf %add3A_346, %slice3A_347 : vector<32x128xf32>
    %lt3A_349 = arith.cmpf olt, %sub3A_348, %select_n3A_339 : vector<32x128xf32>
    %select_n3A_350 = arith.select %lt3A_349, %sub3A_348, %select_n3A_339 : vector<32x128xi1>, vector<32x128xf32>
    %jit3A_351 = arith.constant 30 : i32
    %broadcast_in_dim3A_352 = vector.broadcast %jit3A_351 : i32 to vector<32x128xi32>
    %select_n3A_353 = arith.select %lt3A_349, %broadcast_in_dim3A_352, %select_n3A_342 : vector<32x128xi1>, vector<32x128xi32>
    %get3A_354 = arith.constant 992 : index
    %get3A_355 = arith.constant 0 : index
    %get3A_356 = vector.load %arg4[%get3A_354, %get3A_355] : memref<8192x128xf32, #tpu.memory_space<vmem>>, vector<32x128xf32>
    %add3A_357 = arith.addf %broadcast_in_dim3A_13, %get3A_356 : vector<32x128xf32>
    %slice3A_358 = vector.extract_strided_slice %dot_general3A_7 {offsets = [992, 0], sizes = [32, 128], strides = [1, 1]} : vector<8192x128xf32> to vector<32x128xf32>
    %sub3A_359 = arith.subf %add3A_357, %slice3A_358 : vector<32x128xf32>
    %lt3A_360 = arith.cmpf olt, %sub3A_359, %select_n3A_350 : vector<32x128xf32>
    %select_n3A_361 = arith.select %lt3A_360, %sub3A_359, %select_n3A_350 : vector<32x128xi1>, vector<32x128xf32>
    %jit3A_362 = arith.constant 31 : i32
    %broadcast_in_dim3A_363 = vector.broadcast %jit3A_362 : i32 to vector<32x128xi32>
    %select_n3A_364 = arith.select %lt3A_360, %broadcast_in_dim3A_363, %select_n3A_353 : vector<32x128xi1>, vector<32x128xi32>
    %get3A_365 = arith.constant 1024 : index
    %get3A_366 = arith.constant 0 : index
    %get3A_367 = vector.load %arg4[%get3A_365, %get3A_366] : memref<8192x128xf32, #tpu.memory_space<vmem>>, vector<32x128xf32>
    %add3A_368 = arith.addf %broadcast_in_dim3A_13, %get3A_367 : vector<32x128xf32>
    %slice3A_369 = vector.extract_strided_slice %dot_general3A_7 {offsets = [1024, 0], sizes = [32, 128], strides = [1, 1]} : vector<8192x128xf32> to vector<32x128xf32>
    %sub3A_370 = arith.subf %add3A_368, %slice3A_369 : vector<32x128xf32>
    %lt3A_371 = arith.cmpf olt, %sub3A_370, %select_n3A_361 : vector<32x128xf32>
    %select_n3A_372 = arith.select %lt3A_371, %sub3A_370, %select_n3A_361 : vector<32x128xi1>, vector<32x128xf32>
    %jit3A_373 = arith.constant 32 : i32
    %broadcast_in_dim3A_374 = vector.broadcast %jit3A_373 : i32 to vector<32x128xi32>
    %select_n3A_375 = arith.select %lt3A_371, %broadcast_in_dim3A_374, %select_n3A_364 : vector<32x128xi1>, vector<32x128xi32>
    %get3A_376 = arith.constant 1056 : index
    %get3A_377 = arith.constant 0 : index
    %get3A_378 = vector.load %arg4[%get3A_376, %get3A_377] : memref<8192x128xf32, #tpu.memory_space<vmem>>, vector<32x128xf32>
    %add3A_379 = arith.addf %broadcast_in_dim3A_13, %get3A_378 : vector<32x128xf32>
    %slice3A_380 = vector.extract_strided_slice %dot_general3A_7 {offsets = [1056, 0], sizes = [32, 128], strides = [1, 1]} : vector<8192x128xf32> to vector<32x128xf32>
    %sub3A_381 = arith.subf %add3A_379, %slice3A_380 : vector<32x128xf32>
    %lt3A_382 = arith.cmpf olt, %sub3A_381, %select_n3A_372 : vector<32x128xf32>
    %select_n3A_383 = arith.select %lt3A_382, %sub3A_381, %select_n3A_372 : vector<32x128xi1>, vector<32x128xf32>
    %jit3A_384 = arith.constant 33 : i32
    %broadcast_in_dim3A_385 = vector.broadcast %jit3A_384 : i32 to vector<32x128xi32>
    %select_n3A_386 = arith.select %lt3A_382, %broadcast_in_dim3A_385, %select_n3A_375 : vector<32x128xi1>, vector<32x128xi32>
    %get3A_387 = arith.constant 1088 : index
    %get3A_388 = arith.constant 0 : index
    %get3A_389 = vector.load %arg4[%get3A_387, %get3A_388] : memref<8192x128xf32, #tpu.memory_space<vmem>>, vector<32x128xf32>
    %add3A_390 = arith.addf %broadcast_in_dim3A_13, %get3A_389 : vector<32x128xf32>
    %slice3A_391 = vector.extract_strided_slice %dot_general3A_7 {offsets = [1088, 0], sizes = [32, 128], strides = [1, 1]} : vector<8192x128xf32> to vector<32x128xf32>
    %sub3A_392 = arith.subf %add3A_390, %slice3A_391 : vector<32x128xf32>
    %lt3A_393 = arith.cmpf olt, %sub3A_392, %select_n3A_383 : vector<32x128xf32>
    %select_n3A_394 = arith.select %lt3A_393, %sub3A_392, %select_n3A_383 : vector<32x128xi1>, vector<32x128xf32>
    %jit3A_395 = arith.constant 34 : i32
    %broadcast_in_dim3A_396 = vector.broadcast %jit3A_395 : i32 to vector<32x128xi32>
    %select_n3A_397 = arith.select %lt3A_393, %broadcast_in_dim3A_396, %select_n3A_386 : vector<32x128xi1>, vector<32x128xi32>
    %get3A_398 = arith.constant 1120 : index
    %get3A_399 = arith.constant 0 : index
    %get3A_400 = vector.load %arg4[%get3A_398, %get3A_399] : memref<8192x128xf32, #tpu.memory_space<vmem>>, vector<32x128xf32>
    %add3A_401 = arith.addf %broadcast_in_dim3A_13, %get3A_400 : vector<32x128xf32>
    %slice3A_402 = vector.extract_strided_slice %dot_general3A_7 {offsets = [1120, 0], sizes = [32, 128], strides = [1, 1]} : vector<8192x128xf32> to vector<32x128xf32>
    %sub3A_403 = arith.subf %add3A_401, %slice3A_402 : vector<32x128xf32>
    %lt3A_404 = arith.cmpf olt, %sub3A_403, %select_n3A_394 : vector<32x128xf32>
    %select_n3A_405 = arith.select %lt3A_404, %sub3A_403, %select_n3A_394 : vector<32x128xi1>, vector<32x128xf32>
    %jit3A_406 = arith.constant 35 : i32
    %broadcast_in_dim3A_407 = vector.broadcast %jit3A_406 : i32 to vector<32x128xi32>
    %select_n3A_408 = arith.select %lt3A_404, %broadcast_in_dim3A_407, %select_n3A_397 : vector<32x128xi1>, vector<32x128xi32>
    %get3A_409 = arith.constant 1152 : index
    %get3A_410 = arith.constant 0 : index
    %get3A_411 = vector.load %arg4[%get3A_409, %get3A_410] : memref<8192x128xf32, #tpu.memory_space<vmem>>, vector<32x128xf32>
    %add3A_412 = arith.addf %broadcast_in_dim3A_13, %get3A_411 : vector<32x128xf32>
    %slice3A_413 = vector.extract_strided_slice %dot_general3A_7 {offsets = [1152, 0], sizes = [32, 128], strides = [1, 1]} : vector<8192x128xf32> to vector<32x128xf32>
    %sub3A_414 = arith.subf %add3A_412, %slice3A_413 : vector<32x128xf32>
    %lt3A_415 = arith.cmpf olt, %sub3A_414, %select_n3A_405 : vector<32x128xf32>
    %select_n3A_416 = arith.select %lt3A_415, %sub3A_414, %select_n3A_405 : vector<32x128xi1>, vector<32x128xf32>
    %jit3A_417 = arith.constant 36 : i32
    %broadcast_in_dim3A_418 = vector.broadcast %jit3A_417 : i32 to vector<32x128xi32>
    %select_n3A_419 = arith.select %lt3A_415, %broadcast_in_dim3A_418, %select_n3A_408 : vector<32x128xi1>, vector<32x128xi32>
    %get3A_420 = arith.constant 1184 : index
    %get3A_421 = arith.constant 0 : index
    %get3A_422 = vector.load %arg4[%get3A_420, %get3A_421] : memref<8192x128xf32, #tpu.memory_space<vmem>>, vector<32x128xf32>
    %add3A_423 = arith.addf %broadcast_in_dim3A_13, %get3A_422 : vector<32x128xf32>
    %slice3A_424 = vector.extract_strided_slice %dot_general3A_7 {offsets = [1184, 0], sizes = [32, 128], strides = [1, 1]} : vector<8192x128xf32> to vector<32x128xf32>
    %sub3A_425 = arith.subf %add3A_423, %slice3A_424 : vector<32x128xf32>
    %lt3A_426 = arith.cmpf olt, %sub3A_425, %select_n3A_416 : vector<32x128xf32>
    %select_n3A_427 = arith.select %lt3A_426, %sub3A_425, %select_n3A_416 : vector<32x128xi1>, vector<32x128xf32>
    %jit3A_428 = arith.constant 37 : i32
    %broadcast_in_dim3A_429 = vector.broadcast %jit3A_428 : i32 to vector<32x128xi32>
    %select_n3A_430 = arith.select %lt3A_426, %broadcast_in_dim3A_429, %select_n3A_419 : vector<32x128xi1>, vector<32x128xi32>
    %get3A_431 = arith.constant 1216 : index
    %get3A_432 = arith.constant 0 : index
    %get3A_433 = vector.load %arg4[%get3A_431, %get3A_432] : memref<8192x128xf32, #tpu.memory_space<vmem>>, vector<32x128xf32>
    %add3A_434 = arith.addf %broadcast_in_dim3A_13, %get3A_433 : vector<32x128xf32>
    %slice3A_435 = vector.extract_strided_slice %dot_general3A_7 {offsets = [1216, 0], sizes = [32, 128], strides = [1, 1]} : vector<8192x128xf32> to vector<32x128xf32>
    %sub3A_436 = arith.subf %add3A_434, %slice3A_435 : vector<32x128xf32>
    %lt3A_437 = arith.cmpf olt, %sub3A_436, %select_n3A_427 : vector<32x128xf32>
    %select_n3A_438 = arith.select %lt3A_437, %sub3A_436, %select_n3A_427 : vector<32x128xi1>, vector<32x128xf32>
    %jit3A_439 = arith.constant 38 : i32
    %broadcast_in_dim3A_440 = vector.broadcast %jit3A_439 : i32 to vector<32x128xi32>
    %select_n3A_441 = arith.select %lt3A_437, %broadcast_in_dim3A_440, %select_n3A_430 : vector<32x128xi1>, vector<32x128xi32>
    %get3A_442 = arith.constant 1248 : index
    %get3A_443 = arith.constant 0 : index
    %get3A_444 = vector.load %arg4[%get3A_442, %get3A_443] : memref<8192x128xf32, #tpu.memory_space<vmem>>, vector<32x128xf32>
    %add3A_445 = arith.addf %broadcast_in_dim3A_13, %get3A_444 : vector<32x128xf32>
    %slice3A_446 = vector.extract_strided_slice %dot_general3A_7 {offsets = [1248, 0], sizes = [32, 128], strides = [1, 1]} : vector<8192x128xf32> to vector<32x128xf32>
    %sub3A_447 = arith.subf %add3A_445, %slice3A_446 : vector<32x128xf32>
    %lt3A_448 = arith.cmpf olt, %sub3A_447, %select_n3A_438 : vector<32x128xf32>
    %select_n3A_449 = arith.select %lt3A_448, %sub3A_447, %select_n3A_438 : vector<32x128xi1>, vector<32x128xf32>
    %jit3A_450 = arith.constant 39 : i32
    %broadcast_in_dim3A_451 = vector.broadcast %jit3A_450 : i32 to vector<32x128xi32>
    %select_n3A_452 = arith.select %lt3A_448, %broadcast_in_dim3A_451, %select_n3A_441 : vector<32x128xi1>, vector<32x128xi32>
    %get3A_453 = arith.constant 1280 : index
    %get3A_454 = arith.constant 0 : index
    %get3A_455 = vector.load %arg4[%get3A_453, %get3A_454] : memref<8192x128xf32, #tpu.memory_space<vmem>>, vector<32x128xf32>
    %add3A_456 = arith.addf %broadcast_in_dim3A_13, %get3A_455 : vector<32x128xf32>
    %slice3A_457 = vector.extract_strided_slice %dot_general3A_7 {offsets = [1280, 0], sizes = [32, 128], strides = [1, 1]} : vector<8192x128xf32> to vector<32x128xf32>
    %sub3A_458 = arith.subf %add3A_456, %slice3A_457 : vector<32x128xf32>
    %lt3A_459 = arith.cmpf olt, %sub3A_458, %select_n3A_449 : vector<32x128xf32>
    %select_n3A_460 = arith.select %lt3A_459, %sub3A_458, %select_n3A_449 : vector<32x128xi1>, vector<32x128xf32>
    %jit3A_461 = arith.constant 40 : i32
    %broadcast_in_dim3A_462 = vector.broadcast %jit3A_461 : i32 to vector<32x128xi32>
    %select_n3A_463 = arith.select %lt3A_459, %broadcast_in_dim3A_462, %select_n3A_452 : vector<32x128xi1>, vector<32x128xi32>
    %get3A_464 = arith.constant 1312 : index
    %get3A_465 = arith.constant 0 : index
    %get3A_466 = vector.load %arg4[%get3A_464, %get3A_465] : memref<8192x128xf32, #tpu.memory_space<vmem>>, vector<32x128xf32>
    %add3A_467 = arith.addf %broadcast_in_dim3A_13, %get3A_466 : vector<32x128xf32>
    %slice3A_468 = vector.extract_strided_slice %dot_general3A_7 {offsets = [1312, 0], sizes = [32, 128], strides = [1, 1]} : vector<8192x128xf32> to vector<32x128xf32>
    %sub3A_469 = arith.subf %add3A_467, %slice3A_468 : vector<32x128xf32>
    %lt3A_470 = arith.cmpf olt, %sub3A_469, %select_n3A_460 : vector<32x128xf32>
    %select_n3A_471 = arith.select %lt3A_470, %sub3A_469, %select_n3A_460 : vector<32x128xi1>, vector<32x128xf32>
    %jit3A_472 = arith.constant 41 : i32
    %broadcast_in_dim3A_473 = vector.broadcast %jit3A_472 : i32 to vector<32x128xi32>
    %select_n3A_474 = arith.select %lt3A_470, %broadcast_in_dim3A_473, %select_n3A_463 : vector<32x128xi1>, vector<32x128xi32>
    %get3A_475 = arith.constant 1344 : index
    %get3A_476 = arith.constant 0 : index
    %get3A_477 = vector.load %arg4[%get3A_475, %get3A_476] : memref<8192x128xf32, #tpu.memory_space<vmem>>, vector<32x128xf32>
    %add3A_478 = arith.addf %broadcast_in_dim3A_13, %get3A_477 : vector<32x128xf32>
    %slice3A_479 = vector.extract_strided_slice %dot_general3A_7 {offsets = [1344, 0], sizes = [32, 128], strides = [1, 1]} : vector<8192x128xf32> to vector<32x128xf32>
    %sub3A_480 = arith.subf %add3A_478, %slice3A_479 : vector<32x128xf32>
    %lt3A_481 = arith.cmpf olt, %sub3A_480, %select_n3A_471 : vector<32x128xf32>
    %select_n3A_482 = arith.select %lt3A_481, %sub3A_480, %select_n3A_471 : vector<32x128xi1>, vector<32x128xf32>
    %jit3A_483 = arith.constant 42 : i32
    %broadcast_in_dim3A_484 = vector.broadcast %jit3A_483 : i32 to vector<32x128xi32>
    %select_n3A_485 = arith.select %lt3A_481, %broadcast_in_dim3A_484, %select_n3A_474 : vector<32x128xi1>, vector<32x128xi32>
    %get3A_486 = arith.constant 1376 : index
    %get3A_487 = arith.constant 0 : index
    %get3A_488 = vector.load %arg4[%get3A_486, %get3A_487] : memref<8192x128xf32, #tpu.memory_space<vmem>>, vector<32x128xf32>
    %add3A_489 = arith.addf %broadcast_in_dim3A_13, %get3A_488 : vector<32x128xf32>
    %slice3A_490 = vector.extract_strided_slice %dot_general3A_7 {offsets = [1376, 0], sizes = [32, 128], strides = [1, 1]} : vector<8192x128xf32> to vector<32x128xf32>
    %sub3A_491 = arith.subf %add3A_489, %slice3A_490 : vector<32x128xf32>
    %lt3A_492 = arith.cmpf olt, %sub3A_491, %select_n3A_482 : vector<32x128xf32>
    %select_n3A_493 = arith.select %lt3A_492, %sub3A_491, %select_n3A_482 : vector<32x128xi1>, vector<32x128xf32>
    %jit3A_494 = arith.constant 43 : i32
    %broadcast_in_dim3A_495 = vector.broadcast %jit3A_494 : i32 to vector<32x128xi32>
    %select_n3A_496 = arith.select %lt3A_492, %broadcast_in_dim3A_495, %select_n3A_485 : vector<32x128xi1>, vector<32x128xi32>
    %get3A_497 = arith.constant 1408 : index
    %get3A_498 = arith.constant 0 : index
    %get3A_499 = vector.load %arg4[%get3A_497, %get3A_498] : memref<8192x128xf32, #tpu.memory_space<vmem>>, vector<32x128xf32>
    %add3A_500 = arith.addf %broadcast_in_dim3A_13, %get3A_499 : vector<32x128xf32>
    %slice3A_501 = vector.extract_strided_slice %dot_general3A_7 {offsets = [1408, 0], sizes = [32, 128], strides = [1, 1]} : vector<8192x128xf32> to vector<32x128xf32>
    %sub3A_502 = arith.subf %add3A_500, %slice3A_501 : vector<32x128xf32>
    %lt3A_503 = arith.cmpf olt, %sub3A_502, %select_n3A_493 : vector<32x128xf32>
    %select_n3A_504 = arith.select %lt3A_503, %sub3A_502, %select_n3A_493 : vector<32x128xi1>, vector<32x128xf32>
    %jit3A_505 = arith.constant 44 : i32
    %broadcast_in_dim3A_506 = vector.broadcast %jit3A_505 : i32 to vector<32x128xi32>
    %select_n3A_507 = arith.select %lt3A_503, %broadcast_in_dim3A_506, %select_n3A_496 : vector<32x128xi1>, vector<32x128xi32>
    %get3A_508 = arith.constant 1440 : index
    %get3A_509 = arith.constant 0 : index
    %get3A_510 = vector.load %arg4[%get3A_508, %get3A_509] : memref<8192x128xf32, #tpu.memory_space<vmem>>, vector<32x128xf32>
    %add3A_511 = arith.addf %broadcast_in_dim3A_13, %get3A_510 : vector<32x128xf32>
    %slice3A_512 = vector.extract_strided_slice %dot_general3A_7 {offsets = [1440, 0], sizes = [32, 128], strides = [1, 1]} : vector<8192x128xf32> to vector<32x128xf32>
    %sub3A_513 = arith.subf %add3A_511, %slice3A_512 : vector<32x128xf32>
    %lt3A_514 = arith.cmpf olt, %sub3A_513, %select_n3A_504 : vector<32x128xf32>
    %select_n3A_515 = arith.select %lt3A_514, %sub3A_513, %select_n3A_504 : vector<32x128xi1>, vector<32x128xf32>
    %jit3A_516 = arith.constant 45 : i32
    %broadcast_in_dim3A_517 = vector.broadcast %jit3A_516 : i32 to vector<32x128xi32>
    %select_n3A_518 = arith.select %lt3A_514, %broadcast_in_dim3A_517, %select_n3A_507 : vector<32x128xi1>, vector<32x128xi32>
    %get3A_519 = arith.constant 1472 : index
    %get3A_520 = arith.constant 0 : index
    %get3A_521 = vector.load %arg4[%get3A_519, %get3A_520] : memref<8192x128xf32, #tpu.memory_space<vmem>>, vector<32x128xf32>
    %add3A_522 = arith.addf %broadcast_in_dim3A_13, %get3A_521 : vector<32x128xf32>
    %slice3A_523 = vector.extract_strided_slice %dot_general3A_7 {offsets = [1472, 0], sizes = [32, 128], strides = [1, 1]} : vector<8192x128xf32> to vector<32x128xf32>
    %sub3A_524 = arith.subf %add3A_522, %slice3A_523 : vector<32x128xf32>
    %lt3A_525 = arith.cmpf olt, %sub3A_524, %select_n3A_515 : vector<32x128xf32>
    %select_n3A_526 = arith.select %lt3A_525, %sub3A_524, %select_n3A_515 : vector<32x128xi1>, vector<32x128xf32>
    %jit3A_527 = arith.constant 46 : i32
    %broadcast_in_dim3A_528 = vector.broadcast %jit3A_527 : i32 to vector<32x128xi32>
    %select_n3A_529 = arith.select %lt3A_525, %broadcast_in_dim3A_528, %select_n3A_518 : vector<32x128xi1>, vector<32x128xi32>
    %get3A_530 = arith.constant 1504 : index
    %get3A_531 = arith.constant 0 : index
    %get3A_532 = vector.load %arg4[%get3A_530, %get3A_531] : memref<8192x128xf32, #tpu.memory_space<vmem>>, vector<32x128xf32>
    %add3A_533 = arith.addf %broadcast_in_dim3A_13, %get3A_532 : vector<32x128xf32>
    %slice3A_534 = vector.extract_strided_slice %dot_general3A_7 {offsets = [1504, 0], sizes = [32, 128], strides = [1, 1]} : vector<8192x128xf32> to vector<32x128xf32>
    %sub3A_535 = arith.subf %add3A_533, %slice3A_534 : vector<32x128xf32>
    %lt3A_536 = arith.cmpf olt, %sub3A_535, %select_n3A_526 : vector<32x128xf32>
    %select_n3A_537 = arith.select %lt3A_536, %sub3A_535, %select_n3A_526 : vector<32x128xi1>, vector<32x128xf32>
    %jit3A_538 = arith.constant 47 : i32
    %broadcast_in_dim3A_539 = vector.broadcast %jit3A_538 : i32 to vector<32x128xi32>
    %select_n3A_540 = arith.select %lt3A_536, %broadcast_in_dim3A_539, %select_n3A_529 : vector<32x128xi1>, vector<32x128xi32>
    %get3A_541 = arith.constant 1536 : index
    %get3A_542 = arith.constant 0 : index
    %get3A_543 = vector.load %arg4[%get3A_541, %get3A_542] : memref<8192x128xf32, #tpu.memory_space<vmem>>, vector<32x128xf32>
    %add3A_544 = arith.addf %broadcast_in_dim3A_13, %get3A_543 : vector<32x128xf32>
    %slice3A_545 = vector.extract_strided_slice %dot_general3A_7 {offsets = [1536, 0], sizes = [32, 128], strides = [1, 1]} : vector<8192x128xf32> to vector<32x128xf32>
    %sub3A_546 = arith.subf %add3A_544, %slice3A_545 : vector<32x128xf32>
    %lt3A_547 = arith.cmpf olt, %sub3A_546, %select_n3A_537 : vector<32x128xf32>
    %select_n3A_548 = arith.select %lt3A_547, %sub3A_546, %select_n3A_537 : vector<32x128xi1>, vector<32x128xf32>
    %jit3A_549 = arith.constant 48 : i32
    %broadcast_in_dim3A_550 = vector.broadcast %jit3A_549 : i32 to vector<32x128xi32>
    %select_n3A_551 = arith.select %lt3A_547, %broadcast_in_dim3A_550, %select_n3A_540 : vector<32x128xi1>, vector<32x128xi32>
    %get3A_552 = arith.constant 1568 : index
    %get3A_553 = arith.constant 0 : index
    %get3A_554 = vector.load %arg4[%get3A_552, %get3A_553] : memref<8192x128xf32, #tpu.memory_space<vmem>>, vector<32x128xf32>
    %add3A_555 = arith.addf %broadcast_in_dim3A_13, %get3A_554 : vector<32x128xf32>
    %slice3A_556 = vector.extract_strided_slice %dot_general3A_7 {offsets = [1568, 0], sizes = [32, 128], strides = [1, 1]} : vector<8192x128xf32> to vector<32x128xf32>
    %sub3A_557 = arith.subf %add3A_555, %slice3A_556 : vector<32x128xf32>
    %lt3A_558 = arith.cmpf olt, %sub3A_557, %select_n3A_548 : vector<32x128xf32>
    %select_n3A_559 = arith.select %lt3A_558, %sub3A_557, %select_n3A_548 : vector<32x128xi1>, vector<32x128xf32>
    %jit3A_560 = arith.constant 49 : i32
    %broadcast_in_dim3A_561 = vector.broadcast %jit3A_560 : i32 to vector<32x128xi32>
    %select_n3A_562 = arith.select %lt3A_558, %broadcast_in_dim3A_561, %select_n3A_551 : vector<32x128xi1>, vector<32x128xi32>
    %get3A_563 = arith.constant 1600 : index
    %get3A_564 = arith.constant 0 : index
    %get3A_565 = vector.load %arg4[%get3A_563, %get3A_564] : memref<8192x128xf32, #tpu.memory_space<vmem>>, vector<32x128xf32>
    %add3A_566 = arith.addf %broadcast_in_dim3A_13, %get3A_565 : vector<32x128xf32>
    %slice3A_567 = vector.extract_strided_slice %dot_general3A_7 {offsets = [1600, 0], sizes = [32, 128], strides = [1, 1]} : vector<8192x128xf32> to vector<32x128xf32>
    %sub3A_568 = arith.subf %add3A_566, %slice3A_567 : vector<32x128xf32>
    %lt3A_569 = arith.cmpf olt, %sub3A_568, %select_n3A_559 : vector<32x128xf32>
    %select_n3A_570 = arith.select %lt3A_569, %sub3A_568, %select_n3A_559 : vector<32x128xi1>, vector<32x128xf32>
    %jit3A_571 = arith.constant 50 : i32
    %broadcast_in_dim3A_572 = vector.broadcast %jit3A_571 : i32 to vector<32x128xi32>
    %select_n3A_573 = arith.select %lt3A_569, %broadcast_in_dim3A_572, %select_n3A_562 : vector<32x128xi1>, vector<32x128xi32>
    %get3A_574 = arith.constant 1632 : index
    %get3A_575 = arith.constant 0 : index
    %get3A_576 = vector.load %arg4[%get3A_574, %get3A_575] : memref<8192x128xf32, #tpu.memory_space<vmem>>, vector<32x128xf32>
    %add3A_577 = arith.addf %broadcast_in_dim3A_13, %get3A_576 : vector<32x128xf32>
    %slice3A_578 = vector.extract_strided_slice %dot_general3A_7 {offsets = [1632, 0], sizes = [32, 128], strides = [1, 1]} : vector<8192x128xf32> to vector<32x128xf32>
    %sub3A_579 = arith.subf %add3A_577, %slice3A_578 : vector<32x128xf32>
    %lt3A_580 = arith.cmpf olt, %sub3A_579, %select_n3A_570 : vector<32x128xf32>
    %select_n3A_581 = arith.select %lt3A_580, %sub3A_579, %select_n3A_570 : vector<32x128xi1>, vector<32x128xf32>
    %jit3A_582 = arith.constant 51 : i32
    %broadcast_in_dim3A_583 = vector.broadcast %jit3A_582 : i32 to vector<32x128xi32>
    %select_n3A_584 = arith.select %lt3A_580, %broadcast_in_dim3A_583, %select_n3A_573 : vector<32x128xi1>, vector<32x128xi32>
    %get3A_585 = arith.constant 1664 : index
    %get3A_586 = arith.constant 0 : index
    %get3A_587 = vector.load %arg4[%get3A_585, %get3A_586] : memref<8192x128xf32, #tpu.memory_space<vmem>>, vector<32x128xf32>
    %add3A_588 = arith.addf %broadcast_in_dim3A_13, %get3A_587 : vector<32x128xf32>
    %slice3A_589 = vector.extract_strided_slice %dot_general3A_7 {offsets = [1664, 0], sizes = [32, 128], strides = [1, 1]} : vector<8192x128xf32> to vector<32x128xf32>
    %sub3A_590 = arith.subf %add3A_588, %slice3A_589 : vector<32x128xf32>
    %lt3A_591 = arith.cmpf olt, %sub3A_590, %select_n3A_581 : vector<32x128xf32>
    %select_n3A_592 = arith.select %lt3A_591, %sub3A_590, %select_n3A_581 : vector<32x128xi1>, vector<32x128xf32>
    %jit3A_593 = arith.constant 52 : i32
    %broadcast_in_dim3A_594 = vector.broadcast %jit3A_593 : i32 to vector<32x128xi32>
    %select_n3A_595 = arith.select %lt3A_591, %broadcast_in_dim3A_594, %select_n3A_584 : vector<32x128xi1>, vector<32x128xi32>
    %get3A_596 = arith.constant 1696 : index
    %get3A_597 = arith.constant 0 : index
    %get3A_598 = vector.load %arg4[%get3A_596, %get3A_597] : memref<8192x128xf32, #tpu.memory_space<vmem>>, vector<32x128xf32>
    %add3A_599 = arith.addf %broadcast_in_dim3A_13, %get3A_598 : vector<32x128xf32>
    %slice3A_600 = vector.extract_strided_slice %dot_general3A_7 {offsets = [1696, 0], sizes = [32, 128], strides = [1, 1]} : vector<8192x128xf32> to vector<32x128xf32>
    %sub3A_601 = arith.subf %add3A_599, %slice3A_600 : vector<32x128xf32>
    %lt3A_602 = arith.cmpf olt, %sub3A_601, %select_n3A_592 : vector<32x128xf32>
    %select_n3A_603 = arith.select %lt3A_602, %sub3A_601, %select_n3A_592 : vector<32x128xi1>, vector<32x128xf32>
    %jit3A_604 = arith.constant 53 : i32
    %broadcast_in_dim3A_605 = vector.broadcast %jit3A_604 : i32 to vector<32x128xi32>
    %select_n3A_606 = arith.select %lt3A_602, %broadcast_in_dim3A_605, %select_n3A_595 : vector<32x128xi1>, vector<32x128xi32>
    %get3A_607 = arith.constant 1728 : index
    %get3A_608 = arith.constant 0 : index
    %get3A_609 = vector.load %arg4[%get3A_607, %get3A_608] : memref<8192x128xf32, #tpu.memory_space<vmem>>, vector<32x128xf32>
    %add3A_610 = arith.addf %broadcast_in_dim3A_13, %get3A_609 : vector<32x128xf32>
    %slice3A_611 = vector.extract_strided_slice %dot_general3A_7 {offsets = [1728, 0], sizes = [32, 128], strides = [1, 1]} : vector<8192x128xf32> to vector<32x128xf32>
    %sub3A_612 = arith.subf %add3A_610, %slice3A_611 : vector<32x128xf32>
    %lt3A_613 = arith.cmpf olt, %sub3A_612, %select_n3A_603 : vector<32x128xf32>
    %select_n3A_614 = arith.select %lt3A_613, %sub3A_612, %select_n3A_603 : vector<32x128xi1>, vector<32x128xf32>
    %jit3A_615 = arith.constant 54 : i32
    %broadcast_in_dim3A_616 = vector.broadcast %jit3A_615 : i32 to vector<32x128xi32>
    %select_n3A_617 = arith.select %lt3A_613, %broadcast_in_dim3A_616, %select_n3A_606 : vector<32x128xi1>, vector<32x128xi32>
    %get3A_618 = arith.constant 1760 : index
    %get3A_619 = arith.constant 0 : index
    %get3A_620 = vector.load %arg4[%get3A_618, %get3A_619] : memref<8192x128xf32, #tpu.memory_space<vmem>>, vector<32x128xf32>
    %add3A_621 = arith.addf %broadcast_in_dim3A_13, %get3A_620 : vector<32x128xf32>
    %slice3A_622 = vector.extract_strided_slice %dot_general3A_7 {offsets = [1760, 0], sizes = [32, 128], strides = [1, 1]} : vector<8192x128xf32> to vector<32x128xf32>
    %sub3A_623 = arith.subf %add3A_621, %slice3A_622 : vector<32x128xf32>
    %lt3A_624 = arith.cmpf olt, %sub3A_623, %select_n3A_614 : vector<32x128xf32>
    %select_n3A_625 = arith.select %lt3A_624, %sub3A_623, %select_n3A_614 : vector<32x128xi1>, vector<32x128xf32>
    %jit3A_626 = arith.constant 55 : i32
    %broadcast_in_dim3A_627 = vector.broadcast %jit3A_626 : i32 to vector<32x128xi32>
    %select_n3A_628 = arith.select %lt3A_624, %broadcast_in_dim3A_627, %select_n3A_617 : vector<32x128xi1>, vector<32x128xi32>
    %get3A_629 = arith.constant 1792 : index
    %get3A_630 = arith.constant 0 : index
    %get3A_631 = vector.load %arg4[%get3A_629, %get3A_630] : memref<8192x128xf32, #tpu.memory_space<vmem>>, vector<32x128xf32>
    %add3A_632 = arith.addf %broadcast_in_dim3A_13, %get3A_631 : vector<32x128xf32>
    %slice3A_633 = vector.extract_strided_slice %dot_general3A_7 {offsets = [1792, 0], sizes = [32, 128], strides = [1, 1]} : vector<8192x128xf32> to vector<32x128xf32>
    %sub3A_634 = arith.subf %add3A_632, %slice3A_633 : vector<32x128xf32>
    %lt3A_635 = arith.cmpf olt, %sub3A_634, %select_n3A_625 : vector<32x128xf32>
    %select_n3A_636 = arith.select %lt3A_635, %sub3A_634, %select_n3A_625 : vector<32x128xi1>, vector<32x128xf32>
    %jit3A_637 = arith.constant 56 : i32
    %broadcast_in_dim3A_638 = vector.broadcast %jit3A_637 : i32 to vector<32x128xi32>
    %select_n3A_639 = arith.select %lt3A_635, %broadcast_in_dim3A_638, %select_n3A_628 : vector<32x128xi1>, vector<32x128xi32>
    %get3A_640 = arith.constant 1824 : index
    %get3A_641 = arith.constant 0 : index
    %get3A_642 = vector.load %arg4[%get3A_640, %get3A_641] : memref<8192x128xf32, #tpu.memory_space<vmem>>, vector<32x128xf32>
    %add3A_643 = arith.addf %broadcast_in_dim3A_13, %get3A_642 : vector<32x128xf32>
    %slice3A_644 = vector.extract_strided_slice %dot_general3A_7 {offsets = [1824, 0], sizes = [32, 128], strides = [1, 1]} : vector<8192x128xf32> to vector<32x128xf32>
    %sub3A_645 = arith.subf %add3A_643, %slice3A_644 : vector<32x128xf32>
    %lt3A_646 = arith.cmpf olt, %sub3A_645, %select_n3A_636 : vector<32x128xf32>
    %select_n3A_647 = arith.select %lt3A_646, %sub3A_645, %select_n3A_636 : vector<32x128xi1>, vector<32x128xf32>
    %jit3A_648 = arith.constant 57 : i32
    %broadcast_in_dim3A_649 = vector.broadcast %jit3A_648 : i32 to vector<32x128xi32>
    %select_n3A_650 = arith.select %lt3A_646, %broadcast_in_dim3A_649, %select_n3A_639 : vector<32x128xi1>, vector<32x128xi32>
    %get3A_651 = arith.constant 1856 : index
    %get3A_652 = arith.constant 0 : index
    %get3A_653 = vector.load %arg4[%get3A_651, %get3A_652] : memref<8192x128xf32, #tpu.memory_space<vmem>>, vector<32x128xf32>
    %add3A_654 = arith.addf %broadcast_in_dim3A_13, %get3A_653 : vector<32x128xf32>
    %slice3A_655 = vector.extract_strided_slice %dot_general3A_7 {offsets = [1856, 0], sizes = [32, 128], strides = [1, 1]} : vector<8192x128xf32> to vector<32x128xf32>
    %sub3A_656 = arith.subf %add3A_654, %slice3A_655 : vector<32x128xf32>
    %lt3A_657 = arith.cmpf olt, %sub3A_656, %select_n3A_647 : vector<32x128xf32>
    %select_n3A_658 = arith.select %lt3A_657, %sub3A_656, %select_n3A_647 : vector<32x128xi1>, vector<32x128xf32>
    %jit3A_659 = arith.constant 58 : i32
    %broadcast_in_dim3A_660 = vector.broadcast %jit3A_659 : i32 to vector<32x128xi32>
    %select_n3A_661 = arith.select %lt3A_657, %broadcast_in_dim3A_660, %select_n3A_650 : vector<32x128xi1>, vector<32x128xi32>
    %get3A_662 = arith.constant 1888 : index
    %get3A_663 = arith.constant 0 : index
    %get3A_664 = vector.load %arg4[%get3A_662, %get3A_663] : memref<8192x128xf32, #tpu.memory_space<vmem>>, vector<32x128xf32>
    %add3A_665 = arith.addf %broadcast_in_dim3A_13, %get3A_664 : vector<32x128xf32>
    %slice3A_666 = vector.extract_strided_slice %dot_general3A_7 {offsets = [1888, 0], sizes = [32, 128], strides = [1, 1]} : vector<8192x128xf32> to vector<32x128xf32>
    %sub3A_667 = arith.subf %add3A_665, %slice3A_666 : vector<32x128xf32>
    %lt3A_668 = arith.cmpf olt, %sub3A_667, %select_n3A_658 : vector<32x128xf32>
    %select_n3A_669 = arith.select %lt3A_668, %sub3A_667, %select_n3A_658 : vector<32x128xi1>, vector<32x128xf32>
    %jit3A_670 = arith.constant 59 : i32
    %broadcast_in_dim3A_671 = vector.broadcast %jit3A_670 : i32 to vector<32x128xi32>
    %select_n3A_672 = arith.select %lt3A_668, %broadcast_in_dim3A_671, %select_n3A_661 : vector<32x128xi1>, vector<32x128xi32>
    %get3A_673 = arith.constant 1920 : index
    %get3A_674 = arith.constant 0 : index
    %get3A_675 = vector.load %arg4[%get3A_673, %get3A_674] : memref<8192x128xf32, #tpu.memory_space<vmem>>, vector<32x128xf32>
    %add3A_676 = arith.addf %broadcast_in_dim3A_13, %get3A_675 : vector<32x128xf32>
    %slice3A_677 = vector.extract_strided_slice %dot_general3A_7 {offsets = [1920, 0], sizes = [32, 128], strides = [1, 1]} : vector<8192x128xf32> to vector<32x128xf32>
    %sub3A_678 = arith.subf %add3A_676, %slice3A_677 : vector<32x128xf32>
    %lt3A_679 = arith.cmpf olt, %sub3A_678, %select_n3A_669 : vector<32x128xf32>
    %select_n3A_680 = arith.select %lt3A_679, %sub3A_678, %select_n3A_669 : vector<32x128xi1>, vector<32x128xf32>
    %jit3A_681 = arith.constant 60 : i32
    %broadcast_in_dim3A_682 = vector.broadcast %jit3A_681 : i32 to vector<32x128xi32>
    %select_n3A_683 = arith.select %lt3A_679, %broadcast_in_dim3A_682, %select_n3A_672 : vector<32x128xi1>, vector<32x128xi32>
    %get3A_684 = arith.constant 1952 : index
    %get3A_685 = arith.constant 0 : index
    %get3A_686 = vector.load %arg4[%get3A_684, %get3A_685] : memref<8192x128xf32, #tpu.memory_space<vmem>>, vector<32x128xf32>
    %add3A_687 = arith.addf %broadcast_in_dim3A_13, %get3A_686 : vector<32x128xf32>
    %slice3A_688 = vector.extract_strided_slice %dot_general3A_7 {offsets = [1952, 0], sizes = [32, 128], strides = [1, 1]} : vector<8192x128xf32> to vector<32x128xf32>
    %sub3A_689 = arith.subf %add3A_687, %slice3A_688 : vector<32x128xf32>
    %lt3A_690 = arith.cmpf olt, %sub3A_689, %select_n3A_680 : vector<32x128xf32>
    %select_n3A_691 = arith.select %lt3A_690, %sub3A_689, %select_n3A_680 : vector<32x128xi1>, vector<32x128xf32>
    %jit3A_692 = arith.constant 61 : i32
    %broadcast_in_dim3A_693 = vector.broadcast %jit3A_692 : i32 to vector<32x128xi32>
    %select_n3A_694 = arith.select %lt3A_690, %broadcast_in_dim3A_693, %select_n3A_683 : vector<32x128xi1>, vector<32x128xi32>
    %get3A_695 = arith.constant 1984 : index
    %get3A_696 = arith.constant 0 : index
    %get3A_697 = vector.load %arg4[%get3A_695, %get3A_696] : memref<8192x128xf32, #tpu.memory_space<vmem>>, vector<32x128xf32>
    %add3A_698 = arith.addf %broadcast_in_dim3A_13, %get3A_697 : vector<32x128xf32>
    %slice3A_699 = vector.extract_strided_slice %dot_general3A_7 {offsets = [1984, 0], sizes = [32, 128], strides = [1, 1]} : vector<8192x128xf32> to vector<32x128xf32>
    %sub3A_700 = arith.subf %add3A_698, %slice3A_699 : vector<32x128xf32>
    %lt3A_701 = arith.cmpf olt, %sub3A_700, %select_n3A_691 : vector<32x128xf32>
    %select_n3A_702 = arith.select %lt3A_701, %sub3A_700, %select_n3A_691 : vector<32x128xi1>, vector<32x128xf32>
    %jit3A_703 = arith.constant 62 : i32
    %broadcast_in_dim3A_704 = vector.broadcast %jit3A_703 : i32 to vector<32x128xi32>
    %select_n3A_705 = arith.select %lt3A_701, %broadcast_in_dim3A_704, %select_n3A_694 : vector<32x128xi1>, vector<32x128xi32>
    %get3A_706 = arith.constant 2016 : index
    %get3A_707 = arith.constant 0 : index
    %get3A_708 = vector.load %arg4[%get3A_706, %get3A_707] : memref<8192x128xf32, #tpu.memory_space<vmem>>, vector<32x128xf32>
    %add3A_709 = arith.addf %broadcast_in_dim3A_13, %get3A_708 : vector<32x128xf32>
    %slice3A_710 = vector.extract_strided_slice %dot_general3A_7 {offsets = [2016, 0], sizes = [32, 128], strides = [1, 1]} : vector<8192x128xf32> to vector<32x128xf32>
    %sub3A_711 = arith.subf %add3A_709, %slice3A_710 : vector<32x128xf32>
    %lt3A_712 = arith.cmpf olt, %sub3A_711, %select_n3A_702 : vector<32x128xf32>
    %select_n3A_713 = arith.select %lt3A_712, %sub3A_711, %select_n3A_702 : vector<32x128xi1>, vector<32x128xf32>
    %jit3A_714 = arith.constant 63 : i32
    %broadcast_in_dim3A_715 = vector.broadcast %jit3A_714 : i32 to vector<32x128xi32>
    %select_n3A_716 = arith.select %lt3A_712, %broadcast_in_dim3A_715, %select_n3A_705 : vector<32x128xi1>, vector<32x128xi32>
    %get3A_717 = arith.constant 2048 : index
    %get3A_718 = arith.constant 0 : index
    %get3A_719 = vector.load %arg4[%get3A_717, %get3A_718] : memref<8192x128xf32, #tpu.memory_space<vmem>>, vector<32x128xf32>
    %add3A_720 = arith.addf %broadcast_in_dim3A_13, %get3A_719 : vector<32x128xf32>
    %slice3A_721 = vector.extract_strided_slice %dot_general3A_7 {offsets = [2048, 0], sizes = [32, 128], strides = [1, 1]} : vector<8192x128xf32> to vector<32x128xf32>
    %sub3A_722 = arith.subf %add3A_720, %slice3A_721 : vector<32x128xf32>
    %lt3A_723 = arith.cmpf olt, %sub3A_722, %select_n3A_713 : vector<32x128xf32>
    %select_n3A_724 = arith.select %lt3A_723, %sub3A_722, %select_n3A_713 : vector<32x128xi1>, vector<32x128xf32>
    %jit3A_725 = arith.constant 64 : i32
    %broadcast_in_dim3A_726 = vector.broadcast %jit3A_725 : i32 to vector<32x128xi32>
    %select_n3A_727 = arith.select %lt3A_723, %broadcast_in_dim3A_726, %select_n3A_716 : vector<32x128xi1>, vector<32x128xi32>
    %get3A_728 = arith.constant 2080 : index
    %get3A_729 = arith.constant 0 : index
    %get3A_730 = vector.load %arg4[%get3A_728, %get3A_729] : memref<8192x128xf32, #tpu.memory_space<vmem>>, vector<32x128xf32>
    %add3A_731 = arith.addf %broadcast_in_dim3A_13, %get3A_730 : vector<32x128xf32>
    %slice3A_732 = vector.extract_strided_slice %dot_general3A_7 {offsets = [2080, 0], sizes = [32, 128], strides = [1, 1]} : vector<8192x128xf32> to vector<32x128xf32>
    %sub3A_733 = arith.subf %add3A_731, %slice3A_732 : vector<32x128xf32>
    %lt3A_734 = arith.cmpf olt, %sub3A_733, %select_n3A_724 : vector<32x128xf32>
    %select_n3A_735 = arith.select %lt3A_734, %sub3A_733, %select_n3A_724 : vector<32x128xi1>, vector<32x128xf32>
    %jit3A_736 = arith.constant 65 : i32
    %broadcast_in_dim3A_737 = vector.broadcast %jit3A_736 : i32 to vector<32x128xi32>
    %select_n3A_738 = arith.select %lt3A_734, %broadcast_in_dim3A_737, %select_n3A_727 : vector<32x128xi1>, vector<32x128xi32>
    %get3A_739 = arith.constant 2112 : index
    %get3A_740 = arith.constant 0 : index
    %get3A_741 = vector.load %arg4[%get3A_739, %get3A_740] : memref<8192x128xf32, #tpu.memory_space<vmem>>, vector<32x128xf32>
    %add3A_742 = arith.addf %broadcast_in_dim3A_13, %get3A_741 : vector<32x128xf32>
    %slice3A_743 = vector.extract_strided_slice %dot_general3A_7 {offsets = [2112, 0], sizes = [32, 128], strides = [1, 1]} : vector<8192x128xf32> to vector<32x128xf32>
    %sub3A_744 = arith.subf %add3A_742, %slice3A_743 : vector<32x128xf32>
    %lt3A_745 = arith.cmpf olt, %sub3A_744, %select_n3A_735 : vector<32x128xf32>
    %select_n3A_746 = arith.select %lt3A_745, %sub3A_744, %select_n3A_735 : vector<32x128xi1>, vector<32x128xf32>
    %jit3A_747 = arith.constant 66 : i32
    %broadcast_in_dim3A_748 = vector.broadcast %jit3A_747 : i32 to vector<32x128xi32>
    %select_n3A_749 = arith.select %lt3A_745, %broadcast_in_dim3A_748, %select_n3A_738 : vector<32x128xi1>, vector<32x128xi32>
    %get3A_750 = arith.constant 2144 : index
    %get3A_751 = arith.constant 0 : index
    %get3A_752 = vector.load %arg4[%get3A_750, %get3A_751] : memref<8192x128xf32, #tpu.memory_space<vmem>>, vector<32x128xf32>
    %add3A_753 = arith.addf %broadcast_in_dim3A_13, %get3A_752 : vector<32x128xf32>
    %slice3A_754 = vector.extract_strided_slice %dot_general3A_7 {offsets = [2144, 0], sizes = [32, 128], strides = [1, 1]} : vector<8192x128xf32> to vector<32x128xf32>
    %sub3A_755 = arith.subf %add3A_753, %slice3A_754 : vector<32x128xf32>
    %lt3A_756 = arith.cmpf olt, %sub3A_755, %select_n3A_746 : vector<32x128xf32>
    %select_n3A_757 = arith.select %lt3A_756, %sub3A_755, %select_n3A_746 : vector<32x128xi1>, vector<32x128xf32>
    %jit3A_758 = arith.constant 67 : i32
    %broadcast_in_dim3A_759 = vector.broadcast %jit3A_758 : i32 to vector<32x128xi32>
    %select_n3A_760 = arith.select %lt3A_756, %broadcast_in_dim3A_759, %select_n3A_749 : vector<32x128xi1>, vector<32x128xi32>
    %get3A_761 = arith.constant 2176 : index
    %get3A_762 = arith.constant 0 : index
    %get3A_763 = vector.load %arg4[%get3A_761, %get3A_762] : memref<8192x128xf32, #tpu.memory_space<vmem>>, vector<32x128xf32>
    %add3A_764 = arith.addf %broadcast_in_dim3A_13, %get3A_763 : vector<32x128xf32>
    %slice3A_765 = vector.extract_strided_slice %dot_general3A_7 {offsets = [2176, 0], sizes = [32, 128], strides = [1, 1]} : vector<8192x128xf32> to vector<32x128xf32>
    %sub3A_766 = arith.subf %add3A_764, %slice3A_765 : vector<32x128xf32>
    %lt3A_767 = arith.cmpf olt, %sub3A_766, %select_n3A_757 : vector<32x128xf32>
    %select_n3A_768 = arith.select %lt3A_767, %sub3A_766, %select_n3A_757 : vector<32x128xi1>, vector<32x128xf32>
    %jit3A_769 = arith.constant 68 : i32
    %broadcast_in_dim3A_770 = vector.broadcast %jit3A_769 : i32 to vector<32x128xi32>
    %select_n3A_771 = arith.select %lt3A_767, %broadcast_in_dim3A_770, %select_n3A_760 : vector<32x128xi1>, vector<32x128xi32>
    %get3A_772 = arith.constant 2208 : index
    %get3A_773 = arith.constant 0 : index
    %get3A_774 = vector.load %arg4[%get3A_772, %get3A_773] : memref<8192x128xf32, #tpu.memory_space<vmem>>, vector<32x128xf32>
    %add3A_775 = arith.addf %broadcast_in_dim3A_13, %get3A_774 : vector<32x128xf32>
    %slice3A_776 = vector.extract_strided_slice %dot_general3A_7 {offsets = [2208, 0], sizes = [32, 128], strides = [1, 1]} : vector<8192x128xf32> to vector<32x128xf32>
    %sub3A_777 = arith.subf %add3A_775, %slice3A_776 : vector<32x128xf32>
    %lt3A_778 = arith.cmpf olt, %sub3A_777, %select_n3A_768 : vector<32x128xf32>
    %select_n3A_779 = arith.select %lt3A_778, %sub3A_777, %select_n3A_768 : vector<32x128xi1>, vector<32x128xf32>
    %jit3A_780 = arith.constant 69 : i32
    %broadcast_in_dim3A_781 = vector.broadcast %jit3A_780 : i32 to vector<32x128xi32>
    %select_n3A_782 = arith.select %lt3A_778, %broadcast_in_dim3A_781, %select_n3A_771 : vector<32x128xi1>, vector<32x128xi32>
    %get3A_783 = arith.constant 2240 : index
    %get3A_784 = arith.constant 0 : index
    %get3A_785 = vector.load %arg4[%get3A_783, %get3A_784] : memref<8192x128xf32, #tpu.memory_space<vmem>>, vector<32x128xf32>
    %add3A_786 = arith.addf %broadcast_in_dim3A_13, %get3A_785 : vector<32x128xf32>
    %slice3A_787 = vector.extract_strided_slice %dot_general3A_7 {offsets = [2240, 0], sizes = [32, 128], strides = [1, 1]} : vector<8192x128xf32> to vector<32x128xf32>
    %sub3A_788 = arith.subf %add3A_786, %slice3A_787 : vector<32x128xf32>
    %lt3A_789 = arith.cmpf olt, %sub3A_788, %select_n3A_779 : vector<32x128xf32>
    %select_n3A_790 = arith.select %lt3A_789, %sub3A_788, %select_n3A_779 : vector<32x128xi1>, vector<32x128xf32>
    %jit3A_791 = arith.constant 70 : i32
    %broadcast_in_dim3A_792 = vector.broadcast %jit3A_791 : i32 to vector<32x128xi32>
    %select_n3A_793 = arith.select %lt3A_789, %broadcast_in_dim3A_792, %select_n3A_782 : vector<32x128xi1>, vector<32x128xi32>
    %get3A_794 = arith.constant 2272 : index
    %get3A_795 = arith.constant 0 : index
    %get3A_796 = vector.load %arg4[%get3A_794, %get3A_795] : memref<8192x128xf32, #tpu.memory_space<vmem>>, vector<32x128xf32>
    %add3A_797 = arith.addf %broadcast_in_dim3A_13, %get3A_796 : vector<32x128xf32>
    %slice3A_798 = vector.extract_strided_slice %dot_general3A_7 {offsets = [2272, 0], sizes = [32, 128], strides = [1, 1]} : vector<8192x128xf32> to vector<32x128xf32>
    %sub3A_799 = arith.subf %add3A_797, %slice3A_798 : vector<32x128xf32>
    %lt3A_800 = arith.cmpf olt, %sub3A_799, %select_n3A_790 : vector<32x128xf32>
    %select_n3A_801 = arith.select %lt3A_800, %sub3A_799, %select_n3A_790 : vector<32x128xi1>, vector<32x128xf32>
    %jit3A_802 = arith.constant 71 : i32
    %broadcast_in_dim3A_803 = vector.broadcast %jit3A_802 : i32 to vector<32x128xi32>
    %select_n3A_804 = arith.select %lt3A_800, %broadcast_in_dim3A_803, %select_n3A_793 : vector<32x128xi1>, vector<32x128xi32>
    %get3A_805 = arith.constant 2304 : index
    %get3A_806 = arith.constant 0 : index
    %get3A_807 = vector.load %arg4[%get3A_805, %get3A_806] : memref<8192x128xf32, #tpu.memory_space<vmem>>, vector<32x128xf32>
    %add3A_808 = arith.addf %broadcast_in_dim3A_13, %get3A_807 : vector<32x128xf32>
    %slice3A_809 = vector.extract_strided_slice %dot_general3A_7 {offsets = [2304, 0], sizes = [32, 128], strides = [1, 1]} : vector<8192x128xf32> to vector<32x128xf32>
    %sub3A_810 = arith.subf %add3A_808, %slice3A_809 : vector<32x128xf32>
    %lt3A_811 = arith.cmpf olt, %sub3A_810, %select_n3A_801 : vector<32x128xf32>
    %select_n3A_812 = arith.select %lt3A_811, %sub3A_810, %select_n3A_801 : vector<32x128xi1>, vector<32x128xf32>
    %jit3A_813 = arith.constant 72 : i32
    %broadcast_in_dim3A_814 = vector.broadcast %jit3A_813 : i32 to vector<32x128xi32>
    %select_n3A_815 = arith.select %lt3A_811, %broadcast_in_dim3A_814, %select_n3A_804 : vector<32x128xi1>, vector<32x128xi32>
    %get3A_816 = arith.constant 2336 : index
    %get3A_817 = arith.constant 0 : index
    %get3A_818 = vector.load %arg4[%get3A_816, %get3A_817] : memref<8192x128xf32, #tpu.memory_space<vmem>>, vector<32x128xf32>
    %add3A_819 = arith.addf %broadcast_in_dim3A_13, %get3A_818 : vector<32x128xf32>
    %slice3A_820 = vector.extract_strided_slice %dot_general3A_7 {offsets = [2336, 0], sizes = [32, 128], strides = [1, 1]} : vector<8192x128xf32> to vector<32x128xf32>
    %sub3A_821 = arith.subf %add3A_819, %slice3A_820 : vector<32x128xf32>
    %lt3A_822 = arith.cmpf olt, %sub3A_821, %select_n3A_812 : vector<32x128xf32>
    %select_n3A_823 = arith.select %lt3A_822, %sub3A_821, %select_n3A_812 : vector<32x128xi1>, vector<32x128xf32>
    %jit3A_824 = arith.constant 73 : i32
    %broadcast_in_dim3A_825 = vector.broadcast %jit3A_824 : i32 to vector<32x128xi32>
    %select_n3A_826 = arith.select %lt3A_822, %broadcast_in_dim3A_825, %select_n3A_815 : vector<32x128xi1>, vector<32x128xi32>
    %get3A_827 = arith.constant 2368 : index
    %get3A_828 = arith.constant 0 : index
    %get3A_829 = vector.load %arg4[%get3A_827, %get3A_828] : memref<8192x128xf32, #tpu.memory_space<vmem>>, vector<32x128xf32>
    %add3A_830 = arith.addf %broadcast_in_dim3A_13, %get3A_829 : vector<32x128xf32>
    %slice3A_831 = vector.extract_strided_slice %dot_general3A_7 {offsets = [2368, 0], sizes = [32, 128], strides = [1, 1]} : vector<8192x128xf32> to vector<32x128xf32>
    %sub3A_832 = arith.subf %add3A_830, %slice3A_831 : vector<32x128xf32>
    %lt3A_833 = arith.cmpf olt, %sub3A_832, %select_n3A_823 : vector<32x128xf32>
    %select_n3A_834 = arith.select %lt3A_833, %sub3A_832, %select_n3A_823 : vector<32x128xi1>, vector<32x128xf32>
    %jit3A_835 = arith.constant 74 : i32
    %broadcast_in_dim3A_836 = vector.broadcast %jit3A_835 : i32 to vector<32x128xi32>
    %select_n3A_837 = arith.select %lt3A_833, %broadcast_in_dim3A_836, %select_n3A_826 : vector<32x128xi1>, vector<32x128xi32>
    %get3A_838 = arith.constant 2400 : index
    %get3A_839 = arith.constant 0 : index
    %get3A_840 = vector.load %arg4[%get3A_838, %get3A_839] : memref<8192x128xf32, #tpu.memory_space<vmem>>, vector<32x128xf32>
    %add3A_841 = arith.addf %broadcast_in_dim3A_13, %get3A_840 : vector<32x128xf32>
    %slice3A_842 = vector.extract_strided_slice %dot_general3A_7 {offsets = [2400, 0], sizes = [32, 128], strides = [1, 1]} : vector<8192x128xf32> to vector<32x128xf32>
    %sub3A_843 = arith.subf %add3A_841, %slice3A_842 : vector<32x128xf32>
    %lt3A_844 = arith.cmpf olt, %sub3A_843, %select_n3A_834 : vector<32x128xf32>
    %select_n3A_845 = arith.select %lt3A_844, %sub3A_843, %select_n3A_834 : vector<32x128xi1>, vector<32x128xf32>
    %jit3A_846 = arith.constant 75 : i32
    %broadcast_in_dim3A_847 = vector.broadcast %jit3A_846 : i32 to vector<32x128xi32>
    %select_n3A_848 = arith.select %lt3A_844, %broadcast_in_dim3A_847, %select_n3A_837 : vector<32x128xi1>, vector<32x128xi32>
    %get3A_849 = arith.constant 2432 : index
    %get3A_850 = arith.constant 0 : index
    %get3A_851 = vector.load %arg4[%get3A_849, %get3A_850] : memref<8192x128xf32, #tpu.memory_space<vmem>>, vector<32x128xf32>
    %add3A_852 = arith.addf %broadcast_in_dim3A_13, %get3A_851 : vector<32x128xf32>
    %slice3A_853 = vector.extract_strided_slice %dot_general3A_7 {offsets = [2432, 0], sizes = [32, 128], strides = [1, 1]} : vector<8192x128xf32> to vector<32x128xf32>
    %sub3A_854 = arith.subf %add3A_852, %slice3A_853 : vector<32x128xf32>
    %lt3A_855 = arith.cmpf olt, %sub3A_854, %select_n3A_845 : vector<32x128xf32>
    %select_n3A_856 = arith.select %lt3A_855, %sub3A_854, %select_n3A_845 : vector<32x128xi1>, vector<32x128xf32>
    %jit3A_857 = arith.constant 76 : i32
    %broadcast_in_dim3A_858 = vector.broadcast %jit3A_857 : i32 to vector<32x128xi32>
    %select_n3A_859 = arith.select %lt3A_855, %broadcast_in_dim3A_858, %select_n3A_848 : vector<32x128xi1>, vector<32x128xi32>
    %get3A_860 = arith.constant 2464 : index
    %get3A_861 = arith.constant 0 : index
    %get3A_862 = vector.load %arg4[%get3A_860, %get3A_861] : memref<8192x128xf32, #tpu.memory_space<vmem>>, vector<32x128xf32>
    %add3A_863 = arith.addf %broadcast_in_dim3A_13, %get3A_862 : vector<32x128xf32>
    %slice3A_864 = vector.extract_strided_slice %dot_general3A_7 {offsets = [2464, 0], sizes = [32, 128], strides = [1, 1]} : vector<8192x128xf32> to vector<32x128xf32>
    %sub3A_865 = arith.subf %add3A_863, %slice3A_864 : vector<32x128xf32>
    %lt3A_866 = arith.cmpf olt, %sub3A_865, %select_n3A_856 : vector<32x128xf32>
    %select_n3A_867 = arith.select %lt3A_866, %sub3A_865, %select_n3A_856 : vector<32x128xi1>, vector<32x128xf32>
    %jit3A_868 = arith.constant 77 : i32
    %broadcast_in_dim3A_869 = vector.broadcast %jit3A_868 : i32 to vector<32x128xi32>
    %select_n3A_870 = arith.select %lt3A_866, %broadcast_in_dim3A_869, %select_n3A_859 : vector<32x128xi1>, vector<32x128xi32>
    %get3A_871 = arith.constant 2496 : index
    %get3A_872 = arith.constant 0 : index
    %get3A_873 = vector.load %arg4[%get3A_871, %get3A_872] : memref<8192x128xf32, #tpu.memory_space<vmem>>, vector<32x128xf32>
    %add3A_874 = arith.addf %broadcast_in_dim3A_13, %get3A_873 : vector<32x128xf32>
    %slice3A_875 = vector.extract_strided_slice %dot_general3A_7 {offsets = [2496, 0], sizes = [32, 128], strides = [1, 1]} : vector<8192x128xf32> to vector<32x128xf32>
    %sub3A_876 = arith.subf %add3A_874, %slice3A_875 : vector<32x128xf32>
    %lt3A_877 = arith.cmpf olt, %sub3A_876, %select_n3A_867 : vector<32x128xf32>
    %select_n3A_878 = arith.select %lt3A_877, %sub3A_876, %select_n3A_867 : vector<32x128xi1>, vector<32x128xf32>
    %jit3A_879 = arith.constant 78 : i32
    %broadcast_in_dim3A_880 = vector.broadcast %jit3A_879 : i32 to vector<32x128xi32>
    %select_n3A_881 = arith.select %lt3A_877, %broadcast_in_dim3A_880, %select_n3A_870 : vector<32x128xi1>, vector<32x128xi32>
    %get3A_882 = arith.constant 2528 : index
    %get3A_883 = arith.constant 0 : index
    %get3A_884 = vector.load %arg4[%get3A_882, %get3A_883] : memref<8192x128xf32, #tpu.memory_space<vmem>>, vector<32x128xf32>
    %add3A_885 = arith.addf %broadcast_in_dim3A_13, %get3A_884 : vector<32x128xf32>
    %slice3A_886 = vector.extract_strided_slice %dot_general3A_7 {offsets = [2528, 0], sizes = [32, 128], strides = [1, 1]} : vector<8192x128xf32> to vector<32x128xf32>
    %sub3A_887 = arith.subf %add3A_885, %slice3A_886 : vector<32x128xf32>
    %lt3A_888 = arith.cmpf olt, %sub3A_887, %select_n3A_878 : vector<32x128xf32>
    %select_n3A_889 = arith.select %lt3A_888, %sub3A_887, %select_n3A_878 : vector<32x128xi1>, vector<32x128xf32>
    %jit3A_890 = arith.constant 79 : i32
    %broadcast_in_dim3A_891 = vector.broadcast %jit3A_890 : i32 to vector<32x128xi32>
    %select_n3A_892 = arith.select %lt3A_888, %broadcast_in_dim3A_891, %select_n3A_881 : vector<32x128xi1>, vector<32x128xi32>
    %get3A_893 = arith.constant 2560 : index
    %get3A_894 = arith.constant 0 : index
    %get3A_895 = vector.load %arg4[%get3A_893, %get3A_894] : memref<8192x128xf32, #tpu.memory_space<vmem>>, vector<32x128xf32>
    %add3A_896 = arith.addf %broadcast_in_dim3A_13, %get3A_895 : vector<32x128xf32>
    %slice3A_897 = vector.extract_strided_slice %dot_general3A_7 {offsets = [2560, 0], sizes = [32, 128], strides = [1, 1]} : vector<8192x128xf32> to vector<32x128xf32>
    %sub3A_898 = arith.subf %add3A_896, %slice3A_897 : vector<32x128xf32>
    %lt3A_899 = arith.cmpf olt, %sub3A_898, %select_n3A_889 : vector<32x128xf32>
    %select_n3A_900 = arith.select %lt3A_899, %sub3A_898, %select_n3A_889 : vector<32x128xi1>, vector<32x128xf32>
    %jit3A_901 = arith.constant 80 : i32
    %broadcast_in_dim3A_902 = vector.broadcast %jit3A_901 : i32 to vector<32x128xi32>
    %select_n3A_903 = arith.select %lt3A_899, %broadcast_in_dim3A_902, %select_n3A_892 : vector<32x128xi1>, vector<32x128xi32>
    %get3A_904 = arith.constant 2592 : index
    %get3A_905 = arith.constant 0 : index
    %get3A_906 = vector.load %arg4[%get3A_904, %get3A_905] : memref<8192x128xf32, #tpu.memory_space<vmem>>, vector<32x128xf32>
    %add3A_907 = arith.addf %broadcast_in_dim3A_13, %get3A_906 : vector<32x128xf32>
    %slice3A_908 = vector.extract_strided_slice %dot_general3A_7 {offsets = [2592, 0], sizes = [32, 128], strides = [1, 1]} : vector<8192x128xf32> to vector<32x128xf32>
    %sub3A_909 = arith.subf %add3A_907, %slice3A_908 : vector<32x128xf32>
    %lt3A_910 = arith.cmpf olt, %sub3A_909, %select_n3A_900 : vector<32x128xf32>
    %select_n3A_911 = arith.select %lt3A_910, %sub3A_909, %select_n3A_900 : vector<32x128xi1>, vector<32x128xf32>
    %jit3A_912 = arith.constant 81 : i32
    %broadcast_in_dim3A_913 = vector.broadcast %jit3A_912 : i32 to vector<32x128xi32>
    %select_n3A_914 = arith.select %lt3A_910, %broadcast_in_dim3A_913, %select_n3A_903 : vector<32x128xi1>, vector<32x128xi32>
    %get3A_915 = arith.constant 2624 : index
    %get3A_916 = arith.constant 0 : index
    %get3A_917 = vector.load %arg4[%get3A_915, %get3A_916] : memref<8192x128xf32, #tpu.memory_space<vmem>>, vector<32x128xf32>
    %add3A_918 = arith.addf %broadcast_in_dim3A_13, %get3A_917 : vector<32x128xf32>
    %slice3A_919 = vector.extract_strided_slice %dot_general3A_7 {offsets = [2624, 0], sizes = [32, 128], strides = [1, 1]} : vector<8192x128xf32> to vector<32x128xf32>
    %sub3A_920 = arith.subf %add3A_918, %slice3A_919 : vector<32x128xf32>
    %lt3A_921 = arith.cmpf olt, %sub3A_920, %select_n3A_911 : vector<32x128xf32>
    %select_n3A_922 = arith.select %lt3A_921, %sub3A_920, %select_n3A_911 : vector<32x128xi1>, vector<32x128xf32>
    %jit3A_923 = arith.constant 82 : i32
    %broadcast_in_dim3A_924 = vector.broadcast %jit3A_923 : i32 to vector<32x128xi32>
    %select_n3A_925 = arith.select %lt3A_921, %broadcast_in_dim3A_924, %select_n3A_914 : vector<32x128xi1>, vector<32x128xi32>
    %get3A_926 = arith.constant 2656 : index
    %get3A_927 = arith.constant 0 : index
    %get3A_928 = vector.load %arg4[%get3A_926, %get3A_927] : memref<8192x128xf32, #tpu.memory_space<vmem>>, vector<32x128xf32>
    %add3A_929 = arith.addf %broadcast_in_dim3A_13, %get3A_928 : vector<32x128xf32>
    %slice3A_930 = vector.extract_strided_slice %dot_general3A_7 {offsets = [2656, 0], sizes = [32, 128], strides = [1, 1]} : vector<8192x128xf32> to vector<32x128xf32>
    %sub3A_931 = arith.subf %add3A_929, %slice3A_930 : vector<32x128xf32>
    %lt3A_932 = arith.cmpf olt, %sub3A_931, %select_n3A_922 : vector<32x128xf32>
    %select_n3A_933 = arith.select %lt3A_932, %sub3A_931, %select_n3A_922 : vector<32x128xi1>, vector<32x128xf32>
    %jit3A_934 = arith.constant 83 : i32
    %broadcast_in_dim3A_935 = vector.broadcast %jit3A_934 : i32 to vector<32x128xi32>
    %select_n3A_936 = arith.select %lt3A_932, %broadcast_in_dim3A_935, %select_n3A_925 : vector<32x128xi1>, vector<32x128xi32>
    %get3A_937 = arith.constant 2688 : index
    %get3A_938 = arith.constant 0 : index
    %get3A_939 = vector.load %arg4[%get3A_937, %get3A_938] : memref<8192x128xf32, #tpu.memory_space<vmem>>, vector<32x128xf32>
    %add3A_940 = arith.addf %broadcast_in_dim3A_13, %get3A_939 : vector<32x128xf32>
    %slice3A_941 = vector.extract_strided_slice %dot_general3A_7 {offsets = [2688, 0], sizes = [32, 128], strides = [1, 1]} : vector<8192x128xf32> to vector<32x128xf32>
    %sub3A_942 = arith.subf %add3A_940, %slice3A_941 : vector<32x128xf32>
    %lt3A_943 = arith.cmpf olt, %sub3A_942, %select_n3A_933 : vector<32x128xf32>
    %select_n3A_944 = arith.select %lt3A_943, %sub3A_942, %select_n3A_933 : vector<32x128xi1>, vector<32x128xf32>
    %jit3A_945 = arith.constant 84 : i32
    %broadcast_in_dim3A_946 = vector.broadcast %jit3A_945 : i32 to vector<32x128xi32>
    %select_n3A_947 = arith.select %lt3A_943, %broadcast_in_dim3A_946, %select_n3A_936 : vector<32x128xi1>, vector<32x128xi32>
    %get3A_948 = arith.constant 2720 : index
    %get3A_949 = arith.constant 0 : index
    %get3A_950 = vector.load %arg4[%get3A_948, %get3A_949] : memref<8192x128xf32, #tpu.memory_space<vmem>>, vector<32x128xf32>
    %add3A_951 = arith.addf %broadcast_in_dim3A_13, %get3A_950 : vector<32x128xf32>
    %slice3A_952 = vector.extract_strided_slice %dot_general3A_7 {offsets = [2720, 0], sizes = [32, 128], strides = [1, 1]} : vector<8192x128xf32> to vector<32x128xf32>
    %sub3A_953 = arith.subf %add3A_951, %slice3A_952 : vector<32x128xf32>
    %lt3A_954 = arith.cmpf olt, %sub3A_953, %select_n3A_944 : vector<32x128xf32>
    %select_n3A_955 = arith.select %lt3A_954, %sub3A_953, %select_n3A_944 : vector<32x128xi1>, vector<32x128xf32>
    %jit3A_956 = arith.constant 85 : i32
    %broadcast_in_dim3A_957 = vector.broadcast %jit3A_956 : i32 to vector<32x128xi32>
    %select_n3A_958 = arith.select %lt3A_954, %broadcast_in_dim3A_957, %select_n3A_947 : vector<32x128xi1>, vector<32x128xi32>
    %get3A_959 = arith.constant 2752 : index
    %get3A_960 = arith.constant 0 : index
    %get3A_961 = vector.load %arg4[%get3A_959, %get3A_960] : memref<8192x128xf32, #tpu.memory_space<vmem>>, vector<32x128xf32>
    %add3A_962 = arith.addf %broadcast_in_dim3A_13, %get3A_961 : vector<32x128xf32>
    %slice3A_963 = vector.extract_strided_slice %dot_general3A_7 {offsets = [2752, 0], sizes = [32, 128], strides = [1, 1]} : vector<8192x128xf32> to vector<32x128xf32>
    %sub3A_964 = arith.subf %add3A_962, %slice3A_963 : vector<32x128xf32>
    %lt3A_965 = arith.cmpf olt, %sub3A_964, %select_n3A_955 : vector<32x128xf32>
    %select_n3A_966 = arith.select %lt3A_965, %sub3A_964, %select_n3A_955 : vector<32x128xi1>, vector<32x128xf32>
    %jit3A_967 = arith.constant 86 : i32
    %broadcast_in_dim3A_968 = vector.broadcast %jit3A_967 : i32 to vector<32x128xi32>
    %select_n3A_969 = arith.select %lt3A_965, %broadcast_in_dim3A_968, %select_n3A_958 : vector<32x128xi1>, vector<32x128xi32>
    %get3A_970 = arith.constant 2784 : index
    %get3A_971 = arith.constant 0 : index
    %get3A_972 = vector.load %arg4[%get3A_970, %get3A_971] : memref<8192x128xf32, #tpu.memory_space<vmem>>, vector<32x128xf32>
    %add3A_973 = arith.addf %broadcast_in_dim3A_13, %get3A_972 : vector<32x128xf32>
    %slice3A_974 = vector.extract_strided_slice %dot_general3A_7 {offsets = [2784, 0], sizes = [32, 128], strides = [1, 1]} : vector<8192x128xf32> to vector<32x128xf32>
    %sub3A_975 = arith.subf %add3A_973, %slice3A_974 : vector<32x128xf32>
    %lt3A_976 = arith.cmpf olt, %sub3A_975, %select_n3A_966 : vector<32x128xf32>
    %select_n3A_977 = arith.select %lt3A_976, %sub3A_975, %select_n3A_966 : vector<32x128xi1>, vector<32x128xf32>
    %jit3A_978 = arith.constant 87 : i32
    %broadcast_in_dim3A_979 = vector.broadcast %jit3A_978 : i32 to vector<32x128xi32>
    %select_n3A_980 = arith.select %lt3A_976, %broadcast_in_dim3A_979, %select_n3A_969 : vector<32x128xi1>, vector<32x128xi32>
    %get3A_981 = arith.constant 2816 : index
    %get3A_982 = arith.constant 0 : index
    %get3A_983 = vector.load %arg4[%get3A_981, %get3A_982] : memref<8192x128xf32, #tpu.memory_space<vmem>>, vector<32x128xf32>
    %add3A_984 = arith.addf %broadcast_in_dim3A_13, %get3A_983 : vector<32x128xf32>
    %slice3A_985 = vector.extract_strided_slice %dot_general3A_7 {offsets = [2816, 0], sizes = [32, 128], strides = [1, 1]} : vector<8192x128xf32> to vector<32x128xf32>
    %sub3A_986 = arith.subf %add3A_984, %slice3A_985 : vector<32x128xf32>
    %lt3A_987 = arith.cmpf olt, %sub3A_986, %select_n3A_977 : vector<32x128xf32>
    %select_n3A_988 = arith.select %lt3A_987, %sub3A_986, %select_n3A_977 : vector<32x128xi1>, vector<32x128xf32>
    %jit3A_989 = arith.constant 88 : i32
    %broadcast_in_dim3A_990 = vector.broadcast %jit3A_989 : i32 to vector<32x128xi32>
    %select_n3A_991 = arith.select %lt3A_987, %broadcast_in_dim3A_990, %select_n3A_980 : vector<32x128xi1>, vector<32x128xi32>
    %get3A_992 = arith.constant 2848 : index
    %get3A_993 = arith.constant 0 : index
    %get3A_994 = vector.load %arg4[%get3A_992, %get3A_993] : memref<8192x128xf32, #tpu.memory_space<vmem>>, vector<32x128xf32>
    %add3A_995 = arith.addf %broadcast_in_dim3A_13, %get3A_994 : vector<32x128xf32>
    %slice3A_996 = vector.extract_strided_slice %dot_general3A_7 {offsets = [2848, 0], sizes = [32, 128], strides = [1, 1]} : vector<8192x128xf32> to vector<32x128xf32>
    %sub3A_997 = arith.subf %add3A_995, %slice3A_996 : vector<32x128xf32>
    %lt3A_998 = arith.cmpf olt, %sub3A_997, %select_n3A_988 : vector<32x128xf32>
    %select_n3A_999 = arith.select %lt3A_998, %sub3A_997, %select_n3A_988 : vector<32x128xi1>, vector<32x128xf32>
    %jit3A_1000 = arith.constant 89 : i32
    %broadcast_in_dim3A_1001 = vector.broadcast %jit3A_1000 : i32 to vector<32x128xi32>
    %select_n3A_1002 = arith.select %lt3A_998, %broadcast_in_dim3A_1001, %select_n3A_991 : vector<32x128xi1>, vector<32x128xi32>
    %get3A_1003 = arith.constant 2880 : index
    %get3A_1004 = arith.constant 0 : index
    %get3A_1005 = vector.load %arg4[%get3A_1003, %get3A_1004] : memref<8192x128xf32, #tpu.memory_space<vmem>>, vector<32x128xf32>
    %add3A_1006 = arith.addf %broadcast_in_dim3A_13, %get3A_1005 : vector<32x128xf32>
    %slice3A_1007 = vector.extract_strided_slice %dot_general3A_7 {offsets = [2880, 0], sizes = [32, 128], strides = [1, 1]} : vector<8192x128xf32> to vector<32x128xf32>
    %sub3A_1008 = arith.subf %add3A_1006, %slice3A_1007 : vector<32x128xf32>
    %lt3A_1009 = arith.cmpf olt, %sub3A_1008, %select_n3A_999 : vector<32x128xf32>
    %select_n3A_1010 = arith.select %lt3A_1009, %sub3A_1008, %select_n3A_999 : vector<32x128xi1>, vector<32x128xf32>
    %jit3A_1011 = arith.constant 90 : i32
    %broadcast_in_dim3A_1012 = vector.broadcast %jit3A_1011 : i32 to vector<32x128xi32>
    %select_n3A_1013 = arith.select %lt3A_1009, %broadcast_in_dim3A_1012, %select_n3A_1002 : vector<32x128xi1>, vector<32x128xi32>
    %get3A_1014 = arith.constant 2912 : index
    %get3A_1015 = arith.constant 0 : index
    %get3A_1016 = vector.load %arg4[%get3A_1014, %get3A_1015] : memref<8192x128xf32, #tpu.memory_space<vmem>>, vector<32x128xf32>
    %add3A_1017 = arith.addf %broadcast_in_dim3A_13, %get3A_1016 : vector<32x128xf32>
    %slice3A_1018 = vector.extract_strided_slice %dot_general3A_7 {offsets = [2912, 0], sizes = [32, 128], strides = [1, 1]} : vector<8192x128xf32> to vector<32x128xf32>
    %sub3A_1019 = arith.subf %add3A_1017, %slice3A_1018 : vector<32x128xf32>
    %lt3A_1020 = arith.cmpf olt, %sub3A_1019, %select_n3A_1010 : vector<32x128xf32>
    %select_n3A_1021 = arith.select %lt3A_1020, %sub3A_1019, %select_n3A_1010 : vector<32x128xi1>, vector<32x128xf32>
    %jit3A_1022 = arith.constant 91 : i32
    %broadcast_in_dim3A_1023 = vector.broadcast %jit3A_1022 : i32 to vector<32x128xi32>
    %select_n3A_1024 = arith.select %lt3A_1020, %broadcast_in_dim3A_1023, %select_n3A_1013 : vector<32x128xi1>, vector<32x128xi32>
    %get3A_1025 = arith.constant 2944 : index
    %get3A_1026 = arith.constant 0 : index
    %get3A_1027 = vector.load %arg4[%get3A_1025, %get3A_1026] : memref<8192x128xf32, #tpu.memory_space<vmem>>, vector<32x128xf32>
    %add3A_1028 = arith.addf %broadcast_in_dim3A_13, %get3A_1027 : vector<32x128xf32>
    %slice3A_1029 = vector.extract_strided_slice %dot_general3A_7 {offsets = [2944, 0], sizes = [32, 128], strides = [1, 1]} : vector<8192x128xf32> to vector<32x128xf32>
    %sub3A_1030 = arith.subf %add3A_1028, %slice3A_1029 : vector<32x128xf32>
    %lt3A_1031 = arith.cmpf olt, %sub3A_1030, %select_n3A_1021 : vector<32x128xf32>
    %select_n3A_1032 = arith.select %lt3A_1031, %sub3A_1030, %select_n3A_1021 : vector<32x128xi1>, vector<32x128xf32>
    %jit3A_1033 = arith.constant 92 : i32
    %broadcast_in_dim3A_1034 = vector.broadcast %jit3A_1033 : i32 to vector<32x128xi32>
    %select_n3A_1035 = arith.select %lt3A_1031, %broadcast_in_dim3A_1034, %select_n3A_1024 : vector<32x128xi1>, vector<32x128xi32>
    %get3A_1036 = arith.constant 2976 : index
    %get3A_1037 = arith.constant 0 : index
    %get3A_1038 = vector.load %arg4[%get3A_1036, %get3A_1037] : memref<8192x128xf32, #tpu.memory_space<vmem>>, vector<32x128xf32>
    %add3A_1039 = arith.addf %broadcast_in_dim3A_13, %get3A_1038 : vector<32x128xf32>
    %slice3A_1040 = vector.extract_strided_slice %dot_general3A_7 {offsets = [2976, 0], sizes = [32, 128], strides = [1, 1]} : vector<8192x128xf32> to vector<32x128xf32>
    %sub3A_1041 = arith.subf %add3A_1039, %slice3A_1040 : vector<32x128xf32>
    %lt3A_1042 = arith.cmpf olt, %sub3A_1041, %select_n3A_1032 : vector<32x128xf32>
    %select_n3A_1043 = arith.select %lt3A_1042, %sub3A_1041, %select_n3A_1032 : vector<32x128xi1>, vector<32x128xf32>
    %jit3A_1044 = arith.constant 93 : i32
    %broadcast_in_dim3A_1045 = vector.broadcast %jit3A_1044 : i32 to vector<32x128xi32>
    %select_n3A_1046 = arith.select %lt3A_1042, %broadcast_in_dim3A_1045, %select_n3A_1035 : vector<32x128xi1>, vector<32x128xi32>
    %get3A_1047 = arith.constant 3008 : index
    %get3A_1048 = arith.constant 0 : index
    %get3A_1049 = vector.load %arg4[%get3A_1047, %get3A_1048] : memref<8192x128xf32, #tpu.memory_space<vmem>>, vector<32x128xf32>
    %add3A_1050 = arith.addf %broadcast_in_dim3A_13, %get3A_1049 : vector<32x128xf32>
    %slice3A_1051 = vector.extract_strided_slice %dot_general3A_7 {offsets = [3008, 0], sizes = [32, 128], strides = [1, 1]} : vector<8192x128xf32> to vector<32x128xf32>
    %sub3A_1052 = arith.subf %add3A_1050, %slice3A_1051 : vector<32x128xf32>
    %lt3A_1053 = arith.cmpf olt, %sub3A_1052, %select_n3A_1043 : vector<32x128xf32>
    %select_n3A_1054 = arith.select %lt3A_1053, %sub3A_1052, %select_n3A_1043 : vector<32x128xi1>, vector<32x128xf32>
    %jit3A_1055 = arith.constant 94 : i32
    %broadcast_in_dim3A_1056 = vector.broadcast %jit3A_1055 : i32 to vector<32x128xi32>
    %select_n3A_1057 = arith.select %lt3A_1053, %broadcast_in_dim3A_1056, %select_n3A_1046 : vector<32x128xi1>, vector<32x128xi32>
    %get3A_1058 = arith.constant 3040 : index
    %get3A_1059 = arith.constant 0 : index
    %get3A_1060 = vector.load %arg4[%get3A_1058, %get3A_1059] : memref<8192x128xf32, #tpu.memory_space<vmem>>, vector<32x128xf32>
    %add3A_1061 = arith.addf %broadcast_in_dim3A_13, %get3A_1060 : vector<32x128xf32>
    %slice3A_1062 = vector.extract_strided_slice %dot_general3A_7 {offsets = [3040, 0], sizes = [32, 128], strides = [1, 1]} : vector<8192x128xf32> to vector<32x128xf32>
    %sub3A_1063 = arith.subf %add3A_1061, %slice3A_1062 : vector<32x128xf32>
    %lt3A_1064 = arith.cmpf olt, %sub3A_1063, %select_n3A_1054 : vector<32x128xf32>
    %select_n3A_1065 = arith.select %lt3A_1064, %sub3A_1063, %select_n3A_1054 : vector<32x128xi1>, vector<32x128xf32>
    %jit3A_1066 = arith.constant 95 : i32
    %broadcast_in_dim3A_1067 = vector.broadcast %jit3A_1066 : i32 to vector<32x128xi32>
    %select_n3A_1068 = arith.select %lt3A_1064, %broadcast_in_dim3A_1067, %select_n3A_1057 : vector<32x128xi1>, vector<32x128xi32>
    %get3A_1069 = arith.constant 3072 : index
    %get3A_1070 = arith.constant 0 : index
    %get3A_1071 = vector.load %arg4[%get3A_1069, %get3A_1070] : memref<8192x128xf32, #tpu.memory_space<vmem>>, vector<32x128xf32>
    %add3A_1072 = arith.addf %broadcast_in_dim3A_13, %get3A_1071 : vector<32x128xf32>
    %slice3A_1073 = vector.extract_strided_slice %dot_general3A_7 {offsets = [3072, 0], sizes = [32, 128], strides = [1, 1]} : vector<8192x128xf32> to vector<32x128xf32>
    %sub3A_1074 = arith.subf %add3A_1072, %slice3A_1073 : vector<32x128xf32>
    %lt3A_1075 = arith.cmpf olt, %sub3A_1074, %select_n3A_1065 : vector<32x128xf32>
    %select_n3A_1076 = arith.select %lt3A_1075, %sub3A_1074, %select_n3A_1065 : vector<32x128xi1>, vector<32x128xf32>
    %jit3A_1077 = arith.constant 96 : i32
    %broadcast_in_dim3A_1078 = vector.broadcast %jit3A_1077 : i32 to vector<32x128xi32>
    %select_n3A_1079 = arith.select %lt3A_1075, %broadcast_in_dim3A_1078, %select_n3A_1068 : vector<32x128xi1>, vector<32x128xi32>
    %get3A_1080 = arith.constant 3104 : index
    %get3A_1081 = arith.constant 0 : index
    %get3A_1082 = vector.load %arg4[%get3A_1080, %get3A_1081] : memref<8192x128xf32, #tpu.memory_space<vmem>>, vector<32x128xf32>
    %add3A_1083 = arith.addf %broadcast_in_dim3A_13, %get3A_1082 : vector<32x128xf32>
    %slice3A_1084 = vector.extract_strided_slice %dot_general3A_7 {offsets = [3104, 0], sizes = [32, 128], strides = [1, 1]} : vector<8192x128xf32> to vector<32x128xf32>
    %sub3A_1085 = arith.subf %add3A_1083, %slice3A_1084 : vector<32x128xf32>
    %lt3A_1086 = arith.cmpf olt, %sub3A_1085, %select_n3A_1076 : vector<32x128xf32>
    %select_n3A_1087 = arith.select %lt3A_1086, %sub3A_1085, %select_n3A_1076 : vector<32x128xi1>, vector<32x128xf32>
    %jit3A_1088 = arith.constant 97 : i32
    %broadcast_in_dim3A_1089 = vector.broadcast %jit3A_1088 : i32 to vector<32x128xi32>
    %select_n3A_1090 = arith.select %lt3A_1086, %broadcast_in_dim3A_1089, %select_n3A_1079 : vector<32x128xi1>, vector<32x128xi32>
    %get3A_1091 = arith.constant 3136 : index
    %get3A_1092 = arith.constant 0 : index
    %get3A_1093 = vector.load %arg4[%get3A_1091, %get3A_1092] : memref<8192x128xf32, #tpu.memory_space<vmem>>, vector<32x128xf32>
    %add3A_1094 = arith.addf %broadcast_in_dim3A_13, %get3A_1093 : vector<32x128xf32>
    %slice3A_1095 = vector.extract_strided_slice %dot_general3A_7 {offsets = [3136, 0], sizes = [32, 128], strides = [1, 1]} : vector<8192x128xf32> to vector<32x128xf32>
    %sub3A_1096 = arith.subf %add3A_1094, %slice3A_1095 : vector<32x128xf32>
    %lt3A_1097 = arith.cmpf olt, %sub3A_1096, %select_n3A_1087 : vector<32x128xf32>
    %select_n3A_1098 = arith.select %lt3A_1097, %sub3A_1096, %select_n3A_1087 : vector<32x128xi1>, vector<32x128xf32>
    %jit3A_1099 = arith.constant 98 : i32
    %broadcast_in_dim3A_1100 = vector.broadcast %jit3A_1099 : i32 to vector<32x128xi32>
    %select_n3A_1101 = arith.select %lt3A_1097, %broadcast_in_dim3A_1100, %select_n3A_1090 : vector<32x128xi1>, vector<32x128xi32>
    %get3A_1102 = arith.constant 3168 : index
    %get3A_1103 = arith.constant 0 : index
    %get3A_1104 = vector.load %arg4[%get3A_1102, %get3A_1103] : memref<8192x128xf32, #tpu.memory_space<vmem>>, vector<32x128xf32>
    %add3A_1105 = arith.addf %broadcast_in_dim3A_13, %get3A_1104 : vector<32x128xf32>
    %slice3A_1106 = vector.extract_strided_slice %dot_general3A_7 {offsets = [3168, 0], sizes = [32, 128], strides = [1, 1]} : vector<8192x128xf32> to vector<32x128xf32>
    %sub3A_1107 = arith.subf %add3A_1105, %slice3A_1106 : vector<32x128xf32>
    %lt3A_1108 = arith.cmpf olt, %sub3A_1107, %select_n3A_1098 : vector<32x128xf32>
    %select_n3A_1109 = arith.select %lt3A_1108, %sub3A_1107, %select_n3A_1098 : vector<32x128xi1>, vector<32x128xf32>
    %jit3A_1110 = arith.constant 99 : i32
    %broadcast_in_dim3A_1111 = vector.broadcast %jit3A_1110 : i32 to vector<32x128xi32>
    %select_n3A_1112 = arith.select %lt3A_1108, %broadcast_in_dim3A_1111, %select_n3A_1101 : vector<32x128xi1>, vector<32x128xi32>
    %get3A_1113 = arith.constant 3200 : index
    %get3A_1114 = arith.constant 0 : index
    %get3A_1115 = vector.load %arg4[%get3A_1113, %get3A_1114] : memref<8192x128xf32, #tpu.memory_space<vmem>>, vector<32x128xf32>
    %add3A_1116 = arith.addf %broadcast_in_dim3A_13, %get3A_1115 : vector<32x128xf32>
    %slice3A_1117 = vector.extract_strided_slice %dot_general3A_7 {offsets = [3200, 0], sizes = [32, 128], strides = [1, 1]} : vector<8192x128xf32> to vector<32x128xf32>
    %sub3A_1118 = arith.subf %add3A_1116, %slice3A_1117 : vector<32x128xf32>
    %lt3A_1119 = arith.cmpf olt, %sub3A_1118, %select_n3A_1109 : vector<32x128xf32>
    %select_n3A_1120 = arith.select %lt3A_1119, %sub3A_1118, %select_n3A_1109 : vector<32x128xi1>, vector<32x128xf32>
    %jit3A_1121 = arith.constant 100 : i32
    %broadcast_in_dim3A_1122 = vector.broadcast %jit3A_1121 : i32 to vector<32x128xi32>
    %select_n3A_1123 = arith.select %lt3A_1119, %broadcast_in_dim3A_1122, %select_n3A_1112 : vector<32x128xi1>, vector<32x128xi32>
    %get3A_1124 = arith.constant 3232 : index
    %get3A_1125 = arith.constant 0 : index
    %get3A_1126 = vector.load %arg4[%get3A_1124, %get3A_1125] : memref<8192x128xf32, #tpu.memory_space<vmem>>, vector<32x128xf32>
    %add3A_1127 = arith.addf %broadcast_in_dim3A_13, %get3A_1126 : vector<32x128xf32>
    %slice3A_1128 = vector.extract_strided_slice %dot_general3A_7 {offsets = [3232, 0], sizes = [32, 128], strides = [1, 1]} : vector<8192x128xf32> to vector<32x128xf32>
    %sub3A_1129 = arith.subf %add3A_1127, %slice3A_1128 : vector<32x128xf32>
    %lt3A_1130 = arith.cmpf olt, %sub3A_1129, %select_n3A_1120 : vector<32x128xf32>
    %select_n3A_1131 = arith.select %lt3A_1130, %sub3A_1129, %select_n3A_1120 : vector<32x128xi1>, vector<32x128xf32>
    %jit3A_1132 = arith.constant 101 : i32
    %broadcast_in_dim3A_1133 = vector.broadcast %jit3A_1132 : i32 to vector<32x128xi32>
    %select_n3A_1134 = arith.select %lt3A_1130, %broadcast_in_dim3A_1133, %select_n3A_1123 : vector<32x128xi1>, vector<32x128xi32>
    %get3A_1135 = arith.constant 3264 : index
    %get3A_1136 = arith.constant 0 : index
    %get3A_1137 = vector.load %arg4[%get3A_1135, %get3A_1136] : memref<8192x128xf32, #tpu.memory_space<vmem>>, vector<32x128xf32>
    %add3A_1138 = arith.addf %broadcast_in_dim3A_13, %get3A_1137 : vector<32x128xf32>
    %slice3A_1139 = vector.extract_strided_slice %dot_general3A_7 {offsets = [3264, 0], sizes = [32, 128], strides = [1, 1]} : vector<8192x128xf32> to vector<32x128xf32>
    %sub3A_1140 = arith.subf %add3A_1138, %slice3A_1139 : vector<32x128xf32>
    %lt3A_1141 = arith.cmpf olt, %sub3A_1140, %select_n3A_1131 : vector<32x128xf32>
    %select_n3A_1142 = arith.select %lt3A_1141, %sub3A_1140, %select_n3A_1131 : vector<32x128xi1>, vector<32x128xf32>
    %jit3A_1143 = arith.constant 102 : i32
    %broadcast_in_dim3A_1144 = vector.broadcast %jit3A_1143 : i32 to vector<32x128xi32>
    %select_n3A_1145 = arith.select %lt3A_1141, %broadcast_in_dim3A_1144, %select_n3A_1134 : vector<32x128xi1>, vector<32x128xi32>
    %get3A_1146 = arith.constant 3296 : index
    %get3A_1147 = arith.constant 0 : index
    %get3A_1148 = vector.load %arg4[%get3A_1146, %get3A_1147] : memref<8192x128xf32, #tpu.memory_space<vmem>>, vector<32x128xf32>
    %add3A_1149 = arith.addf %broadcast_in_dim3A_13, %get3A_1148 : vector<32x128xf32>
    %slice3A_1150 = vector.extract_strided_slice %dot_general3A_7 {offsets = [3296, 0], sizes = [32, 128], strides = [1, 1]} : vector<8192x128xf32> to vector<32x128xf32>
    %sub3A_1151 = arith.subf %add3A_1149, %slice3A_1150 : vector<32x128xf32>
    %lt3A_1152 = arith.cmpf olt, %sub3A_1151, %select_n3A_1142 : vector<32x128xf32>
    %select_n3A_1153 = arith.select %lt3A_1152, %sub3A_1151, %select_n3A_1142 : vector<32x128xi1>, vector<32x128xf32>
    %jit3A_1154 = arith.constant 103 : i32
    %broadcast_in_dim3A_1155 = vector.broadcast %jit3A_1154 : i32 to vector<32x128xi32>
    %select_n3A_1156 = arith.select %lt3A_1152, %broadcast_in_dim3A_1155, %select_n3A_1145 : vector<32x128xi1>, vector<32x128xi32>
    %get3A_1157 = arith.constant 3328 : index
    %get3A_1158 = arith.constant 0 : index
    %get3A_1159 = vector.load %arg4[%get3A_1157, %get3A_1158] : memref<8192x128xf32, #tpu.memory_space<vmem>>, vector<32x128xf32>
    %add3A_1160 = arith.addf %broadcast_in_dim3A_13, %get3A_1159 : vector<32x128xf32>
    %slice3A_1161 = vector.extract_strided_slice %dot_general3A_7 {offsets = [3328, 0], sizes = [32, 128], strides = [1, 1]} : vector<8192x128xf32> to vector<32x128xf32>
    %sub3A_1162 = arith.subf %add3A_1160, %slice3A_1161 : vector<32x128xf32>
    %lt3A_1163 = arith.cmpf olt, %sub3A_1162, %select_n3A_1153 : vector<32x128xf32>
    %select_n3A_1164 = arith.select %lt3A_1163, %sub3A_1162, %select_n3A_1153 : vector<32x128xi1>, vector<32x128xf32>
    %jit3A_1165 = arith.constant 104 : i32
    %broadcast_in_dim3A_1166 = vector.broadcast %jit3A_1165 : i32 to vector<32x128xi32>
    %select_n3A_1167 = arith.select %lt3A_1163, %broadcast_in_dim3A_1166, %select_n3A_1156 : vector<32x128xi1>, vector<32x128xi32>
    %get3A_1168 = arith.constant 3360 : index
    %get3A_1169 = arith.constant 0 : index
    %get3A_1170 = vector.load %arg4[%get3A_1168, %get3A_1169] : memref<8192x128xf32, #tpu.memory_space<vmem>>, vector<32x128xf32>
    %add3A_1171 = arith.addf %broadcast_in_dim3A_13, %get3A_1170 : vector<32x128xf32>
    %slice3A_1172 = vector.extract_strided_slice %dot_general3A_7 {offsets = [3360, 0], sizes = [32, 128], strides = [1, 1]} : vector<8192x128xf32> to vector<32x128xf32>
    %sub3A_1173 = arith.subf %add3A_1171, %slice3A_1172 : vector<32x128xf32>
    %lt3A_1174 = arith.cmpf olt, %sub3A_1173, %select_n3A_1164 : vector<32x128xf32>
    %select_n3A_1175 = arith.select %lt3A_1174, %sub3A_1173, %select_n3A_1164 : vector<32x128xi1>, vector<32x128xf32>
    %jit3A_1176 = arith.constant 105 : i32
    %broadcast_in_dim3A_1177 = vector.broadcast %jit3A_1176 : i32 to vector<32x128xi32>
    %select_n3A_1178 = arith.select %lt3A_1174, %broadcast_in_dim3A_1177, %select_n3A_1167 : vector<32x128xi1>, vector<32x128xi32>
    %get3A_1179 = arith.constant 3392 : index
    %get3A_1180 = arith.constant 0 : index
    %get3A_1181 = vector.load %arg4[%get3A_1179, %get3A_1180] : memref<8192x128xf32, #tpu.memory_space<vmem>>, vector<32x128xf32>
    %add3A_1182 = arith.addf %broadcast_in_dim3A_13, %get3A_1181 : vector<32x128xf32>
    %slice3A_1183 = vector.extract_strided_slice %dot_general3A_7 {offsets = [3392, 0], sizes = [32, 128], strides = [1, 1]} : vector<8192x128xf32> to vector<32x128xf32>
    %sub3A_1184 = arith.subf %add3A_1182, %slice3A_1183 : vector<32x128xf32>
    %lt3A_1185 = arith.cmpf olt, %sub3A_1184, %select_n3A_1175 : vector<32x128xf32>
    %select_n3A_1186 = arith.select %lt3A_1185, %sub3A_1184, %select_n3A_1175 : vector<32x128xi1>, vector<32x128xf32>
    %jit3A_1187 = arith.constant 106 : i32
    %broadcast_in_dim3A_1188 = vector.broadcast %jit3A_1187 : i32 to vector<32x128xi32>
    %select_n3A_1189 = arith.select %lt3A_1185, %broadcast_in_dim3A_1188, %select_n3A_1178 : vector<32x128xi1>, vector<32x128xi32>
    %get3A_1190 = arith.constant 3424 : index
    %get3A_1191 = arith.constant 0 : index
    %get3A_1192 = vector.load %arg4[%get3A_1190, %get3A_1191] : memref<8192x128xf32, #tpu.memory_space<vmem>>, vector<32x128xf32>
    %add3A_1193 = arith.addf %broadcast_in_dim3A_13, %get3A_1192 : vector<32x128xf32>
    %slice3A_1194 = vector.extract_strided_slice %dot_general3A_7 {offsets = [3424, 0], sizes = [32, 128], strides = [1, 1]} : vector<8192x128xf32> to vector<32x128xf32>
    %sub3A_1195 = arith.subf %add3A_1193, %slice3A_1194 : vector<32x128xf32>
    %lt3A_1196 = arith.cmpf olt, %sub3A_1195, %select_n3A_1186 : vector<32x128xf32>
    %select_n3A_1197 = arith.select %lt3A_1196, %sub3A_1195, %select_n3A_1186 : vector<32x128xi1>, vector<32x128xf32>
    %jit3A_1198 = arith.constant 107 : i32
    %broadcast_in_dim3A_1199 = vector.broadcast %jit3A_1198 : i32 to vector<32x128xi32>
    %select_n3A_1200 = arith.select %lt3A_1196, %broadcast_in_dim3A_1199, %select_n3A_1189 : vector<32x128xi1>, vector<32x128xi32>
    %get3A_1201 = arith.constant 3456 : index
    %get3A_1202 = arith.constant 0 : index
    %get3A_1203 = vector.load %arg4[%get3A_1201, %get3A_1202] : memref<8192x128xf32, #tpu.memory_space<vmem>>, vector<32x128xf32>
    %add3A_1204 = arith.addf %broadcast_in_dim3A_13, %get3A_1203 : vector<32x128xf32>
    %slice3A_1205 = vector.extract_strided_slice %dot_general3A_7 {offsets = [3456, 0], sizes = [32, 128], strides = [1, 1]} : vector<8192x128xf32> to vector<32x128xf32>
    %sub3A_1206 = arith.subf %add3A_1204, %slice3A_1205 : vector<32x128xf32>
    %lt3A_1207 = arith.cmpf olt, %sub3A_1206, %select_n3A_1197 : vector<32x128xf32>
    %select_n3A_1208 = arith.select %lt3A_1207, %sub3A_1206, %select_n3A_1197 : vector<32x128xi1>, vector<32x128xf32>
    %jit3A_1209 = arith.constant 108 : i32
    %broadcast_in_dim3A_1210 = vector.broadcast %jit3A_1209 : i32 to vector<32x128xi32>
    %select_n3A_1211 = arith.select %lt3A_1207, %broadcast_in_dim3A_1210, %select_n3A_1200 : vector<32x128xi1>, vector<32x128xi32>
    %get3A_1212 = arith.constant 3488 : index
    %get3A_1213 = arith.constant 0 : index
    %get3A_1214 = vector.load %arg4[%get3A_1212, %get3A_1213] : memref<8192x128xf32, #tpu.memory_space<vmem>>, vector<32x128xf32>
    %add3A_1215 = arith.addf %broadcast_in_dim3A_13, %get3A_1214 : vector<32x128xf32>
    %slice3A_1216 = vector.extract_strided_slice %dot_general3A_7 {offsets = [3488, 0], sizes = [32, 128], strides = [1, 1]} : vector<8192x128xf32> to vector<32x128xf32>
    %sub3A_1217 = arith.subf %add3A_1215, %slice3A_1216 : vector<32x128xf32>
    %lt3A_1218 = arith.cmpf olt, %sub3A_1217, %select_n3A_1208 : vector<32x128xf32>
    %select_n3A_1219 = arith.select %lt3A_1218, %sub3A_1217, %select_n3A_1208 : vector<32x128xi1>, vector<32x128xf32>
    %jit3A_1220 = arith.constant 109 : i32
    %broadcast_in_dim3A_1221 = vector.broadcast %jit3A_1220 : i32 to vector<32x128xi32>
    %select_n3A_1222 = arith.select %lt3A_1218, %broadcast_in_dim3A_1221, %select_n3A_1211 : vector<32x128xi1>, vector<32x128xi32>
    %get3A_1223 = arith.constant 3520 : index
    %get3A_1224 = arith.constant 0 : index
    %get3A_1225 = vector.load %arg4[%get3A_1223, %get3A_1224] : memref<8192x128xf32, #tpu.memory_space<vmem>>, vector<32x128xf32>
    %add3A_1226 = arith.addf %broadcast_in_dim3A_13, %get3A_1225 : vector<32x128xf32>
    %slice3A_1227 = vector.extract_strided_slice %dot_general3A_7 {offsets = [3520, 0], sizes = [32, 128], strides = [1, 1]} : vector<8192x128xf32> to vector<32x128xf32>
    %sub3A_1228 = arith.subf %add3A_1226, %slice3A_1227 : vector<32x128xf32>
    %lt3A_1229 = arith.cmpf olt, %sub3A_1228, %select_n3A_1219 : vector<32x128xf32>
    %select_n3A_1230 = arith.select %lt3A_1229, %sub3A_1228, %select_n3A_1219 : vector<32x128xi1>, vector<32x128xf32>
    %jit3A_1231 = arith.constant 110 : i32
    %broadcast_in_dim3A_1232 = vector.broadcast %jit3A_1231 : i32 to vector<32x128xi32>
    %select_n3A_1233 = arith.select %lt3A_1229, %broadcast_in_dim3A_1232, %select_n3A_1222 : vector<32x128xi1>, vector<32x128xi32>
    %get3A_1234 = arith.constant 3552 : index
    %get3A_1235 = arith.constant 0 : index
    %get3A_1236 = vector.load %arg4[%get3A_1234, %get3A_1235] : memref<8192x128xf32, #tpu.memory_space<vmem>>, vector<32x128xf32>
    %add3A_1237 = arith.addf %broadcast_in_dim3A_13, %get3A_1236 : vector<32x128xf32>
    %slice3A_1238 = vector.extract_strided_slice %dot_general3A_7 {offsets = [3552, 0], sizes = [32, 128], strides = [1, 1]} : vector<8192x128xf32> to vector<32x128xf32>
    %sub3A_1239 = arith.subf %add3A_1237, %slice3A_1238 : vector<32x128xf32>
    %lt3A_1240 = arith.cmpf olt, %sub3A_1239, %select_n3A_1230 : vector<32x128xf32>
    %select_n3A_1241 = arith.select %lt3A_1240, %sub3A_1239, %select_n3A_1230 : vector<32x128xi1>, vector<32x128xf32>
    %jit3A_1242 = arith.constant 111 : i32
    %broadcast_in_dim3A_1243 = vector.broadcast %jit3A_1242 : i32 to vector<32x128xi32>
    %select_n3A_1244 = arith.select %lt3A_1240, %broadcast_in_dim3A_1243, %select_n3A_1233 : vector<32x128xi1>, vector<32x128xi32>
    %get3A_1245 = arith.constant 3584 : index
    %get3A_1246 = arith.constant 0 : index
    %get3A_1247 = vector.load %arg4[%get3A_1245, %get3A_1246] : memref<8192x128xf32, #tpu.memory_space<vmem>>, vector<32x128xf32>
    %add3A_1248 = arith.addf %broadcast_in_dim3A_13, %get3A_1247 : vector<32x128xf32>
    %slice3A_1249 = vector.extract_strided_slice %dot_general3A_7 {offsets = [3584, 0], sizes = [32, 128], strides = [1, 1]} : vector<8192x128xf32> to vector<32x128xf32>
    %sub3A_1250 = arith.subf %add3A_1248, %slice3A_1249 : vector<32x128xf32>
    %lt3A_1251 = arith.cmpf olt, %sub3A_1250, %select_n3A_1241 : vector<32x128xf32>
    %select_n3A_1252 = arith.select %lt3A_1251, %sub3A_1250, %select_n3A_1241 : vector<32x128xi1>, vector<32x128xf32>
    %jit3A_1253 = arith.constant 112 : i32
    %broadcast_in_dim3A_1254 = vector.broadcast %jit3A_1253 : i32 to vector<32x128xi32>
    %select_n3A_1255 = arith.select %lt3A_1251, %broadcast_in_dim3A_1254, %select_n3A_1244 : vector<32x128xi1>, vector<32x128xi32>
    %get3A_1256 = arith.constant 3616 : index
    %get3A_1257 = arith.constant 0 : index
    %get3A_1258 = vector.load %arg4[%get3A_1256, %get3A_1257] : memref<8192x128xf32, #tpu.memory_space<vmem>>, vector<32x128xf32>
    %add3A_1259 = arith.addf %broadcast_in_dim3A_13, %get3A_1258 : vector<32x128xf32>
    %slice3A_1260 = vector.extract_strided_slice %dot_general3A_7 {offsets = [3616, 0], sizes = [32, 128], strides = [1, 1]} : vector<8192x128xf32> to vector<32x128xf32>
    %sub3A_1261 = arith.subf %add3A_1259, %slice3A_1260 : vector<32x128xf32>
    %lt3A_1262 = arith.cmpf olt, %sub3A_1261, %select_n3A_1252 : vector<32x128xf32>
    %select_n3A_1263 = arith.select %lt3A_1262, %sub3A_1261, %select_n3A_1252 : vector<32x128xi1>, vector<32x128xf32>
    %jit3A_1264 = arith.constant 113 : i32
    %broadcast_in_dim3A_1265 = vector.broadcast %jit3A_1264 : i32 to vector<32x128xi32>
    %select_n3A_1266 = arith.select %lt3A_1262, %broadcast_in_dim3A_1265, %select_n3A_1255 : vector<32x128xi1>, vector<32x128xi32>
    %get3A_1267 = arith.constant 3648 : index
    %get3A_1268 = arith.constant 0 : index
    %get3A_1269 = vector.load %arg4[%get3A_1267, %get3A_1268] : memref<8192x128xf32, #tpu.memory_space<vmem>>, vector<32x128xf32>
    %add3A_1270 = arith.addf %broadcast_in_dim3A_13, %get3A_1269 : vector<32x128xf32>
    %slice3A_1271 = vector.extract_strided_slice %dot_general3A_7 {offsets = [3648, 0], sizes = [32, 128], strides = [1, 1]} : vector<8192x128xf32> to vector<32x128xf32>
    %sub3A_1272 = arith.subf %add3A_1270, %slice3A_1271 : vector<32x128xf32>
    %lt3A_1273 = arith.cmpf olt, %sub3A_1272, %select_n3A_1263 : vector<32x128xf32>
    %select_n3A_1274 = arith.select %lt3A_1273, %sub3A_1272, %select_n3A_1263 : vector<32x128xi1>, vector<32x128xf32>
    %jit3A_1275 = arith.constant 114 : i32
    %broadcast_in_dim3A_1276 = vector.broadcast %jit3A_1275 : i32 to vector<32x128xi32>
    %select_n3A_1277 = arith.select %lt3A_1273, %broadcast_in_dim3A_1276, %select_n3A_1266 : vector<32x128xi1>, vector<32x128xi32>
    %get3A_1278 = arith.constant 3680 : index
    %get3A_1279 = arith.constant 0 : index
    %get3A_1280 = vector.load %arg4[%get3A_1278, %get3A_1279] : memref<8192x128xf32, #tpu.memory_space<vmem>>, vector<32x128xf32>
    %add3A_1281 = arith.addf %broadcast_in_dim3A_13, %get3A_1280 : vector<32x128xf32>
    %slice3A_1282 = vector.extract_strided_slice %dot_general3A_7 {offsets = [3680, 0], sizes = [32, 128], strides = [1, 1]} : vector<8192x128xf32> to vector<32x128xf32>
    %sub3A_1283 = arith.subf %add3A_1281, %slice3A_1282 : vector<32x128xf32>
    %lt3A_1284 = arith.cmpf olt, %sub3A_1283, %select_n3A_1274 : vector<32x128xf32>
    %select_n3A_1285 = arith.select %lt3A_1284, %sub3A_1283, %select_n3A_1274 : vector<32x128xi1>, vector<32x128xf32>
    %jit3A_1286 = arith.constant 115 : i32
    %broadcast_in_dim3A_1287 = vector.broadcast %jit3A_1286 : i32 to vector<32x128xi32>
    %select_n3A_1288 = arith.select %lt3A_1284, %broadcast_in_dim3A_1287, %select_n3A_1277 : vector<32x128xi1>, vector<32x128xi32>
    %get3A_1289 = arith.constant 3712 : index
    %get3A_1290 = arith.constant 0 : index
    %get3A_1291 = vector.load %arg4[%get3A_1289, %get3A_1290] : memref<8192x128xf32, #tpu.memory_space<vmem>>, vector<32x128xf32>
    %add3A_1292 = arith.addf %broadcast_in_dim3A_13, %get3A_1291 : vector<32x128xf32>
    %slice3A_1293 = vector.extract_strided_slice %dot_general3A_7 {offsets = [3712, 0], sizes = [32, 128], strides = [1, 1]} : vector<8192x128xf32> to vector<32x128xf32>
    %sub3A_1294 = arith.subf %add3A_1292, %slice3A_1293 : vector<32x128xf32>
    %lt3A_1295 = arith.cmpf olt, %sub3A_1294, %select_n3A_1285 : vector<32x128xf32>
    %select_n3A_1296 = arith.select %lt3A_1295, %sub3A_1294, %select_n3A_1285 : vector<32x128xi1>, vector<32x128xf32>
    %jit3A_1297 = arith.constant 116 : i32
    %broadcast_in_dim3A_1298 = vector.broadcast %jit3A_1297 : i32 to vector<32x128xi32>
    %select_n3A_1299 = arith.select %lt3A_1295, %broadcast_in_dim3A_1298, %select_n3A_1288 : vector<32x128xi1>, vector<32x128xi32>
    %get3A_1300 = arith.constant 3744 : index
    %get3A_1301 = arith.constant 0 : index
    %get3A_1302 = vector.load %arg4[%get3A_1300, %get3A_1301] : memref<8192x128xf32, #tpu.memory_space<vmem>>, vector<32x128xf32>
    %add3A_1303 = arith.addf %broadcast_in_dim3A_13, %get3A_1302 : vector<32x128xf32>
    %slice3A_1304 = vector.extract_strided_slice %dot_general3A_7 {offsets = [3744, 0], sizes = [32, 128], strides = [1, 1]} : vector<8192x128xf32> to vector<32x128xf32>
    %sub3A_1305 = arith.subf %add3A_1303, %slice3A_1304 : vector<32x128xf32>
    %lt3A_1306 = arith.cmpf olt, %sub3A_1305, %select_n3A_1296 : vector<32x128xf32>
    %select_n3A_1307 = arith.select %lt3A_1306, %sub3A_1305, %select_n3A_1296 : vector<32x128xi1>, vector<32x128xf32>
    %jit3A_1308 = arith.constant 117 : i32
    %broadcast_in_dim3A_1309 = vector.broadcast %jit3A_1308 : i32 to vector<32x128xi32>
    %select_n3A_1310 = arith.select %lt3A_1306, %broadcast_in_dim3A_1309, %select_n3A_1299 : vector<32x128xi1>, vector<32x128xi32>
    %get3A_1311 = arith.constant 3776 : index
    %get3A_1312 = arith.constant 0 : index
    %get3A_1313 = vector.load %arg4[%get3A_1311, %get3A_1312] : memref<8192x128xf32, #tpu.memory_space<vmem>>, vector<32x128xf32>
    %add3A_1314 = arith.addf %broadcast_in_dim3A_13, %get3A_1313 : vector<32x128xf32>
    %slice3A_1315 = vector.extract_strided_slice %dot_general3A_7 {offsets = [3776, 0], sizes = [32, 128], strides = [1, 1]} : vector<8192x128xf32> to vector<32x128xf32>
    %sub3A_1316 = arith.subf %add3A_1314, %slice3A_1315 : vector<32x128xf32>
    %lt3A_1317 = arith.cmpf olt, %sub3A_1316, %select_n3A_1307 : vector<32x128xf32>
    %select_n3A_1318 = arith.select %lt3A_1317, %sub3A_1316, %select_n3A_1307 : vector<32x128xi1>, vector<32x128xf32>
    %jit3A_1319 = arith.constant 118 : i32
    %broadcast_in_dim3A_1320 = vector.broadcast %jit3A_1319 : i32 to vector<32x128xi32>
    %select_n3A_1321 = arith.select %lt3A_1317, %broadcast_in_dim3A_1320, %select_n3A_1310 : vector<32x128xi1>, vector<32x128xi32>
    %get3A_1322 = arith.constant 3808 : index
    %get3A_1323 = arith.constant 0 : index
    %get3A_1324 = vector.load %arg4[%get3A_1322, %get3A_1323] : memref<8192x128xf32, #tpu.memory_space<vmem>>, vector<32x128xf32>
    %add3A_1325 = arith.addf %broadcast_in_dim3A_13, %get3A_1324 : vector<32x128xf32>
    %slice3A_1326 = vector.extract_strided_slice %dot_general3A_7 {offsets = [3808, 0], sizes = [32, 128], strides = [1, 1]} : vector<8192x128xf32> to vector<32x128xf32>
    %sub3A_1327 = arith.subf %add3A_1325, %slice3A_1326 : vector<32x128xf32>
    %lt3A_1328 = arith.cmpf olt, %sub3A_1327, %select_n3A_1318 : vector<32x128xf32>
    %select_n3A_1329 = arith.select %lt3A_1328, %sub3A_1327, %select_n3A_1318 : vector<32x128xi1>, vector<32x128xf32>
    %jit3A_1330 = arith.constant 119 : i32
    %broadcast_in_dim3A_1331 = vector.broadcast %jit3A_1330 : i32 to vector<32x128xi32>
    %select_n3A_1332 = arith.select %lt3A_1328, %broadcast_in_dim3A_1331, %select_n3A_1321 : vector<32x128xi1>, vector<32x128xi32>
    %get3A_1333 = arith.constant 3840 : index
    %get3A_1334 = arith.constant 0 : index
    %get3A_1335 = vector.load %arg4[%get3A_1333, %get3A_1334] : memref<8192x128xf32, #tpu.memory_space<vmem>>, vector<32x128xf32>
    %add3A_1336 = arith.addf %broadcast_in_dim3A_13, %get3A_1335 : vector<32x128xf32>
    %slice3A_1337 = vector.extract_strided_slice %dot_general3A_7 {offsets = [3840, 0], sizes = [32, 128], strides = [1, 1]} : vector<8192x128xf32> to vector<32x128xf32>
    %sub3A_1338 = arith.subf %add3A_1336, %slice3A_1337 : vector<32x128xf32>
    %lt3A_1339 = arith.cmpf olt, %sub3A_1338, %select_n3A_1329 : vector<32x128xf32>
    %select_n3A_1340 = arith.select %lt3A_1339, %sub3A_1338, %select_n3A_1329 : vector<32x128xi1>, vector<32x128xf32>
    %jit3A_1341 = arith.constant 120 : i32
    %broadcast_in_dim3A_1342 = vector.broadcast %jit3A_1341 : i32 to vector<32x128xi32>
    %select_n3A_1343 = arith.select %lt3A_1339, %broadcast_in_dim3A_1342, %select_n3A_1332 : vector<32x128xi1>, vector<32x128xi32>
    %get3A_1344 = arith.constant 3872 : index
    %get3A_1345 = arith.constant 0 : index
    %get3A_1346 = vector.load %arg4[%get3A_1344, %get3A_1345] : memref<8192x128xf32, #tpu.memory_space<vmem>>, vector<32x128xf32>
    %add3A_1347 = arith.addf %broadcast_in_dim3A_13, %get3A_1346 : vector<32x128xf32>
    %slice3A_1348 = vector.extract_strided_slice %dot_general3A_7 {offsets = [3872, 0], sizes = [32, 128], strides = [1, 1]} : vector<8192x128xf32> to vector<32x128xf32>
    %sub3A_1349 = arith.subf %add3A_1347, %slice3A_1348 : vector<32x128xf32>
    %lt3A_1350 = arith.cmpf olt, %sub3A_1349, %select_n3A_1340 : vector<32x128xf32>
    %select_n3A_1351 = arith.select %lt3A_1350, %sub3A_1349, %select_n3A_1340 : vector<32x128xi1>, vector<32x128xf32>
    %jit3A_1352 = arith.constant 121 : i32
    %broadcast_in_dim3A_1353 = vector.broadcast %jit3A_1352 : i32 to vector<32x128xi32>
    %select_n3A_1354 = arith.select %lt3A_1350, %broadcast_in_dim3A_1353, %select_n3A_1343 : vector<32x128xi1>, vector<32x128xi32>
    %get3A_1355 = arith.constant 3904 : index
    %get3A_1356 = arith.constant 0 : index
    %get3A_1357 = vector.load %arg4[%get3A_1355, %get3A_1356] : memref<8192x128xf32, #tpu.memory_space<vmem>>, vector<32x128xf32>
    %add3A_1358 = arith.addf %broadcast_in_dim3A_13, %get3A_1357 : vector<32x128xf32>
    %slice3A_1359 = vector.extract_strided_slice %dot_general3A_7 {offsets = [3904, 0], sizes = [32, 128], strides = [1, 1]} : vector<8192x128xf32> to vector<32x128xf32>
    %sub3A_1360 = arith.subf %add3A_1358, %slice3A_1359 : vector<32x128xf32>
    %lt3A_1361 = arith.cmpf olt, %sub3A_1360, %select_n3A_1351 : vector<32x128xf32>
    %select_n3A_1362 = arith.select %lt3A_1361, %sub3A_1360, %select_n3A_1351 : vector<32x128xi1>, vector<32x128xf32>
    %jit3A_1363 = arith.constant 122 : i32
    %broadcast_in_dim3A_1364 = vector.broadcast %jit3A_1363 : i32 to vector<32x128xi32>
    %select_n3A_1365 = arith.select %lt3A_1361, %broadcast_in_dim3A_1364, %select_n3A_1354 : vector<32x128xi1>, vector<32x128xi32>
    %get3A_1366 = arith.constant 3936 : index
    %get3A_1367 = arith.constant 0 : index
    %get3A_1368 = vector.load %arg4[%get3A_1366, %get3A_1367] : memref<8192x128xf32, #tpu.memory_space<vmem>>, vector<32x128xf32>
    %add3A_1369 = arith.addf %broadcast_in_dim3A_13, %get3A_1368 : vector<32x128xf32>
    %slice3A_1370 = vector.extract_strided_slice %dot_general3A_7 {offsets = [3936, 0], sizes = [32, 128], strides = [1, 1]} : vector<8192x128xf32> to vector<32x128xf32>
    %sub3A_1371 = arith.subf %add3A_1369, %slice3A_1370 : vector<32x128xf32>
    %lt3A_1372 = arith.cmpf olt, %sub3A_1371, %select_n3A_1362 : vector<32x128xf32>
    %select_n3A_1373 = arith.select %lt3A_1372, %sub3A_1371, %select_n3A_1362 : vector<32x128xi1>, vector<32x128xf32>
    %jit3A_1374 = arith.constant 123 : i32
    %broadcast_in_dim3A_1375 = vector.broadcast %jit3A_1374 : i32 to vector<32x128xi32>
    %select_n3A_1376 = arith.select %lt3A_1372, %broadcast_in_dim3A_1375, %select_n3A_1365 : vector<32x128xi1>, vector<32x128xi32>
    %get3A_1377 = arith.constant 3968 : index
    %get3A_1378 = arith.constant 0 : index
    %get3A_1379 = vector.load %arg4[%get3A_1377, %get3A_1378] : memref<8192x128xf32, #tpu.memory_space<vmem>>, vector<32x128xf32>
    %add3A_1380 = arith.addf %broadcast_in_dim3A_13, %get3A_1379 : vector<32x128xf32>
    %slice3A_1381 = vector.extract_strided_slice %dot_general3A_7 {offsets = [3968, 0], sizes = [32, 128], strides = [1, 1]} : vector<8192x128xf32> to vector<32x128xf32>
    %sub3A_1382 = arith.subf %add3A_1380, %slice3A_1381 : vector<32x128xf32>
    %lt3A_1383 = arith.cmpf olt, %sub3A_1382, %select_n3A_1373 : vector<32x128xf32>
    %select_n3A_1384 = arith.select %lt3A_1383, %sub3A_1382, %select_n3A_1373 : vector<32x128xi1>, vector<32x128xf32>
    %jit3A_1385 = arith.constant 124 : i32
    %broadcast_in_dim3A_1386 = vector.broadcast %jit3A_1385 : i32 to vector<32x128xi32>
    %select_n3A_1387 = arith.select %lt3A_1383, %broadcast_in_dim3A_1386, %select_n3A_1376 : vector<32x128xi1>, vector<32x128xi32>
    %get3A_1388 = arith.constant 4000 : index
    %get3A_1389 = arith.constant 0 : index
    %get3A_1390 = vector.load %arg4[%get3A_1388, %get3A_1389] : memref<8192x128xf32, #tpu.memory_space<vmem>>, vector<32x128xf32>
    %add3A_1391 = arith.addf %broadcast_in_dim3A_13, %get3A_1390 : vector<32x128xf32>
    %slice3A_1392 = vector.extract_strided_slice %dot_general3A_7 {offsets = [4000, 0], sizes = [32, 128], strides = [1, 1]} : vector<8192x128xf32> to vector<32x128xf32>
    %sub3A_1393 = arith.subf %add3A_1391, %slice3A_1392 : vector<32x128xf32>
    %lt3A_1394 = arith.cmpf olt, %sub3A_1393, %select_n3A_1384 : vector<32x128xf32>
    %select_n3A_1395 = arith.select %lt3A_1394, %sub3A_1393, %select_n3A_1384 : vector<32x128xi1>, vector<32x128xf32>
    %jit3A_1396 = arith.constant 125 : i32
    %broadcast_in_dim3A_1397 = vector.broadcast %jit3A_1396 : i32 to vector<32x128xi32>
    %select_n3A_1398 = arith.select %lt3A_1394, %broadcast_in_dim3A_1397, %select_n3A_1387 : vector<32x128xi1>, vector<32x128xi32>
    %get3A_1399 = arith.constant 4032 : index
    %get3A_1400 = arith.constant 0 : index
    %get3A_1401 = vector.load %arg4[%get3A_1399, %get3A_1400] : memref<8192x128xf32, #tpu.memory_space<vmem>>, vector<32x128xf32>
    %add3A_1402 = arith.addf %broadcast_in_dim3A_13, %get3A_1401 : vector<32x128xf32>
    %slice3A_1403 = vector.extract_strided_slice %dot_general3A_7 {offsets = [4032, 0], sizes = [32, 128], strides = [1, 1]} : vector<8192x128xf32> to vector<32x128xf32>
    %sub3A_1404 = arith.subf %add3A_1402, %slice3A_1403 : vector<32x128xf32>
    %lt3A_1405 = arith.cmpf olt, %sub3A_1404, %select_n3A_1395 : vector<32x128xf32>
    %select_n3A_1406 = arith.select %lt3A_1405, %sub3A_1404, %select_n3A_1395 : vector<32x128xi1>, vector<32x128xf32>
    %jit3A_1407 = arith.constant 126 : i32
    %broadcast_in_dim3A_1408 = vector.broadcast %jit3A_1407 : i32 to vector<32x128xi32>
    %select_n3A_1409 = arith.select %lt3A_1405, %broadcast_in_dim3A_1408, %select_n3A_1398 : vector<32x128xi1>, vector<32x128xi32>
    %get3A_1410 = arith.constant 4064 : index
    %get3A_1411 = arith.constant 0 : index
    %get3A_1412 = vector.load %arg4[%get3A_1410, %get3A_1411] : memref<8192x128xf32, #tpu.memory_space<vmem>>, vector<32x128xf32>
    %add3A_1413 = arith.addf %broadcast_in_dim3A_13, %get3A_1412 : vector<32x128xf32>
    %slice3A_1414 = vector.extract_strided_slice %dot_general3A_7 {offsets = [4064, 0], sizes = [32, 128], strides = [1, 1]} : vector<8192x128xf32> to vector<32x128xf32>
    %sub3A_1415 = arith.subf %add3A_1413, %slice3A_1414 : vector<32x128xf32>
    %lt3A_1416 = arith.cmpf olt, %sub3A_1415, %select_n3A_1406 : vector<32x128xf32>
    %select_n3A_1417 = arith.select %lt3A_1416, %sub3A_1415, %select_n3A_1406 : vector<32x128xi1>, vector<32x128xf32>
    %jit3A_1418 = arith.constant 127 : i32
    %broadcast_in_dim3A_1419 = vector.broadcast %jit3A_1418 : i32 to vector<32x128xi32>
    %select_n3A_1420 = arith.select %lt3A_1416, %broadcast_in_dim3A_1419, %select_n3A_1409 : vector<32x128xi1>, vector<32x128xi32>
    %get3A_1421 = arith.constant 4096 : index
    %get3A_1422 = arith.constant 0 : index
    %get3A_1423 = vector.load %arg4[%get3A_1421, %get3A_1422] : memref<8192x128xf32, #tpu.memory_space<vmem>>, vector<32x128xf32>
    %add3A_1424 = arith.addf %broadcast_in_dim3A_13, %get3A_1423 : vector<32x128xf32>
    %slice3A_1425 = vector.extract_strided_slice %dot_general3A_7 {offsets = [4096, 0], sizes = [32, 128], strides = [1, 1]} : vector<8192x128xf32> to vector<32x128xf32>
    %sub3A_1426 = arith.subf %add3A_1424, %slice3A_1425 : vector<32x128xf32>
    %lt3A_1427 = arith.cmpf olt, %sub3A_1426, %select_n3A_1417 : vector<32x128xf32>
    %select_n3A_1428 = arith.select %lt3A_1427, %sub3A_1426, %select_n3A_1417 : vector<32x128xi1>, vector<32x128xf32>
    %jit3A_1429 = arith.constant 128 : i32
    %broadcast_in_dim3A_1430 = vector.broadcast %jit3A_1429 : i32 to vector<32x128xi32>
    %select_n3A_1431 = arith.select %lt3A_1427, %broadcast_in_dim3A_1430, %select_n3A_1420 : vector<32x128xi1>, vector<32x128xi32>
    %get3A_1432 = arith.constant 4128 : index
    %get3A_1433 = arith.constant 0 : index
    %get3A_1434 = vector.load %arg4[%get3A_1432, %get3A_1433] : memref<8192x128xf32, #tpu.memory_space<vmem>>, vector<32x128xf32>
    %add3A_1435 = arith.addf %broadcast_in_dim3A_13, %get3A_1434 : vector<32x128xf32>
    %slice3A_1436 = vector.extract_strided_slice %dot_general3A_7 {offsets = [4128, 0], sizes = [32, 128], strides = [1, 1]} : vector<8192x128xf32> to vector<32x128xf32>
    %sub3A_1437 = arith.subf %add3A_1435, %slice3A_1436 : vector<32x128xf32>
    %lt3A_1438 = arith.cmpf olt, %sub3A_1437, %select_n3A_1428 : vector<32x128xf32>
    %select_n3A_1439 = arith.select %lt3A_1438, %sub3A_1437, %select_n3A_1428 : vector<32x128xi1>, vector<32x128xf32>
    %jit3A_1440 = arith.constant 129 : i32
    %broadcast_in_dim3A_1441 = vector.broadcast %jit3A_1440 : i32 to vector<32x128xi32>
    %select_n3A_1442 = arith.select %lt3A_1438, %broadcast_in_dim3A_1441, %select_n3A_1431 : vector<32x128xi1>, vector<32x128xi32>
    %get3A_1443 = arith.constant 4160 : index
    %get3A_1444 = arith.constant 0 : index
    %get3A_1445 = vector.load %arg4[%get3A_1443, %get3A_1444] : memref<8192x128xf32, #tpu.memory_space<vmem>>, vector<32x128xf32>
    %add3A_1446 = arith.addf %broadcast_in_dim3A_13, %get3A_1445 : vector<32x128xf32>
    %slice3A_1447 = vector.extract_strided_slice %dot_general3A_7 {offsets = [4160, 0], sizes = [32, 128], strides = [1, 1]} : vector<8192x128xf32> to vector<32x128xf32>
    %sub3A_1448 = arith.subf %add3A_1446, %slice3A_1447 : vector<32x128xf32>
    %lt3A_1449 = arith.cmpf olt, %sub3A_1448, %select_n3A_1439 : vector<32x128xf32>
    %select_n3A_1450 = arith.select %lt3A_1449, %sub3A_1448, %select_n3A_1439 : vector<32x128xi1>, vector<32x128xf32>
    %jit3A_1451 = arith.constant 130 : i32
    %broadcast_in_dim3A_1452 = vector.broadcast %jit3A_1451 : i32 to vector<32x128xi32>
    %select_n3A_1453 = arith.select %lt3A_1449, %broadcast_in_dim3A_1452, %select_n3A_1442 : vector<32x128xi1>, vector<32x128xi32>
    %get3A_1454 = arith.constant 4192 : index
    %get3A_1455 = arith.constant 0 : index
    %get3A_1456 = vector.load %arg4[%get3A_1454, %get3A_1455] : memref<8192x128xf32, #tpu.memory_space<vmem>>, vector<32x128xf32>
    %add3A_1457 = arith.addf %broadcast_in_dim3A_13, %get3A_1456 : vector<32x128xf32>
    %slice3A_1458 = vector.extract_strided_slice %dot_general3A_7 {offsets = [4192, 0], sizes = [32, 128], strides = [1, 1]} : vector<8192x128xf32> to vector<32x128xf32>
    %sub3A_1459 = arith.subf %add3A_1457, %slice3A_1458 : vector<32x128xf32>
    %lt3A_1460 = arith.cmpf olt, %sub3A_1459, %select_n3A_1450 : vector<32x128xf32>
    %select_n3A_1461 = arith.select %lt3A_1460, %sub3A_1459, %select_n3A_1450 : vector<32x128xi1>, vector<32x128xf32>
    %jit3A_1462 = arith.constant 131 : i32
    %broadcast_in_dim3A_1463 = vector.broadcast %jit3A_1462 : i32 to vector<32x128xi32>
    %select_n3A_1464 = arith.select %lt3A_1460, %broadcast_in_dim3A_1463, %select_n3A_1453 : vector<32x128xi1>, vector<32x128xi32>
    %get3A_1465 = arith.constant 4224 : index
    %get3A_1466 = arith.constant 0 : index
    %get3A_1467 = vector.load %arg4[%get3A_1465, %get3A_1466] : memref<8192x128xf32, #tpu.memory_space<vmem>>, vector<32x128xf32>
    %add3A_1468 = arith.addf %broadcast_in_dim3A_13, %get3A_1467 : vector<32x128xf32>
    %slice3A_1469 = vector.extract_strided_slice %dot_general3A_7 {offsets = [4224, 0], sizes = [32, 128], strides = [1, 1]} : vector<8192x128xf32> to vector<32x128xf32>
    %sub3A_1470 = arith.subf %add3A_1468, %slice3A_1469 : vector<32x128xf32>
    %lt3A_1471 = arith.cmpf olt, %sub3A_1470, %select_n3A_1461 : vector<32x128xf32>
    %select_n3A_1472 = arith.select %lt3A_1471, %sub3A_1470, %select_n3A_1461 : vector<32x128xi1>, vector<32x128xf32>
    %jit3A_1473 = arith.constant 132 : i32
    %broadcast_in_dim3A_1474 = vector.broadcast %jit3A_1473 : i32 to vector<32x128xi32>
    %select_n3A_1475 = arith.select %lt3A_1471, %broadcast_in_dim3A_1474, %select_n3A_1464 : vector<32x128xi1>, vector<32x128xi32>
    %get3A_1476 = arith.constant 4256 : index
    %get3A_1477 = arith.constant 0 : index
    %get3A_1478 = vector.load %arg4[%get3A_1476, %get3A_1477] : memref<8192x128xf32, #tpu.memory_space<vmem>>, vector<32x128xf32>
    %add3A_1479 = arith.addf %broadcast_in_dim3A_13, %get3A_1478 : vector<32x128xf32>
    %slice3A_1480 = vector.extract_strided_slice %dot_general3A_7 {offsets = [4256, 0], sizes = [32, 128], strides = [1, 1]} : vector<8192x128xf32> to vector<32x128xf32>
    %sub3A_1481 = arith.subf %add3A_1479, %slice3A_1480 : vector<32x128xf32>
    %lt3A_1482 = arith.cmpf olt, %sub3A_1481, %select_n3A_1472 : vector<32x128xf32>
    %select_n3A_1483 = arith.select %lt3A_1482, %sub3A_1481, %select_n3A_1472 : vector<32x128xi1>, vector<32x128xf32>
    %jit3A_1484 = arith.constant 133 : i32
    %broadcast_in_dim3A_1485 = vector.broadcast %jit3A_1484 : i32 to vector<32x128xi32>
    %select_n3A_1486 = arith.select %lt3A_1482, %broadcast_in_dim3A_1485, %select_n3A_1475 : vector<32x128xi1>, vector<32x128xi32>
    %get3A_1487 = arith.constant 4288 : index
    %get3A_1488 = arith.constant 0 : index
    %get3A_1489 = vector.load %arg4[%get3A_1487, %get3A_1488] : memref<8192x128xf32, #tpu.memory_space<vmem>>, vector<32x128xf32>
    %add3A_1490 = arith.addf %broadcast_in_dim3A_13, %get3A_1489 : vector<32x128xf32>
    %slice3A_1491 = vector.extract_strided_slice %dot_general3A_7 {offsets = [4288, 0], sizes = [32, 128], strides = [1, 1]} : vector<8192x128xf32> to vector<32x128xf32>
    %sub3A_1492 = arith.subf %add3A_1490, %slice3A_1491 : vector<32x128xf32>
    %lt3A_1493 = arith.cmpf olt, %sub3A_1492, %select_n3A_1483 : vector<32x128xf32>
    %select_n3A_1494 = arith.select %lt3A_1493, %sub3A_1492, %select_n3A_1483 : vector<32x128xi1>, vector<32x128xf32>
    %jit3A_1495 = arith.constant 134 : i32
    %broadcast_in_dim3A_1496 = vector.broadcast %jit3A_1495 : i32 to vector<32x128xi32>
    %select_n3A_1497 = arith.select %lt3A_1493, %broadcast_in_dim3A_1496, %select_n3A_1486 : vector<32x128xi1>, vector<32x128xi32>
    %get3A_1498 = arith.constant 4320 : index
    %get3A_1499 = arith.constant 0 : index
    %get3A_1500 = vector.load %arg4[%get3A_1498, %get3A_1499] : memref<8192x128xf32, #tpu.memory_space<vmem>>, vector<32x128xf32>
    %add3A_1501 = arith.addf %broadcast_in_dim3A_13, %get3A_1500 : vector<32x128xf32>
    %slice3A_1502 = vector.extract_strided_slice %dot_general3A_7 {offsets = [4320, 0], sizes = [32, 128], strides = [1, 1]} : vector<8192x128xf32> to vector<32x128xf32>
    %sub3A_1503 = arith.subf %add3A_1501, %slice3A_1502 : vector<32x128xf32>
    %lt3A_1504 = arith.cmpf olt, %sub3A_1503, %select_n3A_1494 : vector<32x128xf32>
    %select_n3A_1505 = arith.select %lt3A_1504, %sub3A_1503, %select_n3A_1494 : vector<32x128xi1>, vector<32x128xf32>
    %jit3A_1506 = arith.constant 135 : i32
    %broadcast_in_dim3A_1507 = vector.broadcast %jit3A_1506 : i32 to vector<32x128xi32>
    %select_n3A_1508 = arith.select %lt3A_1504, %broadcast_in_dim3A_1507, %select_n3A_1497 : vector<32x128xi1>, vector<32x128xi32>
    %get3A_1509 = arith.constant 4352 : index
    %get3A_1510 = arith.constant 0 : index
    %get3A_1511 = vector.load %arg4[%get3A_1509, %get3A_1510] : memref<8192x128xf32, #tpu.memory_space<vmem>>, vector<32x128xf32>
    %add3A_1512 = arith.addf %broadcast_in_dim3A_13, %get3A_1511 : vector<32x128xf32>
    %slice3A_1513 = vector.extract_strided_slice %dot_general3A_7 {offsets = [4352, 0], sizes = [32, 128], strides = [1, 1]} : vector<8192x128xf32> to vector<32x128xf32>
    %sub3A_1514 = arith.subf %add3A_1512, %slice3A_1513 : vector<32x128xf32>
    %lt3A_1515 = arith.cmpf olt, %sub3A_1514, %select_n3A_1505 : vector<32x128xf32>
    %select_n3A_1516 = arith.select %lt3A_1515, %sub3A_1514, %select_n3A_1505 : vector<32x128xi1>, vector<32x128xf32>
    %jit3A_1517 = arith.constant 136 : i32
    %broadcast_in_dim3A_1518 = vector.broadcast %jit3A_1517 : i32 to vector<32x128xi32>
    %select_n3A_1519 = arith.select %lt3A_1515, %broadcast_in_dim3A_1518, %select_n3A_1508 : vector<32x128xi1>, vector<32x128xi32>
    %get3A_1520 = arith.constant 4384 : index
    %get3A_1521 = arith.constant 0 : index
    %get3A_1522 = vector.load %arg4[%get3A_1520, %get3A_1521] : memref<8192x128xf32, #tpu.memory_space<vmem>>, vector<32x128xf32>
    %add3A_1523 = arith.addf %broadcast_in_dim3A_13, %get3A_1522 : vector<32x128xf32>
    %slice3A_1524 = vector.extract_strided_slice %dot_general3A_7 {offsets = [4384, 0], sizes = [32, 128], strides = [1, 1]} : vector<8192x128xf32> to vector<32x128xf32>
    %sub3A_1525 = arith.subf %add3A_1523, %slice3A_1524 : vector<32x128xf32>
    %lt3A_1526 = arith.cmpf olt, %sub3A_1525, %select_n3A_1516 : vector<32x128xf32>
    %select_n3A_1527 = arith.select %lt3A_1526, %sub3A_1525, %select_n3A_1516 : vector<32x128xi1>, vector<32x128xf32>
    %jit3A_1528 = arith.constant 137 : i32
    %broadcast_in_dim3A_1529 = vector.broadcast %jit3A_1528 : i32 to vector<32x128xi32>
    %select_n3A_1530 = arith.select %lt3A_1526, %broadcast_in_dim3A_1529, %select_n3A_1519 : vector<32x128xi1>, vector<32x128xi32>
    %get3A_1531 = arith.constant 4416 : index
    %get3A_1532 = arith.constant 0 : index
    %get3A_1533 = vector.load %arg4[%get3A_1531, %get3A_1532] : memref<8192x128xf32, #tpu.memory_space<vmem>>, vector<32x128xf32>
    %add3A_1534 = arith.addf %broadcast_in_dim3A_13, %get3A_1533 : vector<32x128xf32>
    %slice3A_1535 = vector.extract_strided_slice %dot_general3A_7 {offsets = [4416, 0], sizes = [32, 128], strides = [1, 1]} : vector<8192x128xf32> to vector<32x128xf32>
    %sub3A_1536 = arith.subf %add3A_1534, %slice3A_1535 : vector<32x128xf32>
    %lt3A_1537 = arith.cmpf olt, %sub3A_1536, %select_n3A_1527 : vector<32x128xf32>
    %select_n3A_1538 = arith.select %lt3A_1537, %sub3A_1536, %select_n3A_1527 : vector<32x128xi1>, vector<32x128xf32>
    %jit3A_1539 = arith.constant 138 : i32
    %broadcast_in_dim3A_1540 = vector.broadcast %jit3A_1539 : i32 to vector<32x128xi32>
    %select_n3A_1541 = arith.select %lt3A_1537, %broadcast_in_dim3A_1540, %select_n3A_1530 : vector<32x128xi1>, vector<32x128xi32>
    %get3A_1542 = arith.constant 4448 : index
    %get3A_1543 = arith.constant 0 : index
    %get3A_1544 = vector.load %arg4[%get3A_1542, %get3A_1543] : memref<8192x128xf32, #tpu.memory_space<vmem>>, vector<32x128xf32>
    %add3A_1545 = arith.addf %broadcast_in_dim3A_13, %get3A_1544 : vector<32x128xf32>
    %slice3A_1546 = vector.extract_strided_slice %dot_general3A_7 {offsets = [4448, 0], sizes = [32, 128], strides = [1, 1]} : vector<8192x128xf32> to vector<32x128xf32>
    %sub3A_1547 = arith.subf %add3A_1545, %slice3A_1546 : vector<32x128xf32>
    %lt3A_1548 = arith.cmpf olt, %sub3A_1547, %select_n3A_1538 : vector<32x128xf32>
    %select_n3A_1549 = arith.select %lt3A_1548, %sub3A_1547, %select_n3A_1538 : vector<32x128xi1>, vector<32x128xf32>
    %jit3A_1550 = arith.constant 139 : i32
    %broadcast_in_dim3A_1551 = vector.broadcast %jit3A_1550 : i32 to vector<32x128xi32>
    %select_n3A_1552 = arith.select %lt3A_1548, %broadcast_in_dim3A_1551, %select_n3A_1541 : vector<32x128xi1>, vector<32x128xi32>
    %get3A_1553 = arith.constant 4480 : index
    %get3A_1554 = arith.constant 0 : index
    %get3A_1555 = vector.load %arg4[%get3A_1553, %get3A_1554] : memref<8192x128xf32, #tpu.memory_space<vmem>>, vector<32x128xf32>
    %add3A_1556 = arith.addf %broadcast_in_dim3A_13, %get3A_1555 : vector<32x128xf32>
    %slice3A_1557 = vector.extract_strided_slice %dot_general3A_7 {offsets = [4480, 0], sizes = [32, 128], strides = [1, 1]} : vector<8192x128xf32> to vector<32x128xf32>
    %sub3A_1558 = arith.subf %add3A_1556, %slice3A_1557 : vector<32x128xf32>
    %lt3A_1559 = arith.cmpf olt, %sub3A_1558, %select_n3A_1549 : vector<32x128xf32>
    %select_n3A_1560 = arith.select %lt3A_1559, %sub3A_1558, %select_n3A_1549 : vector<32x128xi1>, vector<32x128xf32>
    %jit3A_1561 = arith.constant 140 : i32
    %broadcast_in_dim3A_1562 = vector.broadcast %jit3A_1561 : i32 to vector<32x128xi32>
    %select_n3A_1563 = arith.select %lt3A_1559, %broadcast_in_dim3A_1562, %select_n3A_1552 : vector<32x128xi1>, vector<32x128xi32>
    %get3A_1564 = arith.constant 4512 : index
    %get3A_1565 = arith.constant 0 : index
    %get3A_1566 = vector.load %arg4[%get3A_1564, %get3A_1565] : memref<8192x128xf32, #tpu.memory_space<vmem>>, vector<32x128xf32>
    %add3A_1567 = arith.addf %broadcast_in_dim3A_13, %get3A_1566 : vector<32x128xf32>
    %slice3A_1568 = vector.extract_strided_slice %dot_general3A_7 {offsets = [4512, 0], sizes = [32, 128], strides = [1, 1]} : vector<8192x128xf32> to vector<32x128xf32>
    %sub3A_1569 = arith.subf %add3A_1567, %slice3A_1568 : vector<32x128xf32>
    %lt3A_1570 = arith.cmpf olt, %sub3A_1569, %select_n3A_1560 : vector<32x128xf32>
    %select_n3A_1571 = arith.select %lt3A_1570, %sub3A_1569, %select_n3A_1560 : vector<32x128xi1>, vector<32x128xf32>
    %jit3A_1572 = arith.constant 141 : i32
    %broadcast_in_dim3A_1573 = vector.broadcast %jit3A_1572 : i32 to vector<32x128xi32>
    %select_n3A_1574 = arith.select %lt3A_1570, %broadcast_in_dim3A_1573, %select_n3A_1563 : vector<32x128xi1>, vector<32x128xi32>
    %get3A_1575 = arith.constant 4544 : index
    %get3A_1576 = arith.constant 0 : index
    %get3A_1577 = vector.load %arg4[%get3A_1575, %get3A_1576] : memref<8192x128xf32, #tpu.memory_space<vmem>>, vector<32x128xf32>
    %add3A_1578 = arith.addf %broadcast_in_dim3A_13, %get3A_1577 : vector<32x128xf32>
    %slice3A_1579 = vector.extract_strided_slice %dot_general3A_7 {offsets = [4544, 0], sizes = [32, 128], strides = [1, 1]} : vector<8192x128xf32> to vector<32x128xf32>
    %sub3A_1580 = arith.subf %add3A_1578, %slice3A_1579 : vector<32x128xf32>
    %lt3A_1581 = arith.cmpf olt, %sub3A_1580, %select_n3A_1571 : vector<32x128xf32>
    %select_n3A_1582 = arith.select %lt3A_1581, %sub3A_1580, %select_n3A_1571 : vector<32x128xi1>, vector<32x128xf32>
    %jit3A_1583 = arith.constant 142 : i32
    %broadcast_in_dim3A_1584 = vector.broadcast %jit3A_1583 : i32 to vector<32x128xi32>
    %select_n3A_1585 = arith.select %lt3A_1581, %broadcast_in_dim3A_1584, %select_n3A_1574 : vector<32x128xi1>, vector<32x128xi32>
    %get3A_1586 = arith.constant 4576 : index
    %get3A_1587 = arith.constant 0 : index
    %get3A_1588 = vector.load %arg4[%get3A_1586, %get3A_1587] : memref<8192x128xf32, #tpu.memory_space<vmem>>, vector<32x128xf32>
    %add3A_1589 = arith.addf %broadcast_in_dim3A_13, %get3A_1588 : vector<32x128xf32>
    %slice3A_1590 = vector.extract_strided_slice %dot_general3A_7 {offsets = [4576, 0], sizes = [32, 128], strides = [1, 1]} : vector<8192x128xf32> to vector<32x128xf32>
    %sub3A_1591 = arith.subf %add3A_1589, %slice3A_1590 : vector<32x128xf32>
    %lt3A_1592 = arith.cmpf olt, %sub3A_1591, %select_n3A_1582 : vector<32x128xf32>
    %select_n3A_1593 = arith.select %lt3A_1592, %sub3A_1591, %select_n3A_1582 : vector<32x128xi1>, vector<32x128xf32>
    %jit3A_1594 = arith.constant 143 : i32
    %broadcast_in_dim3A_1595 = vector.broadcast %jit3A_1594 : i32 to vector<32x128xi32>
    %select_n3A_1596 = arith.select %lt3A_1592, %broadcast_in_dim3A_1595, %select_n3A_1585 : vector<32x128xi1>, vector<32x128xi32>
    %get3A_1597 = arith.constant 4608 : index
    %get3A_1598 = arith.constant 0 : index
    %get3A_1599 = vector.load %arg4[%get3A_1597, %get3A_1598] : memref<8192x128xf32, #tpu.memory_space<vmem>>, vector<32x128xf32>
    %add3A_1600 = arith.addf %broadcast_in_dim3A_13, %get3A_1599 : vector<32x128xf32>
    %slice3A_1601 = vector.extract_strided_slice %dot_general3A_7 {offsets = [4608, 0], sizes = [32, 128], strides = [1, 1]} : vector<8192x128xf32> to vector<32x128xf32>
    %sub3A_1602 = arith.subf %add3A_1600, %slice3A_1601 : vector<32x128xf32>
    %lt3A_1603 = arith.cmpf olt, %sub3A_1602, %select_n3A_1593 : vector<32x128xf32>
    %select_n3A_1604 = arith.select %lt3A_1603, %sub3A_1602, %select_n3A_1593 : vector<32x128xi1>, vector<32x128xf32>
    %jit3A_1605 = arith.constant 144 : i32
    %broadcast_in_dim3A_1606 = vector.broadcast %jit3A_1605 : i32 to vector<32x128xi32>
    %select_n3A_1607 = arith.select %lt3A_1603, %broadcast_in_dim3A_1606, %select_n3A_1596 : vector<32x128xi1>, vector<32x128xi32>
    %get3A_1608 = arith.constant 4640 : index
    %get3A_1609 = arith.constant 0 : index
    %get3A_1610 = vector.load %arg4[%get3A_1608, %get3A_1609] : memref<8192x128xf32, #tpu.memory_space<vmem>>, vector<32x128xf32>
    %add3A_1611 = arith.addf %broadcast_in_dim3A_13, %get3A_1610 : vector<32x128xf32>
    %slice3A_1612 = vector.extract_strided_slice %dot_general3A_7 {offsets = [4640, 0], sizes = [32, 128], strides = [1, 1]} : vector<8192x128xf32> to vector<32x128xf32>
    %sub3A_1613 = arith.subf %add3A_1611, %slice3A_1612 : vector<32x128xf32>
    %lt3A_1614 = arith.cmpf olt, %sub3A_1613, %select_n3A_1604 : vector<32x128xf32>
    %select_n3A_1615 = arith.select %lt3A_1614, %sub3A_1613, %select_n3A_1604 : vector<32x128xi1>, vector<32x128xf32>
    %jit3A_1616 = arith.constant 145 : i32
    %broadcast_in_dim3A_1617 = vector.broadcast %jit3A_1616 : i32 to vector<32x128xi32>
    %select_n3A_1618 = arith.select %lt3A_1614, %broadcast_in_dim3A_1617, %select_n3A_1607 : vector<32x128xi1>, vector<32x128xi32>
    %get3A_1619 = arith.constant 4672 : index
    %get3A_1620 = arith.constant 0 : index
    %get3A_1621 = vector.load %arg4[%get3A_1619, %get3A_1620] : memref<8192x128xf32, #tpu.memory_space<vmem>>, vector<32x128xf32>
    %add3A_1622 = arith.addf %broadcast_in_dim3A_13, %get3A_1621 : vector<32x128xf32>
    %slice3A_1623 = vector.extract_strided_slice %dot_general3A_7 {offsets = [4672, 0], sizes = [32, 128], strides = [1, 1]} : vector<8192x128xf32> to vector<32x128xf32>
    %sub3A_1624 = arith.subf %add3A_1622, %slice3A_1623 : vector<32x128xf32>
    %lt3A_1625 = arith.cmpf olt, %sub3A_1624, %select_n3A_1615 : vector<32x128xf32>
    %select_n3A_1626 = arith.select %lt3A_1625, %sub3A_1624, %select_n3A_1615 : vector<32x128xi1>, vector<32x128xf32>
    %jit3A_1627 = arith.constant 146 : i32
    %broadcast_in_dim3A_1628 = vector.broadcast %jit3A_1627 : i32 to vector<32x128xi32>
    %select_n3A_1629 = arith.select %lt3A_1625, %broadcast_in_dim3A_1628, %select_n3A_1618 : vector<32x128xi1>, vector<32x128xi32>
    %get3A_1630 = arith.constant 4704 : index
    %get3A_1631 = arith.constant 0 : index
    %get3A_1632 = vector.load %arg4[%get3A_1630, %get3A_1631] : memref<8192x128xf32, #tpu.memory_space<vmem>>, vector<32x128xf32>
    %add3A_1633 = arith.addf %broadcast_in_dim3A_13, %get3A_1632 : vector<32x128xf32>
    %slice3A_1634 = vector.extract_strided_slice %dot_general3A_7 {offsets = [4704, 0], sizes = [32, 128], strides = [1, 1]} : vector<8192x128xf32> to vector<32x128xf32>
    %sub3A_1635 = arith.subf %add3A_1633, %slice3A_1634 : vector<32x128xf32>
    %lt3A_1636 = arith.cmpf olt, %sub3A_1635, %select_n3A_1626 : vector<32x128xf32>
    %select_n3A_1637 = arith.select %lt3A_1636, %sub3A_1635, %select_n3A_1626 : vector<32x128xi1>, vector<32x128xf32>
    %jit3A_1638 = arith.constant 147 : i32
    %broadcast_in_dim3A_1639 = vector.broadcast %jit3A_1638 : i32 to vector<32x128xi32>
    %select_n3A_1640 = arith.select %lt3A_1636, %broadcast_in_dim3A_1639, %select_n3A_1629 : vector<32x128xi1>, vector<32x128xi32>
    %get3A_1641 = arith.constant 4736 : index
    %get3A_1642 = arith.constant 0 : index
    %get3A_1643 = vector.load %arg4[%get3A_1641, %get3A_1642] : memref<8192x128xf32, #tpu.memory_space<vmem>>, vector<32x128xf32>
    %add3A_1644 = arith.addf %broadcast_in_dim3A_13, %get3A_1643 : vector<32x128xf32>
    %slice3A_1645 = vector.extract_strided_slice %dot_general3A_7 {offsets = [4736, 0], sizes = [32, 128], strides = [1, 1]} : vector<8192x128xf32> to vector<32x128xf32>
    %sub3A_1646 = arith.subf %add3A_1644, %slice3A_1645 : vector<32x128xf32>
    %lt3A_1647 = arith.cmpf olt, %sub3A_1646, %select_n3A_1637 : vector<32x128xf32>
    %select_n3A_1648 = arith.select %lt3A_1647, %sub3A_1646, %select_n3A_1637 : vector<32x128xi1>, vector<32x128xf32>
    %jit3A_1649 = arith.constant 148 : i32
    %broadcast_in_dim3A_1650 = vector.broadcast %jit3A_1649 : i32 to vector<32x128xi32>
    %select_n3A_1651 = arith.select %lt3A_1647, %broadcast_in_dim3A_1650, %select_n3A_1640 : vector<32x128xi1>, vector<32x128xi32>
    %get3A_1652 = arith.constant 4768 : index
    %get3A_1653 = arith.constant 0 : index
    %get3A_1654 = vector.load %arg4[%get3A_1652, %get3A_1653] : memref<8192x128xf32, #tpu.memory_space<vmem>>, vector<32x128xf32>
    %add3A_1655 = arith.addf %broadcast_in_dim3A_13, %get3A_1654 : vector<32x128xf32>
    %slice3A_1656 = vector.extract_strided_slice %dot_general3A_7 {offsets = [4768, 0], sizes = [32, 128], strides = [1, 1]} : vector<8192x128xf32> to vector<32x128xf32>
    %sub3A_1657 = arith.subf %add3A_1655, %slice3A_1656 : vector<32x128xf32>
    %lt3A_1658 = arith.cmpf olt, %sub3A_1657, %select_n3A_1648 : vector<32x128xf32>
    %select_n3A_1659 = arith.select %lt3A_1658, %sub3A_1657, %select_n3A_1648 : vector<32x128xi1>, vector<32x128xf32>
    %jit3A_1660 = arith.constant 149 : i32
    %broadcast_in_dim3A_1661 = vector.broadcast %jit3A_1660 : i32 to vector<32x128xi32>
    %select_n3A_1662 = arith.select %lt3A_1658, %broadcast_in_dim3A_1661, %select_n3A_1651 : vector<32x128xi1>, vector<32x128xi32>
    %get3A_1663 = arith.constant 4800 : index
    %get3A_1664 = arith.constant 0 : index
    %get3A_1665 = vector.load %arg4[%get3A_1663, %get3A_1664] : memref<8192x128xf32, #tpu.memory_space<vmem>>, vector<32x128xf32>
    %add3A_1666 = arith.addf %broadcast_in_dim3A_13, %get3A_1665 : vector<32x128xf32>
    %slice3A_1667 = vector.extract_strided_slice %dot_general3A_7 {offsets = [4800, 0], sizes = [32, 128], strides = [1, 1]} : vector<8192x128xf32> to vector<32x128xf32>
    %sub3A_1668 = arith.subf %add3A_1666, %slice3A_1667 : vector<32x128xf32>
    %lt3A_1669 = arith.cmpf olt, %sub3A_1668, %select_n3A_1659 : vector<32x128xf32>
    %select_n3A_1670 = arith.select %lt3A_1669, %sub3A_1668, %select_n3A_1659 : vector<32x128xi1>, vector<32x128xf32>
    %jit3A_1671 = arith.constant 150 : i32
    %broadcast_in_dim3A_1672 = vector.broadcast %jit3A_1671 : i32 to vector<32x128xi32>
    %select_n3A_1673 = arith.select %lt3A_1669, %broadcast_in_dim3A_1672, %select_n3A_1662 : vector<32x128xi1>, vector<32x128xi32>
    %get3A_1674 = arith.constant 4832 : index
    %get3A_1675 = arith.constant 0 : index
    %get3A_1676 = vector.load %arg4[%get3A_1674, %get3A_1675] : memref<8192x128xf32, #tpu.memory_space<vmem>>, vector<32x128xf32>
    %add3A_1677 = arith.addf %broadcast_in_dim3A_13, %get3A_1676 : vector<32x128xf32>
    %slice3A_1678 = vector.extract_strided_slice %dot_general3A_7 {offsets = [4832, 0], sizes = [32, 128], strides = [1, 1]} : vector<8192x128xf32> to vector<32x128xf32>
    %sub3A_1679 = arith.subf %add3A_1677, %slice3A_1678 : vector<32x128xf32>
    %lt3A_1680 = arith.cmpf olt, %sub3A_1679, %select_n3A_1670 : vector<32x128xf32>
    %select_n3A_1681 = arith.select %lt3A_1680, %sub3A_1679, %select_n3A_1670 : vector<32x128xi1>, vector<32x128xf32>
    %jit3A_1682 = arith.constant 151 : i32
    %broadcast_in_dim3A_1683 = vector.broadcast %jit3A_1682 : i32 to vector<32x128xi32>
    %select_n3A_1684 = arith.select %lt3A_1680, %broadcast_in_dim3A_1683, %select_n3A_1673 : vector<32x128xi1>, vector<32x128xi32>
    %get3A_1685 = arith.constant 4864 : index
    %get3A_1686 = arith.constant 0 : index
    %get3A_1687 = vector.load %arg4[%get3A_1685, %get3A_1686] : memref<8192x128xf32, #tpu.memory_space<vmem>>, vector<32x128xf32>
    %add3A_1688 = arith.addf %broadcast_in_dim3A_13, %get3A_1687 : vector<32x128xf32>
    %slice3A_1689 = vector.extract_strided_slice %dot_general3A_7 {offsets = [4864, 0], sizes = [32, 128], strides = [1, 1]} : vector<8192x128xf32> to vector<32x128xf32>
    %sub3A_1690 = arith.subf %add3A_1688, %slice3A_1689 : vector<32x128xf32>
    %lt3A_1691 = arith.cmpf olt, %sub3A_1690, %select_n3A_1681 : vector<32x128xf32>
    %select_n3A_1692 = arith.select %lt3A_1691, %sub3A_1690, %select_n3A_1681 : vector<32x128xi1>, vector<32x128xf32>
    %jit3A_1693 = arith.constant 152 : i32
    %broadcast_in_dim3A_1694 = vector.broadcast %jit3A_1693 : i32 to vector<32x128xi32>
    %select_n3A_1695 = arith.select %lt3A_1691, %broadcast_in_dim3A_1694, %select_n3A_1684 : vector<32x128xi1>, vector<32x128xi32>
    %get3A_1696 = arith.constant 4896 : index
    %get3A_1697 = arith.constant 0 : index
    %get3A_1698 = vector.load %arg4[%get3A_1696, %get3A_1697] : memref<8192x128xf32, #tpu.memory_space<vmem>>, vector<32x128xf32>
    %add3A_1699 = arith.addf %broadcast_in_dim3A_13, %get3A_1698 : vector<32x128xf32>
    %slice3A_1700 = vector.extract_strided_slice %dot_general3A_7 {offsets = [4896, 0], sizes = [32, 128], strides = [1, 1]} : vector<8192x128xf32> to vector<32x128xf32>
    %sub3A_1701 = arith.subf %add3A_1699, %slice3A_1700 : vector<32x128xf32>
    %lt3A_1702 = arith.cmpf olt, %sub3A_1701, %select_n3A_1692 : vector<32x128xf32>
    %select_n3A_1703 = arith.select %lt3A_1702, %sub3A_1701, %select_n3A_1692 : vector<32x128xi1>, vector<32x128xf32>
    %jit3A_1704 = arith.constant 153 : i32
    %broadcast_in_dim3A_1705 = vector.broadcast %jit3A_1704 : i32 to vector<32x128xi32>
    %select_n3A_1706 = arith.select %lt3A_1702, %broadcast_in_dim3A_1705, %select_n3A_1695 : vector<32x128xi1>, vector<32x128xi32>
    %get3A_1707 = arith.constant 4928 : index
    %get3A_1708 = arith.constant 0 : index
    %get3A_1709 = vector.load %arg4[%get3A_1707, %get3A_1708] : memref<8192x128xf32, #tpu.memory_space<vmem>>, vector<32x128xf32>
    %add3A_1710 = arith.addf %broadcast_in_dim3A_13, %get3A_1709 : vector<32x128xf32>
    %slice3A_1711 = vector.extract_strided_slice %dot_general3A_7 {offsets = [4928, 0], sizes = [32, 128], strides = [1, 1]} : vector<8192x128xf32> to vector<32x128xf32>
    %sub3A_1712 = arith.subf %add3A_1710, %slice3A_1711 : vector<32x128xf32>
    %lt3A_1713 = arith.cmpf olt, %sub3A_1712, %select_n3A_1703 : vector<32x128xf32>
    %select_n3A_1714 = arith.select %lt3A_1713, %sub3A_1712, %select_n3A_1703 : vector<32x128xi1>, vector<32x128xf32>
    %jit3A_1715 = arith.constant 154 : i32
    %broadcast_in_dim3A_1716 = vector.broadcast %jit3A_1715 : i32 to vector<32x128xi32>
    %select_n3A_1717 = arith.select %lt3A_1713, %broadcast_in_dim3A_1716, %select_n3A_1706 : vector<32x128xi1>, vector<32x128xi32>
    %get3A_1718 = arith.constant 4960 : index
    %get3A_1719 = arith.constant 0 : index
    %get3A_1720 = vector.load %arg4[%get3A_1718, %get3A_1719] : memref<8192x128xf32, #tpu.memory_space<vmem>>, vector<32x128xf32>
    %add3A_1721 = arith.addf %broadcast_in_dim3A_13, %get3A_1720 : vector<32x128xf32>
    %slice3A_1722 = vector.extract_strided_slice %dot_general3A_7 {offsets = [4960, 0], sizes = [32, 128], strides = [1, 1]} : vector<8192x128xf32> to vector<32x128xf32>
    %sub3A_1723 = arith.subf %add3A_1721, %slice3A_1722 : vector<32x128xf32>
    %lt3A_1724 = arith.cmpf olt, %sub3A_1723, %select_n3A_1714 : vector<32x128xf32>
    %select_n3A_1725 = arith.select %lt3A_1724, %sub3A_1723, %select_n3A_1714 : vector<32x128xi1>, vector<32x128xf32>
    %jit3A_1726 = arith.constant 155 : i32
    %broadcast_in_dim3A_1727 = vector.broadcast %jit3A_1726 : i32 to vector<32x128xi32>
    %select_n3A_1728 = arith.select %lt3A_1724, %broadcast_in_dim3A_1727, %select_n3A_1717 : vector<32x128xi1>, vector<32x128xi32>
    %get3A_1729 = arith.constant 4992 : index
    %get3A_1730 = arith.constant 0 : index
    %get3A_1731 = vector.load %arg4[%get3A_1729, %get3A_1730] : memref<8192x128xf32, #tpu.memory_space<vmem>>, vector<32x128xf32>
    %add3A_1732 = arith.addf %broadcast_in_dim3A_13, %get3A_1731 : vector<32x128xf32>
    %slice3A_1733 = vector.extract_strided_slice %dot_general3A_7 {offsets = [4992, 0], sizes = [32, 128], strides = [1, 1]} : vector<8192x128xf32> to vector<32x128xf32>
    %sub3A_1734 = arith.subf %add3A_1732, %slice3A_1733 : vector<32x128xf32>
    %lt3A_1735 = arith.cmpf olt, %sub3A_1734, %select_n3A_1725 : vector<32x128xf32>
    %select_n3A_1736 = arith.select %lt3A_1735, %sub3A_1734, %select_n3A_1725 : vector<32x128xi1>, vector<32x128xf32>
    %jit3A_1737 = arith.constant 156 : i32
    %broadcast_in_dim3A_1738 = vector.broadcast %jit3A_1737 : i32 to vector<32x128xi32>
    %select_n3A_1739 = arith.select %lt3A_1735, %broadcast_in_dim3A_1738, %select_n3A_1728 : vector<32x128xi1>, vector<32x128xi32>
    %get3A_1740 = arith.constant 5024 : index
    %get3A_1741 = arith.constant 0 : index
    %get3A_1742 = vector.load %arg4[%get3A_1740, %get3A_1741] : memref<8192x128xf32, #tpu.memory_space<vmem>>, vector<32x128xf32>
    %add3A_1743 = arith.addf %broadcast_in_dim3A_13, %get3A_1742 : vector<32x128xf32>
    %slice3A_1744 = vector.extract_strided_slice %dot_general3A_7 {offsets = [5024, 0], sizes = [32, 128], strides = [1, 1]} : vector<8192x128xf32> to vector<32x128xf32>
    %sub3A_1745 = arith.subf %add3A_1743, %slice3A_1744 : vector<32x128xf32>
    %lt3A_1746 = arith.cmpf olt, %sub3A_1745, %select_n3A_1736 : vector<32x128xf32>
    %select_n3A_1747 = arith.select %lt3A_1746, %sub3A_1745, %select_n3A_1736 : vector<32x128xi1>, vector<32x128xf32>
    %jit3A_1748 = arith.constant 157 : i32
    %broadcast_in_dim3A_1749 = vector.broadcast %jit3A_1748 : i32 to vector<32x128xi32>
    %select_n3A_1750 = arith.select %lt3A_1746, %broadcast_in_dim3A_1749, %select_n3A_1739 : vector<32x128xi1>, vector<32x128xi32>
    %get3A_1751 = arith.constant 5056 : index
    %get3A_1752 = arith.constant 0 : index
    %get3A_1753 = vector.load %arg4[%get3A_1751, %get3A_1752] : memref<8192x128xf32, #tpu.memory_space<vmem>>, vector<32x128xf32>
    %add3A_1754 = arith.addf %broadcast_in_dim3A_13, %get3A_1753 : vector<32x128xf32>
    %slice3A_1755 = vector.extract_strided_slice %dot_general3A_7 {offsets = [5056, 0], sizes = [32, 128], strides = [1, 1]} : vector<8192x128xf32> to vector<32x128xf32>
    %sub3A_1756 = arith.subf %add3A_1754, %slice3A_1755 : vector<32x128xf32>
    %lt3A_1757 = arith.cmpf olt, %sub3A_1756, %select_n3A_1747 : vector<32x128xf32>
    %select_n3A_1758 = arith.select %lt3A_1757, %sub3A_1756, %select_n3A_1747 : vector<32x128xi1>, vector<32x128xf32>
    %jit3A_1759 = arith.constant 158 : i32
    %broadcast_in_dim3A_1760 = vector.broadcast %jit3A_1759 : i32 to vector<32x128xi32>
    %select_n3A_1761 = arith.select %lt3A_1757, %broadcast_in_dim3A_1760, %select_n3A_1750 : vector<32x128xi1>, vector<32x128xi32>
    %get3A_1762 = arith.constant 5088 : index
    %get3A_1763 = arith.constant 0 : index
    %get3A_1764 = vector.load %arg4[%get3A_1762, %get3A_1763] : memref<8192x128xf32, #tpu.memory_space<vmem>>, vector<32x128xf32>
    %add3A_1765 = arith.addf %broadcast_in_dim3A_13, %get3A_1764 : vector<32x128xf32>
    %slice3A_1766 = vector.extract_strided_slice %dot_general3A_7 {offsets = [5088, 0], sizes = [32, 128], strides = [1, 1]} : vector<8192x128xf32> to vector<32x128xf32>
    %sub3A_1767 = arith.subf %add3A_1765, %slice3A_1766 : vector<32x128xf32>
    %lt3A_1768 = arith.cmpf olt, %sub3A_1767, %select_n3A_1758 : vector<32x128xf32>
    %select_n3A_1769 = arith.select %lt3A_1768, %sub3A_1767, %select_n3A_1758 : vector<32x128xi1>, vector<32x128xf32>
    %jit3A_1770 = arith.constant 159 : i32
    %broadcast_in_dim3A_1771 = vector.broadcast %jit3A_1770 : i32 to vector<32x128xi32>
    %select_n3A_1772 = arith.select %lt3A_1768, %broadcast_in_dim3A_1771, %select_n3A_1761 : vector<32x128xi1>, vector<32x128xi32>
    %get3A_1773 = arith.constant 5120 : index
    %get3A_1774 = arith.constant 0 : index
    %get3A_1775 = vector.load %arg4[%get3A_1773, %get3A_1774] : memref<8192x128xf32, #tpu.memory_space<vmem>>, vector<32x128xf32>
    %add3A_1776 = arith.addf %broadcast_in_dim3A_13, %get3A_1775 : vector<32x128xf32>
    %slice3A_1777 = vector.extract_strided_slice %dot_general3A_7 {offsets = [5120, 0], sizes = [32, 128], strides = [1, 1]} : vector<8192x128xf32> to vector<32x128xf32>
    %sub3A_1778 = arith.subf %add3A_1776, %slice3A_1777 : vector<32x128xf32>
    %lt3A_1779 = arith.cmpf olt, %sub3A_1778, %select_n3A_1769 : vector<32x128xf32>
    %select_n3A_1780 = arith.select %lt3A_1779, %sub3A_1778, %select_n3A_1769 : vector<32x128xi1>, vector<32x128xf32>
    %jit3A_1781 = arith.constant 160 : i32
    %broadcast_in_dim3A_1782 = vector.broadcast %jit3A_1781 : i32 to vector<32x128xi32>
    %select_n3A_1783 = arith.select %lt3A_1779, %broadcast_in_dim3A_1782, %select_n3A_1772 : vector<32x128xi1>, vector<32x128xi32>
    %get3A_1784 = arith.constant 5152 : index
    %get3A_1785 = arith.constant 0 : index
    %get3A_1786 = vector.load %arg4[%get3A_1784, %get3A_1785] : memref<8192x128xf32, #tpu.memory_space<vmem>>, vector<32x128xf32>
    %add3A_1787 = arith.addf %broadcast_in_dim3A_13, %get3A_1786 : vector<32x128xf32>
    %slice3A_1788 = vector.extract_strided_slice %dot_general3A_7 {offsets = [5152, 0], sizes = [32, 128], strides = [1, 1]} : vector<8192x128xf32> to vector<32x128xf32>
    %sub3A_1789 = arith.subf %add3A_1787, %slice3A_1788 : vector<32x128xf32>
    %lt3A_1790 = arith.cmpf olt, %sub3A_1789, %select_n3A_1780 : vector<32x128xf32>
    %select_n3A_1791 = arith.select %lt3A_1790, %sub3A_1789, %select_n3A_1780 : vector<32x128xi1>, vector<32x128xf32>
    %jit3A_1792 = arith.constant 161 : i32
    %broadcast_in_dim3A_1793 = vector.broadcast %jit3A_1792 : i32 to vector<32x128xi32>
    %select_n3A_1794 = arith.select %lt3A_1790, %broadcast_in_dim3A_1793, %select_n3A_1783 : vector<32x128xi1>, vector<32x128xi32>
    %get3A_1795 = arith.constant 5184 : index
    %get3A_1796 = arith.constant 0 : index
    %get3A_1797 = vector.load %arg4[%get3A_1795, %get3A_1796] : memref<8192x128xf32, #tpu.memory_space<vmem>>, vector<32x128xf32>
    %add3A_1798 = arith.addf %broadcast_in_dim3A_13, %get3A_1797 : vector<32x128xf32>
    %slice3A_1799 = vector.extract_strided_slice %dot_general3A_7 {offsets = [5184, 0], sizes = [32, 128], strides = [1, 1]} : vector<8192x128xf32> to vector<32x128xf32>
    %sub3A_1800 = arith.subf %add3A_1798, %slice3A_1799 : vector<32x128xf32>
    %lt3A_1801 = arith.cmpf olt, %sub3A_1800, %select_n3A_1791 : vector<32x128xf32>
    %select_n3A_1802 = arith.select %lt3A_1801, %sub3A_1800, %select_n3A_1791 : vector<32x128xi1>, vector<32x128xf32>
    %jit3A_1803 = arith.constant 162 : i32
    %broadcast_in_dim3A_1804 = vector.broadcast %jit3A_1803 : i32 to vector<32x128xi32>
    %select_n3A_1805 = arith.select %lt3A_1801, %broadcast_in_dim3A_1804, %select_n3A_1794 : vector<32x128xi1>, vector<32x128xi32>
    %get3A_1806 = arith.constant 5216 : index
    %get3A_1807 = arith.constant 0 : index
    %get3A_1808 = vector.load %arg4[%get3A_1806, %get3A_1807] : memref<8192x128xf32, #tpu.memory_space<vmem>>, vector<32x128xf32>
    %add3A_1809 = arith.addf %broadcast_in_dim3A_13, %get3A_1808 : vector<32x128xf32>
    %slice3A_1810 = vector.extract_strided_slice %dot_general3A_7 {offsets = [5216, 0], sizes = [32, 128], strides = [1, 1]} : vector<8192x128xf32> to vector<32x128xf32>
    %sub3A_1811 = arith.subf %add3A_1809, %slice3A_1810 : vector<32x128xf32>
    %lt3A_1812 = arith.cmpf olt, %sub3A_1811, %select_n3A_1802 : vector<32x128xf32>
    %select_n3A_1813 = arith.select %lt3A_1812, %sub3A_1811, %select_n3A_1802 : vector<32x128xi1>, vector<32x128xf32>
    %jit3A_1814 = arith.constant 163 : i32
    %broadcast_in_dim3A_1815 = vector.broadcast %jit3A_1814 : i32 to vector<32x128xi32>
    %select_n3A_1816 = arith.select %lt3A_1812, %broadcast_in_dim3A_1815, %select_n3A_1805 : vector<32x128xi1>, vector<32x128xi32>
    %get3A_1817 = arith.constant 5248 : index
    %get3A_1818 = arith.constant 0 : index
    %get3A_1819 = vector.load %arg4[%get3A_1817, %get3A_1818] : memref<8192x128xf32, #tpu.memory_space<vmem>>, vector<32x128xf32>
    %add3A_1820 = arith.addf %broadcast_in_dim3A_13, %get3A_1819 : vector<32x128xf32>
    %slice3A_1821 = vector.extract_strided_slice %dot_general3A_7 {offsets = [5248, 0], sizes = [32, 128], strides = [1, 1]} : vector<8192x128xf32> to vector<32x128xf32>
    %sub3A_1822 = arith.subf %add3A_1820, %slice3A_1821 : vector<32x128xf32>
    %lt3A_1823 = arith.cmpf olt, %sub3A_1822, %select_n3A_1813 : vector<32x128xf32>
    %select_n3A_1824 = arith.select %lt3A_1823, %sub3A_1822, %select_n3A_1813 : vector<32x128xi1>, vector<32x128xf32>
    %jit3A_1825 = arith.constant 164 : i32
    %broadcast_in_dim3A_1826 = vector.broadcast %jit3A_1825 : i32 to vector<32x128xi32>
    %select_n3A_1827 = arith.select %lt3A_1823, %broadcast_in_dim3A_1826, %select_n3A_1816 : vector<32x128xi1>, vector<32x128xi32>
    %get3A_1828 = arith.constant 5280 : index
    %get3A_1829 = arith.constant 0 : index
    %get3A_1830 = vector.load %arg4[%get3A_1828, %get3A_1829] : memref<8192x128xf32, #tpu.memory_space<vmem>>, vector<32x128xf32>
    %add3A_1831 = arith.addf %broadcast_in_dim3A_13, %get3A_1830 : vector<32x128xf32>
    %slice3A_1832 = vector.extract_strided_slice %dot_general3A_7 {offsets = [5280, 0], sizes = [32, 128], strides = [1, 1]} : vector<8192x128xf32> to vector<32x128xf32>
    %sub3A_1833 = arith.subf %add3A_1831, %slice3A_1832 : vector<32x128xf32>
    %lt3A_1834 = arith.cmpf olt, %sub3A_1833, %select_n3A_1824 : vector<32x128xf32>
    %select_n3A_1835 = arith.select %lt3A_1834, %sub3A_1833, %select_n3A_1824 : vector<32x128xi1>, vector<32x128xf32>
    %jit3A_1836 = arith.constant 165 : i32
    %broadcast_in_dim3A_1837 = vector.broadcast %jit3A_1836 : i32 to vector<32x128xi32>
    %select_n3A_1838 = arith.select %lt3A_1834, %broadcast_in_dim3A_1837, %select_n3A_1827 : vector<32x128xi1>, vector<32x128xi32>
    %get3A_1839 = arith.constant 5312 : index
    %get3A_1840 = arith.constant 0 : index
    %get3A_1841 = vector.load %arg4[%get3A_1839, %get3A_1840] : memref<8192x128xf32, #tpu.memory_space<vmem>>, vector<32x128xf32>
    %add3A_1842 = arith.addf %broadcast_in_dim3A_13, %get3A_1841 : vector<32x128xf32>
    %slice3A_1843 = vector.extract_strided_slice %dot_general3A_7 {offsets = [5312, 0], sizes = [32, 128], strides = [1, 1]} : vector<8192x128xf32> to vector<32x128xf32>
    %sub3A_1844 = arith.subf %add3A_1842, %slice3A_1843 : vector<32x128xf32>
    %lt3A_1845 = arith.cmpf olt, %sub3A_1844, %select_n3A_1835 : vector<32x128xf32>
    %select_n3A_1846 = arith.select %lt3A_1845, %sub3A_1844, %select_n3A_1835 : vector<32x128xi1>, vector<32x128xf32>
    %jit3A_1847 = arith.constant 166 : i32
    %broadcast_in_dim3A_1848 = vector.broadcast %jit3A_1847 : i32 to vector<32x128xi32>
    %select_n3A_1849 = arith.select %lt3A_1845, %broadcast_in_dim3A_1848, %select_n3A_1838 : vector<32x128xi1>, vector<32x128xi32>
    %get3A_1850 = arith.constant 5344 : index
    %get3A_1851 = arith.constant 0 : index
    %get3A_1852 = vector.load %arg4[%get3A_1850, %get3A_1851] : memref<8192x128xf32, #tpu.memory_space<vmem>>, vector<32x128xf32>
    %add3A_1853 = arith.addf %broadcast_in_dim3A_13, %get3A_1852 : vector<32x128xf32>
    %slice3A_1854 = vector.extract_strided_slice %dot_general3A_7 {offsets = [5344, 0], sizes = [32, 128], strides = [1, 1]} : vector<8192x128xf32> to vector<32x128xf32>
    %sub3A_1855 = arith.subf %add3A_1853, %slice3A_1854 : vector<32x128xf32>
    %lt3A_1856 = arith.cmpf olt, %sub3A_1855, %select_n3A_1846 : vector<32x128xf32>
    %select_n3A_1857 = arith.select %lt3A_1856, %sub3A_1855, %select_n3A_1846 : vector<32x128xi1>, vector<32x128xf32>
    %jit3A_1858 = arith.constant 167 : i32
    %broadcast_in_dim3A_1859 = vector.broadcast %jit3A_1858 : i32 to vector<32x128xi32>
    %select_n3A_1860 = arith.select %lt3A_1856, %broadcast_in_dim3A_1859, %select_n3A_1849 : vector<32x128xi1>, vector<32x128xi32>
    %get3A_1861 = arith.constant 5376 : index
    %get3A_1862 = arith.constant 0 : index
    %get3A_1863 = vector.load %arg4[%get3A_1861, %get3A_1862] : memref<8192x128xf32, #tpu.memory_space<vmem>>, vector<32x128xf32>
    %add3A_1864 = arith.addf %broadcast_in_dim3A_13, %get3A_1863 : vector<32x128xf32>
    %slice3A_1865 = vector.extract_strided_slice %dot_general3A_7 {offsets = [5376, 0], sizes = [32, 128], strides = [1, 1]} : vector<8192x128xf32> to vector<32x128xf32>
    %sub3A_1866 = arith.subf %add3A_1864, %slice3A_1865 : vector<32x128xf32>
    %lt3A_1867 = arith.cmpf olt, %sub3A_1866, %select_n3A_1857 : vector<32x128xf32>
    %select_n3A_1868 = arith.select %lt3A_1867, %sub3A_1866, %select_n3A_1857 : vector<32x128xi1>, vector<32x128xf32>
    %jit3A_1869 = arith.constant 168 : i32
    %broadcast_in_dim3A_1870 = vector.broadcast %jit3A_1869 : i32 to vector<32x128xi32>
    %select_n3A_1871 = arith.select %lt3A_1867, %broadcast_in_dim3A_1870, %select_n3A_1860 : vector<32x128xi1>, vector<32x128xi32>
    %get3A_1872 = arith.constant 5408 : index
    %get3A_1873 = arith.constant 0 : index
    %get3A_1874 = vector.load %arg4[%get3A_1872, %get3A_1873] : memref<8192x128xf32, #tpu.memory_space<vmem>>, vector<32x128xf32>
    %add3A_1875 = arith.addf %broadcast_in_dim3A_13, %get3A_1874 : vector<32x128xf32>
    %slice3A_1876 = vector.extract_strided_slice %dot_general3A_7 {offsets = [5408, 0], sizes = [32, 128], strides = [1, 1]} : vector<8192x128xf32> to vector<32x128xf32>
    %sub3A_1877 = arith.subf %add3A_1875, %slice3A_1876 : vector<32x128xf32>
    %lt3A_1878 = arith.cmpf olt, %sub3A_1877, %select_n3A_1868 : vector<32x128xf32>
    %select_n3A_1879 = arith.select %lt3A_1878, %sub3A_1877, %select_n3A_1868 : vector<32x128xi1>, vector<32x128xf32>
    %jit3A_1880 = arith.constant 169 : i32
    %broadcast_in_dim3A_1881 = vector.broadcast %jit3A_1880 : i32 to vector<32x128xi32>
    %select_n3A_1882 = arith.select %lt3A_1878, %broadcast_in_dim3A_1881, %select_n3A_1871 : vector<32x128xi1>, vector<32x128xi32>
    %get3A_1883 = arith.constant 5440 : index
    %get3A_1884 = arith.constant 0 : index
    %get3A_1885 = vector.load %arg4[%get3A_1883, %get3A_1884] : memref<8192x128xf32, #tpu.memory_space<vmem>>, vector<32x128xf32>
    %add3A_1886 = arith.addf %broadcast_in_dim3A_13, %get3A_1885 : vector<32x128xf32>
    %slice3A_1887 = vector.extract_strided_slice %dot_general3A_7 {offsets = [5440, 0], sizes = [32, 128], strides = [1, 1]} : vector<8192x128xf32> to vector<32x128xf32>
    %sub3A_1888 = arith.subf %add3A_1886, %slice3A_1887 : vector<32x128xf32>
    %lt3A_1889 = arith.cmpf olt, %sub3A_1888, %select_n3A_1879 : vector<32x128xf32>
    %select_n3A_1890 = arith.select %lt3A_1889, %sub3A_1888, %select_n3A_1879 : vector<32x128xi1>, vector<32x128xf32>
    %jit3A_1891 = arith.constant 170 : i32
    %broadcast_in_dim3A_1892 = vector.broadcast %jit3A_1891 : i32 to vector<32x128xi32>
    %select_n3A_1893 = arith.select %lt3A_1889, %broadcast_in_dim3A_1892, %select_n3A_1882 : vector<32x128xi1>, vector<32x128xi32>
    %get3A_1894 = arith.constant 5472 : index
    %get3A_1895 = arith.constant 0 : index
    %get3A_1896 = vector.load %arg4[%get3A_1894, %get3A_1895] : memref<8192x128xf32, #tpu.memory_space<vmem>>, vector<32x128xf32>
    %add3A_1897 = arith.addf %broadcast_in_dim3A_13, %get3A_1896 : vector<32x128xf32>
    %slice3A_1898 = vector.extract_strided_slice %dot_general3A_7 {offsets = [5472, 0], sizes = [32, 128], strides = [1, 1]} : vector<8192x128xf32> to vector<32x128xf32>
    %sub3A_1899 = arith.subf %add3A_1897, %slice3A_1898 : vector<32x128xf32>
    %lt3A_1900 = arith.cmpf olt, %sub3A_1899, %select_n3A_1890 : vector<32x128xf32>
    %select_n3A_1901 = arith.select %lt3A_1900, %sub3A_1899, %select_n3A_1890 : vector<32x128xi1>, vector<32x128xf32>
    %jit3A_1902 = arith.constant 171 : i32
    %broadcast_in_dim3A_1903 = vector.broadcast %jit3A_1902 : i32 to vector<32x128xi32>
    %select_n3A_1904 = arith.select %lt3A_1900, %broadcast_in_dim3A_1903, %select_n3A_1893 : vector<32x128xi1>, vector<32x128xi32>
    %get3A_1905 = arith.constant 5504 : index
    %get3A_1906 = arith.constant 0 : index
    %get3A_1907 = vector.load %arg4[%get3A_1905, %get3A_1906] : memref<8192x128xf32, #tpu.memory_space<vmem>>, vector<32x128xf32>
    %add3A_1908 = arith.addf %broadcast_in_dim3A_13, %get3A_1907 : vector<32x128xf32>
    %slice3A_1909 = vector.extract_strided_slice %dot_general3A_7 {offsets = [5504, 0], sizes = [32, 128], strides = [1, 1]} : vector<8192x128xf32> to vector<32x128xf32>
    %sub3A_1910 = arith.subf %add3A_1908, %slice3A_1909 : vector<32x128xf32>
    %lt3A_1911 = arith.cmpf olt, %sub3A_1910, %select_n3A_1901 : vector<32x128xf32>
    %select_n3A_1912 = arith.select %lt3A_1911, %sub3A_1910, %select_n3A_1901 : vector<32x128xi1>, vector<32x128xf32>
    %jit3A_1913 = arith.constant 172 : i32
    %broadcast_in_dim3A_1914 = vector.broadcast %jit3A_1913 : i32 to vector<32x128xi32>
    %select_n3A_1915 = arith.select %lt3A_1911, %broadcast_in_dim3A_1914, %select_n3A_1904 : vector<32x128xi1>, vector<32x128xi32>
    %get3A_1916 = arith.constant 5536 : index
    %get3A_1917 = arith.constant 0 : index
    %get3A_1918 = vector.load %arg4[%get3A_1916, %get3A_1917] : memref<8192x128xf32, #tpu.memory_space<vmem>>, vector<32x128xf32>
    %add3A_1919 = arith.addf %broadcast_in_dim3A_13, %get3A_1918 : vector<32x128xf32>
    %slice3A_1920 = vector.extract_strided_slice %dot_general3A_7 {offsets = [5536, 0], sizes = [32, 128], strides = [1, 1]} : vector<8192x128xf32> to vector<32x128xf32>
    %sub3A_1921 = arith.subf %add3A_1919, %slice3A_1920 : vector<32x128xf32>
    %lt3A_1922 = arith.cmpf olt, %sub3A_1921, %select_n3A_1912 : vector<32x128xf32>
    %select_n3A_1923 = arith.select %lt3A_1922, %sub3A_1921, %select_n3A_1912 : vector<32x128xi1>, vector<32x128xf32>
    %jit3A_1924 = arith.constant 173 : i32
    %broadcast_in_dim3A_1925 = vector.broadcast %jit3A_1924 : i32 to vector<32x128xi32>
    %select_n3A_1926 = arith.select %lt3A_1922, %broadcast_in_dim3A_1925, %select_n3A_1915 : vector<32x128xi1>, vector<32x128xi32>
    %get3A_1927 = arith.constant 5568 : index
    %get3A_1928 = arith.constant 0 : index
    %get3A_1929 = vector.load %arg4[%get3A_1927, %get3A_1928] : memref<8192x128xf32, #tpu.memory_space<vmem>>, vector<32x128xf32>
    %add3A_1930 = arith.addf %broadcast_in_dim3A_13, %get3A_1929 : vector<32x128xf32>
    %slice3A_1931 = vector.extract_strided_slice %dot_general3A_7 {offsets = [5568, 0], sizes = [32, 128], strides = [1, 1]} : vector<8192x128xf32> to vector<32x128xf32>
    %sub3A_1932 = arith.subf %add3A_1930, %slice3A_1931 : vector<32x128xf32>
    %lt3A_1933 = arith.cmpf olt, %sub3A_1932, %select_n3A_1923 : vector<32x128xf32>
    %select_n3A_1934 = arith.select %lt3A_1933, %sub3A_1932, %select_n3A_1923 : vector<32x128xi1>, vector<32x128xf32>
    %jit3A_1935 = arith.constant 174 : i32
    %broadcast_in_dim3A_1936 = vector.broadcast %jit3A_1935 : i32 to vector<32x128xi32>
    %select_n3A_1937 = arith.select %lt3A_1933, %broadcast_in_dim3A_1936, %select_n3A_1926 : vector<32x128xi1>, vector<32x128xi32>
    %get3A_1938 = arith.constant 5600 : index
    %get3A_1939 = arith.constant 0 : index
    %get3A_1940 = vector.load %arg4[%get3A_1938, %get3A_1939] : memref<8192x128xf32, #tpu.memory_space<vmem>>, vector<32x128xf32>
    %add3A_1941 = arith.addf %broadcast_in_dim3A_13, %get3A_1940 : vector<32x128xf32>
    %slice3A_1942 = vector.extract_strided_slice %dot_general3A_7 {offsets = [5600, 0], sizes = [32, 128], strides = [1, 1]} : vector<8192x128xf32> to vector<32x128xf32>
    %sub3A_1943 = arith.subf %add3A_1941, %slice3A_1942 : vector<32x128xf32>
    %lt3A_1944 = arith.cmpf olt, %sub3A_1943, %select_n3A_1934 : vector<32x128xf32>
    %select_n3A_1945 = arith.select %lt3A_1944, %sub3A_1943, %select_n3A_1934 : vector<32x128xi1>, vector<32x128xf32>
    %jit3A_1946 = arith.constant 175 : i32
    %broadcast_in_dim3A_1947 = vector.broadcast %jit3A_1946 : i32 to vector<32x128xi32>
    %select_n3A_1948 = arith.select %lt3A_1944, %broadcast_in_dim3A_1947, %select_n3A_1937 : vector<32x128xi1>, vector<32x128xi32>
    %get3A_1949 = arith.constant 5632 : index
    %get3A_1950 = arith.constant 0 : index
    %get3A_1951 = vector.load %arg4[%get3A_1949, %get3A_1950] : memref<8192x128xf32, #tpu.memory_space<vmem>>, vector<32x128xf32>
    %add3A_1952 = arith.addf %broadcast_in_dim3A_13, %get3A_1951 : vector<32x128xf32>
    %slice3A_1953 = vector.extract_strided_slice %dot_general3A_7 {offsets = [5632, 0], sizes = [32, 128], strides = [1, 1]} : vector<8192x128xf32> to vector<32x128xf32>
    %sub3A_1954 = arith.subf %add3A_1952, %slice3A_1953 : vector<32x128xf32>
    %lt3A_1955 = arith.cmpf olt, %sub3A_1954, %select_n3A_1945 : vector<32x128xf32>
    %select_n3A_1956 = arith.select %lt3A_1955, %sub3A_1954, %select_n3A_1945 : vector<32x128xi1>, vector<32x128xf32>
    %jit3A_1957 = arith.constant 176 : i32
    %broadcast_in_dim3A_1958 = vector.broadcast %jit3A_1957 : i32 to vector<32x128xi32>
    %select_n3A_1959 = arith.select %lt3A_1955, %broadcast_in_dim3A_1958, %select_n3A_1948 : vector<32x128xi1>, vector<32x128xi32>
    %get3A_1960 = arith.constant 5664 : index
    %get3A_1961 = arith.constant 0 : index
    %get3A_1962 = vector.load %arg4[%get3A_1960, %get3A_1961] : memref<8192x128xf32, #tpu.memory_space<vmem>>, vector<32x128xf32>
    %add3A_1963 = arith.addf %broadcast_in_dim3A_13, %get3A_1962 : vector<32x128xf32>
    %slice3A_1964 = vector.extract_strided_slice %dot_general3A_7 {offsets = [5664, 0], sizes = [32, 128], strides = [1, 1]} : vector<8192x128xf32> to vector<32x128xf32>
    %sub3A_1965 = arith.subf %add3A_1963, %slice3A_1964 : vector<32x128xf32>
    %lt3A_1966 = arith.cmpf olt, %sub3A_1965, %select_n3A_1956 : vector<32x128xf32>
    %select_n3A_1967 = arith.select %lt3A_1966, %sub3A_1965, %select_n3A_1956 : vector<32x128xi1>, vector<32x128xf32>
    %jit3A_1968 = arith.constant 177 : i32
    %broadcast_in_dim3A_1969 = vector.broadcast %jit3A_1968 : i32 to vector<32x128xi32>
    %select_n3A_1970 = arith.select %lt3A_1966, %broadcast_in_dim3A_1969, %select_n3A_1959 : vector<32x128xi1>, vector<32x128xi32>
    %get3A_1971 = arith.constant 5696 : index
    %get3A_1972 = arith.constant 0 : index
    %get3A_1973 = vector.load %arg4[%get3A_1971, %get3A_1972] : memref<8192x128xf32, #tpu.memory_space<vmem>>, vector<32x128xf32>
    %add3A_1974 = arith.addf %broadcast_in_dim3A_13, %get3A_1973 : vector<32x128xf32>
    %slice3A_1975 = vector.extract_strided_slice %dot_general3A_7 {offsets = [5696, 0], sizes = [32, 128], strides = [1, 1]} : vector<8192x128xf32> to vector<32x128xf32>
    %sub3A_1976 = arith.subf %add3A_1974, %slice3A_1975 : vector<32x128xf32>
    %lt3A_1977 = arith.cmpf olt, %sub3A_1976, %select_n3A_1967 : vector<32x128xf32>
    %select_n3A_1978 = arith.select %lt3A_1977, %sub3A_1976, %select_n3A_1967 : vector<32x128xi1>, vector<32x128xf32>
    %jit3A_1979 = arith.constant 178 : i32
    %broadcast_in_dim3A_1980 = vector.broadcast %jit3A_1979 : i32 to vector<32x128xi32>
    %select_n3A_1981 = arith.select %lt3A_1977, %broadcast_in_dim3A_1980, %select_n3A_1970 : vector<32x128xi1>, vector<32x128xi32>
    %get3A_1982 = arith.constant 5728 : index
    %get3A_1983 = arith.constant 0 : index
    %get3A_1984 = vector.load %arg4[%get3A_1982, %get3A_1983] : memref<8192x128xf32, #tpu.memory_space<vmem>>, vector<32x128xf32>
    %add3A_1985 = arith.addf %broadcast_in_dim3A_13, %get3A_1984 : vector<32x128xf32>
    %slice3A_1986 = vector.extract_strided_slice %dot_general3A_7 {offsets = [5728, 0], sizes = [32, 128], strides = [1, 1]} : vector<8192x128xf32> to vector<32x128xf32>
    %sub3A_1987 = arith.subf %add3A_1985, %slice3A_1986 : vector<32x128xf32>
    %lt3A_1988 = arith.cmpf olt, %sub3A_1987, %select_n3A_1978 : vector<32x128xf32>
    %select_n3A_1989 = arith.select %lt3A_1988, %sub3A_1987, %select_n3A_1978 : vector<32x128xi1>, vector<32x128xf32>
    %jit3A_1990 = arith.constant 179 : i32
    %broadcast_in_dim3A_1991 = vector.broadcast %jit3A_1990 : i32 to vector<32x128xi32>
    %select_n3A_1992 = arith.select %lt3A_1988, %broadcast_in_dim3A_1991, %select_n3A_1981 : vector<32x128xi1>, vector<32x128xi32>
    %get3A_1993 = arith.constant 5760 : index
    %get3A_1994 = arith.constant 0 : index
    %get3A_1995 = vector.load %arg4[%get3A_1993, %get3A_1994] : memref<8192x128xf32, #tpu.memory_space<vmem>>, vector<32x128xf32>
    %add3A_1996 = arith.addf %broadcast_in_dim3A_13, %get3A_1995 : vector<32x128xf32>
    %slice3A_1997 = vector.extract_strided_slice %dot_general3A_7 {offsets = [5760, 0], sizes = [32, 128], strides = [1, 1]} : vector<8192x128xf32> to vector<32x128xf32>
    %sub3A_1998 = arith.subf %add3A_1996, %slice3A_1997 : vector<32x128xf32>
    %lt3A_1999 = arith.cmpf olt, %sub3A_1998, %select_n3A_1989 : vector<32x128xf32>
    %select_n3A_2000 = arith.select %lt3A_1999, %sub3A_1998, %select_n3A_1989 : vector<32x128xi1>, vector<32x128xf32>
    %jit3A_2001 = arith.constant 180 : i32
    %broadcast_in_dim3A_2002 = vector.broadcast %jit3A_2001 : i32 to vector<32x128xi32>
    %select_n3A_2003 = arith.select %lt3A_1999, %broadcast_in_dim3A_2002, %select_n3A_1992 : vector<32x128xi1>, vector<32x128xi32>
    %get3A_2004 = arith.constant 5792 : index
    %get3A_2005 = arith.constant 0 : index
    %get3A_2006 = vector.load %arg4[%get3A_2004, %get3A_2005] : memref<8192x128xf32, #tpu.memory_space<vmem>>, vector<32x128xf32>
    %add3A_2007 = arith.addf %broadcast_in_dim3A_13, %get3A_2006 : vector<32x128xf32>
    %slice3A_2008 = vector.extract_strided_slice %dot_general3A_7 {offsets = [5792, 0], sizes = [32, 128], strides = [1, 1]} : vector<8192x128xf32> to vector<32x128xf32>
    %sub3A_2009 = arith.subf %add3A_2007, %slice3A_2008 : vector<32x128xf32>
    %lt3A_2010 = arith.cmpf olt, %sub3A_2009, %select_n3A_2000 : vector<32x128xf32>
    %select_n3A_2011 = arith.select %lt3A_2010, %sub3A_2009, %select_n3A_2000 : vector<32x128xi1>, vector<32x128xf32>
    %jit3A_2012 = arith.constant 181 : i32
    %broadcast_in_dim3A_2013 = vector.broadcast %jit3A_2012 : i32 to vector<32x128xi32>
    %select_n3A_2014 = arith.select %lt3A_2010, %broadcast_in_dim3A_2013, %select_n3A_2003 : vector<32x128xi1>, vector<32x128xi32>
    %get3A_2015 = arith.constant 5824 : index
    %get3A_2016 = arith.constant 0 : index
    %get3A_2017 = vector.load %arg4[%get3A_2015, %get3A_2016] : memref<8192x128xf32, #tpu.memory_space<vmem>>, vector<32x128xf32>
    %add3A_2018 = arith.addf %broadcast_in_dim3A_13, %get3A_2017 : vector<32x128xf32>
    %slice3A_2019 = vector.extract_strided_slice %dot_general3A_7 {offsets = [5824, 0], sizes = [32, 128], strides = [1, 1]} : vector<8192x128xf32> to vector<32x128xf32>
    %sub3A_2020 = arith.subf %add3A_2018, %slice3A_2019 : vector<32x128xf32>
    %lt3A_2021 = arith.cmpf olt, %sub3A_2020, %select_n3A_2011 : vector<32x128xf32>
    %select_n3A_2022 = arith.select %lt3A_2021, %sub3A_2020, %select_n3A_2011 : vector<32x128xi1>, vector<32x128xf32>
    %jit3A_2023 = arith.constant 182 : i32
    %broadcast_in_dim3A_2024 = vector.broadcast %jit3A_2023 : i32 to vector<32x128xi32>
    %select_n3A_2025 = arith.select %lt3A_2021, %broadcast_in_dim3A_2024, %select_n3A_2014 : vector<32x128xi1>, vector<32x128xi32>
    %get3A_2026 = arith.constant 5856 : index
    %get3A_2027 = arith.constant 0 : index
    %get3A_2028 = vector.load %arg4[%get3A_2026, %get3A_2027] : memref<8192x128xf32, #tpu.memory_space<vmem>>, vector<32x128xf32>
    %add3A_2029 = arith.addf %broadcast_in_dim3A_13, %get3A_2028 : vector<32x128xf32>
    %slice3A_2030 = vector.extract_strided_slice %dot_general3A_7 {offsets = [5856, 0], sizes = [32, 128], strides = [1, 1]} : vector<8192x128xf32> to vector<32x128xf32>
    %sub3A_2031 = arith.subf %add3A_2029, %slice3A_2030 : vector<32x128xf32>
    %lt3A_2032 = arith.cmpf olt, %sub3A_2031, %select_n3A_2022 : vector<32x128xf32>
    %select_n3A_2033 = arith.select %lt3A_2032, %sub3A_2031, %select_n3A_2022 : vector<32x128xi1>, vector<32x128xf32>
    %jit3A_2034 = arith.constant 183 : i32
    %broadcast_in_dim3A_2035 = vector.broadcast %jit3A_2034 : i32 to vector<32x128xi32>
    %select_n3A_2036 = arith.select %lt3A_2032, %broadcast_in_dim3A_2035, %select_n3A_2025 : vector<32x128xi1>, vector<32x128xi32>
    %get3A_2037 = arith.constant 5888 : index
    %get3A_2038 = arith.constant 0 : index
    %get3A_2039 = vector.load %arg4[%get3A_2037, %get3A_2038] : memref<8192x128xf32, #tpu.memory_space<vmem>>, vector<32x128xf32>
    %add3A_2040 = arith.addf %broadcast_in_dim3A_13, %get3A_2039 : vector<32x128xf32>
    %slice3A_2041 = vector.extract_strided_slice %dot_general3A_7 {offsets = [5888, 0], sizes = [32, 128], strides = [1, 1]} : vector<8192x128xf32> to vector<32x128xf32>
    %sub3A_2042 = arith.subf %add3A_2040, %slice3A_2041 : vector<32x128xf32>
    %lt3A_2043 = arith.cmpf olt, %sub3A_2042, %select_n3A_2033 : vector<32x128xf32>
    %select_n3A_2044 = arith.select %lt3A_2043, %sub3A_2042, %select_n3A_2033 : vector<32x128xi1>, vector<32x128xf32>
    %jit3A_2045 = arith.constant 184 : i32
    %broadcast_in_dim3A_2046 = vector.broadcast %jit3A_2045 : i32 to vector<32x128xi32>
    %select_n3A_2047 = arith.select %lt3A_2043, %broadcast_in_dim3A_2046, %select_n3A_2036 : vector<32x128xi1>, vector<32x128xi32>
    %get3A_2048 = arith.constant 5920 : index
    %get3A_2049 = arith.constant 0 : index
    %get3A_2050 = vector.load %arg4[%get3A_2048, %get3A_2049] : memref<8192x128xf32, #tpu.memory_space<vmem>>, vector<32x128xf32>
    %add3A_2051 = arith.addf %broadcast_in_dim3A_13, %get3A_2050 : vector<32x128xf32>
    %slice3A_2052 = vector.extract_strided_slice %dot_general3A_7 {offsets = [5920, 0], sizes = [32, 128], strides = [1, 1]} : vector<8192x128xf32> to vector<32x128xf32>
    %sub3A_2053 = arith.subf %add3A_2051, %slice3A_2052 : vector<32x128xf32>
    %lt3A_2054 = arith.cmpf olt, %sub3A_2053, %select_n3A_2044 : vector<32x128xf32>
    %select_n3A_2055 = arith.select %lt3A_2054, %sub3A_2053, %select_n3A_2044 : vector<32x128xi1>, vector<32x128xf32>
    %jit3A_2056 = arith.constant 185 : i32
    %broadcast_in_dim3A_2057 = vector.broadcast %jit3A_2056 : i32 to vector<32x128xi32>
    %select_n3A_2058 = arith.select %lt3A_2054, %broadcast_in_dim3A_2057, %select_n3A_2047 : vector<32x128xi1>, vector<32x128xi32>
    %get3A_2059 = arith.constant 5952 : index
    %get3A_2060 = arith.constant 0 : index
    %get3A_2061 = vector.load %arg4[%get3A_2059, %get3A_2060] : memref<8192x128xf32, #tpu.memory_space<vmem>>, vector<32x128xf32>
    %add3A_2062 = arith.addf %broadcast_in_dim3A_13, %get3A_2061 : vector<32x128xf32>
    %slice3A_2063 = vector.extract_strided_slice %dot_general3A_7 {offsets = [5952, 0], sizes = [32, 128], strides = [1, 1]} : vector<8192x128xf32> to vector<32x128xf32>
    %sub3A_2064 = arith.subf %add3A_2062, %slice3A_2063 : vector<32x128xf32>
    %lt3A_2065 = arith.cmpf olt, %sub3A_2064, %select_n3A_2055 : vector<32x128xf32>
    %select_n3A_2066 = arith.select %lt3A_2065, %sub3A_2064, %select_n3A_2055 : vector<32x128xi1>, vector<32x128xf32>
    %jit3A_2067 = arith.constant 186 : i32
    %broadcast_in_dim3A_2068 = vector.broadcast %jit3A_2067 : i32 to vector<32x128xi32>
    %select_n3A_2069 = arith.select %lt3A_2065, %broadcast_in_dim3A_2068, %select_n3A_2058 : vector<32x128xi1>, vector<32x128xi32>
    %get3A_2070 = arith.constant 5984 : index
    %get3A_2071 = arith.constant 0 : index
    %get3A_2072 = vector.load %arg4[%get3A_2070, %get3A_2071] : memref<8192x128xf32, #tpu.memory_space<vmem>>, vector<32x128xf32>
    %add3A_2073 = arith.addf %broadcast_in_dim3A_13, %get3A_2072 : vector<32x128xf32>
    %slice3A_2074 = vector.extract_strided_slice %dot_general3A_7 {offsets = [5984, 0], sizes = [32, 128], strides = [1, 1]} : vector<8192x128xf32> to vector<32x128xf32>
    %sub3A_2075 = arith.subf %add3A_2073, %slice3A_2074 : vector<32x128xf32>
    %lt3A_2076 = arith.cmpf olt, %sub3A_2075, %select_n3A_2066 : vector<32x128xf32>
    %select_n3A_2077 = arith.select %lt3A_2076, %sub3A_2075, %select_n3A_2066 : vector<32x128xi1>, vector<32x128xf32>
    %jit3A_2078 = arith.constant 187 : i32
    %broadcast_in_dim3A_2079 = vector.broadcast %jit3A_2078 : i32 to vector<32x128xi32>
    %select_n3A_2080 = arith.select %lt3A_2076, %broadcast_in_dim3A_2079, %select_n3A_2069 : vector<32x128xi1>, vector<32x128xi32>
    %get3A_2081 = arith.constant 6016 : index
    %get3A_2082 = arith.constant 0 : index
    %get3A_2083 = vector.load %arg4[%get3A_2081, %get3A_2082] : memref<8192x128xf32, #tpu.memory_space<vmem>>, vector<32x128xf32>
    %add3A_2084 = arith.addf %broadcast_in_dim3A_13, %get3A_2083 : vector<32x128xf32>
    %slice3A_2085 = vector.extract_strided_slice %dot_general3A_7 {offsets = [6016, 0], sizes = [32, 128], strides = [1, 1]} : vector<8192x128xf32> to vector<32x128xf32>
    %sub3A_2086 = arith.subf %add3A_2084, %slice3A_2085 : vector<32x128xf32>
    %lt3A_2087 = arith.cmpf olt, %sub3A_2086, %select_n3A_2077 : vector<32x128xf32>
    %select_n3A_2088 = arith.select %lt3A_2087, %sub3A_2086, %select_n3A_2077 : vector<32x128xi1>, vector<32x128xf32>
    %jit3A_2089 = arith.constant 188 : i32
    %broadcast_in_dim3A_2090 = vector.broadcast %jit3A_2089 : i32 to vector<32x128xi32>
    %select_n3A_2091 = arith.select %lt3A_2087, %broadcast_in_dim3A_2090, %select_n3A_2080 : vector<32x128xi1>, vector<32x128xi32>
    %get3A_2092 = arith.constant 6048 : index
    %get3A_2093 = arith.constant 0 : index
    %get3A_2094 = vector.load %arg4[%get3A_2092, %get3A_2093] : memref<8192x128xf32, #tpu.memory_space<vmem>>, vector<32x128xf32>
    %add3A_2095 = arith.addf %broadcast_in_dim3A_13, %get3A_2094 : vector<32x128xf32>
    %slice3A_2096 = vector.extract_strided_slice %dot_general3A_7 {offsets = [6048, 0], sizes = [32, 128], strides = [1, 1]} : vector<8192x128xf32> to vector<32x128xf32>
    %sub3A_2097 = arith.subf %add3A_2095, %slice3A_2096 : vector<32x128xf32>
    %lt3A_2098 = arith.cmpf olt, %sub3A_2097, %select_n3A_2088 : vector<32x128xf32>
    %select_n3A_2099 = arith.select %lt3A_2098, %sub3A_2097, %select_n3A_2088 : vector<32x128xi1>, vector<32x128xf32>
    %jit3A_2100 = arith.constant 189 : i32
    %broadcast_in_dim3A_2101 = vector.broadcast %jit3A_2100 : i32 to vector<32x128xi32>
    %select_n3A_2102 = arith.select %lt3A_2098, %broadcast_in_dim3A_2101, %select_n3A_2091 : vector<32x128xi1>, vector<32x128xi32>
    %get3A_2103 = arith.constant 6080 : index
    %get3A_2104 = arith.constant 0 : index
    %get3A_2105 = vector.load %arg4[%get3A_2103, %get3A_2104] : memref<8192x128xf32, #tpu.memory_space<vmem>>, vector<32x128xf32>
    %add3A_2106 = arith.addf %broadcast_in_dim3A_13, %get3A_2105 : vector<32x128xf32>
    %slice3A_2107 = vector.extract_strided_slice %dot_general3A_7 {offsets = [6080, 0], sizes = [32, 128], strides = [1, 1]} : vector<8192x128xf32> to vector<32x128xf32>
    %sub3A_2108 = arith.subf %add3A_2106, %slice3A_2107 : vector<32x128xf32>
    %lt3A_2109 = arith.cmpf olt, %sub3A_2108, %select_n3A_2099 : vector<32x128xf32>
    %select_n3A_2110 = arith.select %lt3A_2109, %sub3A_2108, %select_n3A_2099 : vector<32x128xi1>, vector<32x128xf32>
    %jit3A_2111 = arith.constant 190 : i32
    %broadcast_in_dim3A_2112 = vector.broadcast %jit3A_2111 : i32 to vector<32x128xi32>
    %select_n3A_2113 = arith.select %lt3A_2109, %broadcast_in_dim3A_2112, %select_n3A_2102 : vector<32x128xi1>, vector<32x128xi32>
    %get3A_2114 = arith.constant 6112 : index
    %get3A_2115 = arith.constant 0 : index
    %get3A_2116 = vector.load %arg4[%get3A_2114, %get3A_2115] : memref<8192x128xf32, #tpu.memory_space<vmem>>, vector<32x128xf32>
    %add3A_2117 = arith.addf %broadcast_in_dim3A_13, %get3A_2116 : vector<32x128xf32>
    %slice3A_2118 = vector.extract_strided_slice %dot_general3A_7 {offsets = [6112, 0], sizes = [32, 128], strides = [1, 1]} : vector<8192x128xf32> to vector<32x128xf32>
    %sub3A_2119 = arith.subf %add3A_2117, %slice3A_2118 : vector<32x128xf32>
    %lt3A_2120 = arith.cmpf olt, %sub3A_2119, %select_n3A_2110 : vector<32x128xf32>
    %select_n3A_2121 = arith.select %lt3A_2120, %sub3A_2119, %select_n3A_2110 : vector<32x128xi1>, vector<32x128xf32>
    %jit3A_2122 = arith.constant 191 : i32
    %broadcast_in_dim3A_2123 = vector.broadcast %jit3A_2122 : i32 to vector<32x128xi32>
    %select_n3A_2124 = arith.select %lt3A_2120, %broadcast_in_dim3A_2123, %select_n3A_2113 : vector<32x128xi1>, vector<32x128xi32>
    %get3A_2125 = arith.constant 6144 : index
    %get3A_2126 = arith.constant 0 : index
    %get3A_2127 = vector.load %arg4[%get3A_2125, %get3A_2126] : memref<8192x128xf32, #tpu.memory_space<vmem>>, vector<32x128xf32>
    %add3A_2128 = arith.addf %broadcast_in_dim3A_13, %get3A_2127 : vector<32x128xf32>
    %slice3A_2129 = vector.extract_strided_slice %dot_general3A_7 {offsets = [6144, 0], sizes = [32, 128], strides = [1, 1]} : vector<8192x128xf32> to vector<32x128xf32>
    %sub3A_2130 = arith.subf %add3A_2128, %slice3A_2129 : vector<32x128xf32>
    %lt3A_2131 = arith.cmpf olt, %sub3A_2130, %select_n3A_2121 : vector<32x128xf32>
    %select_n3A_2132 = arith.select %lt3A_2131, %sub3A_2130, %select_n3A_2121 : vector<32x128xi1>, vector<32x128xf32>
    %jit3A_2133 = arith.constant 192 : i32
    %broadcast_in_dim3A_2134 = vector.broadcast %jit3A_2133 : i32 to vector<32x128xi32>
    %select_n3A_2135 = arith.select %lt3A_2131, %broadcast_in_dim3A_2134, %select_n3A_2124 : vector<32x128xi1>, vector<32x128xi32>
    %get3A_2136 = arith.constant 6176 : index
    %get3A_2137 = arith.constant 0 : index
    %get3A_2138 = vector.load %arg4[%get3A_2136, %get3A_2137] : memref<8192x128xf32, #tpu.memory_space<vmem>>, vector<32x128xf32>
    %add3A_2139 = arith.addf %broadcast_in_dim3A_13, %get3A_2138 : vector<32x128xf32>
    %slice3A_2140 = vector.extract_strided_slice %dot_general3A_7 {offsets = [6176, 0], sizes = [32, 128], strides = [1, 1]} : vector<8192x128xf32> to vector<32x128xf32>
    %sub3A_2141 = arith.subf %add3A_2139, %slice3A_2140 : vector<32x128xf32>
    %lt3A_2142 = arith.cmpf olt, %sub3A_2141, %select_n3A_2132 : vector<32x128xf32>
    %select_n3A_2143 = arith.select %lt3A_2142, %sub3A_2141, %select_n3A_2132 : vector<32x128xi1>, vector<32x128xf32>
    %jit3A_2144 = arith.constant 193 : i32
    %broadcast_in_dim3A_2145 = vector.broadcast %jit3A_2144 : i32 to vector<32x128xi32>
    %select_n3A_2146 = arith.select %lt3A_2142, %broadcast_in_dim3A_2145, %select_n3A_2135 : vector<32x128xi1>, vector<32x128xi32>
    %get3A_2147 = arith.constant 6208 : index
    %get3A_2148 = arith.constant 0 : index
    %get3A_2149 = vector.load %arg4[%get3A_2147, %get3A_2148] : memref<8192x128xf32, #tpu.memory_space<vmem>>, vector<32x128xf32>
    %add3A_2150 = arith.addf %broadcast_in_dim3A_13, %get3A_2149 : vector<32x128xf32>
    %slice3A_2151 = vector.extract_strided_slice %dot_general3A_7 {offsets = [6208, 0], sizes = [32, 128], strides = [1, 1]} : vector<8192x128xf32> to vector<32x128xf32>
    %sub3A_2152 = arith.subf %add3A_2150, %slice3A_2151 : vector<32x128xf32>
    %lt3A_2153 = arith.cmpf olt, %sub3A_2152, %select_n3A_2143 : vector<32x128xf32>
    %select_n3A_2154 = arith.select %lt3A_2153, %sub3A_2152, %select_n3A_2143 : vector<32x128xi1>, vector<32x128xf32>
    %jit3A_2155 = arith.constant 194 : i32
    %broadcast_in_dim3A_2156 = vector.broadcast %jit3A_2155 : i32 to vector<32x128xi32>
    %select_n3A_2157 = arith.select %lt3A_2153, %broadcast_in_dim3A_2156, %select_n3A_2146 : vector<32x128xi1>, vector<32x128xi32>
    %get3A_2158 = arith.constant 6240 : index
    %get3A_2159 = arith.constant 0 : index
    %get3A_2160 = vector.load %arg4[%get3A_2158, %get3A_2159] : memref<8192x128xf32, #tpu.memory_space<vmem>>, vector<32x128xf32>
    %add3A_2161 = arith.addf %broadcast_in_dim3A_13, %get3A_2160 : vector<32x128xf32>
    %slice3A_2162 = vector.extract_strided_slice %dot_general3A_7 {offsets = [6240, 0], sizes = [32, 128], strides = [1, 1]} : vector<8192x128xf32> to vector<32x128xf32>
    %sub3A_2163 = arith.subf %add3A_2161, %slice3A_2162 : vector<32x128xf32>
    %lt3A_2164 = arith.cmpf olt, %sub3A_2163, %select_n3A_2154 : vector<32x128xf32>
    %select_n3A_2165 = arith.select %lt3A_2164, %sub3A_2163, %select_n3A_2154 : vector<32x128xi1>, vector<32x128xf32>
    %jit3A_2166 = arith.constant 195 : i32
    %broadcast_in_dim3A_2167 = vector.broadcast %jit3A_2166 : i32 to vector<32x128xi32>
    %select_n3A_2168 = arith.select %lt3A_2164, %broadcast_in_dim3A_2167, %select_n3A_2157 : vector<32x128xi1>, vector<32x128xi32>
    %get3A_2169 = arith.constant 6272 : index
    %get3A_2170 = arith.constant 0 : index
    %get3A_2171 = vector.load %arg4[%get3A_2169, %get3A_2170] : memref<8192x128xf32, #tpu.memory_space<vmem>>, vector<32x128xf32>
    %add3A_2172 = arith.addf %broadcast_in_dim3A_13, %get3A_2171 : vector<32x128xf32>
    %slice3A_2173 = vector.extract_strided_slice %dot_general3A_7 {offsets = [6272, 0], sizes = [32, 128], strides = [1, 1]} : vector<8192x128xf32> to vector<32x128xf32>
    %sub3A_2174 = arith.subf %add3A_2172, %slice3A_2173 : vector<32x128xf32>
    %lt3A_2175 = arith.cmpf olt, %sub3A_2174, %select_n3A_2165 : vector<32x128xf32>
    %select_n3A_2176 = arith.select %lt3A_2175, %sub3A_2174, %select_n3A_2165 : vector<32x128xi1>, vector<32x128xf32>
    %jit3A_2177 = arith.constant 196 : i32
    %broadcast_in_dim3A_2178 = vector.broadcast %jit3A_2177 : i32 to vector<32x128xi32>
    %select_n3A_2179 = arith.select %lt3A_2175, %broadcast_in_dim3A_2178, %select_n3A_2168 : vector<32x128xi1>, vector<32x128xi32>
    %get3A_2180 = arith.constant 6304 : index
    %get3A_2181 = arith.constant 0 : index
    %get3A_2182 = vector.load %arg4[%get3A_2180, %get3A_2181] : memref<8192x128xf32, #tpu.memory_space<vmem>>, vector<32x128xf32>
    %add3A_2183 = arith.addf %broadcast_in_dim3A_13, %get3A_2182 : vector<32x128xf32>
    %slice3A_2184 = vector.extract_strided_slice %dot_general3A_7 {offsets = [6304, 0], sizes = [32, 128], strides = [1, 1]} : vector<8192x128xf32> to vector<32x128xf32>
    %sub3A_2185 = arith.subf %add3A_2183, %slice3A_2184 : vector<32x128xf32>
    %lt3A_2186 = arith.cmpf olt, %sub3A_2185, %select_n3A_2176 : vector<32x128xf32>
    %select_n3A_2187 = arith.select %lt3A_2186, %sub3A_2185, %select_n3A_2176 : vector<32x128xi1>, vector<32x128xf32>
    %jit3A_2188 = arith.constant 197 : i32
    %broadcast_in_dim3A_2189 = vector.broadcast %jit3A_2188 : i32 to vector<32x128xi32>
    %select_n3A_2190 = arith.select %lt3A_2186, %broadcast_in_dim3A_2189, %select_n3A_2179 : vector<32x128xi1>, vector<32x128xi32>
    %get3A_2191 = arith.constant 6336 : index
    %get3A_2192 = arith.constant 0 : index
    %get3A_2193 = vector.load %arg4[%get3A_2191, %get3A_2192] : memref<8192x128xf32, #tpu.memory_space<vmem>>, vector<32x128xf32>
    %add3A_2194 = arith.addf %broadcast_in_dim3A_13, %get3A_2193 : vector<32x128xf32>
    %slice3A_2195 = vector.extract_strided_slice %dot_general3A_7 {offsets = [6336, 0], sizes = [32, 128], strides = [1, 1]} : vector<8192x128xf32> to vector<32x128xf32>
    %sub3A_2196 = arith.subf %add3A_2194, %slice3A_2195 : vector<32x128xf32>
    %lt3A_2197 = arith.cmpf olt, %sub3A_2196, %select_n3A_2187 : vector<32x128xf32>
    %select_n3A_2198 = arith.select %lt3A_2197, %sub3A_2196, %select_n3A_2187 : vector<32x128xi1>, vector<32x128xf32>
    %jit3A_2199 = arith.constant 198 : i32
    %broadcast_in_dim3A_2200 = vector.broadcast %jit3A_2199 : i32 to vector<32x128xi32>
    %select_n3A_2201 = arith.select %lt3A_2197, %broadcast_in_dim3A_2200, %select_n3A_2190 : vector<32x128xi1>, vector<32x128xi32>
    %get3A_2202 = arith.constant 6368 : index
    %get3A_2203 = arith.constant 0 : index
    %get3A_2204 = vector.load %arg4[%get3A_2202, %get3A_2203] : memref<8192x128xf32, #tpu.memory_space<vmem>>, vector<32x128xf32>
    %add3A_2205 = arith.addf %broadcast_in_dim3A_13, %get3A_2204 : vector<32x128xf32>
    %slice3A_2206 = vector.extract_strided_slice %dot_general3A_7 {offsets = [6368, 0], sizes = [32, 128], strides = [1, 1]} : vector<8192x128xf32> to vector<32x128xf32>
    %sub3A_2207 = arith.subf %add3A_2205, %slice3A_2206 : vector<32x128xf32>
    %lt3A_2208 = arith.cmpf olt, %sub3A_2207, %select_n3A_2198 : vector<32x128xf32>
    %select_n3A_2209 = arith.select %lt3A_2208, %sub3A_2207, %select_n3A_2198 : vector<32x128xi1>, vector<32x128xf32>
    %jit3A_2210 = arith.constant 199 : i32
    %broadcast_in_dim3A_2211 = vector.broadcast %jit3A_2210 : i32 to vector<32x128xi32>
    %select_n3A_2212 = arith.select %lt3A_2208, %broadcast_in_dim3A_2211, %select_n3A_2201 : vector<32x128xi1>, vector<32x128xi32>
    %get3A_2213 = arith.constant 6400 : index
    %get3A_2214 = arith.constant 0 : index
    %get3A_2215 = vector.load %arg4[%get3A_2213, %get3A_2214] : memref<8192x128xf32, #tpu.memory_space<vmem>>, vector<32x128xf32>
    %add3A_2216 = arith.addf %broadcast_in_dim3A_13, %get3A_2215 : vector<32x128xf32>
    %slice3A_2217 = vector.extract_strided_slice %dot_general3A_7 {offsets = [6400, 0], sizes = [32, 128], strides = [1, 1]} : vector<8192x128xf32> to vector<32x128xf32>
    %sub3A_2218 = arith.subf %add3A_2216, %slice3A_2217 : vector<32x128xf32>
    %lt3A_2219 = arith.cmpf olt, %sub3A_2218, %select_n3A_2209 : vector<32x128xf32>
    %select_n3A_2220 = arith.select %lt3A_2219, %sub3A_2218, %select_n3A_2209 : vector<32x128xi1>, vector<32x128xf32>
    %jit3A_2221 = arith.constant 200 : i32
    %broadcast_in_dim3A_2222 = vector.broadcast %jit3A_2221 : i32 to vector<32x128xi32>
    %select_n3A_2223 = arith.select %lt3A_2219, %broadcast_in_dim3A_2222, %select_n3A_2212 : vector<32x128xi1>, vector<32x128xi32>
    %get3A_2224 = arith.constant 6432 : index
    %get3A_2225 = arith.constant 0 : index
    %get3A_2226 = vector.load %arg4[%get3A_2224, %get3A_2225] : memref<8192x128xf32, #tpu.memory_space<vmem>>, vector<32x128xf32>
    %add3A_2227 = arith.addf %broadcast_in_dim3A_13, %get3A_2226 : vector<32x128xf32>
    %slice3A_2228 = vector.extract_strided_slice %dot_general3A_7 {offsets = [6432, 0], sizes = [32, 128], strides = [1, 1]} : vector<8192x128xf32> to vector<32x128xf32>
    %sub3A_2229 = arith.subf %add3A_2227, %slice3A_2228 : vector<32x128xf32>
    %lt3A_2230 = arith.cmpf olt, %sub3A_2229, %select_n3A_2220 : vector<32x128xf32>
    %select_n3A_2231 = arith.select %lt3A_2230, %sub3A_2229, %select_n3A_2220 : vector<32x128xi1>, vector<32x128xf32>
    %jit3A_2232 = arith.constant 201 : i32
    %broadcast_in_dim3A_2233 = vector.broadcast %jit3A_2232 : i32 to vector<32x128xi32>
    %select_n3A_2234 = arith.select %lt3A_2230, %broadcast_in_dim3A_2233, %select_n3A_2223 : vector<32x128xi1>, vector<32x128xi32>
    %get3A_2235 = arith.constant 6464 : index
    %get3A_2236 = arith.constant 0 : index
    %get3A_2237 = vector.load %arg4[%get3A_2235, %get3A_2236] : memref<8192x128xf32, #tpu.memory_space<vmem>>, vector<32x128xf32>
    %add3A_2238 = arith.addf %broadcast_in_dim3A_13, %get3A_2237 : vector<32x128xf32>
    %slice3A_2239 = vector.extract_strided_slice %dot_general3A_7 {offsets = [6464, 0], sizes = [32, 128], strides = [1, 1]} : vector<8192x128xf32> to vector<32x128xf32>
    %sub3A_2240 = arith.subf %add3A_2238, %slice3A_2239 : vector<32x128xf32>
    %lt3A_2241 = arith.cmpf olt, %sub3A_2240, %select_n3A_2231 : vector<32x128xf32>
    %select_n3A_2242 = arith.select %lt3A_2241, %sub3A_2240, %select_n3A_2231 : vector<32x128xi1>, vector<32x128xf32>
    %jit3A_2243 = arith.constant 202 : i32
    %broadcast_in_dim3A_2244 = vector.broadcast %jit3A_2243 : i32 to vector<32x128xi32>
    %select_n3A_2245 = arith.select %lt3A_2241, %broadcast_in_dim3A_2244, %select_n3A_2234 : vector<32x128xi1>, vector<32x128xi32>
    %get3A_2246 = arith.constant 6496 : index
    %get3A_2247 = arith.constant 0 : index
    %get3A_2248 = vector.load %arg4[%get3A_2246, %get3A_2247] : memref<8192x128xf32, #tpu.memory_space<vmem>>, vector<32x128xf32>
    %add3A_2249 = arith.addf %broadcast_in_dim3A_13, %get3A_2248 : vector<32x128xf32>
    %slice3A_2250 = vector.extract_strided_slice %dot_general3A_7 {offsets = [6496, 0], sizes = [32, 128], strides = [1, 1]} : vector<8192x128xf32> to vector<32x128xf32>
    %sub3A_2251 = arith.subf %add3A_2249, %slice3A_2250 : vector<32x128xf32>
    %lt3A_2252 = arith.cmpf olt, %sub3A_2251, %select_n3A_2242 : vector<32x128xf32>
    %select_n3A_2253 = arith.select %lt3A_2252, %sub3A_2251, %select_n3A_2242 : vector<32x128xi1>, vector<32x128xf32>
    %jit3A_2254 = arith.constant 203 : i32
    %broadcast_in_dim3A_2255 = vector.broadcast %jit3A_2254 : i32 to vector<32x128xi32>
    %select_n3A_2256 = arith.select %lt3A_2252, %broadcast_in_dim3A_2255, %select_n3A_2245 : vector<32x128xi1>, vector<32x128xi32>
    %get3A_2257 = arith.constant 6528 : index
    %get3A_2258 = arith.constant 0 : index
    %get3A_2259 = vector.load %arg4[%get3A_2257, %get3A_2258] : memref<8192x128xf32, #tpu.memory_space<vmem>>, vector<32x128xf32>
    %add3A_2260 = arith.addf %broadcast_in_dim3A_13, %get3A_2259 : vector<32x128xf32>
    %slice3A_2261 = vector.extract_strided_slice %dot_general3A_7 {offsets = [6528, 0], sizes = [32, 128], strides = [1, 1]} : vector<8192x128xf32> to vector<32x128xf32>
    %sub3A_2262 = arith.subf %add3A_2260, %slice3A_2261 : vector<32x128xf32>
    %lt3A_2263 = arith.cmpf olt, %sub3A_2262, %select_n3A_2253 : vector<32x128xf32>
    %select_n3A_2264 = arith.select %lt3A_2263, %sub3A_2262, %select_n3A_2253 : vector<32x128xi1>, vector<32x128xf32>
    %jit3A_2265 = arith.constant 204 : i32
    %broadcast_in_dim3A_2266 = vector.broadcast %jit3A_2265 : i32 to vector<32x128xi32>
    %select_n3A_2267 = arith.select %lt3A_2263, %broadcast_in_dim3A_2266, %select_n3A_2256 : vector<32x128xi1>, vector<32x128xi32>
    %get3A_2268 = arith.constant 6560 : index
    %get3A_2269 = arith.constant 0 : index
    %get3A_2270 = vector.load %arg4[%get3A_2268, %get3A_2269] : memref<8192x128xf32, #tpu.memory_space<vmem>>, vector<32x128xf32>
    %add3A_2271 = arith.addf %broadcast_in_dim3A_13, %get3A_2270 : vector<32x128xf32>
    %slice3A_2272 = vector.extract_strided_slice %dot_general3A_7 {offsets = [6560, 0], sizes = [32, 128], strides = [1, 1]} : vector<8192x128xf32> to vector<32x128xf32>
    %sub3A_2273 = arith.subf %add3A_2271, %slice3A_2272 : vector<32x128xf32>
    %lt3A_2274 = arith.cmpf olt, %sub3A_2273, %select_n3A_2264 : vector<32x128xf32>
    %select_n3A_2275 = arith.select %lt3A_2274, %sub3A_2273, %select_n3A_2264 : vector<32x128xi1>, vector<32x128xf32>
    %jit3A_2276 = arith.constant 205 : i32
    %broadcast_in_dim3A_2277 = vector.broadcast %jit3A_2276 : i32 to vector<32x128xi32>
    %select_n3A_2278 = arith.select %lt3A_2274, %broadcast_in_dim3A_2277, %select_n3A_2267 : vector<32x128xi1>, vector<32x128xi32>
    %get3A_2279 = arith.constant 6592 : index
    %get3A_2280 = arith.constant 0 : index
    %get3A_2281 = vector.load %arg4[%get3A_2279, %get3A_2280] : memref<8192x128xf32, #tpu.memory_space<vmem>>, vector<32x128xf32>
    %add3A_2282 = arith.addf %broadcast_in_dim3A_13, %get3A_2281 : vector<32x128xf32>
    %slice3A_2283 = vector.extract_strided_slice %dot_general3A_7 {offsets = [6592, 0], sizes = [32, 128], strides = [1, 1]} : vector<8192x128xf32> to vector<32x128xf32>
    %sub3A_2284 = arith.subf %add3A_2282, %slice3A_2283 : vector<32x128xf32>
    %lt3A_2285 = arith.cmpf olt, %sub3A_2284, %select_n3A_2275 : vector<32x128xf32>
    %select_n3A_2286 = arith.select %lt3A_2285, %sub3A_2284, %select_n3A_2275 : vector<32x128xi1>, vector<32x128xf32>
    %jit3A_2287 = arith.constant 206 : i32
    %broadcast_in_dim3A_2288 = vector.broadcast %jit3A_2287 : i32 to vector<32x128xi32>
    %select_n3A_2289 = arith.select %lt3A_2285, %broadcast_in_dim3A_2288, %select_n3A_2278 : vector<32x128xi1>, vector<32x128xi32>
    %get3A_2290 = arith.constant 6624 : index
    %get3A_2291 = arith.constant 0 : index
    %get3A_2292 = vector.load %arg4[%get3A_2290, %get3A_2291] : memref<8192x128xf32, #tpu.memory_space<vmem>>, vector<32x128xf32>
    %add3A_2293 = arith.addf %broadcast_in_dim3A_13, %get3A_2292 : vector<32x128xf32>
    %slice3A_2294 = vector.extract_strided_slice %dot_general3A_7 {offsets = [6624, 0], sizes = [32, 128], strides = [1, 1]} : vector<8192x128xf32> to vector<32x128xf32>
    %sub3A_2295 = arith.subf %add3A_2293, %slice3A_2294 : vector<32x128xf32>
    %lt3A_2296 = arith.cmpf olt, %sub3A_2295, %select_n3A_2286 : vector<32x128xf32>
    %select_n3A_2297 = arith.select %lt3A_2296, %sub3A_2295, %select_n3A_2286 : vector<32x128xi1>, vector<32x128xf32>
    %jit3A_2298 = arith.constant 207 : i32
    %broadcast_in_dim3A_2299 = vector.broadcast %jit3A_2298 : i32 to vector<32x128xi32>
    %select_n3A_2300 = arith.select %lt3A_2296, %broadcast_in_dim3A_2299, %select_n3A_2289 : vector<32x128xi1>, vector<32x128xi32>
    %get3A_2301 = arith.constant 6656 : index
    %get3A_2302 = arith.constant 0 : index
    %get3A_2303 = vector.load %arg4[%get3A_2301, %get3A_2302] : memref<8192x128xf32, #tpu.memory_space<vmem>>, vector<32x128xf32>
    %add3A_2304 = arith.addf %broadcast_in_dim3A_13, %get3A_2303 : vector<32x128xf32>
    %slice3A_2305 = vector.extract_strided_slice %dot_general3A_7 {offsets = [6656, 0], sizes = [32, 128], strides = [1, 1]} : vector<8192x128xf32> to vector<32x128xf32>
    %sub3A_2306 = arith.subf %add3A_2304, %slice3A_2305 : vector<32x128xf32>
    %lt3A_2307 = arith.cmpf olt, %sub3A_2306, %select_n3A_2297 : vector<32x128xf32>
    %select_n3A_2308 = arith.select %lt3A_2307, %sub3A_2306, %select_n3A_2297 : vector<32x128xi1>, vector<32x128xf32>
    %jit3A_2309 = arith.constant 208 : i32
    %broadcast_in_dim3A_2310 = vector.broadcast %jit3A_2309 : i32 to vector<32x128xi32>
    %select_n3A_2311 = arith.select %lt3A_2307, %broadcast_in_dim3A_2310, %select_n3A_2300 : vector<32x128xi1>, vector<32x128xi32>
    %get3A_2312 = arith.constant 6688 : index
    %get3A_2313 = arith.constant 0 : index
    %get3A_2314 = vector.load %arg4[%get3A_2312, %get3A_2313] : memref<8192x128xf32, #tpu.memory_space<vmem>>, vector<32x128xf32>
    %add3A_2315 = arith.addf %broadcast_in_dim3A_13, %get3A_2314 : vector<32x128xf32>
    %slice3A_2316 = vector.extract_strided_slice %dot_general3A_7 {offsets = [6688, 0], sizes = [32, 128], strides = [1, 1]} : vector<8192x128xf32> to vector<32x128xf32>
    %sub3A_2317 = arith.subf %add3A_2315, %slice3A_2316 : vector<32x128xf32>
    %lt3A_2318 = arith.cmpf olt, %sub3A_2317, %select_n3A_2308 : vector<32x128xf32>
    %select_n3A_2319 = arith.select %lt3A_2318, %sub3A_2317, %select_n3A_2308 : vector<32x128xi1>, vector<32x128xf32>
    %jit3A_2320 = arith.constant 209 : i32
    %broadcast_in_dim3A_2321 = vector.broadcast %jit3A_2320 : i32 to vector<32x128xi32>
    %select_n3A_2322 = arith.select %lt3A_2318, %broadcast_in_dim3A_2321, %select_n3A_2311 : vector<32x128xi1>, vector<32x128xi32>
    %get3A_2323 = arith.constant 6720 : index
    %get3A_2324 = arith.constant 0 : index
    %get3A_2325 = vector.load %arg4[%get3A_2323, %get3A_2324] : memref<8192x128xf32, #tpu.memory_space<vmem>>, vector<32x128xf32>
    %add3A_2326 = arith.addf %broadcast_in_dim3A_13, %get3A_2325 : vector<32x128xf32>
    %slice3A_2327 = vector.extract_strided_slice %dot_general3A_7 {offsets = [6720, 0], sizes = [32, 128], strides = [1, 1]} : vector<8192x128xf32> to vector<32x128xf32>
    %sub3A_2328 = arith.subf %add3A_2326, %slice3A_2327 : vector<32x128xf32>
    %lt3A_2329 = arith.cmpf olt, %sub3A_2328, %select_n3A_2319 : vector<32x128xf32>
    %select_n3A_2330 = arith.select %lt3A_2329, %sub3A_2328, %select_n3A_2319 : vector<32x128xi1>, vector<32x128xf32>
    %jit3A_2331 = arith.constant 210 : i32
    %broadcast_in_dim3A_2332 = vector.broadcast %jit3A_2331 : i32 to vector<32x128xi32>
    %select_n3A_2333 = arith.select %lt3A_2329, %broadcast_in_dim3A_2332, %select_n3A_2322 : vector<32x128xi1>, vector<32x128xi32>
    %get3A_2334 = arith.constant 6752 : index
    %get3A_2335 = arith.constant 0 : index
    %get3A_2336 = vector.load %arg4[%get3A_2334, %get3A_2335] : memref<8192x128xf32, #tpu.memory_space<vmem>>, vector<32x128xf32>
    %add3A_2337 = arith.addf %broadcast_in_dim3A_13, %get3A_2336 : vector<32x128xf32>
    %slice3A_2338 = vector.extract_strided_slice %dot_general3A_7 {offsets = [6752, 0], sizes = [32, 128], strides = [1, 1]} : vector<8192x128xf32> to vector<32x128xf32>
    %sub3A_2339 = arith.subf %add3A_2337, %slice3A_2338 : vector<32x128xf32>
    %lt3A_2340 = arith.cmpf olt, %sub3A_2339, %select_n3A_2330 : vector<32x128xf32>
    %select_n3A_2341 = arith.select %lt3A_2340, %sub3A_2339, %select_n3A_2330 : vector<32x128xi1>, vector<32x128xf32>
    %jit3A_2342 = arith.constant 211 : i32
    %broadcast_in_dim3A_2343 = vector.broadcast %jit3A_2342 : i32 to vector<32x128xi32>
    %select_n3A_2344 = arith.select %lt3A_2340, %broadcast_in_dim3A_2343, %select_n3A_2333 : vector<32x128xi1>, vector<32x128xi32>
    %get3A_2345 = arith.constant 6784 : index
    %get3A_2346 = arith.constant 0 : index
    %get3A_2347 = vector.load %arg4[%get3A_2345, %get3A_2346] : memref<8192x128xf32, #tpu.memory_space<vmem>>, vector<32x128xf32>
    %add3A_2348 = arith.addf %broadcast_in_dim3A_13, %get3A_2347 : vector<32x128xf32>
    %slice3A_2349 = vector.extract_strided_slice %dot_general3A_7 {offsets = [6784, 0], sizes = [32, 128], strides = [1, 1]} : vector<8192x128xf32> to vector<32x128xf32>
    %sub3A_2350 = arith.subf %add3A_2348, %slice3A_2349 : vector<32x128xf32>
    %lt3A_2351 = arith.cmpf olt, %sub3A_2350, %select_n3A_2341 : vector<32x128xf32>
    %select_n3A_2352 = arith.select %lt3A_2351, %sub3A_2350, %select_n3A_2341 : vector<32x128xi1>, vector<32x128xf32>
    %jit3A_2353 = arith.constant 212 : i32
    %broadcast_in_dim3A_2354 = vector.broadcast %jit3A_2353 : i32 to vector<32x128xi32>
    %select_n3A_2355 = arith.select %lt3A_2351, %broadcast_in_dim3A_2354, %select_n3A_2344 : vector<32x128xi1>, vector<32x128xi32>
    %get3A_2356 = arith.constant 6816 : index
    %get3A_2357 = arith.constant 0 : index
    %get3A_2358 = vector.load %arg4[%get3A_2356, %get3A_2357] : memref<8192x128xf32, #tpu.memory_space<vmem>>, vector<32x128xf32>
    %add3A_2359 = arith.addf %broadcast_in_dim3A_13, %get3A_2358 : vector<32x128xf32>
    %slice3A_2360 = vector.extract_strided_slice %dot_general3A_7 {offsets = [6816, 0], sizes = [32, 128], strides = [1, 1]} : vector<8192x128xf32> to vector<32x128xf32>
    %sub3A_2361 = arith.subf %add3A_2359, %slice3A_2360 : vector<32x128xf32>
    %lt3A_2362 = arith.cmpf olt, %sub3A_2361, %select_n3A_2352 : vector<32x128xf32>
    %select_n3A_2363 = arith.select %lt3A_2362, %sub3A_2361, %select_n3A_2352 : vector<32x128xi1>, vector<32x128xf32>
    %jit3A_2364 = arith.constant 213 : i32
    %broadcast_in_dim3A_2365 = vector.broadcast %jit3A_2364 : i32 to vector<32x128xi32>
    %select_n3A_2366 = arith.select %lt3A_2362, %broadcast_in_dim3A_2365, %select_n3A_2355 : vector<32x128xi1>, vector<32x128xi32>
    %get3A_2367 = arith.constant 6848 : index
    %get3A_2368 = arith.constant 0 : index
    %get3A_2369 = vector.load %arg4[%get3A_2367, %get3A_2368] : memref<8192x128xf32, #tpu.memory_space<vmem>>, vector<32x128xf32>
    %add3A_2370 = arith.addf %broadcast_in_dim3A_13, %get3A_2369 : vector<32x128xf32>
    %slice3A_2371 = vector.extract_strided_slice %dot_general3A_7 {offsets = [6848, 0], sizes = [32, 128], strides = [1, 1]} : vector<8192x128xf32> to vector<32x128xf32>
    %sub3A_2372 = arith.subf %add3A_2370, %slice3A_2371 : vector<32x128xf32>
    %lt3A_2373 = arith.cmpf olt, %sub3A_2372, %select_n3A_2363 : vector<32x128xf32>
    %select_n3A_2374 = arith.select %lt3A_2373, %sub3A_2372, %select_n3A_2363 : vector<32x128xi1>, vector<32x128xf32>
    %jit3A_2375 = arith.constant 214 : i32
    %broadcast_in_dim3A_2376 = vector.broadcast %jit3A_2375 : i32 to vector<32x128xi32>
    %select_n3A_2377 = arith.select %lt3A_2373, %broadcast_in_dim3A_2376, %select_n3A_2366 : vector<32x128xi1>, vector<32x128xi32>
    %get3A_2378 = arith.constant 6880 : index
    %get3A_2379 = arith.constant 0 : index
    %get3A_2380 = vector.load %arg4[%get3A_2378, %get3A_2379] : memref<8192x128xf32, #tpu.memory_space<vmem>>, vector<32x128xf32>
    %add3A_2381 = arith.addf %broadcast_in_dim3A_13, %get3A_2380 : vector<32x128xf32>
    %slice3A_2382 = vector.extract_strided_slice %dot_general3A_7 {offsets = [6880, 0], sizes = [32, 128], strides = [1, 1]} : vector<8192x128xf32> to vector<32x128xf32>
    %sub3A_2383 = arith.subf %add3A_2381, %slice3A_2382 : vector<32x128xf32>
    %lt3A_2384 = arith.cmpf olt, %sub3A_2383, %select_n3A_2374 : vector<32x128xf32>
    %select_n3A_2385 = arith.select %lt3A_2384, %sub3A_2383, %select_n3A_2374 : vector<32x128xi1>, vector<32x128xf32>
    %jit3A_2386 = arith.constant 215 : i32
    %broadcast_in_dim3A_2387 = vector.broadcast %jit3A_2386 : i32 to vector<32x128xi32>
    %select_n3A_2388 = arith.select %lt3A_2384, %broadcast_in_dim3A_2387, %select_n3A_2377 : vector<32x128xi1>, vector<32x128xi32>
    %get3A_2389 = arith.constant 6912 : index
    %get3A_2390 = arith.constant 0 : index
    %get3A_2391 = vector.load %arg4[%get3A_2389, %get3A_2390] : memref<8192x128xf32, #tpu.memory_space<vmem>>, vector<32x128xf32>
    %add3A_2392 = arith.addf %broadcast_in_dim3A_13, %get3A_2391 : vector<32x128xf32>
    %slice3A_2393 = vector.extract_strided_slice %dot_general3A_7 {offsets = [6912, 0], sizes = [32, 128], strides = [1, 1]} : vector<8192x128xf32> to vector<32x128xf32>
    %sub3A_2394 = arith.subf %add3A_2392, %slice3A_2393 : vector<32x128xf32>
    %lt3A_2395 = arith.cmpf olt, %sub3A_2394, %select_n3A_2385 : vector<32x128xf32>
    %select_n3A_2396 = arith.select %lt3A_2395, %sub3A_2394, %select_n3A_2385 : vector<32x128xi1>, vector<32x128xf32>
    %jit3A_2397 = arith.constant 216 : i32
    %broadcast_in_dim3A_2398 = vector.broadcast %jit3A_2397 : i32 to vector<32x128xi32>
    %select_n3A_2399 = arith.select %lt3A_2395, %broadcast_in_dim3A_2398, %select_n3A_2388 : vector<32x128xi1>, vector<32x128xi32>
    %get3A_2400 = arith.constant 6944 : index
    %get3A_2401 = arith.constant 0 : index
    %get3A_2402 = vector.load %arg4[%get3A_2400, %get3A_2401] : memref<8192x128xf32, #tpu.memory_space<vmem>>, vector<32x128xf32>
    %add3A_2403 = arith.addf %broadcast_in_dim3A_13, %get3A_2402 : vector<32x128xf32>
    %slice3A_2404 = vector.extract_strided_slice %dot_general3A_7 {offsets = [6944, 0], sizes = [32, 128], strides = [1, 1]} : vector<8192x128xf32> to vector<32x128xf32>
    %sub3A_2405 = arith.subf %add3A_2403, %slice3A_2404 : vector<32x128xf32>
    %lt3A_2406 = arith.cmpf olt, %sub3A_2405, %select_n3A_2396 : vector<32x128xf32>
    %select_n3A_2407 = arith.select %lt3A_2406, %sub3A_2405, %select_n3A_2396 : vector<32x128xi1>, vector<32x128xf32>
    %jit3A_2408 = arith.constant 217 : i32
    %broadcast_in_dim3A_2409 = vector.broadcast %jit3A_2408 : i32 to vector<32x128xi32>
    %select_n3A_2410 = arith.select %lt3A_2406, %broadcast_in_dim3A_2409, %select_n3A_2399 : vector<32x128xi1>, vector<32x128xi32>
    %get3A_2411 = arith.constant 6976 : index
    %get3A_2412 = arith.constant 0 : index
    %get3A_2413 = vector.load %arg4[%get3A_2411, %get3A_2412] : memref<8192x128xf32, #tpu.memory_space<vmem>>, vector<32x128xf32>
    %add3A_2414 = arith.addf %broadcast_in_dim3A_13, %get3A_2413 : vector<32x128xf32>
    %slice3A_2415 = vector.extract_strided_slice %dot_general3A_7 {offsets = [6976, 0], sizes = [32, 128], strides = [1, 1]} : vector<8192x128xf32> to vector<32x128xf32>
    %sub3A_2416 = arith.subf %add3A_2414, %slice3A_2415 : vector<32x128xf32>
    %lt3A_2417 = arith.cmpf olt, %sub3A_2416, %select_n3A_2407 : vector<32x128xf32>
    %select_n3A_2418 = arith.select %lt3A_2417, %sub3A_2416, %select_n3A_2407 : vector<32x128xi1>, vector<32x128xf32>
    %jit3A_2419 = arith.constant 218 : i32
    %broadcast_in_dim3A_2420 = vector.broadcast %jit3A_2419 : i32 to vector<32x128xi32>
    %select_n3A_2421 = arith.select %lt3A_2417, %broadcast_in_dim3A_2420, %select_n3A_2410 : vector<32x128xi1>, vector<32x128xi32>
    %get3A_2422 = arith.constant 7008 : index
    %get3A_2423 = arith.constant 0 : index
    %get3A_2424 = vector.load %arg4[%get3A_2422, %get3A_2423] : memref<8192x128xf32, #tpu.memory_space<vmem>>, vector<32x128xf32>
    %add3A_2425 = arith.addf %broadcast_in_dim3A_13, %get3A_2424 : vector<32x128xf32>
    %slice3A_2426 = vector.extract_strided_slice %dot_general3A_7 {offsets = [7008, 0], sizes = [32, 128], strides = [1, 1]} : vector<8192x128xf32> to vector<32x128xf32>
    %sub3A_2427 = arith.subf %add3A_2425, %slice3A_2426 : vector<32x128xf32>
    %lt3A_2428 = arith.cmpf olt, %sub3A_2427, %select_n3A_2418 : vector<32x128xf32>
    %select_n3A_2429 = arith.select %lt3A_2428, %sub3A_2427, %select_n3A_2418 : vector<32x128xi1>, vector<32x128xf32>
    %jit3A_2430 = arith.constant 219 : i32
    %broadcast_in_dim3A_2431 = vector.broadcast %jit3A_2430 : i32 to vector<32x128xi32>
    %select_n3A_2432 = arith.select %lt3A_2428, %broadcast_in_dim3A_2431, %select_n3A_2421 : vector<32x128xi1>, vector<32x128xi32>
    %get3A_2433 = arith.constant 7040 : index
    %get3A_2434 = arith.constant 0 : index
    %get3A_2435 = vector.load %arg4[%get3A_2433, %get3A_2434] : memref<8192x128xf32, #tpu.memory_space<vmem>>, vector<32x128xf32>
    %add3A_2436 = arith.addf %broadcast_in_dim3A_13, %get3A_2435 : vector<32x128xf32>
    %slice3A_2437 = vector.extract_strided_slice %dot_general3A_7 {offsets = [7040, 0], sizes = [32, 128], strides = [1, 1]} : vector<8192x128xf32> to vector<32x128xf32>
    %sub3A_2438 = arith.subf %add3A_2436, %slice3A_2437 : vector<32x128xf32>
    %lt3A_2439 = arith.cmpf olt, %sub3A_2438, %select_n3A_2429 : vector<32x128xf32>
    %select_n3A_2440 = arith.select %lt3A_2439, %sub3A_2438, %select_n3A_2429 : vector<32x128xi1>, vector<32x128xf32>
    %jit3A_2441 = arith.constant 220 : i32
    %broadcast_in_dim3A_2442 = vector.broadcast %jit3A_2441 : i32 to vector<32x128xi32>
    %select_n3A_2443 = arith.select %lt3A_2439, %broadcast_in_dim3A_2442, %select_n3A_2432 : vector<32x128xi1>, vector<32x128xi32>
    %get3A_2444 = arith.constant 7072 : index
    %get3A_2445 = arith.constant 0 : index
    %get3A_2446 = vector.load %arg4[%get3A_2444, %get3A_2445] : memref<8192x128xf32, #tpu.memory_space<vmem>>, vector<32x128xf32>
    %add3A_2447 = arith.addf %broadcast_in_dim3A_13, %get3A_2446 : vector<32x128xf32>
    %slice3A_2448 = vector.extract_strided_slice %dot_general3A_7 {offsets = [7072, 0], sizes = [32, 128], strides = [1, 1]} : vector<8192x128xf32> to vector<32x128xf32>
    %sub3A_2449 = arith.subf %add3A_2447, %slice3A_2448 : vector<32x128xf32>
    %lt3A_2450 = arith.cmpf olt, %sub3A_2449, %select_n3A_2440 : vector<32x128xf32>
    %select_n3A_2451 = arith.select %lt3A_2450, %sub3A_2449, %select_n3A_2440 : vector<32x128xi1>, vector<32x128xf32>
    %jit3A_2452 = arith.constant 221 : i32
    %broadcast_in_dim3A_2453 = vector.broadcast %jit3A_2452 : i32 to vector<32x128xi32>
    %select_n3A_2454 = arith.select %lt3A_2450, %broadcast_in_dim3A_2453, %select_n3A_2443 : vector<32x128xi1>, vector<32x128xi32>
    %get3A_2455 = arith.constant 7104 : index
    %get3A_2456 = arith.constant 0 : index
    %get3A_2457 = vector.load %arg4[%get3A_2455, %get3A_2456] : memref<8192x128xf32, #tpu.memory_space<vmem>>, vector<32x128xf32>
    %add3A_2458 = arith.addf %broadcast_in_dim3A_13, %get3A_2457 : vector<32x128xf32>
    %slice3A_2459 = vector.extract_strided_slice %dot_general3A_7 {offsets = [7104, 0], sizes = [32, 128], strides = [1, 1]} : vector<8192x128xf32> to vector<32x128xf32>
    %sub3A_2460 = arith.subf %add3A_2458, %slice3A_2459 : vector<32x128xf32>
    %lt3A_2461 = arith.cmpf olt, %sub3A_2460, %select_n3A_2451 : vector<32x128xf32>
    %select_n3A_2462 = arith.select %lt3A_2461, %sub3A_2460, %select_n3A_2451 : vector<32x128xi1>, vector<32x128xf32>
    %jit3A_2463 = arith.constant 222 : i32
    %broadcast_in_dim3A_2464 = vector.broadcast %jit3A_2463 : i32 to vector<32x128xi32>
    %select_n3A_2465 = arith.select %lt3A_2461, %broadcast_in_dim3A_2464, %select_n3A_2454 : vector<32x128xi1>, vector<32x128xi32>
    %get3A_2466 = arith.constant 7136 : index
    %get3A_2467 = arith.constant 0 : index
    %get3A_2468 = vector.load %arg4[%get3A_2466, %get3A_2467] : memref<8192x128xf32, #tpu.memory_space<vmem>>, vector<32x128xf32>
    %add3A_2469 = arith.addf %broadcast_in_dim3A_13, %get3A_2468 : vector<32x128xf32>
    %slice3A_2470 = vector.extract_strided_slice %dot_general3A_7 {offsets = [7136, 0], sizes = [32, 128], strides = [1, 1]} : vector<8192x128xf32> to vector<32x128xf32>
    %sub3A_2471 = arith.subf %add3A_2469, %slice3A_2470 : vector<32x128xf32>
    %lt3A_2472 = arith.cmpf olt, %sub3A_2471, %select_n3A_2462 : vector<32x128xf32>
    %select_n3A_2473 = arith.select %lt3A_2472, %sub3A_2471, %select_n3A_2462 : vector<32x128xi1>, vector<32x128xf32>
    %jit3A_2474 = arith.constant 223 : i32
    %broadcast_in_dim3A_2475 = vector.broadcast %jit3A_2474 : i32 to vector<32x128xi32>
    %select_n3A_2476 = arith.select %lt3A_2472, %broadcast_in_dim3A_2475, %select_n3A_2465 : vector<32x128xi1>, vector<32x128xi32>
    %get3A_2477 = arith.constant 7168 : index
    %get3A_2478 = arith.constant 0 : index
    %get3A_2479 = vector.load %arg4[%get3A_2477, %get3A_2478] : memref<8192x128xf32, #tpu.memory_space<vmem>>, vector<32x128xf32>
    %add3A_2480 = arith.addf %broadcast_in_dim3A_13, %get3A_2479 : vector<32x128xf32>
    %slice3A_2481 = vector.extract_strided_slice %dot_general3A_7 {offsets = [7168, 0], sizes = [32, 128], strides = [1, 1]} : vector<8192x128xf32> to vector<32x128xf32>
    %sub3A_2482 = arith.subf %add3A_2480, %slice3A_2481 : vector<32x128xf32>
    %lt3A_2483 = arith.cmpf olt, %sub3A_2482, %select_n3A_2473 : vector<32x128xf32>
    %select_n3A_2484 = arith.select %lt3A_2483, %sub3A_2482, %select_n3A_2473 : vector<32x128xi1>, vector<32x128xf32>
    %jit3A_2485 = arith.constant 224 : i32
    %broadcast_in_dim3A_2486 = vector.broadcast %jit3A_2485 : i32 to vector<32x128xi32>
    %select_n3A_2487 = arith.select %lt3A_2483, %broadcast_in_dim3A_2486, %select_n3A_2476 : vector<32x128xi1>, vector<32x128xi32>
    %get3A_2488 = arith.constant 7200 : index
    %get3A_2489 = arith.constant 0 : index
    %get3A_2490 = vector.load %arg4[%get3A_2488, %get3A_2489] : memref<8192x128xf32, #tpu.memory_space<vmem>>, vector<32x128xf32>
    %add3A_2491 = arith.addf %broadcast_in_dim3A_13, %get3A_2490 : vector<32x128xf32>
    %slice3A_2492 = vector.extract_strided_slice %dot_general3A_7 {offsets = [7200, 0], sizes = [32, 128], strides = [1, 1]} : vector<8192x128xf32> to vector<32x128xf32>
    %sub3A_2493 = arith.subf %add3A_2491, %slice3A_2492 : vector<32x128xf32>
    %lt3A_2494 = arith.cmpf olt, %sub3A_2493, %select_n3A_2484 : vector<32x128xf32>
    %select_n3A_2495 = arith.select %lt3A_2494, %sub3A_2493, %select_n3A_2484 : vector<32x128xi1>, vector<32x128xf32>
    %jit3A_2496 = arith.constant 225 : i32
    %broadcast_in_dim3A_2497 = vector.broadcast %jit3A_2496 : i32 to vector<32x128xi32>
    %select_n3A_2498 = arith.select %lt3A_2494, %broadcast_in_dim3A_2497, %select_n3A_2487 : vector<32x128xi1>, vector<32x128xi32>
    %get3A_2499 = arith.constant 7232 : index
    %get3A_2500 = arith.constant 0 : index
    %get3A_2501 = vector.load %arg4[%get3A_2499, %get3A_2500] : memref<8192x128xf32, #tpu.memory_space<vmem>>, vector<32x128xf32>
    %add3A_2502 = arith.addf %broadcast_in_dim3A_13, %get3A_2501 : vector<32x128xf32>
    %slice3A_2503 = vector.extract_strided_slice %dot_general3A_7 {offsets = [7232, 0], sizes = [32, 128], strides = [1, 1]} : vector<8192x128xf32> to vector<32x128xf32>
    %sub3A_2504 = arith.subf %add3A_2502, %slice3A_2503 : vector<32x128xf32>
    %lt3A_2505 = arith.cmpf olt, %sub3A_2504, %select_n3A_2495 : vector<32x128xf32>
    %select_n3A_2506 = arith.select %lt3A_2505, %sub3A_2504, %select_n3A_2495 : vector<32x128xi1>, vector<32x128xf32>
    %jit3A_2507 = arith.constant 226 : i32
    %broadcast_in_dim3A_2508 = vector.broadcast %jit3A_2507 : i32 to vector<32x128xi32>
    %select_n3A_2509 = arith.select %lt3A_2505, %broadcast_in_dim3A_2508, %select_n3A_2498 : vector<32x128xi1>, vector<32x128xi32>
    %get3A_2510 = arith.constant 7264 : index
    %get3A_2511 = arith.constant 0 : index
    %get3A_2512 = vector.load %arg4[%get3A_2510, %get3A_2511] : memref<8192x128xf32, #tpu.memory_space<vmem>>, vector<32x128xf32>
    %add3A_2513 = arith.addf %broadcast_in_dim3A_13, %get3A_2512 : vector<32x128xf32>
    %slice3A_2514 = vector.extract_strided_slice %dot_general3A_7 {offsets = [7264, 0], sizes = [32, 128], strides = [1, 1]} : vector<8192x128xf32> to vector<32x128xf32>
    %sub3A_2515 = arith.subf %add3A_2513, %slice3A_2514 : vector<32x128xf32>
    %lt3A_2516 = arith.cmpf olt, %sub3A_2515, %select_n3A_2506 : vector<32x128xf32>
    %select_n3A_2517 = arith.select %lt3A_2516, %sub3A_2515, %select_n3A_2506 : vector<32x128xi1>, vector<32x128xf32>
    %jit3A_2518 = arith.constant 227 : i32
    %broadcast_in_dim3A_2519 = vector.broadcast %jit3A_2518 : i32 to vector<32x128xi32>
    %select_n3A_2520 = arith.select %lt3A_2516, %broadcast_in_dim3A_2519, %select_n3A_2509 : vector<32x128xi1>, vector<32x128xi32>
    %get3A_2521 = arith.constant 7296 : index
    %get3A_2522 = arith.constant 0 : index
    %get3A_2523 = vector.load %arg4[%get3A_2521, %get3A_2522] : memref<8192x128xf32, #tpu.memory_space<vmem>>, vector<32x128xf32>
    %add3A_2524 = arith.addf %broadcast_in_dim3A_13, %get3A_2523 : vector<32x128xf32>
    %slice3A_2525 = vector.extract_strided_slice %dot_general3A_7 {offsets = [7296, 0], sizes = [32, 128], strides = [1, 1]} : vector<8192x128xf32> to vector<32x128xf32>
    %sub3A_2526 = arith.subf %add3A_2524, %slice3A_2525 : vector<32x128xf32>
    %lt3A_2527 = arith.cmpf olt, %sub3A_2526, %select_n3A_2517 : vector<32x128xf32>
    %select_n3A_2528 = arith.select %lt3A_2527, %sub3A_2526, %select_n3A_2517 : vector<32x128xi1>, vector<32x128xf32>
    %jit3A_2529 = arith.constant 228 : i32
    %broadcast_in_dim3A_2530 = vector.broadcast %jit3A_2529 : i32 to vector<32x128xi32>
    %select_n3A_2531 = arith.select %lt3A_2527, %broadcast_in_dim3A_2530, %select_n3A_2520 : vector<32x128xi1>, vector<32x128xi32>
    %get3A_2532 = arith.constant 7328 : index
    %get3A_2533 = arith.constant 0 : index
    %get3A_2534 = vector.load %arg4[%get3A_2532, %get3A_2533] : memref<8192x128xf32, #tpu.memory_space<vmem>>, vector<32x128xf32>
    %add3A_2535 = arith.addf %broadcast_in_dim3A_13, %get3A_2534 : vector<32x128xf32>
    %slice3A_2536 = vector.extract_strided_slice %dot_general3A_7 {offsets = [7328, 0], sizes = [32, 128], strides = [1, 1]} : vector<8192x128xf32> to vector<32x128xf32>
    %sub3A_2537 = arith.subf %add3A_2535, %slice3A_2536 : vector<32x128xf32>
    %lt3A_2538 = arith.cmpf olt, %sub3A_2537, %select_n3A_2528 : vector<32x128xf32>
    %select_n3A_2539 = arith.select %lt3A_2538, %sub3A_2537, %select_n3A_2528 : vector<32x128xi1>, vector<32x128xf32>
    %jit3A_2540 = arith.constant 229 : i32
    %broadcast_in_dim3A_2541 = vector.broadcast %jit3A_2540 : i32 to vector<32x128xi32>
    %select_n3A_2542 = arith.select %lt3A_2538, %broadcast_in_dim3A_2541, %select_n3A_2531 : vector<32x128xi1>, vector<32x128xi32>
    %get3A_2543 = arith.constant 7360 : index
    %get3A_2544 = arith.constant 0 : index
    %get3A_2545 = vector.load %arg4[%get3A_2543, %get3A_2544] : memref<8192x128xf32, #tpu.memory_space<vmem>>, vector<32x128xf32>
    %add3A_2546 = arith.addf %broadcast_in_dim3A_13, %get3A_2545 : vector<32x128xf32>
    %slice3A_2547 = vector.extract_strided_slice %dot_general3A_7 {offsets = [7360, 0], sizes = [32, 128], strides = [1, 1]} : vector<8192x128xf32> to vector<32x128xf32>
    %sub3A_2548 = arith.subf %add3A_2546, %slice3A_2547 : vector<32x128xf32>
    %lt3A_2549 = arith.cmpf olt, %sub3A_2548, %select_n3A_2539 : vector<32x128xf32>
    %select_n3A_2550 = arith.select %lt3A_2549, %sub3A_2548, %select_n3A_2539 : vector<32x128xi1>, vector<32x128xf32>
    %jit3A_2551 = arith.constant 230 : i32
    %broadcast_in_dim3A_2552 = vector.broadcast %jit3A_2551 : i32 to vector<32x128xi32>
    %select_n3A_2553 = arith.select %lt3A_2549, %broadcast_in_dim3A_2552, %select_n3A_2542 : vector<32x128xi1>, vector<32x128xi32>
    %get3A_2554 = arith.constant 7392 : index
    %get3A_2555 = arith.constant 0 : index
    %get3A_2556 = vector.load %arg4[%get3A_2554, %get3A_2555] : memref<8192x128xf32, #tpu.memory_space<vmem>>, vector<32x128xf32>
    %add3A_2557 = arith.addf %broadcast_in_dim3A_13, %get3A_2556 : vector<32x128xf32>
    %slice3A_2558 = vector.extract_strided_slice %dot_general3A_7 {offsets = [7392, 0], sizes = [32, 128], strides = [1, 1]} : vector<8192x128xf32> to vector<32x128xf32>
    %sub3A_2559 = arith.subf %add3A_2557, %slice3A_2558 : vector<32x128xf32>
    %lt3A_2560 = arith.cmpf olt, %sub3A_2559, %select_n3A_2550 : vector<32x128xf32>
    %select_n3A_2561 = arith.select %lt3A_2560, %sub3A_2559, %select_n3A_2550 : vector<32x128xi1>, vector<32x128xf32>
    %jit3A_2562 = arith.constant 231 : i32
    %broadcast_in_dim3A_2563 = vector.broadcast %jit3A_2562 : i32 to vector<32x128xi32>
    %select_n3A_2564 = arith.select %lt3A_2560, %broadcast_in_dim3A_2563, %select_n3A_2553 : vector<32x128xi1>, vector<32x128xi32>
    %get3A_2565 = arith.constant 7424 : index
    %get3A_2566 = arith.constant 0 : index
    %get3A_2567 = vector.load %arg4[%get3A_2565, %get3A_2566] : memref<8192x128xf32, #tpu.memory_space<vmem>>, vector<32x128xf32>
    %add3A_2568 = arith.addf %broadcast_in_dim3A_13, %get3A_2567 : vector<32x128xf32>
    %slice3A_2569 = vector.extract_strided_slice %dot_general3A_7 {offsets = [7424, 0], sizes = [32, 128], strides = [1, 1]} : vector<8192x128xf32> to vector<32x128xf32>
    %sub3A_2570 = arith.subf %add3A_2568, %slice3A_2569 : vector<32x128xf32>
    %lt3A_2571 = arith.cmpf olt, %sub3A_2570, %select_n3A_2561 : vector<32x128xf32>
    %select_n3A_2572 = arith.select %lt3A_2571, %sub3A_2570, %select_n3A_2561 : vector<32x128xi1>, vector<32x128xf32>
    %jit3A_2573 = arith.constant 232 : i32
    %broadcast_in_dim3A_2574 = vector.broadcast %jit3A_2573 : i32 to vector<32x128xi32>
    %select_n3A_2575 = arith.select %lt3A_2571, %broadcast_in_dim3A_2574, %select_n3A_2564 : vector<32x128xi1>, vector<32x128xi32>
    %get3A_2576 = arith.constant 7456 : index
    %get3A_2577 = arith.constant 0 : index
    %get3A_2578 = vector.load %arg4[%get3A_2576, %get3A_2577] : memref<8192x128xf32, #tpu.memory_space<vmem>>, vector<32x128xf32>
    %add3A_2579 = arith.addf %broadcast_in_dim3A_13, %get3A_2578 : vector<32x128xf32>
    %slice3A_2580 = vector.extract_strided_slice %dot_general3A_7 {offsets = [7456, 0], sizes = [32, 128], strides = [1, 1]} : vector<8192x128xf32> to vector<32x128xf32>
    %sub3A_2581 = arith.subf %add3A_2579, %slice3A_2580 : vector<32x128xf32>
    %lt3A_2582 = arith.cmpf olt, %sub3A_2581, %select_n3A_2572 : vector<32x128xf32>
    %select_n3A_2583 = arith.select %lt3A_2582, %sub3A_2581, %select_n3A_2572 : vector<32x128xi1>, vector<32x128xf32>
    %jit3A_2584 = arith.constant 233 : i32
    %broadcast_in_dim3A_2585 = vector.broadcast %jit3A_2584 : i32 to vector<32x128xi32>
    %select_n3A_2586 = arith.select %lt3A_2582, %broadcast_in_dim3A_2585, %select_n3A_2575 : vector<32x128xi1>, vector<32x128xi32>
    %get3A_2587 = arith.constant 7488 : index
    %get3A_2588 = arith.constant 0 : index
    %get3A_2589 = vector.load %arg4[%get3A_2587, %get3A_2588] : memref<8192x128xf32, #tpu.memory_space<vmem>>, vector<32x128xf32>
    %add3A_2590 = arith.addf %broadcast_in_dim3A_13, %get3A_2589 : vector<32x128xf32>
    %slice3A_2591 = vector.extract_strided_slice %dot_general3A_7 {offsets = [7488, 0], sizes = [32, 128], strides = [1, 1]} : vector<8192x128xf32> to vector<32x128xf32>
    %sub3A_2592 = arith.subf %add3A_2590, %slice3A_2591 : vector<32x128xf32>
    %lt3A_2593 = arith.cmpf olt, %sub3A_2592, %select_n3A_2583 : vector<32x128xf32>
    %select_n3A_2594 = arith.select %lt3A_2593, %sub3A_2592, %select_n3A_2583 : vector<32x128xi1>, vector<32x128xf32>
    %jit3A_2595 = arith.constant 234 : i32
    %broadcast_in_dim3A_2596 = vector.broadcast %jit3A_2595 : i32 to vector<32x128xi32>
    %select_n3A_2597 = arith.select %lt3A_2593, %broadcast_in_dim3A_2596, %select_n3A_2586 : vector<32x128xi1>, vector<32x128xi32>
    %get3A_2598 = arith.constant 7520 : index
    %get3A_2599 = arith.constant 0 : index
    %get3A_2600 = vector.load %arg4[%get3A_2598, %get3A_2599] : memref<8192x128xf32, #tpu.memory_space<vmem>>, vector<32x128xf32>
    %add3A_2601 = arith.addf %broadcast_in_dim3A_13, %get3A_2600 : vector<32x128xf32>
    %slice3A_2602 = vector.extract_strided_slice %dot_general3A_7 {offsets = [7520, 0], sizes = [32, 128], strides = [1, 1]} : vector<8192x128xf32> to vector<32x128xf32>
    %sub3A_2603 = arith.subf %add3A_2601, %slice3A_2602 : vector<32x128xf32>
    %lt3A_2604 = arith.cmpf olt, %sub3A_2603, %select_n3A_2594 : vector<32x128xf32>
    %select_n3A_2605 = arith.select %lt3A_2604, %sub3A_2603, %select_n3A_2594 : vector<32x128xi1>, vector<32x128xf32>
    %jit3A_2606 = arith.constant 235 : i32
    %broadcast_in_dim3A_2607 = vector.broadcast %jit3A_2606 : i32 to vector<32x128xi32>
    %select_n3A_2608 = arith.select %lt3A_2604, %broadcast_in_dim3A_2607, %select_n3A_2597 : vector<32x128xi1>, vector<32x128xi32>
    %get3A_2609 = arith.constant 7552 : index
    %get3A_2610 = arith.constant 0 : index
    %get3A_2611 = vector.load %arg4[%get3A_2609, %get3A_2610] : memref<8192x128xf32, #tpu.memory_space<vmem>>, vector<32x128xf32>
    %add3A_2612 = arith.addf %broadcast_in_dim3A_13, %get3A_2611 : vector<32x128xf32>
    %slice3A_2613 = vector.extract_strided_slice %dot_general3A_7 {offsets = [7552, 0], sizes = [32, 128], strides = [1, 1]} : vector<8192x128xf32> to vector<32x128xf32>
    %sub3A_2614 = arith.subf %add3A_2612, %slice3A_2613 : vector<32x128xf32>
    %lt3A_2615 = arith.cmpf olt, %sub3A_2614, %select_n3A_2605 : vector<32x128xf32>
    %select_n3A_2616 = arith.select %lt3A_2615, %sub3A_2614, %select_n3A_2605 : vector<32x128xi1>, vector<32x128xf32>
    %jit3A_2617 = arith.constant 236 : i32
    %broadcast_in_dim3A_2618 = vector.broadcast %jit3A_2617 : i32 to vector<32x128xi32>
    %select_n3A_2619 = arith.select %lt3A_2615, %broadcast_in_dim3A_2618, %select_n3A_2608 : vector<32x128xi1>, vector<32x128xi32>
    %get3A_2620 = arith.constant 7584 : index
    %get3A_2621 = arith.constant 0 : index
    %get3A_2622 = vector.load %arg4[%get3A_2620, %get3A_2621] : memref<8192x128xf32, #tpu.memory_space<vmem>>, vector<32x128xf32>
    %add3A_2623 = arith.addf %broadcast_in_dim3A_13, %get3A_2622 : vector<32x128xf32>
    %slice3A_2624 = vector.extract_strided_slice %dot_general3A_7 {offsets = [7584, 0], sizes = [32, 128], strides = [1, 1]} : vector<8192x128xf32> to vector<32x128xf32>
    %sub3A_2625 = arith.subf %add3A_2623, %slice3A_2624 : vector<32x128xf32>
    %lt3A_2626 = arith.cmpf olt, %sub3A_2625, %select_n3A_2616 : vector<32x128xf32>
    %select_n3A_2627 = arith.select %lt3A_2626, %sub3A_2625, %select_n3A_2616 : vector<32x128xi1>, vector<32x128xf32>
    %jit3A_2628 = arith.constant 237 : i32
    %broadcast_in_dim3A_2629 = vector.broadcast %jit3A_2628 : i32 to vector<32x128xi32>
    %select_n3A_2630 = arith.select %lt3A_2626, %broadcast_in_dim3A_2629, %select_n3A_2619 : vector<32x128xi1>, vector<32x128xi32>
    %get3A_2631 = arith.constant 7616 : index
    %get3A_2632 = arith.constant 0 : index
    %get3A_2633 = vector.load %arg4[%get3A_2631, %get3A_2632] : memref<8192x128xf32, #tpu.memory_space<vmem>>, vector<32x128xf32>
    %add3A_2634 = arith.addf %broadcast_in_dim3A_13, %get3A_2633 : vector<32x128xf32>
    %slice3A_2635 = vector.extract_strided_slice %dot_general3A_7 {offsets = [7616, 0], sizes = [32, 128], strides = [1, 1]} : vector<8192x128xf32> to vector<32x128xf32>
    %sub3A_2636 = arith.subf %add3A_2634, %slice3A_2635 : vector<32x128xf32>
    %lt3A_2637 = arith.cmpf olt, %sub3A_2636, %select_n3A_2627 : vector<32x128xf32>
    %select_n3A_2638 = arith.select %lt3A_2637, %sub3A_2636, %select_n3A_2627 : vector<32x128xi1>, vector<32x128xf32>
    %jit3A_2639 = arith.constant 238 : i32
    %broadcast_in_dim3A_2640 = vector.broadcast %jit3A_2639 : i32 to vector<32x128xi32>
    %select_n3A_2641 = arith.select %lt3A_2637, %broadcast_in_dim3A_2640, %select_n3A_2630 : vector<32x128xi1>, vector<32x128xi32>
    %get3A_2642 = arith.constant 7648 : index
    %get3A_2643 = arith.constant 0 : index
    %get3A_2644 = vector.load %arg4[%get3A_2642, %get3A_2643] : memref<8192x128xf32, #tpu.memory_space<vmem>>, vector<32x128xf32>
    %add3A_2645 = arith.addf %broadcast_in_dim3A_13, %get3A_2644 : vector<32x128xf32>
    %slice3A_2646 = vector.extract_strided_slice %dot_general3A_7 {offsets = [7648, 0], sizes = [32, 128], strides = [1, 1]} : vector<8192x128xf32> to vector<32x128xf32>
    %sub3A_2647 = arith.subf %add3A_2645, %slice3A_2646 : vector<32x128xf32>
    %lt3A_2648 = arith.cmpf olt, %sub3A_2647, %select_n3A_2638 : vector<32x128xf32>
    %select_n3A_2649 = arith.select %lt3A_2648, %sub3A_2647, %select_n3A_2638 : vector<32x128xi1>, vector<32x128xf32>
    %jit3A_2650 = arith.constant 239 : i32
    %broadcast_in_dim3A_2651 = vector.broadcast %jit3A_2650 : i32 to vector<32x128xi32>
    %select_n3A_2652 = arith.select %lt3A_2648, %broadcast_in_dim3A_2651, %select_n3A_2641 : vector<32x128xi1>, vector<32x128xi32>
    %get3A_2653 = arith.constant 7680 : index
    %get3A_2654 = arith.constant 0 : index
    %get3A_2655 = vector.load %arg4[%get3A_2653, %get3A_2654] : memref<8192x128xf32, #tpu.memory_space<vmem>>, vector<32x128xf32>
    %add3A_2656 = arith.addf %broadcast_in_dim3A_13, %get3A_2655 : vector<32x128xf32>
    %slice3A_2657 = vector.extract_strided_slice %dot_general3A_7 {offsets = [7680, 0], sizes = [32, 128], strides = [1, 1]} : vector<8192x128xf32> to vector<32x128xf32>
    %sub3A_2658 = arith.subf %add3A_2656, %slice3A_2657 : vector<32x128xf32>
    %lt3A_2659 = arith.cmpf olt, %sub3A_2658, %select_n3A_2649 : vector<32x128xf32>
    %select_n3A_2660 = arith.select %lt3A_2659, %sub3A_2658, %select_n3A_2649 : vector<32x128xi1>, vector<32x128xf32>
    %jit3A_2661 = arith.constant 240 : i32
    %broadcast_in_dim3A_2662 = vector.broadcast %jit3A_2661 : i32 to vector<32x128xi32>
    %select_n3A_2663 = arith.select %lt3A_2659, %broadcast_in_dim3A_2662, %select_n3A_2652 : vector<32x128xi1>, vector<32x128xi32>
    %get3A_2664 = arith.constant 7712 : index
    %get3A_2665 = arith.constant 0 : index
    %get3A_2666 = vector.load %arg4[%get3A_2664, %get3A_2665] : memref<8192x128xf32, #tpu.memory_space<vmem>>, vector<32x128xf32>
    %add3A_2667 = arith.addf %broadcast_in_dim3A_13, %get3A_2666 : vector<32x128xf32>
    %slice3A_2668 = vector.extract_strided_slice %dot_general3A_7 {offsets = [7712, 0], sizes = [32, 128], strides = [1, 1]} : vector<8192x128xf32> to vector<32x128xf32>
    %sub3A_2669 = arith.subf %add3A_2667, %slice3A_2668 : vector<32x128xf32>
    %lt3A_2670 = arith.cmpf olt, %sub3A_2669, %select_n3A_2660 : vector<32x128xf32>
    %select_n3A_2671 = arith.select %lt3A_2670, %sub3A_2669, %select_n3A_2660 : vector<32x128xi1>, vector<32x128xf32>
    %jit3A_2672 = arith.constant 241 : i32
    %broadcast_in_dim3A_2673 = vector.broadcast %jit3A_2672 : i32 to vector<32x128xi32>
    %select_n3A_2674 = arith.select %lt3A_2670, %broadcast_in_dim3A_2673, %select_n3A_2663 : vector<32x128xi1>, vector<32x128xi32>
    %get3A_2675 = arith.constant 7744 : index
    %get3A_2676 = arith.constant 0 : index
    %get3A_2677 = vector.load %arg4[%get3A_2675, %get3A_2676] : memref<8192x128xf32, #tpu.memory_space<vmem>>, vector<32x128xf32>
    %add3A_2678 = arith.addf %broadcast_in_dim3A_13, %get3A_2677 : vector<32x128xf32>
    %slice3A_2679 = vector.extract_strided_slice %dot_general3A_7 {offsets = [7744, 0], sizes = [32, 128], strides = [1, 1]} : vector<8192x128xf32> to vector<32x128xf32>
    %sub3A_2680 = arith.subf %add3A_2678, %slice3A_2679 : vector<32x128xf32>
    %lt3A_2681 = arith.cmpf olt, %sub3A_2680, %select_n3A_2671 : vector<32x128xf32>
    %select_n3A_2682 = arith.select %lt3A_2681, %sub3A_2680, %select_n3A_2671 : vector<32x128xi1>, vector<32x128xf32>
    %jit3A_2683 = arith.constant 242 : i32
    %broadcast_in_dim3A_2684 = vector.broadcast %jit3A_2683 : i32 to vector<32x128xi32>
    %select_n3A_2685 = arith.select %lt3A_2681, %broadcast_in_dim3A_2684, %select_n3A_2674 : vector<32x128xi1>, vector<32x128xi32>
    %get3A_2686 = arith.constant 7776 : index
    %get3A_2687 = arith.constant 0 : index
    %get3A_2688 = vector.load %arg4[%get3A_2686, %get3A_2687] : memref<8192x128xf32, #tpu.memory_space<vmem>>, vector<32x128xf32>
    %add3A_2689 = arith.addf %broadcast_in_dim3A_13, %get3A_2688 : vector<32x128xf32>
    %slice3A_2690 = vector.extract_strided_slice %dot_general3A_7 {offsets = [7776, 0], sizes = [32, 128], strides = [1, 1]} : vector<8192x128xf32> to vector<32x128xf32>
    %sub3A_2691 = arith.subf %add3A_2689, %slice3A_2690 : vector<32x128xf32>
    %lt3A_2692 = arith.cmpf olt, %sub3A_2691, %select_n3A_2682 : vector<32x128xf32>
    %select_n3A_2693 = arith.select %lt3A_2692, %sub3A_2691, %select_n3A_2682 : vector<32x128xi1>, vector<32x128xf32>
    %jit3A_2694 = arith.constant 243 : i32
    %broadcast_in_dim3A_2695 = vector.broadcast %jit3A_2694 : i32 to vector<32x128xi32>
    %select_n3A_2696 = arith.select %lt3A_2692, %broadcast_in_dim3A_2695, %select_n3A_2685 : vector<32x128xi1>, vector<32x128xi32>
    %get3A_2697 = arith.constant 7808 : index
    %get3A_2698 = arith.constant 0 : index
    %get3A_2699 = vector.load %arg4[%get3A_2697, %get3A_2698] : memref<8192x128xf32, #tpu.memory_space<vmem>>, vector<32x128xf32>
    %add3A_2700 = arith.addf %broadcast_in_dim3A_13, %get3A_2699 : vector<32x128xf32>
    %slice3A_2701 = vector.extract_strided_slice %dot_general3A_7 {offsets = [7808, 0], sizes = [32, 128], strides = [1, 1]} : vector<8192x128xf32> to vector<32x128xf32>
    %sub3A_2702 = arith.subf %add3A_2700, %slice3A_2701 : vector<32x128xf32>
    %lt3A_2703 = arith.cmpf olt, %sub3A_2702, %select_n3A_2693 : vector<32x128xf32>
    %select_n3A_2704 = arith.select %lt3A_2703, %sub3A_2702, %select_n3A_2693 : vector<32x128xi1>, vector<32x128xf32>
    %jit3A_2705 = arith.constant 244 : i32
    %broadcast_in_dim3A_2706 = vector.broadcast %jit3A_2705 : i32 to vector<32x128xi32>
    %select_n3A_2707 = arith.select %lt3A_2703, %broadcast_in_dim3A_2706, %select_n3A_2696 : vector<32x128xi1>, vector<32x128xi32>
    %get3A_2708 = arith.constant 7840 : index
    %get3A_2709 = arith.constant 0 : index
    %get3A_2710 = vector.load %arg4[%get3A_2708, %get3A_2709] : memref<8192x128xf32, #tpu.memory_space<vmem>>, vector<32x128xf32>
    %add3A_2711 = arith.addf %broadcast_in_dim3A_13, %get3A_2710 : vector<32x128xf32>
    %slice3A_2712 = vector.extract_strided_slice %dot_general3A_7 {offsets = [7840, 0], sizes = [32, 128], strides = [1, 1]} : vector<8192x128xf32> to vector<32x128xf32>
    %sub3A_2713 = arith.subf %add3A_2711, %slice3A_2712 : vector<32x128xf32>
    %lt3A_2714 = arith.cmpf olt, %sub3A_2713, %select_n3A_2704 : vector<32x128xf32>
    %select_n3A_2715 = arith.select %lt3A_2714, %sub3A_2713, %select_n3A_2704 : vector<32x128xi1>, vector<32x128xf32>
    %jit3A_2716 = arith.constant 245 : i32
    %broadcast_in_dim3A_2717 = vector.broadcast %jit3A_2716 : i32 to vector<32x128xi32>
    %select_n3A_2718 = arith.select %lt3A_2714, %broadcast_in_dim3A_2717, %select_n3A_2707 : vector<32x128xi1>, vector<32x128xi32>
    %get3A_2719 = arith.constant 7872 : index
    %get3A_2720 = arith.constant 0 : index
    %get3A_2721 = vector.load %arg4[%get3A_2719, %get3A_2720] : memref<8192x128xf32, #tpu.memory_space<vmem>>, vector<32x128xf32>
    %add3A_2722 = arith.addf %broadcast_in_dim3A_13, %get3A_2721 : vector<32x128xf32>
    %slice3A_2723 = vector.extract_strided_slice %dot_general3A_7 {offsets = [7872, 0], sizes = [32, 128], strides = [1, 1]} : vector<8192x128xf32> to vector<32x128xf32>
    %sub3A_2724 = arith.subf %add3A_2722, %slice3A_2723 : vector<32x128xf32>
    %lt3A_2725 = arith.cmpf olt, %sub3A_2724, %select_n3A_2715 : vector<32x128xf32>
    %select_n3A_2726 = arith.select %lt3A_2725, %sub3A_2724, %select_n3A_2715 : vector<32x128xi1>, vector<32x128xf32>
    %jit3A_2727 = arith.constant 246 : i32
    %broadcast_in_dim3A_2728 = vector.broadcast %jit3A_2727 : i32 to vector<32x128xi32>
    %select_n3A_2729 = arith.select %lt3A_2725, %broadcast_in_dim3A_2728, %select_n3A_2718 : vector<32x128xi1>, vector<32x128xi32>
    %get3A_2730 = arith.constant 7904 : index
    %get3A_2731 = arith.constant 0 : index
    %get3A_2732 = vector.load %arg4[%get3A_2730, %get3A_2731] : memref<8192x128xf32, #tpu.memory_space<vmem>>, vector<32x128xf32>
    %add3A_2733 = arith.addf %broadcast_in_dim3A_13, %get3A_2732 : vector<32x128xf32>
    %slice3A_2734 = vector.extract_strided_slice %dot_general3A_7 {offsets = [7904, 0], sizes = [32, 128], strides = [1, 1]} : vector<8192x128xf32> to vector<32x128xf32>
    %sub3A_2735 = arith.subf %add3A_2733, %slice3A_2734 : vector<32x128xf32>
    %lt3A_2736 = arith.cmpf olt, %sub3A_2735, %select_n3A_2726 : vector<32x128xf32>
    %select_n3A_2737 = arith.select %lt3A_2736, %sub3A_2735, %select_n3A_2726 : vector<32x128xi1>, vector<32x128xf32>
    %jit3A_2738 = arith.constant 247 : i32
    %broadcast_in_dim3A_2739 = vector.broadcast %jit3A_2738 : i32 to vector<32x128xi32>
    %select_n3A_2740 = arith.select %lt3A_2736, %broadcast_in_dim3A_2739, %select_n3A_2729 : vector<32x128xi1>, vector<32x128xi32>
    %get3A_2741 = arith.constant 7936 : index
    %get3A_2742 = arith.constant 0 : index
    %get3A_2743 = vector.load %arg4[%get3A_2741, %get3A_2742] : memref<8192x128xf32, #tpu.memory_space<vmem>>, vector<32x128xf32>
    %add3A_2744 = arith.addf %broadcast_in_dim3A_13, %get3A_2743 : vector<32x128xf32>
    %slice3A_2745 = vector.extract_strided_slice %dot_general3A_7 {offsets = [7936, 0], sizes = [32, 128], strides = [1, 1]} : vector<8192x128xf32> to vector<32x128xf32>
    %sub3A_2746 = arith.subf %add3A_2744, %slice3A_2745 : vector<32x128xf32>
    %lt3A_2747 = arith.cmpf olt, %sub3A_2746, %select_n3A_2737 : vector<32x128xf32>
    %select_n3A_2748 = arith.select %lt3A_2747, %sub3A_2746, %select_n3A_2737 : vector<32x128xi1>, vector<32x128xf32>
    %jit3A_2749 = arith.constant 248 : i32
    %broadcast_in_dim3A_2750 = vector.broadcast %jit3A_2749 : i32 to vector<32x128xi32>
    %select_n3A_2751 = arith.select %lt3A_2747, %broadcast_in_dim3A_2750, %select_n3A_2740 : vector<32x128xi1>, vector<32x128xi32>
    %get3A_2752 = arith.constant 7968 : index
    %get3A_2753 = arith.constant 0 : index
    %get3A_2754 = vector.load %arg4[%get3A_2752, %get3A_2753] : memref<8192x128xf32, #tpu.memory_space<vmem>>, vector<32x128xf32>
    %add3A_2755 = arith.addf %broadcast_in_dim3A_13, %get3A_2754 : vector<32x128xf32>
    %slice3A_2756 = vector.extract_strided_slice %dot_general3A_7 {offsets = [7968, 0], sizes = [32, 128], strides = [1, 1]} : vector<8192x128xf32> to vector<32x128xf32>
    %sub3A_2757 = arith.subf %add3A_2755, %slice3A_2756 : vector<32x128xf32>
    %lt3A_2758 = arith.cmpf olt, %sub3A_2757, %select_n3A_2748 : vector<32x128xf32>
    %select_n3A_2759 = arith.select %lt3A_2758, %sub3A_2757, %select_n3A_2748 : vector<32x128xi1>, vector<32x128xf32>
    %jit3A_2760 = arith.constant 249 : i32
    %broadcast_in_dim3A_2761 = vector.broadcast %jit3A_2760 : i32 to vector<32x128xi32>
    %select_n3A_2762 = arith.select %lt3A_2758, %broadcast_in_dim3A_2761, %select_n3A_2751 : vector<32x128xi1>, vector<32x128xi32>
    %get3A_2763 = arith.constant 8000 : index
    %get3A_2764 = arith.constant 0 : index
    %get3A_2765 = vector.load %arg4[%get3A_2763, %get3A_2764] : memref<8192x128xf32, #tpu.memory_space<vmem>>, vector<32x128xf32>
    %add3A_2766 = arith.addf %broadcast_in_dim3A_13, %get3A_2765 : vector<32x128xf32>
    %slice3A_2767 = vector.extract_strided_slice %dot_general3A_7 {offsets = [8000, 0], sizes = [32, 128], strides = [1, 1]} : vector<8192x128xf32> to vector<32x128xf32>
    %sub3A_2768 = arith.subf %add3A_2766, %slice3A_2767 : vector<32x128xf32>
    %lt3A_2769 = arith.cmpf olt, %sub3A_2768, %select_n3A_2759 : vector<32x128xf32>
    %select_n3A_2770 = arith.select %lt3A_2769, %sub3A_2768, %select_n3A_2759 : vector<32x128xi1>, vector<32x128xf32>
    %jit3A_2771 = arith.constant 250 : i32
    %broadcast_in_dim3A_2772 = vector.broadcast %jit3A_2771 : i32 to vector<32x128xi32>
    %select_n3A_2773 = arith.select %lt3A_2769, %broadcast_in_dim3A_2772, %select_n3A_2762 : vector<32x128xi1>, vector<32x128xi32>
    %get3A_2774 = arith.constant 8032 : index
    %get3A_2775 = arith.constant 0 : index
    %get3A_2776 = vector.load %arg4[%get3A_2774, %get3A_2775] : memref<8192x128xf32, #tpu.memory_space<vmem>>, vector<32x128xf32>
    %add3A_2777 = arith.addf %broadcast_in_dim3A_13, %get3A_2776 : vector<32x128xf32>
    %slice3A_2778 = vector.extract_strided_slice %dot_general3A_7 {offsets = [8032, 0], sizes = [32, 128], strides = [1, 1]} : vector<8192x128xf32> to vector<32x128xf32>
    %sub3A_2779 = arith.subf %add3A_2777, %slice3A_2778 : vector<32x128xf32>
    %lt3A_2780 = arith.cmpf olt, %sub3A_2779, %select_n3A_2770 : vector<32x128xf32>
    %select_n3A_2781 = arith.select %lt3A_2780, %sub3A_2779, %select_n3A_2770 : vector<32x128xi1>, vector<32x128xf32>
    %jit3A_2782 = arith.constant 251 : i32
    %broadcast_in_dim3A_2783 = vector.broadcast %jit3A_2782 : i32 to vector<32x128xi32>
    %select_n3A_2784 = arith.select %lt3A_2780, %broadcast_in_dim3A_2783, %select_n3A_2773 : vector<32x128xi1>, vector<32x128xi32>
    %get3A_2785 = arith.constant 8064 : index
    %get3A_2786 = arith.constant 0 : index
    %get3A_2787 = vector.load %arg4[%get3A_2785, %get3A_2786] : memref<8192x128xf32, #tpu.memory_space<vmem>>, vector<32x128xf32>
    %add3A_2788 = arith.addf %broadcast_in_dim3A_13, %get3A_2787 : vector<32x128xf32>
    %slice3A_2789 = vector.extract_strided_slice %dot_general3A_7 {offsets = [8064, 0], sizes = [32, 128], strides = [1, 1]} : vector<8192x128xf32> to vector<32x128xf32>
    %sub3A_2790 = arith.subf %add3A_2788, %slice3A_2789 : vector<32x128xf32>
    %lt3A_2791 = arith.cmpf olt, %sub3A_2790, %select_n3A_2781 : vector<32x128xf32>
    %select_n3A_2792 = arith.select %lt3A_2791, %sub3A_2790, %select_n3A_2781 : vector<32x128xi1>, vector<32x128xf32>
    %jit3A_2793 = arith.constant 252 : i32
    %broadcast_in_dim3A_2794 = vector.broadcast %jit3A_2793 : i32 to vector<32x128xi32>
    %select_n3A_2795 = arith.select %lt3A_2791, %broadcast_in_dim3A_2794, %select_n3A_2784 : vector<32x128xi1>, vector<32x128xi32>
    %get3A_2796 = arith.constant 8096 : index
    %get3A_2797 = arith.constant 0 : index
    %get3A_2798 = vector.load %arg4[%get3A_2796, %get3A_2797] : memref<8192x128xf32, #tpu.memory_space<vmem>>, vector<32x128xf32>
    %add3A_2799 = arith.addf %broadcast_in_dim3A_13, %get3A_2798 : vector<32x128xf32>
    %slice3A_2800 = vector.extract_strided_slice %dot_general3A_7 {offsets = [8096, 0], sizes = [32, 128], strides = [1, 1]} : vector<8192x128xf32> to vector<32x128xf32>
    %sub3A_2801 = arith.subf %add3A_2799, %slice3A_2800 : vector<32x128xf32>
    %lt3A_2802 = arith.cmpf olt, %sub3A_2801, %select_n3A_2792 : vector<32x128xf32>
    %select_n3A_2803 = arith.select %lt3A_2802, %sub3A_2801, %select_n3A_2792 : vector<32x128xi1>, vector<32x128xf32>
    %jit3A_2804 = arith.constant 253 : i32
    %broadcast_in_dim3A_2805 = vector.broadcast %jit3A_2804 : i32 to vector<32x128xi32>
    %select_n3A_2806 = arith.select %lt3A_2802, %broadcast_in_dim3A_2805, %select_n3A_2795 : vector<32x128xi1>, vector<32x128xi32>
    %get3A_2807 = arith.constant 8128 : index
    %get3A_2808 = arith.constant 0 : index
    %get3A_2809 = vector.load %arg4[%get3A_2807, %get3A_2808] : memref<8192x128xf32, #tpu.memory_space<vmem>>, vector<32x128xf32>
    %add3A_2810 = arith.addf %broadcast_in_dim3A_13, %get3A_2809 : vector<32x128xf32>
    %slice3A_2811 = vector.extract_strided_slice %dot_general3A_7 {offsets = [8128, 0], sizes = [32, 128], strides = [1, 1]} : vector<8192x128xf32> to vector<32x128xf32>
    %sub3A_2812 = arith.subf %add3A_2810, %slice3A_2811 : vector<32x128xf32>
    %lt3A_2813 = arith.cmpf olt, %sub3A_2812, %select_n3A_2803 : vector<32x128xf32>
    %select_n3A_2814 = arith.select %lt3A_2813, %sub3A_2812, %select_n3A_2803 : vector<32x128xi1>, vector<32x128xf32>
    %jit3A_2815 = arith.constant 254 : i32
    %broadcast_in_dim3A_2816 = vector.broadcast %jit3A_2815 : i32 to vector<32x128xi32>
    %select_n3A_2817 = arith.select %lt3A_2813, %broadcast_in_dim3A_2816, %select_n3A_2806 : vector<32x128xi1>, vector<32x128xi32>
    %get3A_2818 = arith.constant 8160 : index
    %get3A_2819 = arith.constant 0 : index
    %get3A_2820 = vector.load %arg4[%get3A_2818, %get3A_2819] : memref<8192x128xf32, #tpu.memory_space<vmem>>, vector<32x128xf32>
    %add3A_2821 = arith.addf %broadcast_in_dim3A_13, %get3A_2820 : vector<32x128xf32>
    %slice3A_2822 = vector.extract_strided_slice %dot_general3A_7 {offsets = [8160, 0], sizes = [32, 128], strides = [1, 1]} : vector<8192x128xf32> to vector<32x128xf32>
    %sub3A_2823 = arith.subf %add3A_2821, %slice3A_2822 : vector<32x128xf32>
    %lt3A_2824 = arith.cmpf olt, %sub3A_2823, %select_n3A_2814 : vector<32x128xf32>
    %select_n3A_2825 = arith.select %lt3A_2824, %sub3A_2823, %select_n3A_2814 : vector<32x128xi1>, vector<32x128xf32>
    %jit3A_2826 = arith.constant 255 : i32
    %broadcast_in_dim3A_2827 = vector.broadcast %jit3A_2826 : i32 to vector<32x128xi32>
    %select_n3A_2828 = arith.select %lt3A_2824, %broadcast_in_dim3A_2827, %select_n3A_2817 : vector<32x128xi1>, vector<32x128xi32>
    %iota3A = tpu.iota {dimensions = array<i32: 0>} : vector<32x128xi32>
    %mul3A = arith.constant 32 : i32
    %mul3A_2829 = vector.broadcast %mul3A : i32 to vector<32x128xi32>
    %mul3A_2830 = arith.muli %select_n3A_2828, %mul3A_2829 : vector<32x128xi32>
    %add3A_2831 = arith.addi %mul3A_2830, %iota3A : vector<32x128xi32>
    %reduce_min3A = arith.constant dense<0x7F800000> : vector<128xf32>
    %reduce_min3A_2832 = vector.multi_reduction <minimumf>, %select_n3A_2825, %reduce_min3A [0] : vector<32x128xf32> to vector<128xf32>
    %broadcast_in_dim3A_2833 = vector.shape_cast %reduce_min3A_2832 : vector<128xf32> to vector<1x128xf32>
    %eq3A = vector.broadcast %broadcast_in_dim3A_2833 : vector<1x128xf32> to vector<32x128xf32>
    %eq3A_2834 = arith.cmpf oeq, %select_n3A_2825, %eq3A : vector<32x128xf32>
    %jit3A_2835 = arith.constant 1073741824 : i32
    %broadcast_in_dim3A_2836 = vector.broadcast %jit3A_2835 : i32 to vector<32x128xi32>
    %select_n3A_2837 = arith.select %eq3A_2834, %add3A_2831, %broadcast_in_dim3A_2836 : vector<32x128xi1>, vector<32x128xi32>
    %reduce_min3A_2838 = arith.constant dense<2147483647> : vector<128xi32>
    %reduce_min3A_2839 = vector.multi_reduction <minsi>, %select_n3A_2837, %reduce_min3A_2838 [0] : vector<32x128xi32> to vector<128xi32>
    %swap3A = arith.constant 0 : index
    %swap3A_2840 = vector.load %arg5[%swap3A] : memref<128xi32, #tpu.memory_space<vmem>>, vector<128xi32>
    tpu.vector_store %arg5[%swap3A], %reduce_min3A_2839 {strides = array<i32>} : memref<128xi32, #tpu.memory_space<vmem>>, vector<128xi32>,
    %shift_right_arithmetic3A = arith.constant 7 : i32
    %shift_right_arithmetic3A_2841 = vector.broadcast %shift_right_arithmetic3A : i32 to vector<128xi32>
    %shift_right_arithmetic3A_2842 = arith.shrsi %reduce_min3A_2839, %shift_right_arithmetic3A_2841 : vector<128xi32>
    %broadcast_in_dim3A_2843 = vector.shape_cast %shift_right_arithmetic3A_2842 : vector<128xi32> to vector<1x128xi32>
    %and3A = arith.constant 127 : i32
    %and3A_2844 = vector.broadcast %and3A : i32 to vector<128xi32>
    %and3A_2845 = arith.andi %reduce_min3A_2839, %and3A_2844 : vector<128xi32>
    %broadcast_in_dim3A_2846 = vector.shape_cast %and3A_2845 : vector<128xi32> to vector<1x128xi32>
    %iota3A_2847 = tpu.iota {dimensions = array<i32: 0>} : vector<64x128xi32>
    %iota3A_2848 = tpu.iota {dimensions = array<i32: 0>} : vector<128x128xi32>
    %eq3A_2849 = vector.broadcast %broadcast_in_dim3A_2843 : vector<1x128xi32> to vector<64x128xi32>
    %eq3A_2850 = arith.cmpi eq, %iota3A_2847, %eq3A_2849 : vector<64x128xi32>
    %convert_element_type3A = arith.extui %eq3A_2850 : vector<64x128xi1> to vector<64x128xi32>
    %convert_element_type3A_2851 = arith.sitofp %convert_element_type3A : vector<64x128xi32> to vector<64x128xf32>
    %eq3A_2852 = vector.broadcast %broadcast_in_dim3A_2846 : vector<1x128xi32> to vector<128x128xi32>
    %eq3A_2853 = arith.cmpi eq, %iota3A_2848, %eq3A_2852 : vector<128x128xi32>
    %convert_element_type3A_2854 = arith.extui %eq3A_2853 : vector<128x128xi1> to vector<128x128xi32>
    %convert_element_type3A_2855 = arith.sitofp %convert_element_type3A_2854 : vector<128x128xi32> to vector<128x128xf32>
    %dot_general3A_2856 = arith.constant dense<0.000000e+00> : vector<64x128xf32>
    %dot_general3A_2857 = tpu.matmul %convert_element_type3A_2851, %convert_element_type3A_2855, %dot_general3A_2856 {dimension_numbers = #tpu.dot_dimension_numbers<[1], [1], [0], [0], [0, 0, 1, 0], [], []>, transpose_lhs_hint = false} : vector<64x128xf32>, vector<128x128xf32>, vector<64x128xf32> -> vector<64x128xf32>
    %eq3A_2858 = arith.constant 0 : i32
    %eq3A_2859 = arith.cmpi eq, %arg0, %eq3A_2858 : i32
    %convert_element_type3A_2860 = arith.extui %eq3A_2859 : i1 to i32
    %cond3A = arith.constant 0 : i32
    %cond3A_2861 = arith.cmpi ne, %convert_element_type3A_2860, %cond3A : i32
    scf.if %cond3A_2861 {
      %swap3A_2871 = arith.constant 0 : index
      %swap3A_2872 = arith.constant 0 : index
      %swap3A_2873 = vector.load %arg7[%swap3A_2871, %swap3A_2872] : memref<64x128xf32, #tpu.memory_space<vmem>>, vector<64x128xf32>
      tpu.vector_store %arg7[%swap3A_2871, %swap3A_2872], %dot_general3A_2857 {strides = array<i32>} : memref<64x128xf32, #tpu.memory_space<vmem>>, vector<64x128xf32>,
    } else {
    }
    %gt3A = arith.constant 0 : i32
    %gt3A_2862 = arith.cmpi sgt, %arg0, %gt3A : i32
    %convert_element_type3A_2863 = arith.extui %gt3A_2862 : i1 to i32
    %cond3A_2864 = arith.constant 0 : i32
    %cond3A_2865 = arith.cmpi ne, %convert_element_type3A_2863, %cond3A_2864 : i32
    scf.if %cond3A_2865 {
      %get3A_2871 = arith.constant 0 : index
      %get3A_2872 = arith.constant 0 : index
      %get3A_2873 = vector.load %arg7[%get3A_2871, %get3A_2872] : memref<64x128xf32, #tpu.memory_space<vmem>>, vector<64x128xf32>
      %add3A_2874 = arith.addf %get3A_2873, %dot_general3A_2857 : vector<64x128xf32>
      %swap3A_2875 = arith.constant 0 : index
      %swap3A_2876 = arith.constant 0 : index
      %swap3A_2877 = vector.load %arg7[%swap3A_2875, %swap3A_2876] : memref<64x128xf32, #tpu.memory_space<vmem>>, vector<64x128xf32>
      tpu.vector_store %arg7[%swap3A_2875, %swap3A_2876], %add3A_2874 {strides = array<i32>} : memref<64x128xf32, #tpu.memory_space<vmem>>, vector<64x128xf32>,
    } else {
    }
    %eq3A_2866 = arith.constant 15 : i32
    %eq3A_2867 = arith.cmpi eq, %arg0, %eq3A_2866 : i32
    %convert_element_type3A_2868 = arith.extui %eq3A_2867 : i1 to i32
    %cond3A_2869 = arith.constant 0 : i32
    %cond3A_2870 = arith.cmpi ne, %convert_element_type3A_2868, %cond3A_2869 : i32
    scf.if %cond3A_2870 {
      %get3A_2871 = arith.constant 0 : index
      %get3A_2872 = arith.constant 0 : index
      %get3A_2873 = vector.load %arg7[%get3A_2871, %get3A_2872] : memref<64x128xf32, #tpu.memory_space<vmem>>, vector<64x128xf32>
      %mul3A_2874 = arith.constant 4.8828125E-4 : f32
      %mul3A_2875 = vector.broadcast %mul3A_2874 : f32 to vector<64x128xf32>
      %mul3A_2876 = arith.mulf %get3A_2873, %mul3A_2875 : vector<64x128xf32>
      %add3A_2877 = arith.constant 1.000000e-10 : f32
      %add3A_2878 = vector.broadcast %add3A_2877 : f32 to vector<64x128xf32>
      %add3A_2879 = arith.addf %mul3A_2876, %add3A_2878 : vector<64x128xf32>
      %log3A = math.log %add3A_2879 : vector<64x128xf32>
      %mul3A_2880 = arith.mulf %mul3A_2876, %log3A : vector<64x128xf32>
      %reduce_sum3A = vector.shape_cast %mul3A_2880 : vector<64x128xf32> to vector<1x64x128xf32>
      %reduce_sum3A_2881 = arith.constant dense<0.000000e+00> : vector<1xf32>
      %reduce_sum3A_2882 = vector.multi_reduction <add>, %reduce_sum3A, %reduce_sum3A_2881 [1, 2] : vector<1x64x128xf32> to vector<1xf32>
      %reduce_sum3A_2883 = vector.shape_cast %reduce_sum3A_2882 : vector<1xf32> to vector<1x1x1xf32>
      %reduce_sum3A_2884 = vector.extract %reduce_sum3A_2883[0, 0, 0] : f32 from vector<1x1x1xf32>
      %neg3A = arith.constant 0.000000e+00 : f32
      %neg3A_2885 = arith.subf %neg3A, %reduce_sum3A_2884 : f32
      %exp3A = math.exp %neg3A_2885 : f32
      %reshape3A = vector.broadcast %exp3A : f32 to vector<1x1xf32>
      %swap3A_2886 = arith.constant 0 : index
      %swap3A_2887 = arith.constant 0 : index
      %swap3A_2888 = vector.load %arg6[%swap3A_2886, %swap3A_2887] : memref<1x1xf32, #tpu.memory_space<vmem>>, vector<1x1xf32>
      tpu.vector_store %arg6[%swap3A_2886, %swap3A_2887], %reshape3A {strides = array<i32>} : memref<1x1xf32, #tpu.memory_space<vmem>>, vector<1x1xf32>,
    } else {
    }
    return
  }
  func.func @transform_0(%arg0: i32) -> (i32, i32, i32) {
    %jit3A = arith.constant 8 : i32
    %div3A = arith.divsi %arg0, %jit3A : i32
    %sign3A = arith.constant 0 : i32
    %sign3A_0 = arith.cmpi sgt, %arg0, %sign3A : i32
    %sign3A_1 = arith.extui %sign3A_0 : i1 to i32
    %sign3A_2 = arith.constant 0 : i32
    %sign3A_3 = arith.cmpi slt, %arg0, %sign3A_2 : i32
    %sign3A_4 = arith.extui %sign3A_3 : i1 to i32
    %sign3A_5 = arith.subi %sign3A_1, %sign3A_4 : i32
    %sign3A_6 = arith.constant 0 : i32
    %sign3A_7 = arith.cmpi sgt, %jit3A, %sign3A_6 : i32
    %sign3A_8 = arith.extui %sign3A_7 : i1 to i32
    %sign3A_9 = arith.constant 0 : i32
    %sign3A_10 = arith.cmpi slt, %jit3A, %sign3A_9 : i32
    %sign3A_11 = arith.extui %sign3A_10 : i1 to i32
    %sign3A_12 = arith.subi %sign3A_8, %sign3A_11 : i32
    %ne3A = arith.cmpi ne, %sign3A_5, %sign3A_12 : i32
    %rem3A = arith.remsi %arg0, %jit3A : i32
    %ne3A_13 = arith.constant 0 : i32
    %ne3A_14 = arith.cmpi ne, %rem3A, %ne3A_13 : i32
    %and3A = arith.andi %ne3A, %ne3A_14 : i1
    %sub3A = arith.constant 1 : i32
    %sub3A_15 = arith.subi %div3A, %sub3A : i32
    %select_n3A = arith.select %and3A, %sub3A_15, %div3A : i32
    %jit3A_16 = arith.constant 8 : i32
    %eq3A = arith.constant 0 : i32
    %eq3A_17 = arith.cmpi eq, %jit3A_16, %eq3A : i32
    %jit3A_18 = arith.constant 1 : i32
    %select_n3A_19 = arith.select %eq3A_17, %jit3A_18, %jit3A_16 : i32
    %rem3A_20 = arith.remsi %arg0, %select_n3A_19 : i32
    %ne3A_21 = arith.constant 0 : i32
    %ne3A_22 = arith.cmpi ne, %rem3A_20, %ne3A_21 : i32
    %lt3A = arith.constant 0 : i32
    %lt3A_23 = arith.cmpi slt, %rem3A_20, %lt3A : i32
    %lt3A_24 = arith.constant 0 : i32
    %lt3A_25 = arith.cmpi slt, %select_n3A_19, %lt3A_24 : i32
    %ne3A_26 = arith.xori %lt3A_23, %lt3A_25 : i1
    %and3A_27 = arith.andi %ne3A_26, %ne3A_22 : i1
    %add3A = arith.addi %rem3A_20, %select_n3A_19 : i32
    %select_n3A_28 = arith.select %and3A_27, %add3A, %rem3A_20 : i32
    %c0_i32 = arith.constant 0 : i32
    %c0_i32_29 = arith.constant 0 : i32
    return %select_n3A, %c0_i32, %select_n3A_28 : i32, i32, i32
  }
  func.func @transform_1(%arg0: i32) -> (i32, i32) {
    %c0_i32 = arith.constant 0 : i32
    %c0_i32_0 = arith.constant 0 : i32
    %c0_i32_1 = arith.constant 0 : i32
    return %c0_i32, %c0_i32_0 : i32, i32
  }
  func.func @transform_2(%arg0: i32) -> (i32, i32, i32) {
    %jit3A = arith.constant 8 : i32
    %div3A = arith.divsi %arg0, %jit3A : i32
    %sign3A = arith.constant 0 : i32
    %sign3A_0 = arith.cmpi sgt, %arg0, %sign3A : i32
    %sign3A_1 = arith.extui %sign3A_0 : i1 to i32
    %sign3A_2 = arith.constant 0 : i32
    %sign3A_3 = arith.cmpi slt, %arg0, %sign3A_2 : i32
    %sign3A_4 = arith.extui %sign3A_3 : i1 to i32
    %sign3A_5 = arith.subi %sign3A_1, %sign3A_4 : i32
    %sign3A_6 = arith.constant 0 : i32
    %sign3A_7 = arith.cmpi sgt, %jit3A, %sign3A_6 : i32
    %sign3A_8 = arith.extui %sign3A_7 : i1 to i32
    %sign3A_9 = arith.constant 0 : i32
    %sign3A_10 = arith.cmpi slt, %jit3A, %sign3A_9 : i32
    %sign3A_11 = arith.extui %sign3A_10 : i1 to i32
    %sign3A_12 = arith.subi %sign3A_8, %sign3A_11 : i32
    %ne3A = arith.cmpi ne, %sign3A_5, %sign3A_12 : i32
    %rem3A = arith.remsi %arg0, %jit3A : i32
    %ne3A_13 = arith.constant 0 : i32
    %ne3A_14 = arith.cmpi ne, %rem3A, %ne3A_13 : i32
    %and3A = arith.andi %ne3A, %ne3A_14 : i1
    %sub3A = arith.constant 1 : i32
    %sub3A_15 = arith.subi %div3A, %sub3A : i32
    %select_n3A = arith.select %and3A, %sub3A_15, %div3A : i32
    %jit3A_16 = arith.constant 8 : i32
    %eq3A = arith.constant 0 : i32
    %eq3A_17 = arith.cmpi eq, %jit3A_16, %eq3A : i32
    %jit3A_18 = arith.constant 1 : i32
    %select_n3A_19 = arith.select %eq3A_17, %jit3A_18, %jit3A_16 : i32
    %rem3A_20 = arith.remsi %arg0, %select_n3A_19 : i32
    %ne3A_21 = arith.constant 0 : i32
    %ne3A_22 = arith.cmpi ne, %rem3A_20, %ne3A_21 : i32
    %lt3A = arith.constant 0 : i32
    %lt3A_23 = arith.cmpi slt, %rem3A_20, %lt3A : i32
    %lt3A_24 = arith.constant 0 : i32
    %lt3A_25 = arith.cmpi slt, %select_n3A_19, %lt3A_24 : i32
    %ne3A_26 = arith.xori %lt3A_23, %lt3A_25 : i1
    %and3A_27 = arith.andi %ne3A_26, %ne3A_22 : i1
    %add3A = arith.addi %rem3A_20, %select_n3A_19 : i32
    %select_n3A_28 = arith.select %and3A_27, %add3A, %rem3A_20 : i32
    %c0_i32 = arith.constant 0 : i32
    %c0_i32_29 = arith.constant 0 : i32
    return %select_n3A, %c0_i32, %select_n3A_28 : i32, i32, i32
  }
  func.func @transform_3(%arg0: i32) -> (i32, i32) {
    %c0_i32 = arith.constant 0 : i32
    %c0_i32_0 = arith.constant 0 : i32
    %c0_i32_1 = arith.constant 0 : i32
    return %c0_i32, %c0_i32_0 : i32, i32
  }
  func.func @transform_4(%arg0: i32) -> i32 {
    %c0_i32 = arith.constant 0 : i32
    return %arg0 : i32
  }
  func.func @transform_5(%arg0: i32) -> (i32, i32) {
    %c0_i32 = arith.constant 0 : i32
    %c0_i32_0 = arith.constant 0 : i32
    %c0_i32_1 = arith.constant 0 : i32
    return %c0_i32, %c0_i32_0 : i32, i32
  }
}

</mosaic_0001>

<sc_bundles>
// kernel: kernel.5.cloned.1.call-start
scs
__scs_entry_jumppad:
0x0: {  	(pc) =	sbr.rel $0x88, $3  }
0x1: {  	(tag) =	ssettag $0x0;
	lr =	simm.s32 $0x1  }
0x2: {  	[smem:$0x3F9F] =	sst lr;
	_ =	strace $0xD0000000  }
0x3: {  	_ = 	snop  }
0x4: {  	_ = 	snop  }
0x5: {  	_ = 	snop  }
0x6: {  	_ = 	snop  }
0x7: {  	_ = 	snop  }
__scs_overlays_trampoline_lowered:
0x8: {  	[smem:$0x3FAE] =	sst s0  }
0x9: {  	[smem:$0x3FAF] =	sst s1  }
0xa: {  	[smem:$0x3FB0] =	sst s2  }
0xb: {  	[smem:$0x3FB1] =	sst s3  }
0xc: {  	[smem:$0x3FB2] =	sst s4  }
0xd: {  	[smem:$0x3FB3] =	sst s5  }
0xe: {  	[smem:$0x3FB4] =	sst s6  }
0xf: {  	[smem:$0x3FB5] =	sst s7  }
0x10: {  	[smem:$0x3FB6] =	sst s8  }
0x11: {  	[smem:$0x3FB7] =	sst s9;
	s0 =	simm.s32 @!p0 $0x0  }
0x12: {  	s1 =	sld [smem:$0x3F9D];
	s0 =	simm.s32 @p0 $0x1  }
0x13: {  	[smem:$0x3FB8] =	sst s0;
	s0 =	simm.s32 @!p1 $0x0  }
0x14: {  	s2 =	sld [smem:$0x3F9C];
	s0 =	simm.s32 @p1 $0x1  }
0x15: {  	[smem:$0x3FB9] =	sst s0;
	s0 =	simm.s32 @!p2 $0x0  }
0x16: {  	s3 =	sld [smem:$0x3FDB];
	s0 =	simm.s32 @p2 $0x1  }
0x17: {  	s4 =	simm.s32 $0x1BF5;
	[smem:$0x3FBB] =	sst s0  }
0x18: {  	s0 =	sld [smem:$0x3F9E];
	_ =	swait.ge [sflag:s4], $0x0  }
0x19: {  	s7 =	sld [smem:$0x3F9F]  }
0x1a: {  	s8 =	sadd.s32 $0xFFFFE003, lr  }
0x1b: {  	s9 =	sadd.s32 $0xFFFFFEF7, lr;
	s5 =	simm.s32 $0xFFFFFFFF;
	p2 =	slt.u32 s8, $0xFFFFF086  }
0x1c: {  	p1 =	slt.u32 s9, $0xF7A;
	s5 =	simm.s32 @!p2 $0x0  }
0x1d: {  	s5 =	simm.s32 @p1 $0x1;
	p0 =	seq.s32 s7, s2  }
0x1e: {  	s7 =	smul.u32 @!p0 $0xF7A, s2;
	p2 =	seq.s32 @!p0 s5, $0x0  }
0x1f: {  	s9 =	smul.u32 $0xF7A, s1;
	s8 =	simm.s32 @!p0 $0x1BF5;
	p2 =	por !p2, p0  }
0x20: {  	[sflag:s8] =	ssyncset.s32 @!p0 $0xFFFFF086;
	s6 =	sadd.s32 @!p0 s3, s7;
	s7 =	simm.s32 @!p0 $0x108  }
0x21: {  	s3 =	sadd.s32 s3, s9;
	s6 =	sadd.s32 @!p0 $0x88, s6;
	s7 =	simm.s32 @p2 $0x1082  }
0x22: {  	[simem:s7], [sflag:s8] =	dma.local @!p0 [hbm:s6], $0xF7A  }
0x23: {  	s9 =	sor.u32 $0xD0000000, s2;
	s6 =	simm.s32 $0x108;
	_ =	swait.ge @!p0 [sflag:s8], $0x0  }
0x24: {  	s3 =	sadd.s32 $0x88, s3;
	s6 =	simm.s32 @!p1 $0x1082;
	[sflag:s4] =	ssyncset.s32 $0xFFFFF086  }
0x25: {  	[simem:s6], [sflag:s4] =	dma.local [hbm:s3], $0xF7A  }
0x26: {  	[smem:$0x3F9F] =	sst s1;
	(tag) =	ssettag s2;
	_ =	strace s9  }
0x27: {  	s1 =	sld [smem:$0x3FAF]  }
0x28: {  	s2 =	sld [smem:$0x3FB0]  }
0x29: {  	s4 =	sld [smem:$0x3FB2]  }
0x2a: {  	p0 =	seq.s32 s5, $0x0;
	s5 =	sld [smem:$0x3FB3]  }
0x2b: {  	s6 =	sld [smem:$0x3FB4]  }
0x2c: {  	s7 =	sld [smem:$0x3FB5]  }
0x2d: {  	s3 =	simm.s32 $0x108;
	s8 =	sld [smem:$0x3FB6]  }
0x2e: {  	s3 =	simm.s32 @!p0 $0x1082;
	s9 =	sld [smem:$0x3FB7]  }
0x2f: {  	lr =	sadd.s32 s0, s3;
	s0 =	sld [smem:$0x3FAE]  }
0x30: {  	s3 =	sld [smem:$0x3FB1]  }
0x31: {  	[smem:$0x3FBA] =	sst s10  }
0x32: {  	s10 =	sld [smem:$0x3FB8];
	_ =	sdelay $0x3  }
0x33: {  	p0 =	seq.s32 s10, $0x1;
	s10 =	sld [smem:$0x3FBA];
	_ =	sdelay $0x3  }
0x34: {  	[smem:$0x3FBA] =	sst s10  }
0x35: {  	s10 =	sld [smem:$0x3FB9];
	_ =	sdelay $0x3  }
0x36: {  	p1 =	seq.s32 s10, $0x1;
	s10 =	sld [smem:$0x3FBA];
	_ =	sdelay $0x3  }
0x37: {  	[smem:$0x3FBA] =	sst s10  }
0x38: {  	s10 =	sld [smem:$0x3FBB]  }
0x39: {  	_ = 	snop;
	(pc) =	sbr.ind lr, $3  }
0x3a: {  	_ = 	snop  }
0x3b: {  	_ = 	snop  }
0x3c: {  	p2 =	seq.s32 s10, $0x1;
	s10 =	sld [smem:$0x3FBA]  }
0x3d: {  	_ =	shalt  }
0x3e: {  	_ =	shalt  }
0x3f: {  	_ =	shalt  }
0x40: {  	_ =	shalt  }
0x41: {  	_ =	shalt  }
0x42: {  	_ =	shalt  }
0x43: {  	_ =	shalt  }
0x44: {  	_ =	shalt  }
0x45: {  	_ =	shalt  }
0x46: {  	_ =	shalt  }
0x47: {  	_ =	shalt  }
0x48: {  	_ =	shalt  }
0x49: {  	_ =	shalt  }
0x4a: {  	_ =	shalt  }
0x4b: {  	_ =	shalt  }
0x4c: {  	_ =	shalt  }
0x4d: {  	_ =	shalt  }
0x4e: {  	_ =	shalt  }
0x4f: {  	_ =	shalt  }
0x50: {  	_ =	shalt  }
0x51: {  	_ =	shalt  }
0x52: {  	_ =	shalt  }
0x53: {  	_ =	shalt  }
0x54: {  	_ =	shalt  }
0x55: {  	_ =	shalt  }
0x56: {  	_ =	shalt  }
0x57: {  	_ =	shalt  }
0x58: {  	_ =	shalt  }
0x59: {  	_ =	shalt  }
0x5a: {  	_ =	shalt  }
0x5b: {  	_ =	shalt  }
0x5c: {  	_ =	shalt  }
0x5d: {  	_ =	shalt  }
0x5e: {  	_ =	shalt  }
0x5f: {  	_ =	shalt  }
0x60: {  	_ =	shalt  }
0x61: {  	_ =	shalt  }
0x62: {  	_ =	shalt  }
0x63: {  	_ =	shalt  }
0x64: {  	_ =	shalt  }
0x65: {  	_ =	shalt  }
0x66: {  	_ =	shalt  }
0x67: {  	_ =	shalt  }
0x68: {  	_ =	shalt  }
0x69: {  	_ =	shalt  }
0x6a: {  	_ =	shalt  }
0x6b: {  	_ =	shalt  }
0x6c: {  	_ =	shalt  }
0x6d: {  	_ =	shalt  }
0x6e: {  	_ =	shalt  }
0x6f: {  	_ =	shalt  }
0x70: {  	_ =	shalt  }
0x71: {  	_ =	shalt  }
0x72: {  	_ =	shalt  }
0x73: {  	_ =	shalt  }
0x74: {  	_ =	shalt  }
0x75: {  	_ =	shalt  }
0x76: {  	_ =	shalt  }
0x77: {  	_ =	shalt  }
0x78: {  	_ =	shalt  }
0x79: {  	_ =	shalt  }
0x7a: {  	_ =	shalt  }
0x7b: {  	_ =	shalt  }
0x7c: {  	_ =	shalt  }
0x7d: {  	_ =	shalt  }
0x7e: {  	_ =	shalt  }
0x7f: {  	_ =	shalt  }
0x80: {  	_ =	shalt  }
0x81: {  	_ =	shalt  }
0x82: {  	_ =	shalt  }
0x83: {  	_ =	shalt  }
0x84: {  	_ =	shalt  }
0x85: {  	_ =	shalt  }
0x86: {  	_ =	shalt  }
0x87: {  	_ =	shalt  }
.Lfunc_end0:
.L_simem_size_0:
called_computation_lowered:
.L_overlay_start_0:
0x88: {  	s2 =	sld [smem:$0x3FD9]  }
0x89: {  	s3 =	sld [smem:$0x3FFE];
	_ =	sdelay $0x1  }
0x8a: {  	s1 =	srdreg.scid  }
0x8b: {  	s0 =	sand.u32 $0x1, s1  }
0x8c: {  	s14 =	sshll.u32 s0, $0xA;
	s2 =	sadd.s32 s3, s2  }
0x8d: {  	s2 =	sadd.s32 s2, s14  }
0x8e: {  	[smem:$0x3FC6] =	sst s2  }
0x8f: {  	_ = 	snop  }
0x90: {  	s2 =	sld [smem:$0x3FD0];
	_ =	sdelay $0x2  }
0x91: {  	s15 =	simm.s32 $0xA;
	s4 =	simm.s32 $0x10  }
0x92: {  	[smem:s4], [sflag:s15] =	dma.local [hbm:s2], $0x1  }
0x93: {  	_ =	swait.eq [sflag:s15], $0x1  }
0x94: {  	[sflag:s15] =	ssyncset.done $0x0  }
0x95: {  	s16 =	sld [smem:$0x10];
	[sflag:s15] =	ssyncadd.s32 $0xFFFFFFFF  }
0x96: {  	s17 =	sld [smem:$0x13];
	(tm) =	ssettm $0x1  }
0x97: {  	s18 =	sld [smem:$0x3FFB];
	_ =	sdelay $0x3  }
0x98: {  	_ =	strace s18  }
0x99: {  	s4 =	sld [smem:$0x3FFC];
	_ =	sdelay $0x3  }
0x9a: {  	_ =	strace s4  }
0x9b: {  	s4 =	sld [smem:$0x3FFD];
	_ =	sdelay $0x3  }
0x9c: {  	_ =	strace s4  }
0x9d: {  	_ =	strace $0x8FFFFFFF  }
0x9e: {  	s19 =	sld [smem:$0x3FDB];
	_ =	sdelay $0x1  }
0x9f: {  	s5 =	simm.s32 $_scs_section_size  }
0xa0: {  	s6 =	simm.s32 $_size__tile_overlayer_lowered;
	s7 =	simm.s32 $_tile_overlayer_lowered  }
0xa1: {  	s22 =	simm.s32 $0x1BFF;
	s21 =	sshll.u32 s7, $0x1;
	s4 =	sadd.s32 s5, s19  }
0xa2: {  	s8 =	simm.s32 $0x0;
	s20 =	sshll.u32 s6, $0x1;
	s6 =	sadd.s32 s21, s4  }
0xa3: {  	[timem:s8], [sflag:s22] =	dma.local [hbm:s6], s20  }
0xa4: {  	_ =	swait.ge [sflag:s22], s20  }
0xa5: {  	s5 =	ssub.s32 $0x0, s20;
	[sflag:s22] =	ssyncset.done $0x0  }
0xa6: {  	[sflag:s22] =	ssyncadd.s32 s5;
	_ =	sdelay $0x1  }
0xa7: {  	s23 =	simm.s32 $0x1B8B  }
0xa8: {  	_ =	swait.ge [sflag:s23], $0x1  }
0xa9: {  	[sflag:s23] =	ssyncset.done $0x0  }
0xaa: {  	s25 =	simm.s32 $0x1B8E;
	s24 =	sld [smem:$0x3FFE];
	[sflag:s23] =	ssyncadd.s32 $0xFFFFFFFF  }
0xab: {  	s26 =	simm.s32 $execute0_lowered;
	[smem:$0x3FD2] =	sst s25  }
0xac: {  	s6 =	sshll.u32 s26, $0x1;
	_ =	strace $0x80000046;
	[dreg:$0x1] =	wrdreg $0xFFFFFFFF  }
0xad: {  	s28 =	simm.s32 $_size_execute0_lowered;
	s4 =	sadd.s32 s4, s6;
	[dreg:$0x0] =	wrdreg $0x0  }
0xae: {  	s6 =	sshll.u32 s28, $0x1;
	[dreg:$0x2] =	wrdreg s4  }
0xaf: {  	[dreg:$0x3] =	wrdreg s6  }
0xb0: {  	[dreg:$0x4] =	wrdreg $0xC0  }
0xb1: {  	_ =	task [dreg:s8], $0x5FFFF  }
0xb2: {  	[dreg:$0x1] =	wrdreg $0xFFFFFFFF  }
0xb3: {  	[dreg:$0x0] =	wrdreg $0x60  }
0xb4: {  	[dreg:$0x2] =	wrdreg s16  }
0xb5: {  	[dreg:$0x3] =	wrdreg s17  }
0xb6: {  	[dreg:$0x4] =	wrdreg s24  }
0xb7: {  	[dreg:$0x5] =	wrdreg $0x9  }
0xb8: {  	_ =	task.clear_ibuf [dreg:s8], $0x6FFFF;
	_ =	strace $0x90000046  }
0xb9: {  	s29 =	simm.s32 $0x9;
	_ =	strace $0x80000048  }
0xba: {  	_ =	swait.ge [sflag:s29], $0x1  }
0xbb: {  	[sflag:s29] =	ssyncadd.s32 $0xFFFFFFFF  }
0xbc: {  	_ =	strace $0x90000048  }
0xbd: {  	_ =	sfence  }
0xbe: {  	s30 =	sld [smem:$0x0];
	_ =	sdelay $0x2  }
0xbf: {  	s31 =	sshll.u32 s1, $0xD;
	s1 =	sshrl.u32 s1, $0x2  }
0xc0: {  	s3 =	sand.u32 $0x4000, s31;
	s1 =	sadd.s32 s1, s30  }
0xc1: {  	s0 =	sor.u32 s3, s0;
	s1 =	sshll.u32 s1, $0x11  }
0xc2: {  	s0 =	sor.u32 s1, s0  }
0xc3: {  	s0 =	sadd.s32 $0x8F2B, s0  }
0xc4: {  	[sflag:s0] =	ssyncadd.remote.s32 $0x1  }
0xc5: {  	_ =	sfence.sel $0xFFFF  }
0xc6: {  	[dreg:$0x0] =	wrdreg $0xFFFFFFFF;
	(pc) =	sbr.abs _section_cstart, $3  }
0xc7: {  	[dreg:$0x1] =	wrdreg $0xFFFFFFFF  }
0xc8: {  	_ =	task.clear_ibuf [dreg:s8], $0x2FFFF;
	_ =	strace $0x9FFFFFFF  }
0xc9: {  	(tm) =	ssettm $0x7FFFFFFF  }
tec
execute0_lowered:
.L_overlay_start_1:
0x0: {  	(tag) =	ssettag $0x1  }
0x1: {  	v0 =	vlaneseq.u32  }
0x2: {  	v60 =	vmul.u32 $0x40, v0;
	_ =	sdelay $0x1  }
0x3: {  	v0 =	vor.u32 $0x400, v60  }
0x4: {  	v61 =	vor.u32 $0x1, v60;
	[tilespmem:$0x1FC10] =	vst v0  }
0x5: {  	v62 =	vor.u32 $0x401, v60;
	[tilespmem:$0x1FC20] =	vst v61  }
0x6: {  	v63 =	vor.u32 $0x2, v60;
	[tilespmem:$0x1FC30] =	vst v62  }
0x7: {  	v4 =	vor.u32 $0x402, v60;
	[tilespmem:$0x1FC40] =	vst v63  }
0x8: {  	v5 =	vor.u32 $0x3, v60;
	[tilespmem:$0x1FC50] =	vst v4  }
0x9: {  	v6 =	vor.u32 $0x403, v60;
	[tilespmem:$0x1FC60] =	vst v5  }
0xa: {  	v7 =	vor.u32 $0x4, v60;
	[tilespmem:$0x1FC70] =	vst v6  }
0xb: {  	v8 =	vor.u32 $0x404, v60;
	[tilespmem:$0x1FC80] =	vst v7  }
0xc: {  	v9 =	vor.u32 $0x5, v60;
	[tilespmem:$0x1FC90] =	vst v8  }
0xd: {  	v10 =	vor.u32 $0x405, v60;
	[tilespmem:$0x1FCA0] =	vst v9  }
0xe: {  	v11 =	vor.u32 $0x6, v60;
	[tilespmem:$0x1FCB0] =	vst v10  }
0xf: {  	v12 =	vor.u32 $0x406, v60;
	[tilespmem:$0x1FCC0] =	vst v11  }
0x10: {  	v13 =	vor.u32 $0x7, v60;
	[tilespmem:$0x1FCD0] =	vst v12  }
0x11: {  	v14 =	vor.u32 $0x407, v60;
	[tilespmem:$0x1FCE0] =	vst v13  }
0x12: {  	v15 =	vor.u32 $0x8, v60;
	[tilespmem:$0x1FCF0] =	vst v14  }
0x13: {  	v16 =	vor.u32 $0x408, v60;
	[tilespmem:$0x1FD00] =	vst v15  }
0x14: {  	v17 =	vor.u32 $0x9, v60;
	[tilespmem:$0x1FD10] =	vst v16  }
0x15: {  	v18 =	vor.u32 $0x409, v60;
	[tilespmem:$0x1FD20] =	vst v17  }
0x16: {  	v19 =	vor.u32 $0xA, v60;
	[tilespmem:$0x1FD30] =	vst v18  }
0x17: {  	v20 =	vor.u32 $0x40A, v60;
	[tilespmem:$0x1FD40] =	vst v19  }
0x18: {  	v21 =	vor.u32 $0xB, v60;
	[tilespmem:$0x1FD50] =	vst v20  }
0x19: {  	v22 =	vor.u32 $0x40B, v60;
	[tilespmem:$0x1FD60] =	vst v21  }
0x1a: {  	v23 =	vor.u32 $0xC, v60;
	[tilespmem:$0x1FD70] =	vst v22  }
0x1b: {  	v24 =	vor.u32 $0x40C, v60;
	[tilespmem:$0x1FD80] =	vst v23  }
0x1c: {  	v25 =	vor.u32 $0xD, v60;
	[tilespmem:$0x1FD90] =	vst v24  }
0x1d: {  	v26 =	vor.u32 $0x40D, v60;
	[tilespmem:$0x1FDA0] =	vst v25  }
0x1e: {  	v27 =	vor.u32 $0xE, v60;
	[tilespmem:$0x1FDB0] =	vst v26  }
0x1f: {  	v28 =	vor.u32 $0x40E, v60;
	[tilespmem:$0x1FDC0] =	vst v27  }
0x20: {  	v29 =	vor.u32 $0xF, v60;
	[tilespmem:$0x1FDD0] =	vst v28  }
0x21: {  	v30 =	vor.u32 $0x40F, v60;
	[tilespmem:$0x1FDE0] =	vst v29  }
0x22: {  	v31 =	vor.u32 $0x10, v60;
	[tilespmem:$0x1FDF0] =	vst v30  }
0x23: {  	v32 =	vor.u32 $0x410, v60;
	[tilespmem:$0x1FE00] =	vst v31  }
0x24: {  	v33 =	vor.u32 $0x11, v60;
	[tilespmem:$0x1FE10] =	vst v32  }
0x25: {  	v34 =	vor.u32 $0x411, v60;
	[tilespmem:$0x1FE20] =	vst v33  }
0x26: {  	v35 =	vor.u32 $0x12, v60;
	[tilespmem:$0x1FE30] =	vst v34  }
0x27: {  	v36 =	vor.u32 $0x412, v60;
	[tilespmem:$0x1FE40] =	vst v35  }
0x28: {  	v37 =	vor.u32 $0x13, v60;
	[tilespmem:$0x1FE50] =	vst v36  }
0x29: {  	v38 =	vor.u32 $0x413, v60;
	[tilespmem:$0x1FE60] =	vst v37  }
0x2a: {  	s0 =	rddreg [dreg:$0x0];
	v39 =	vor.u32 $0x14, v60;
	[tilespmem:$0x1FE70] =	vst v38  }
0x2b: {  	s5 =	rddreg [dreg:$0x1];
	v40 =	vor.u32 $0x414, v60;
	[tilespmem:$0x1FE80] =	vst v39  }
0x2c: {  	s4 =	rddreg [dreg:$0x2];
	s3 =	simm.s32 $0x0;
	v41 =	vor.u32 $0x15, v60;
	[tilespmem:$0x1FE90] =	vst v40  }
0x2d: {  	s2 =	srdreg.scid;
	[smem:$0x7FF] =	sst s3;
	v42 =	vor.u32 $0x415, v60;
	[tilespmem:$0x1FEA0] =	vst v41  }
0x2e: {  	s6 =	sand.u32 $0x1, s2;
	s2 =	rddreg [dreg:$0x3];
	v43 =	vor.u32 $0x16, v60;
	_ =	strace $0x80000047;
	[tilespmem:$0x1FEB0] =	vst v42  }
0x2f: {  	v44 =	vor.u32 $0x416, v60;
	[tilespmem:$0x1FEC0] =	vst v43  }
0x30: {  	v45 =	vor.u32 $0x17, v60;
	[tilespmem:$0x1FED0] =	vst v44  }
0x31: {  	v46 =	vor.u32 $0x417, v60;
	[tilespmem:$0x1FEE0] =	vst v45  }
0x32: {  	v47 =	vor.u32 $0x18, v60;
	[tilespmem:$0x1FEF0] =	vst v46  }
0x33: {  	v48 =	vor.u32 $0x418, v60;
	[tilespmem:$0x1FF00] =	vst v47  }
0x34: {  	v49 =	vor.u32 $0x19, v60;
	[tilespmem:$0x1FF10] =	vst v48  }
0x35: {  	v50 =	vor.u32 $0x419, v60;
	[tilespmem:$0x1FF20] =	vst v49  }
0x36: {  	v51 =	vor.u32 $0x1A, v60;
	[tilespmem:$0x1FF30] =	vst v50  }
0x37: {  	v52 =	vor.u32 $0x41A, v60;
	[tilespmem:$0x1FF40] =	vst v51  }
0x38: {  	v53 =	vor.u32 $0x1B, v60;
	[tilespmem:$0x1FF50] =	vst v52  }
0x39: {  	v54 =	vor.u32 $0x41B, v60;
	[tilespmem:$0x1FF60] =	vst v53  }
0x3a: {  	v55 =	vor.u32 $0x1C, v60;
	[tilespmem:$0x1FF70] =	vst v54  }
0x3b: {  	s1 =	stileid.u32;
	s11 =	simm.s32 $0x1;
	s12 =	simm.s32 $0x400;
	v56 =	vor.u32 $0x41C, v60;
	[tilespmem:$0x1FF80] =	vst v55  }
0x3c: {  	s13 =	simm.s32 $0x840;
	s14 =	simm.s32 $0x1040;
	s7 =	sshll.u32 s1, $0x1;
	v57 =	vor.u32 $0x1D, v60;
	[tilespmem:$0x1FF90] =	vst v56  }
0x3d: {  	s15 =	simm.s32 $0x1840;
	s9 =	sshll.u32 s1, $0x9;
	s7 =	sor.u32 s6, s7;
	v58 =	vor.u32 $0x41D, v60;
	[tilespmem:$0x1FFA0] =	vst v57  }
0x3e: {  	s6 =	ssub.s32 $0x2, s6;
	s8 =	sshll.u32 s7, $0x3;
	s7 =	sshll.u32 s7, $0x1;
	v59 =	vor.u32 $0x1E, v60;
	[tilespmem:$0x1FFB0] =	vst v58  }
0x3f: {  	s10 =	sshrl.u32 s6, $0x1;
	s9 =	sor.u32 s9, s8;
	s7 =	sadd.s32 s7, s4;
	v61 =	vor.u32 $0x41E, v60;
	[tilespmem:$0x1FFC0] =	vst v59  }
0x40: {  	s31 =	ssub.s32 s6, s10;
	s5 =	sadd.s32 s5, s8;
	v62 =	vor.u32 $0x1F, v60;
	s9 =	sand.u32 $0x1078, s9;
	[tilespmem:$0x1FFD0] =	vst v61  }
0x41: {  	s10 =	simm.s32 $0x40;
	v63 =	vor.u32 $0x41F, v60;
	s7 =	sadd.s32 $0x4000, s7;
	[tilespmem:$0x1FFE0] =	vst v62;
	s4 =	sadd.s32 s4, s9  }
0x42: {  	s8 =	smax.u32 s31, $0x1;
	[tilespmem:$0x1FFF0] =	vst v63;
	s9 =	simm.s32 $0x2;
	s6 =	sadd.s32 $0x2000, s4  }
.LBB2_1:
0x43: {  	[tilespmem:s3], [sflag:$0x2] =	stream.linear.gather [hbm4b:s5+s3], $0x40, $0x38;
	[tilespmem:$0x1850] =	vst v63  }
0x44: {  	_ =	swait.ge [sflag:s9], $0x40  }
0x45: {  	[sflag:s9] =	ssyncset.done $0x0  }
0x46: {  	[sflag:s9] =	ssyncadd.s32 $0xFFFFFFC0  }
0x47: {  	[tilespmem:s10], [sflag:$0x1] =	stream.indirect.gather [hbm4b:s0+s10], $0x20, s3, s10, $0xb8;
	[tilespmem:$0x1850] =	vst v63  }
0x48: {  	_ =	swait.ge [sflag:s11], $0x800  }
0x49: {  	[sflag:s11] =	ssyncset.done $0x0  }
0x4a: {  	[sflag:s11] =	ssyncadd.s32 $0xFFFFF800  }
0x4b: {  	[tilespmem:s13], [sflag:$0x2] =	stream.strided.gather [hbm4b:s4+s10], $0x800, s12, s10, $0x38;
	[tilespmem:$0x1850] =	vst v63  }
0x4c: {  	_ =	swait.ge [sflag:s9], $0x800  }
0x4d: {  	[sflag:s9] =	ssyncset.done $0x0  }
0x4e: {  	[sflag:s9] =	ssyncadd.s32 $0xFFFFF800  }
0x4f: {  	v1 =	vld [tilespmem:$0x40]  }
0x50: {  	v2 =	vld.idx.msk [tilespmem:v60+s13+$0x0], $0xffff;
	_ =	sdelay $0x2  }
0x51: {  	v0 =	vld [tilespmem:$0x1FC10];
	_ =	sdelay $0x1  }
0x52: {  	v4 =	vsub.f32 v1, v2;
	_ =	sdelay $0x1  }
0x53: {  	v1 =	vadd.f32 v4, v2;
	_ =	sdelay $0x1  }
0x54: {  	[tilespmem:v60+s14+$0x0] =	vst.idx.msk $0xffff, v1  }
0x55: {  	v1 =	vld [tilespmem:$0x50]  }
0x56: {  	v36 =	vld.idx.msk [tilespmem:v0+s13+$0x0], $0xffff;
	_ =	sdelay $0x2  }
0x57: {  	v37 =	vld [tilespmem:$0x1FC20];
	_ =	sdelay $0x1  }
0x58: {  	v5 =	vsub.f32 v1, v36;
	_ =	sdelay $0x1  }
0x59: {  	v1 =	vadd.f32 v5, v36;
	_ =	sdelay $0x1  }
0x5a: {  	[tilespmem:v0+s14+$0x0] =	vst.idx.msk $0xffff, v1  }
0x5b: {  	v1 =	vld [tilespmem:$0x60]  }
0x5c: {  	v38 =	vld.idx.msk [tilespmem:v37+s13+$0x0], $0xffff;
	_ =	sdelay $0x2  }
0x5d: {  	v39 =	vld [tilespmem:$0x1FC30];
	_ =	sdelay $0x1  }
0x5e: {  	v7 =	vsub.f32 v1, v38;
	_ =	sdelay $0x1  }
0x5f: {  	v1 =	vadd.f32 v7, v38;
	_ =	sdelay $0x1  }
0x60: {  	[tilespmem:v37+s14+$0x0] =	vst.idx.msk $0xffff, v1  }
0x61: {  	v1 =	vld [tilespmem:$0x70]  }
0x62: {  	v40 =	vld.idx.msk [tilespmem:v39+s13+$0x0], $0xffff;
	_ =	sdelay $0x2  }
0x63: {  	v41 =	vld [tilespmem:$0x1FC40];
	_ =	sdelay $0x1  }
0x64: {  	v8 =	vsub.f32 v1, v40;
	_ =	sdelay $0x1  }
0x65: {  	v1 =	vadd.f32 v8, v40;
	_ =	sdelay $0x1  }
0x66: {  	[tilespmem:v39+s14+$0x0] =	vst.idx.msk $0xffff, v1  }
0x67: {  	v1 =	vld [tilespmem:$0x80]  }
0x68: {  	v42 =	vld.idx.msk [tilespmem:v41+s13+$0x0], $0xffff;
	_ =	sdelay $0x2  }
0x69: {  	v43 =	vld [tilespmem:$0x1FC50];
	_ =	sdelay $0x1  }
0x6a: {  	v9 =	vsub.f32 v1, v42;
	_ =	sdelay $0x1  }
0x6b: {  	v1 =	vadd.f32 v9, v42;
	_ =	sdelay $0x1  }
0x6c: {  	[tilespmem:v41+s14+$0x0] =	vst.idx.msk $0xffff, v1  }
0x6d: {  	v1 =	vld [tilespmem:$0x90]  }
0x6e: {  	v44 =	vld.idx.msk [tilespmem:v43+s13+$0x0], $0xffff;
	_ =	sdelay $0x2  }
0x6f: {  	v45 =	vld [tilespmem:$0x1FC60];
	_ =	sdelay $0x1  }
0x70: {  	v10 =	vsub.f32 v1, v44;
	_ =	sdelay $0x1  }
0x71: {  	v1 =	vadd.f32 v10, v44;
	_ =	sdelay $0x1  }
0x72: {  	[tilespmem:v43+s14+$0x0] =	vst.idx.msk $0xffff, v1  }
0x73: {  	v1 =	vld [tilespmem:$0xA0]  }
0x74: {  	v46 =	vld.idx.msk [tilespmem:v45+s13+$0x0], $0xffff;
	_ =	sdelay $0x2  }
0x75: {  	v47 =	vld [tilespmem:$0x1FC70];
	_ =	sdelay $0x1  }
0x76: {  	v61 =	vsub.f32 v1, v46;
	_ =	sdelay $0x1  }
0x77: {  	v1 =	vadd.f32 v61, v46;
	_ =	sdelay $0x1  }
0x78: {  	[tilespmem:v45+s14+$0x0] =	vst.idx.msk $0xffff, v1  }
0x79: {  	v1 =	vld [tilespmem:$0xB0]  }
0x7a: {  	v48 =	vld.idx.msk [tilespmem:v47+s13+$0x0], $0xffff;
	_ =	sdelay $0x2  }
0x7b: {  	v49 =	vld [tilespmem:$0x1FC80];
	_ =	sdelay $0x1  }
0x7c: {  	v1 =	vsub.f32 v1, v48;
	_ =	sdelay $0x1  }
0x7d: {  	[tilespmem:$0x1F800] =	vst v1;
	v1 =	vadd.f32 v1, v48;
	_ =	sdelay $0x1  }
0x7e: {  	[tilespmem:v47+s14+$0x0] =	vst.idx.msk $0xffff, v1  }
0x7f: {  	v1 =	vld [tilespmem:$0xC0]  }
0x80: {  	v50 =	vld.idx.msk [tilespmem:v49+s13+$0x0], $0xffff;
	_ =	sdelay $0x2  }
0x81: {  	v51 =	vld [tilespmem:$0x1FC90];
	_ =	sdelay $0x1  }
0x82: {  	v1 =	vsub.f32 v1, v50;
	_ =	sdelay $0x1  }
0x83: {  	[tilespmem:$0x1F810] =	vst v1;
	v1 =	vadd.f32 v1, v50;
	_ =	sdelay $0x1  }
0x84: {  	[tilespmem:v49+s14+$0x0] =	vst.idx.msk $0xffff, v1  }
0x85: {  	v1 =	vld [tilespmem:$0xD0]  }
0x86: {  	v52 =	vld.idx.msk [tilespmem:v51+s13+$0x0], $0xffff;
	_ =	sdelay $0x2  }
0x87: {  	v53 =	vld [tilespmem:$0x1FCA0];
	_ =	sdelay $0x1  }
0x88: {  	v1 =	vsub.f32 v1, v52;
	_ =	sdelay $0x1  }
0x89: {  	[tilespmem:$0x1F820] =	vst v1;
	v1 =	vadd.f32 v1, v52;
	_ =	sdelay $0x1  }
0x8a: {  	[tilespmem:v51+s14+$0x0] =	vst.idx.msk $0xffff, v1  }
0x8b: {  	v1 =	vld [tilespmem:$0xE0]  }
0x8c: {  	v54 =	vld.idx.msk [tilespmem:v53+s13+$0x0], $0xffff;
	_ =	sdelay $0x2  }
0x8d: {  	v55 =	vld [tilespmem:$0x1FCB0];
	_ =	sdelay $0x1  }
0x8e: {  	v1 =	vsub.f32 v1, v54;
	_ =	sdelay $0x1  }
0x8f: {  	[tilespmem:$0x1F830] =	vst v1;
	v1 =	vadd.f32 v1, v54;
	_ =	sdelay $0x1  }
0x90: {  	[tilespmem:v53+s14+$0x0] =	vst.idx.msk $0xffff, v1  }
0x91: {  	v1 =	vld [tilespmem:$0xF0]  }
0x92: {  	v56 =	vld.idx.msk [tilespmem:v55+s13+$0x0], $0xffff;
	_ =	sdelay $0x2  }
0x93: {  	v57 =	vld [tilespmem:$0x1FCC0];
	_ =	sdelay $0x1  }
0x94: {  	v1 =	vsub.f32 v1, v56;
	_ =	sdelay $0x1  }
0x95: {  	[tilespmem:$0x1F840] =	vst v1;
	v1 =	vadd.f32 v1, v56;
	_ =	sdelay $0x1  }
0x96: {  	[tilespmem:v55+s14+$0x0] =	vst.idx.msk $0xffff, v1  }
0x97: {  	v1 =	vld [tilespmem:$0x100]  }
0x98: {  	v58 =	vld.idx.msk [tilespmem:v57+s13+$0x0], $0xffff;
	_ =	sdelay $0x2  }
0x99: {  	v59 =	vld [tilespmem:$0x1FCD0];
	_ =	sdelay $0x1  }
0x9a: {  	v1 =	vsub.f32 v1, v58;
	_ =	sdelay $0x1  }
0x9b: {  	[tilespmem:$0x1F850] =	vst v1;
	v1 =	vadd.f32 v1, v58;
	_ =	sdelay $0x1  }
0x9c: {  	[tilespmem:v57+s14+$0x0] =	vst.idx.msk $0xffff, v1  }
0x9d: {  	v1 =	vld [tilespmem:$0x110]  }
0x9e: {  	v62 =	vld.idx.msk [tilespmem:v59+s13+$0x0], $0xffff;
	_ =	sdelay $0x2  }
0x9f: {  	v63 =	vld [tilespmem:$0x1FCE0];
	_ =	sdelay $0x1  }
0xa0: {  	v1 =	vsub.f32 v1, v62;
	_ =	sdelay $0x1  }
0xa1: {  	[tilespmem:$0x1F860] =	vst v1;
	v1 =	vadd.f32 v1, v62;
	_ =	sdelay $0x1  }
0xa2: {  	[tilespmem:v59+s14+$0x0] =	vst.idx.msk $0xffff, v1  }
0xa3: {  	v1 =	vld [tilespmem:$0x120]  }
0xa4: {  	v6 =	vld.idx.msk [tilespmem:v63+s13+$0x0], $0xffff;
	_ =	sdelay $0x2  }
0xa5: {  	v11 =	vld [tilespmem:$0x1FCF0];
	_ =	sdelay $0x1  }
0xa6: {  	v1 =	vsub.f32 v1, v6;
	_ =	sdelay $0x1  }
0xa7: {  	[tilespmem:$0x1F870] =	vst v1;
	v1 =	vadd.f32 v1, v6;
	_ =	sdelay $0x1  }
0xa8: {  	[tilespmem:v63+s14+$0x0] =	vst.idx.msk $0xffff, v1  }
0xa9: {  	v1 =	vld [tilespmem:$0x130]  }
0xaa: {  	v12 =	vld.idx.msk [tilespmem:v11+s13+$0x0], $0xffff;
	_ =	sdelay $0x2  }
0xab: {  	v13 =	vld [tilespmem:$0x1FD00];
	_ =	sdelay $0x1  }
0xac: {  	v1 =	vsub.f32 v1, v12;
	_ =	sdelay $0x1  }
0xad: {  	[tilespmem:$0x1F880] =	vst v1;
	v1 =	vadd.f32 v1, v12;
	_ =	sdelay $0x1  }
0xae: {  	[tilespmem:v11+s14+$0x0] =	vst.idx.msk $0xffff, v1  }
0xaf: {  	v1 =	vld [tilespmem:$0x140]  }
0xb0: {  	v14 =	vld.idx.msk [tilespmem:v13+s13+$0x0], $0xffff;
	_ =	sdelay $0x2  }
0xb1: {  	v15 =	vld [tilespmem:$0x1FD10];
	_ =	sdelay $0x1  }
0xb2: {  	v1 =	vsub.f32 v1, v14;
	_ =	sdelay $0x1  }
0xb3: {  	[tilespmem:$0x1F890] =	vst v1;
	v1 =	vadd.f32 v1, v14;
	_ =	sdelay $0x1  }
0xb4: {  	[tilespmem:v13+s14+$0x0] =	vst.idx.msk $0xffff, v1  }
0xb5: {  	v1 =	vld [tilespmem:$0x150]  }
0xb6: {  	v16 =	vld.idx.msk [tilespmem:v15+s13+$0x0], $0xffff;
	_ =	sdelay $0x2  }
0xb7: {  	v17 =	vld [tilespmem:$0x1FD20];
	_ =	sdelay $0x1  }
0xb8: {  	v1 =	vsub.f32 v1, v16;
	_ =	sdelay $0x1  }
0xb9: {  	[tilespmem:$0x1F8A0] =	vst v1;
	v1 =	vadd.f32 v1, v16;
	_ =	sdelay $0x1  }
0xba: {  	[tilespmem:v15+s14+$0x0] =	vst.idx.msk $0xffff, v1  }
0xbb: {  	v1 =	vld [tilespmem:$0x160]  }
0xbc: {  	v18 =	vld.idx.msk [tilespmem:v17+s13+$0x0], $0xffff;
	_ =	sdelay $0x2  }
0xbd: {  	v19 =	vld [tilespmem:$0x1FD30];
	_ =	sdelay $0x1  }
0xbe: {  	v1 =	vsub.f32 v1, v18;
	_ =	sdelay $0x1  }
0xbf: {  	[tilespmem:$0x1F8B0] =	vst v1;
	v1 =	vadd.f32 v1, v18;
	_ =	sdelay $0x1  }
0xc0: {  	[tilespmem:v17+s14+$0x0] =	vst.idx.msk $0xffff, v1  }
0xc1: {  	v1 =	vld [tilespmem:$0x170]  }
0xc2: {  	v20 =	vld.idx.msk [tilespmem:v19+s13+$0x0], $0xffff;
	_ =	sdelay $0x2  }
0xc3: {  	v21 =	vld [tilespmem:$0x1FD40];
	_ =	sdelay $0x1  }
0xc4: {  	v1 =	vsub.f32 v1, v20;
	_ =	sdelay $0x1  }
0xc5: {  	[tilespmem:$0x1F8C0] =	vst v1;
	v1 =	vadd.f32 v1, v20;
	_ =	sdelay $0x1  }
0xc6: {  	[tilespmem:v19+s14+$0x0] =	vst.idx.msk $0xffff, v1  }
0xc7: {  	v1 =	vld [tilespmem:$0x180]  }
0xc8: {  	v22 =	vld.idx.msk [tilespmem:v21+s13+$0x0], $0xffff;
	_ =	sdelay $0x2  }
0xc9: {  	v23 =	vld [tilespmem:$0x1FD50];
	_ =	sdelay $0x1  }
0xca: {  	v1 =	vsub.f32 v1, v22;
	_ =	sdelay $0x1  }
0xcb: {  	[tilespmem:$0x1F8D0] =	vst v1;
	v1 =	vadd.f32 v1, v22;
	_ =	sdelay $0x1  }
0xcc: {  	[tilespmem:v21+s14+$0x0] =	vst.idx.msk $0xffff, v1  }
0xcd: {  	v1 =	vld [tilespmem:$0x190]  }
0xce: {  	v24 =	vld.idx.msk [tilespmem:v23+s13+$0x0], $0xffff;
	_ =	sdelay $0x2  }
0xcf: {  	v25 =	vld [tilespmem:$0x1FD60];
	_ =	sdelay $0x1  }
0xd0: {  	v1 =	vsub.f32 v1, v24;
	_ =	sdelay $0x1  }
0xd1: {  	[tilespmem:$0x1F8E0] =	vst v1;
	v1 =	vadd.f32 v1, v24;
	_ =	sdelay $0x1  }
0xd2: {  	[tilespmem:v23+s14+$0x0] =	vst.idx.msk $0xffff, v1  }
0xd3: {  	v1 =	vld [tilespmem:$0x1A0]  }
0xd4: {  	v26 =	vld.idx.msk [tilespmem:v25+s13+$0x0], $0xffff;
	_ =	sdelay $0x2  }
0xd5: {  	v27 =	vld [tilespmem:$0x1FD70];
	_ =	sdelay $0x1  }
0xd6: {  	v1 =	vsub.f32 v1, v26;
	_ =	sdelay $0x1  }
0xd7: {  	[tilespmem:$0x1F8F0] =	vst v1;
	v1 =	vadd.f32 v1, v26;
	_ =	sdelay $0x1  }
0xd8: {  	[tilespmem:v25+s14+$0x0] =	vst.idx.msk $0xffff, v1  }
0xd9: {  	v1 =	vld [tilespmem:$0x1B0]  }
0xda: {  	v28 =	vld.idx.msk [tilespmem:v27+s13+$0x0], $0xffff;
	_ =	sdelay $0x2  }
0xdb: {  	v29 =	vld [tilespmem:$0x1FD80];
	_ =	sdelay $0x1  }
0xdc: {  	v1 =	vsub.f32 v1, v28;
	_ =	sdelay $0x1  }
0xdd: {  	[tilespmem:$0x1F900] =	vst v1;
	v1 =	vadd.f32 v1, v28;
	_ =	sdelay $0x1  }
0xde: {  	[tilespmem:v27+s14+$0x0] =	vst.idx.msk $0xffff, v1  }
0xdf: {  	v1 =	vld [tilespmem:$0x1C0]  }
0xe0: {  	v30 =	vld.idx.msk [tilespmem:v29+s13+$0x0], $0xffff;
	_ =	sdelay $0x2  }
0xe1: {  	v31 =	vld [tilespmem:$0x1FD90];
	_ =	sdelay $0x1  }
0xe2: {  	v1 =	vsub.f32 v1, v30;
	_ =	sdelay $0x1  }
0xe3: {  	[tilespmem:$0x1F910] =	vst v1;
	v1 =	vadd.f32 v1, v30;
	_ =	sdelay $0x1  }
0xe4: {  	[tilespmem:v29+s14+$0x0] =	vst.idx.msk $0xffff, v1  }
0xe5: {  	v1 =	vld [tilespmem:$0x1D0]  }
0xe6: {  	v32 =	vld.idx.msk [tilespmem:v31+s13+$0x0], $0xffff;
	_ =	sdelay $0x2  }
0xe7: {  	v33 =	vld [tilespmem:$0x1FDA0];
	_ =	sdelay $0x1  }
0xe8: {  	v1 =	vsub.f32 v1, v32;
	_ =	sdelay $0x1  }
0xe9: {  	[tilespmem:$0x1F920] =	vst v1;
	v1 =	vadd.f32 v1, v32;
	_ =	sdelay $0x1  }
0xea: {  	[tilespmem:v31+s14+$0x0] =	vst.idx.msk $0xffff, v1  }
0xeb: {  	v1 =	vld [tilespmem:$0x1E0]  }
0xec: {  	v34 =	vld.idx.msk [tilespmem:v33+s13+$0x0], $0xffff;
	_ =	sdelay $0x2  }
0xed: {  	v35 =	vld [tilespmem:$0x1FDB0];
	_ =	sdelay $0x1  }
0xee: {  	v1 =	vsub.f32 v1, v34;
	_ =	sdelay $0x1  }
0xef: {  	[tilespmem:$0x1F930] =	vst v1;
	v1 =	vadd.f32 v1, v34;
	_ =	sdelay $0x1  }
0xf0: {  	[tilespmem:v33+s14+$0x0] =	vst.idx.msk $0xffff, v1  }
0xf1: {  	v1 =	vld [tilespmem:$0x1F0]  }
0xf2: {  	v36 =	vld.idx.msk [tilespmem:v35+s13+$0x0], $0xffff;
	_ =	sdelay $0x2  }
0xf3: {  	v37 =	vld [tilespmem:$0x1FDC0];
	_ =	sdelay $0x1  }
0xf4: {  	v1 =	vsub.f32 v1, v36;
	_ =	sdelay $0x1  }
0xf5: {  	[tilespmem:$0x1F940] =	vst v1;
	v1 =	vadd.f32 v1, v36;
	_ =	sdelay $0x1  }
0xf6: {  	[tilespmem:v35+s14+$0x0] =	vst.idx.msk $0xffff, v1  }
0xf7: {  	v1 =	vld [tilespmem:$0x200]  }
0xf8: {  	v38 =	vld.idx.msk [tilespmem:v37+s13+$0x0], $0xffff;
	_ =	sdelay $0x2  }
0xf9: {  	v39 =	vld [tilespmem:$0x1FDD0];
	_ =	sdelay $0x1  }
0xfa: {  	v1 =	vsub.f32 v1, v38;
	_ =	sdelay $0x1  }
0xfb: {  	[tilespmem:$0x1F950] =	vst v1;
	v1 =	vadd.f32 v1, v38;
	_ =	sdelay $0x1  }
0xfc: {  	[tilespmem:v37+s14+$0x0] =	vst.idx.msk $0xffff, v1  }
0xfd: {  	v1 =	vld [tilespmem:$0x210]  }
0xfe: {  	v40 =	vld.idx.msk [tilespmem:v39+s13+$0x0], $0xffff;
	_ =	sdelay $0x2  }
0xff: {  	v41 =	vld [tilespmem:$0x1FDE0];
	_ =	sdelay $0x1  }
0x100: {  	v1 =	vsub.f32 v1, v40;
	_ =	sdelay $0x1  }
0x101: {  	[tilespmem:$0x1F960] =	vst v1;
	v1 =	vadd.f32 v1, v40;
	_ =	sdelay $0x1  }
0x102: {  	[tilespmem:v39+s14+$0x0] =	vst.idx.msk $0xffff, v1  }
0x103: {  	v1 =	vld [tilespmem:$0x220]  }
0x104: {  	v42 =	vld.idx.msk [tilespmem:v41+s13+$0x0], $0xffff;
	_ =	sdelay $0x2  }
0x105: {  	v43 =	vld [tilespmem:$0x1FDF0];
	_ =	sdelay $0x1  }
0x106: {  	v1 =	vsub.f32 v1, v42;
	_ =	sdelay $0x1  }
0x107: {  	[tilespmem:$0x1F970] =	vst v1;
	v1 =	vadd.f32 v1, v42;
	_ =	sdelay $0x1  }
0x108: {  	[tilespmem:v41+s14+$0x0] =	vst.idx.msk $0xffff, v1  }
0x109: {  	v1 =	vld [tilespmem:$0x230]  }
0x10a: {  	v44 =	vld.idx.msk [tilespmem:v43+s13+$0x0], $0xffff;
	_ =	sdelay $0x2  }
0x10b: {  	v45 =	vld [tilespmem:$0x1FE00];
	_ =	sdelay $0x1  }
0x10c: {  	v1 =	vsub.f32 v1, v44;
	_ =	sdelay $0x1  }
0x10d: {  	[tilespmem:$0x1F980] =	vst v1;
	v1 =	vadd.f32 v1, v44;
	_ =	sdelay $0x1  }
0x10e: {  	[tilespmem:v43+s14+$0x0] =	vst.idx.msk $0xffff, v1  }
0x10f: {  	v1 =	vld [tilespmem:$0x240]  }
0x110: {  	v46 =	vld.idx.msk [tilespmem:v45+s13+$0x0], $0xffff;
	_ =	sdelay $0x2  }
0x111: {  	v47 =	vld [tilespmem:$0x1FE10];
	_ =	sdelay $0x1  }
0x112: {  	v1 =	vsub.f32 v1, v46;
	_ =	sdelay $0x1  }
0x113: {  	[tilespmem:$0x1F990] =	vst v1;
	v1 =	vadd.f32 v1, v46;
	_ =	sdelay $0x1  }
0x114: {  	[tilespmem:v45+s14+$0x0] =	vst.idx.msk $0xffff, v1  }
0x115: {  	v1 =	vld [tilespmem:$0x250]  }
0x116: {  	v48 =	vld.idx.msk [tilespmem:v47+s13+$0x0], $0xffff;
	_ =	sdelay $0x2  }
0x117: {  	v49 =	vld [tilespmem:$0x1FE20];
	_ =	sdelay $0x1  }
0x118: {  	v1 =	vsub.f32 v1, v48;
	_ =	sdelay $0x1  }
0x119: {  	[tilespmem:$0x1F9A0] =	vst v1;
	v1 =	vadd.f32 v1, v48;
	_ =	sdelay $0x1  }
0x11a: {  	[tilespmem:v47+s14+$0x0] =	vst.idx.msk $0xffff, v1  }
0x11b: {  	v1 =	vld [tilespmem:$0x260]  }
0x11c: {  	v50 =	vld.idx.msk [tilespmem:v49+s13+$0x0], $0xffff;
	_ =	sdelay $0x2  }
0x11d: {  	v51 =	vld [tilespmem:$0x1FE30];
	_ =	sdelay $0x1  }
0x11e: {  	v1 =	vsub.f32 v1, v50;
	_ =	sdelay $0x1  }
0x11f: {  	[tilespmem:$0x1F9B0] =	vst v1;
	v1 =	vadd.f32 v1, v50;
	_ =	sdelay $0x1  }
0x120: {  	[tilespmem:v49+s14+$0x0] =	vst.idx.msk $0xffff, v1  }
0x121: {  	v1 =	vld [tilespmem:$0x270]  }
0x122: {  	v52 =	vld.idx.msk [tilespmem:v51+s13+$0x0], $0xffff;
	_ =	sdelay $0x2  }
0x123: {  	v53 =	vld [tilespmem:$0x1FE40];
	_ =	sdelay $0x1  }
0x124: {  	v1 =	vsub.f32 v1, v52;
	_ =	sdelay $0x1  }
0x125: {  	[tilespmem:$0x1F9C0] =	vst v1;
	v1 =	vadd.f32 v1, v52;
	_ =	sdelay $0x1  }
0x126: {  	[tilespmem:v51+s14+$0x0] =	vst.idx.msk $0xffff, v1  }
0x127: {  	v1 =	vld [tilespmem:$0x280]  }
0x128: {  	v54 =	vld.idx.msk [tilespmem:v53+s13+$0x0], $0xffff;
	_ =	sdelay $0x2  }
0x129: {  	v55 =	vld [tilespmem:$0x1FE50];
	_ =	sdelay $0x1  }
0x12a: {  	v1 =	vsub.f32 v1, v54;
	_ =	sdelay $0x1  }
0x12b: {  	[tilespmem:$0x1F9D0] =	vst v1;
	v1 =	vadd.f32 v1, v54;
	_ =	sdelay $0x1  }
0x12c: {  	[tilespmem:v53+s14+$0x0] =	vst.idx.msk $0xffff, v1  }
0x12d: {  	v1 =	vld [tilespmem:$0x290]  }
0x12e: {  	v56 =	vld.idx.msk [tilespmem:v55+s13+$0x0], $0xffff;
	_ =	sdelay $0x2  }
0x12f: {  	v57 =	vld [tilespmem:$0x1FE60];
	_ =	sdelay $0x1  }
0x130: {  	v1 =	vsub.f32 v1, v56;
	_ =	sdelay $0x1  }
0x131: {  	[tilespmem:$0x1F9E0] =	vst v1;
	v1 =	vadd.f32 v1, v56;
	_ =	sdelay $0x1  }
0x132: {  	[tilespmem:v55+s14+$0x0] =	vst.idx.msk $0xffff, v1  }
0x133: {  	v1 =	vld [tilespmem:$0x2A0]  }
0x134: {  	v58 =	vld.idx.msk [tilespmem:v57+s13+$0x0], $0xffff;
	_ =	sdelay $0x2  }
0x135: {  	v59 =	vld [tilespmem:$0x1FE70];
	_ =	sdelay $0x1  }
0x136: {  	v1 =	vsub.f32 v1, v58;
	_ =	sdelay $0x1  }
0x137: {  	[tilespmem:$0x1F9F0] =	vst v1;
	v1 =	vadd.f32 v1, v58;
	_ =	sdelay $0x1  }
0x138: {  	[tilespmem:v57+s14+$0x0] =	vst.idx.msk $0xffff, v1  }
0x139: {  	v1 =	vld [tilespmem:$0x2B0]  }
0x13a: {  	v62 =	vld.idx.msk [tilespmem:v59+s13+$0x0], $0xffff;
	_ =	sdelay $0x2  }
0x13b: {  	v63 =	vld [tilespmem:$0x1FE80];
	_ =	sdelay $0x1  }
0x13c: {  	v1 =	vsub.f32 v1, v62;
	_ =	sdelay $0x1  }
0x13d: {  	[tilespmem:$0x1FA00] =	vst v1;
	v1 =	vadd.f32 v1, v62;
	_ =	sdelay $0x1  }
0x13e: {  	[tilespmem:v59+s14+$0x0] =	vst.idx.msk $0xffff, v1  }
0x13f: {  	v1 =	vld [tilespmem:$0x2C0]  }
0x140: {  	v6 =	vld.idx.msk [tilespmem:v63+s13+$0x0], $0xffff;
	_ =	sdelay $0x2  }
0x141: {  	v11 =	vld [tilespmem:$0x1FE90];
	_ =	sdelay $0x1  }
0x142: {  	v1 =	vsub.f32 v1, v6;
	_ =	sdelay $0x1  }
0x143: {  	[tilespmem:$0x1FA10] =	vst v1;
	v1 =	vadd.f32 v1, v6;
	_ =	sdelay $0x1  }
0x144: {  	[tilespmem:v63+s14+$0x0] =	vst.idx.msk $0xffff, v1  }
0x145: {  	v1 =	vld [tilespmem:$0x2D0]  }
0x146: {  	v12 =	vld.idx.msk [tilespmem:v11+s13+$0x0], $0xffff;
	_ =	sdelay $0x2  }
0x147: {  	v13 =	vld [tilespmem:$0x1FEA0];
	_ =	sdelay $0x1  }
0x148: {  	v1 =	vsub.f32 v1, v12;
	_ =	sdelay $0x1  }
0x149: {  	[tilespmem:$0x1FA20] =	vst v1;
	v1 =	vadd.f32 v1, v12;
	_ =	sdelay $0x1  }
0x14a: {  	[tilespmem:v11+s14+$0x0] =	vst.idx.msk $0xffff, v1  }
0x14b: {  	v1 =	vld [tilespmem:$0x2E0]  }
0x14c: {  	v14 =	vld.idx.msk [tilespmem:v13+s13+$0x0], $0xffff;
	_ =	sdelay $0x2  }
0x14d: {  	v15 =	vld [tilespmem:$0x1FEB0];
	_ =	sdelay $0x1  }
0x14e: {  	v1 =	vsub.f32 v1, v14;
	_ =	sdelay $0x1  }
0x14f: {  	[tilespmem:$0x1FA30] =	vst v1;
	v1 =	vadd.f32 v1, v14;
	_ =	sdelay $0x1  }
0x150: {  	[tilespmem:v13+s14+$0x0] =	vst.idx.msk $0xffff, v1  }
0x151: {  	v1 =	vld [tilespmem:$0x2F0]  }
0x152: {  	v16 =	vld.idx.msk [tilespmem:v15+s13+$0x0], $0xffff;
	_ =	sdelay $0x2  }
0x153: {  	v17 =	vld [tilespmem:$0x1FEC0];
	_ =	sdelay $0x1  }
0x154: {  	v1 =	vsub.f32 v1, v16;
	_ =	sdelay $0x1  }
0x155: {  	[tilespmem:$0x1FA40] =	vst v1;
	v1 =	vadd.f32 v1, v16;
	_ =	sdelay $0x1  }
0x156: {  	[tilespmem:v15+s14+$0x0] =	vst.idx.msk $0xffff, v1  }
0x157: {  	v1 =	vld [tilespmem:$0x300]  }
0x158: {  	v18 =	vld.idx.msk [tilespmem:v17+s13+$0x0], $0xffff;
	_ =	sdelay $0x2  }
0x159: {  	v19 =	vld [tilespmem:$0x1FED0];
	_ =	sdelay $0x1  }
0x15a: {  	v1 =	vsub.f32 v1, v18;
	_ =	sdelay $0x1  }
0x15b: {  	[tilespmem:$0x1FA50] =	vst v1;
	v1 =	vadd.f32 v1, v18;
	_ =	sdelay $0x1  }
0x15c: {  	[tilespmem:v17+s14+$0x0] =	vst.idx.msk $0xffff, v1  }
0x15d: {  	v1 =	vld [tilespmem:$0x310]  }
0x15e: {  	v20 =	vld.idx.msk [tilespmem:v19+s13+$0x0], $0xffff;
	_ =	sdelay $0x2  }
0x15f: {  	v21 =	vld [tilespmem:$0x1FEE0];
	_ =	sdelay $0x1  }
0x160: {  	v1 =	vsub.f32 v1, v20;
	_ =	sdelay $0x1  }
0x161: {  	[tilespmem:$0x1FA60] =	vst v1;
	v1 =	vadd.f32 v1, v20;
	_ =	sdelay $0x1  }
0x162: {  	[tilespmem:v19+s14+$0x0] =	vst.idx.msk $0xffff, v1  }
0x163: {  	v1 =	vld [tilespmem:$0x320]  }
0x164: {  	v22 =	vld.idx.msk [tilespmem:v21+s13+$0x0], $0xffff;
	_ =	sdelay $0x2  }
0x165: {  	v23 =	vld [tilespmem:$0x1FEF0];
	_ =	sdelay $0x1  }
0x166: {  	v1 =	vsub.f32 v1, v22;
	_ =	sdelay $0x1  }
0x167: {  	[tilespmem:$0x1FA70] =	vst v1;
	v1 =	vadd.f32 v1, v22;
	_ =	sdelay $0x1  }
0x168: {  	[tilespmem:v21+s14+$0x0] =	vst.idx.msk $0xffff, v1  }
0x169: {  	v1 =	vld [tilespmem:$0x330]  }
0x16a: {  	v24 =	vld.idx.msk [tilespmem:v23+s13+$0x0], $0xffff;
	_ =	sdelay $0x2  }
0x16b: {  	v25 =	vld [tilespmem:$0x1FF00];
	_ =	sdelay $0x1  }
0x16c: {  	v1 =	vsub.f32 v1, v24;
	_ =	sdelay $0x1  }
0x16d: {  	[tilespmem:$0x1FA80] =	vst v1;
	v1 =	vadd.f32 v1, v24;
	_ =	sdelay $0x1  }
0x16e: {  	[tilespmem:v23+s14+$0x0] =	vst.idx.msk $0xffff, v1  }
0x16f: {  	v1 =	vld [tilespmem:$0x340]  }
0x170: {  	v26 =	vld.idx.msk [tilespmem:v25+s13+$0x0], $0xffff;
	_ =	sdelay $0x2  }
0x171: {  	v27 =	vld [tilespmem:$0x1FF10];
	_ =	sdelay $0x1  }
0x172: {  	v1 =	vsub.f32 v1, v26;
	_ =	sdelay $0x1  }
0x173: {  	[tilespmem:$0x1FA90] =	vst v1;
	v1 =	vadd.f32 v1, v26;
	_ =	sdelay $0x1  }
0x174: {  	[tilespmem:v25+s14+$0x0] =	vst.idx.msk $0xffff, v1  }
0x175: {  	v1 =	vld [tilespmem:$0x350]  }
0x176: {  	v28 =	vld.idx.msk [tilespmem:v27+s13+$0x0], $0xffff;
	_ =	sdelay $0x2  }
0x177: {  	v29 =	vld [tilespmem:$0x1FF20];
	_ =	sdelay $0x1  }
0x178: {  	v1 =	vsub.f32 v1, v28;
	_ =	sdelay $0x1  }
0x179: {  	[tilespmem:$0x1FAA0] =	vst v1;
	v1 =	vadd.f32 v1, v28;
	_ =	sdelay $0x1  }
0x17a: {  	[tilespmem:v27+s14+$0x0] =	vst.idx.msk $0xffff, v1  }
0x17b: {  	v1 =	vld [tilespmem:$0x360]  }
0x17c: {  	v30 =	vld.idx.msk [tilespmem:v29+s13+$0x0], $0xffff;
	_ =	sdelay $0x2  }
0x17d: {  	v31 =	vld [tilespmem:$0x1FF30];
	_ =	sdelay $0x1  }
0x17e: {  	v1 =	vsub.f32 v1, v30;
	_ =	sdelay $0x1  }
0x17f: {  	[tilespmem:$0x1FAB0] =	vst v1;
	v1 =	vadd.f32 v1, v30;
	_ =	sdelay $0x1  }
0x180: {  	[tilespmem:v29+s14+$0x0] =	vst.idx.msk $0xffff, v1  }
0x181: {  	v1 =	vld [tilespmem:$0x370]  }
0x182: {  	v32 =	vld.idx.msk [tilespmem:v31+s13+$0x0], $0xffff;
	_ =	sdelay $0x2  }
0x183: {  	v33 =	vld [tilespmem:$0x1FF40];
	_ =	sdelay $0x1  }
0x184: {  	v1 =	vsub.f32 v1, v32;
	_ =	sdelay $0x1  }
0x185: {  	[tilespmem:$0x1FAC0] =	vst v1;
	v1 =	vadd.f32 v1, v32;
	_ =	sdelay $0x1  }
0x186: {  	[tilespmem:v31+s14+$0x0] =	vst.idx.msk $0xffff, v1  }
0x187: {  	v1 =	vld [tilespmem:$0x380]  }
0x188: {  	v34 =	vld.idx.msk [tilespmem:v33+s13+$0x0], $0xffff;
	_ =	sdelay $0x2  }
0x189: {  	v35 =	vld [tilespmem:$0x1FF50];
	_ =	sdelay $0x1  }
0x18a: {  	v1 =	vsub.f32 v1, v34;
	_ =	sdelay $0x1  }
0x18b: {  	[tilespmem:$0x1FAD0] =	vst v1;
	v1 =	vadd.f32 v1, v34;
	_ =	sdelay $0x1  }
0x18c: {  	[tilespmem:v33+s14+$0x0] =	vst.idx.msk $0xffff, v1  }
0x18d: {  	v1 =	vld [tilespmem:$0x390]  }
0x18e: {  	v36 =	vld.idx.msk [tilespmem:v35+s13+$0x0], $0xffff;
	_ =	sdelay $0x2  }
0x18f: {  	v37 =	vld [tilespmem:$0x1FF60];
	_ =	sdelay $0x1  }
0x190: {  	v1 =	vsub.f32 v1, v36;
	_ =	sdelay $0x1  }
0x191: {  	[tilespmem:$0x1FAE0] =	vst v1;
	v1 =	vadd.f32 v1, v36;
	_ =	sdelay $0x1  }
0x192: {  	[tilespmem:v35+s14+$0x0] =	vst.idx.msk $0xffff, v1  }
0x193: {  	v1 =	vld [tilespmem:$0x3A0]  }
0x194: {  	v38 =	vld.idx.msk [tilespmem:v37+s13+$0x0], $0xffff;
	_ =	sdelay $0x2  }
0x195: {  	v39 =	vld [tilespmem:$0x1FF70];
	_ =	sdelay $0x1  }
0x196: {  	v1 =	vsub.f32 v1, v38;
	_ =	sdelay $0x1  }
0x197: {  	[tilespmem:$0x1FAF0] =	vst v1;
	v1 =	vadd.f32 v1, v38;
	_ =	sdelay $0x1  }
0x198: {  	[tilespmem:v37+s14+$0x0] =	vst.idx.msk $0xffff, v1  }
0x199: {  	v1 =	vld [tilespmem:$0x3B0]  }
0x19a: {  	v40 =	vld.idx.msk [tilespmem:v39+s13+$0x0], $0xffff;
	_ =	sdelay $0x2  }
0x19b: {  	v41 =	vld [tilespmem:$0x1FF80];
	_ =	sdelay $0x1  }
0x19c: {  	v1 =	vsub.f32 v1, v40;
	_ =	sdelay $0x1  }
0x19d: {  	[tilespmem:$0x1FB00] =	vst v1;
	v1 =	vadd.f32 v1, v40;
	_ =	sdelay $0x1  }
0x19e: {  	[tilespmem:v39+s14+$0x0] =	vst.idx.msk $0xffff, v1  }
0x19f: {  	v1 =	vld [tilespmem:$0x3C0]  }
0x1a0: {  	v42 =	vld.idx.msk [tilespmem:v41+s13+$0x0], $0xffff;
	_ =	sdelay $0x2  }
0x1a1: {  	v43 =	vld [tilespmem:$0x1FF90];
	_ =	sdelay $0x1  }
0x1a2: {  	v1 =	vsub.f32 v1, v42;
	_ =	sdelay $0x1  }
0x1a3: {  	[tilespmem:$0x1FB10] =	vst v1;
	v1 =	vadd.f32 v1, v42;
	_ =	sdelay $0x1  }
0x1a4: {  	[tilespmem:v41+s14+$0x0] =	vst.idx.msk $0xffff, v1  }
0x1a5: {  	v1 =	vld [tilespmem:$0x3D0]  }
0x1a6: {  	v44 =	vld.idx.msk [tilespmem:v43+s13+$0x0], $0xffff;
	_ =	sdelay $0x2  }
0x1a7: {  	v45 =	vld [tilespmem:$0x1FFA0];
	_ =	sdelay $0x1  }
0x1a8: {  	v1 =	vsub.f32 v1, v44;
	_ =	sdelay $0x1  }
0x1a9: {  	[tilespmem:$0x1FB20] =	vst v1;
	v1 =	vadd.f32 v1, v44;
	_ =	sdelay $0x1  }
0x1aa: {  	[tilespmem:v43+s14+$0x0] =	vst.idx.msk $0xffff, v1  }
0x1ab: {  	v1 =	vld [tilespmem:$0x3E0]  }
0x1ac: {  	v46 =	vld.idx.msk [tilespmem:v45+s13+$0x0], $0xffff;
	_ =	sdelay $0x2  }
0x1ad: {  	v47 =	vld [tilespmem:$0x1FFB0];
	_ =	sdelay $0x1  }
0x1ae: {  	v1 =	vsub.f32 v1, v46;
	_ =	sdelay $0x1  }
0x1af: {  	[tilespmem:$0x1FB30] =	vst v1;
	v1 =	vadd.f32 v1, v46;
	_ =	sdelay $0x1  }
0x1b0: {  	[tilespmem:v45+s14+$0x0] =	vst.idx.msk $0xffff, v1  }
0x1b1: {  	v1 =	vld [tilespmem:$0x3F0]  }
0x1b2: {  	v48 =	vld.idx.msk [tilespmem:v47+s13+$0x0], $0xffff;
	_ =	sdelay $0x2  }
0x1b3: {  	v49 =	vld [tilespmem:$0x1FFC0];
	_ =	sdelay $0x1  }
0x1b4: {  	v1 =	vsub.f32 v1, v48;
	_ =	sdelay $0x1  }
0x1b5: {  	[tilespmem:$0x1FB40] =	vst v1;
	v1 =	vadd.f32 v1, v48;
	_ =	sdelay $0x1  }
0x1b6: {  	[tilespmem:v47+s14+$0x0] =	vst.idx.msk $0xffff, v1  }
0x1b7: {  	v1 =	vld [tilespmem:$0x400]  }
0x1b8: {  	v50 =	vld.idx.msk [tilespmem:v49+s13+$0x0], $0xffff;
	_ =	sdelay $0x2  }
0x1b9: {  	v51 =	vld [tilespmem:$0x1FFD0];
	_ =	sdelay $0x1  }
0x1ba: {  	v1 =	vsub.f32 v1, v50;
	_ =	sdelay $0x1  }
0x1bb: {  	[tilespmem:$0x1FB50] =	vst v1;
	v1 =	vadd.f32 v1, v50;
	_ =	sdelay $0x1  }
0x1bc: {  	[tilespmem:v49+s14+$0x0] =	vst.idx.msk $0xffff, v1  }
0x1bd: {  	v1 =	vld [tilespmem:$0x410]  }
0x1be: {  	v52 =	vld.idx.msk [tilespmem:v51+s13+$0x0], $0xffff;
	_ =	sdelay $0x2  }
0x1bf: {  	v53 =	vld [tilespmem:$0x1FFE0];
	_ =	sdelay $0x1  }
0x1c0: {  	v1 =	vsub.f32 v1, v52;
	_ =	sdelay $0x1  }
0x1c1: {  	[tilespmem:$0x1FB60] =	vst v1;
	v1 =	vadd.f32 v1, v52;
	_ =	sdelay $0x1  }
0x1c2: {  	[tilespmem:v51+s14+$0x0] =	vst.idx.msk $0xffff, v1  }
0x1c3: {  	v1 =	vld [tilespmem:$0x420]  }
0x1c4: {  	v54 =	vld.idx.msk [tilespmem:v53+s13+$0x0], $0xffff;
	_ =	sdelay $0x2  }
0x1c5: {  	v55 =	vld [tilespmem:$0x1FFF0];
	_ =	sdelay $0x1  }
0x1c6: {  	v1 =	vsub.f32 v1, v54;
	_ =	sdelay $0x1  }
0x1c7: {  	[tilespmem:$0x1FB70] =	vst v1;
	v1 =	vadd.f32 v1, v54;
	_ =	sdelay $0x1  }
0x1c8: {  	[tilespmem:v53+s14+$0x0] =	vst.idx.msk $0xffff, v1  }
0x1c9: {  	v1 =	vld [tilespmem:$0x430]  }
0x1ca: {  	v56 =	vld.idx.msk [tilespmem:v55+s13+$0x0], $0xffff;
	_ =	sdelay $0x4  }
0x1cb: {  	v3 =	vsub.f32 v1, v56  }
0x1cc: {  	v57 =	vor.u32 $0x20, v60  }
0x1cd: {  	v2 =	vadd.f32 v3, v56;
	_ =	sdelay $0x1  }
0x1ce: {  	[tilespmem:v55+s14+$0x0] =	vst.idx.msk $0xffff, v2  }
0x1cf: {  	v2 =	vld [tilespmem:$0x440]  }
0x1d0: {  	v58 =	vld.idx.msk [tilespmem:v57+s13+$0x0], $0xffff;
	_ =	sdelay $0x4  }
0x1d1: {  	v59 =	vsub.f32 v2, v58  }
0x1d2: {  	v62 =	vor.u32 $0x420, v60  }
0x1d3: {  	[tilespmem:$0x1FB80] =	vst v3;
	v3 =	vadd.f32 v59, v58;
	_ =	sdelay $0x1  }
0x1d4: {  	[tilespmem:v57+s14+$0x0] =	vst.idx.msk $0xffff, v3  }
0x1d5: {  	v1 =	vld [tilespmem:$0x450]  }
0x1d6: {  	v3 =	vld.idx.msk [tilespmem:v62+s13+$0x0], $0xffff;
	_ =	sdelay $0x4  }
0x1d7: {  	[tilespmem:$0x1FB90] =	vst v59;
	v59 =	vsub.f32 v1, v3  }
0x1d8: {  	v63 =	vor.u32 $0x21, v60  }
0x1d9: {  	v3 =	vadd.f32 v59, v3;
	_ =	sdelay $0x1  }
0x1da: {  	[tilespmem:v62+s14+$0x0] =	vst.idx.msk $0xffff, v3  }
0x1db: {  	v2 =	vld [tilespmem:$0x460]  }
0x1dc: {  	v3 =	vld.idx.msk [tilespmem:v63+s13+$0x0], $0xffff;
	_ =	sdelay $0x4  }
0x1dd: {  	v6 =	vsub.f32 v2, v3  }
0x1de: {  	v11 =	vor.u32 $0x421, v60  }
0x1df: {  	v3 =	vadd.f32 v6, v3;
	_ =	sdelay $0x1  }
0x1e0: {  	[tilespmem:v63+s14+$0x0] =	vst.idx.msk $0xffff, v3  }
0x1e1: {  	v1 =	vld [tilespmem:$0x470]  }
0x1e2: {  	v3 =	vld.idx.msk [tilespmem:v11+s13+$0x0], $0xffff;
	_ =	sdelay $0x4  }
0x1e3: {  	v12 =	vsub.f32 v1, v3  }
0x1e4: {  	v13 =	vor.u32 $0x22, v60  }
0x1e5: {  	v3 =	vadd.f32 v12, v3;
	_ =	sdelay $0x1  }
0x1e6: {  	[tilespmem:v11+s14+$0x0] =	vst.idx.msk $0xffff, v3  }
0x1e7: {  	v2 =	vld [tilespmem:$0x480]  }
0x1e8: {  	v3 =	vld.idx.msk [tilespmem:v13+s13+$0x0], $0xffff;
	_ =	sdelay $0x4  }
0x1e9: {  	v14 =	vsub.f32 v2, v3  }
0x1ea: {  	v15 =	vor.u32 $0x422, v60  }
0x1eb: {  	v3 =	vadd.f32 v14, v3;
	_ =	sdelay $0x1  }
0x1ec: {  	[tilespmem:v13+s14+$0x0] =	vst.idx.msk $0xffff, v3  }
0x1ed: {  	v1 =	vld [tilespmem:$0x490]  }
0x1ee: {  	v3 =	vld.idx.msk [tilespmem:v15+s13+$0x0], $0xffff;
	_ =	sdelay $0x4  }
0x1ef: {  	v16 =	vsub.f32 v1, v3  }
0x1f0: {  	v17 =	vor.u32 $0x23, v60  }
0x1f1: {  	v3 =	vadd.f32 v16, v3;
	_ =	sdelay $0x1  }
0x1f2: {  	[tilespmem:v15+s14+$0x0] =	vst.idx.msk $0xffff, v3  }
0x1f3: {  	v2 =	vld [tilespmem:$0x4A0]  }
0x1f4: {  	v3 =	vld.idx.msk [tilespmem:v17+s13+$0x0], $0xffff;
	_ =	sdelay $0x4  }
0x1f5: {  	v18 =	vsub.f32 v2, v3  }
0x1f6: {  	v19 =	vor.u32 $0x423, v60  }
0x1f7: {  	v3 =	vadd.f32 v18, v3;
	_ =	sdelay $0x1  }
0x1f8: {  	[tilespmem:v17+s14+$0x0] =	vst.idx.msk $0xffff, v3  }
0x1f9: {  	v1 =	vld [tilespmem:$0x4B0]  }
0x1fa: {  	v3 =	vld.idx.msk [tilespmem:v19+s13+$0x0], $0xffff;
	_ =	sdelay $0x4  }
0x1fb: {  	v20 =	vsub.f32 v1, v3  }
0x1fc: {  	v21 =	vor.u32 $0x24, v60  }
0x1fd: {  	v3 =	vadd.f32 v20, v3;
	_ =	sdelay $0x1  }
0x1fe: {  	[tilespmem:v19+s14+$0x0] =	vst.idx.msk $0xffff, v3  }
0x1ff: {  	v2 =	vld [tilespmem:$0x4C0]  }
0x200: {  	v3 =	vld.idx.msk [tilespmem:v21+s13+$0x0], $0xffff;
	_ =	sdelay $0x4  }
0x201: {  	v22 =	vsub.f32 v2, v3  }
0x202: {  	v23 =	vor.u32 $0x424, v60  }
0x203: {  	v3 =	vadd.f32 v22, v3;
	_ =	sdelay $0x1  }
0x204: {  	[tilespmem:v21+s14+$0x0] =	vst.idx.msk $0xffff, v3  }
0x205: {  	v1 =	vld [tilespmem:$0x4D0]  }
0x206: {  	v3 =	vld.idx.msk [tilespmem:v23+s13+$0x0], $0xffff;
	_ =	sdelay $0x4  }
0x207: {  	v58 =	vsub.f32 v1, v3  }
0x208: {  	v24 =	vor.u32 $0x25, v60  }
0x209: {  	v3 =	vadd.f32 v58, v3;
	_ =	sdelay $0x1  }
0x20a: {  	[tilespmem:v23+s14+$0x0] =	vst.idx.msk $0xffff, v3  }
0x20b: {  	v2 =	vld [tilespmem:$0x4E0]  }
0x20c: {  	v3 =	vld.idx.msk [tilespmem:v24+s13+$0x0], $0xffff;
	_ =	sdelay $0x4  }
0x20d: {  	v57 =	vsub.f32 v2, v3  }
0x20e: {  	v25 =	vor.u32 $0x425, v60  }
0x20f: {  	v3 =	vadd.f32 v57, v3;
	_ =	sdelay $0x1  }
0x210: {  	[tilespmem:v24+s14+$0x0] =	vst.idx.msk $0xffff, v3  }
0x211: {  	v1 =	vld [tilespmem:$0x4F0]  }
0x212: {  	v3 =	vld.idx.msk [tilespmem:v25+s13+$0x0], $0xffff;
	_ =	sdelay $0x4  }
0x213: {  	v56 =	vsub.f32 v1, v3  }
0x214: {  	v26 =	vor.u32 $0x26, v60  }
0x215: {  	v3 =	vadd.f32 v56, v3;
	_ =	sdelay $0x1  }
0x216: {  	[tilespmem:v25+s14+$0x0] =	vst.idx.msk $0xffff, v3  }
0x217: {  	v2 =	vld [tilespmem:$0x500]  }
0x218: {  	v3 =	vld.idx.msk [tilespmem:v26+s13+$0x0], $0xffff;
	_ =	sdelay $0x4  }
0x219: {  	v55 =	vsub.f32 v2, v3  }
0x21a: {  	v27 =	vor.u32 $0x426, v60  }
0x21b: {  	v3 =	vadd.f32 v55, v3;
	_ =	sdelay $0x1  }
0x21c: {  	[tilespmem:v26+s14+$0x0] =	vst.idx.msk $0xffff, v3  }
0x21d: {  	v1 =	vld [tilespmem:$0x510]  }
0x21e: {  	v3 =	vld.idx.msk [tilespmem:v27+s13+$0x0], $0xffff;
	_ =	sdelay $0x4  }
0x21f: {  	v54 =	vsub.f32 v1, v3  }
0x220: {  	v28 =	vor.u32 $0x27, v60  }
0x221: {  	v3 =	vadd.f32 v54, v3;
	_ =	sdelay $0x1  }
0x222: {  	[tilespmem:v27+s14+$0x0] =	vst.idx.msk $0xffff, v3  }
0x223: {  	v2 =	vld [tilespmem:$0x520]  }
0x224: {  	v3 =	vld.idx.msk [tilespmem:v28+s13+$0x0], $0xffff;
	_ =	sdelay $0x4  }
0x225: {  	v53 =	vsub.f32 v2, v3  }
0x226: {  	v29 =	vor.u32 $0x427, v60  }
0x227: {  	v3 =	vadd.f32 v53, v3;
	_ =	sdelay $0x1  }
0x228: {  	[tilespmem:v28+s14+$0x0] =	vst.idx.msk $0xffff, v3  }
0x229: {  	v1 =	vld [tilespmem:$0x530]  }
0x22a: {  	v3 =	vld.idx.msk [tilespmem:v29+s13+$0x0], $0xffff;
	_ =	sdelay $0x4  }
0x22b: {  	v52 =	vsub.f32 v1, v3  }
0x22c: {  	v30 =	vor.u32 $0x28, v60  }
0x22d: {  	v3 =	vadd.f32 v52, v3;
	_ =	sdelay $0x1  }
0x22e: {  	[tilespmem:v29+s14+$0x0] =	vst.idx.msk $0xffff, v3  }
0x22f: {  	v2 =	vld [tilespmem:$0x540]  }
0x230: {  	v3 =	vld.idx.msk [tilespmem:v30+s13+$0x0], $0xffff;
	_ =	sdelay $0x4  }
0x231: {  	v51 =	vsub.f32 v2, v3  }
0x232: {  	v31 =	vor.u32 $0x428, v60  }
0x233: {  	v3 =	vadd.f32 v51, v3;
	_ =	sdelay $0x1  }
0x234: {  	[tilespmem:v30+s14+$0x0] =	vst.idx.msk $0xffff, v3  }
0x235: {  	v1 =	vld [tilespmem:$0x550]  }
0x236: {  	v3 =	vld.idx.msk [tilespmem:v31+s13+$0x0], $0xffff;
	_ =	sdelay $0x4  }
0x237: {  	v50 =	vsub.f32 v1, v3  }
0x238: {  	v32 =	vor.u32 $0x29, v60  }
0x239: {  	v3 =	vadd.f32 v50, v3;
	_ =	sdelay $0x1  }
0x23a: {  	[tilespmem:v31+s14+$0x0] =	vst.idx.msk $0xffff, v3  }
0x23b: {  	v2 =	vld [tilespmem:$0x560]  }
0x23c: {  	v3 =	vld.idx.msk [tilespmem:v32+s13+$0x0], $0xffff;
	_ =	sdelay $0x4  }
0x23d: {  	v49 =	vsub.f32 v2, v3  }
0x23e: {  	v33 =	vor.u32 $0x429, v60  }
0x23f: {  	v3 =	vadd.f32 v49, v3;
	_ =	sdelay $0x1  }
0x240: {  	[tilespmem:v32+s14+$0x0] =	vst.idx.msk $0xffff, v3  }
0x241: {  	v1 =	vld [tilespmem:$0x570]  }
0x242: {  	v3 =	vld.idx.msk [tilespmem:v33+s13+$0x0], $0xffff;
	_ =	sdelay $0x4  }
0x243: {  	v48 =	vsub.f32 v1, v3  }
0x244: {  	v34 =	vor.u32 $0x2A, v60  }
0x245: {  	v3 =	vadd.f32 v48, v3;
	_ =	sdelay $0x1  }
0x246: {  	[tilespmem:v33+s14+$0x0] =	vst.idx.msk $0xffff, v3  }
0x247: {  	v2 =	vld [tilespmem:$0x580]  }
0x248: {  	v3 =	vld.idx.msk [tilespmem:v34+s13+$0x0], $0xffff;
	_ =	sdelay $0x4  }
0x249: {  	v47 =	vsub.f32 v2, v3  }
0x24a: {  	v35 =	vor.u32 $0x42A, v60  }
0x24b: {  	v3 =	vadd.f32 v47, v3;
	_ =	sdelay $0x1  }
0x24c: {  	[tilespmem:v34+s14+$0x0] =	vst.idx.msk $0xffff, v3  }
0x24d: {  	v1 =	vld [tilespmem:$0x590]  }
0x24e: {  	v3 =	vld.idx.msk [tilespmem:v35+s13+$0x0], $0xffff;
	_ =	sdelay $0x4  }
0x24f: {  	v46 =	vsub.f32 v1, v3  }
0x250: {  	v36 =	vor.u32 $0x2B, v60  }
0x251: {  	v3 =	vadd.f32 v46, v3;
	_ =	sdelay $0x1  }
0x252: {  	[tilespmem:v35+s14+$0x0] =	vst.idx.msk $0xffff, v3  }
0x253: {  	v2 =	vld [tilespmem:$0x5A0]  }
0x254: {  	v3 =	vld.idx.msk [tilespmem:v36+s13+$0x0], $0xffff;
	_ =	sdelay $0x4  }
0x255: {  	v45 =	vsub.f32 v2, v3  }
0x256: {  	v37 =	vor.u32 $0x42B, v60  }
0x257: {  	v3 =	vadd.f32 v45, v3;
	_ =	sdelay $0x1  }
0x258: {  	[tilespmem:v36+s14+$0x0] =	vst.idx.msk $0xffff, v3  }
0x259: {  	v1 =	vld [tilespmem:$0x5B0]  }
0x25a: {  	v3 =	vld.idx.msk [tilespmem:v37+s13+$0x0], $0xffff;
	_ =	sdelay $0x4  }
0x25b: {  	v44 =	vsub.f32 v1, v3  }
0x25c: {  	v38 =	vor.u32 $0x2C, v60  }
0x25d: {  	v3 =	vadd.f32 v44, v3;
	_ =	sdelay $0x1  }
0x25e: {  	[tilespmem:v37+s14+$0x0] =	vst.idx.msk $0xffff, v3  }
0x25f: {  	v2 =	vld [tilespmem:$0x5C0]  }
0x260: {  	v3 =	vld.idx.msk [tilespmem:v38+s13+$0x0], $0xffff;
	_ =	sdelay $0x4  }
0x261: {  	v43 =	vsub.f32 v2, v3  }
0x262: {  	v39 =	vor.u32 $0x42C, v60  }
0x263: {  	v3 =	vadd.f32 v43, v3;
	_ =	sdelay $0x1  }
0x264: {  	[tilespmem:v38+s14+$0x0] =	vst.idx.msk $0xffff, v3  }
0x265: {  	v1 =	vld [tilespmem:$0x5D0]  }
0x266: {  	v3 =	vld.idx.msk [tilespmem:v39+s13+$0x0], $0xffff;
	_ =	sdelay $0x4  }
0x267: {  	v42 =	vsub.f32 v1, v3  }
0x268: {  	v62 =	vor.u32 $0x2D, v60  }
0x269: {  	v3 =	vadd.f32 v42, v3;
	_ =	sdelay $0x1  }
0x26a: {  	[tilespmem:v39+s14+$0x0] =	vst.idx.msk $0xffff, v3  }
0x26b: {  	v2 =	vld [tilespmem:$0x5E0]  }
0x26c: {  	v3 =	vld.idx.msk [tilespmem:v62+s13+$0x0], $0xffff;
	_ =	sdelay $0x4  }
0x26d: {  	v41 =	vsub.f32 v2, v3  }
0x26e: {  	v63 =	vor.u32 $0x42D, v60  }
0x26f: {  	v3 =	vadd.f32 v41, v3;
	_ =	sdelay $0x1  }
0x270: {  	[tilespmem:v62+s14+$0x0] =	vst.idx.msk $0xffff, v3  }
0x271: {  	v1 =	vld [tilespmem:$0x5F0]  }
0x272: {  	v3 =	vld.idx.msk [tilespmem:v63+s13+$0x0], $0xffff;
	_ =	sdelay $0x4  }
0x273: {  	v40 =	vsub.f32 v1, v3  }
0x274: {  	[tilespmem:$0x1FBA0] =	vst v6;
	v6 =	vor.u32 $0x2E, v60  }
0x275: {  	v3 =	vadd.f32 v40, v3;
	_ =	sdelay $0x1  }
0x276: {  	[tilespmem:v63+s14+$0x0] =	vst.idx.msk $0xffff, v3  }
0x277: {  	v2 =	vld [tilespmem:$0x600]  }
0x278: {  	v3 =	vld.idx.msk [tilespmem:v6+s13+$0x0], $0xffff;
	_ =	sdelay $0x4  }
0x279: {  	v39 =	vsub.f32 v2, v3  }
0x27a: {  	v11 =	vor.u32 $0x42E, v60  }
0x27b: {  	v3 =	vadd.f32 v39, v3;
	_ =	sdelay $0x1  }
0x27c: {  	[tilespmem:v6+s14+$0x0] =	vst.idx.msk $0xffff, v3  }
0x27d: {  	v1 =	vld [tilespmem:$0x610]  }
0x27e: {  	v3 =	vld.idx.msk [tilespmem:v11+s13+$0x0], $0xffff;
	_ =	sdelay $0x4  }
0x27f: {  	v38 =	vsub.f32 v1, v3  }
0x280: {  	[tilespmem:$0x1FBB0] =	vst v12;
	v12 =	vor.u32 $0x2F, v60  }
0x281: {  	v3 =	vadd.f32 v38, v3;
	_ =	sdelay $0x1  }
0x282: {  	[tilespmem:v11+s14+$0x0] =	vst.idx.msk $0xffff, v3  }
0x283: {  	v2 =	vld [tilespmem:$0x620]  }
0x284: {  	v3 =	vld.idx.msk [tilespmem:v12+s13+$0x0], $0xffff;
	_ =	sdelay $0x4  }
0x285: {  	v37 =	vsub.f32 v2, v3  }
0x286: {  	v13 =	vor.u32 $0x42F, v60  }
0x287: {  	v3 =	vadd.f32 v37, v3;
	_ =	sdelay $0x1  }
0x288: {  	[tilespmem:v12+s14+$0x0] =	vst.idx.msk $0xffff, v3  }
0x289: {  	v1 =	vld [tilespmem:$0x630]  }
0x28a: {  	v3 =	vld.idx.msk [tilespmem:v13+s13+$0x0], $0xffff;
	_ =	sdelay $0x4  }
0x28b: {  	v36 =	vsub.f32 v1, v3  }
0x28c: {  	[tilespmem:$0x1FBC0] =	vst v14;
	v14 =	vor.u32 $0x30, v60  }
0x28d: {  	v3 =	vadd.f32 v36, v3;
	_ =	sdelay $0x1  }
0x28e: {  	[tilespmem:v13+s14+$0x0] =	vst.idx.msk $0xffff, v3  }
0x28f: {  	v2 =	vld [tilespmem:$0x640]  }
0x290: {  	v3 =	vld.idx.msk [tilespmem:v14+s13+$0x0], $0xffff;
	_ =	sdelay $0x4  }
0x291: {  	v35 =	vsub.f32 v2, v3  }
0x292: {  	v15 =	vor.u32 $0x430, v60  }
0x293: {  	v3 =	vadd.f32 v35, v3;
	_ =	sdelay $0x1  }
0x294: {  	[tilespmem:v14+s14+$0x0] =	vst.idx.msk $0xffff, v3  }
0x295: {  	v1 =	vld [tilespmem:$0x650]  }
0x296: {  	v3 =	vld.idx.msk [tilespmem:v15+s13+$0x0], $0xffff;
	_ =	sdelay $0x4  }
0x297: {  	v34 =	vsub.f32 v1, v3  }
0x298: {  	[tilespmem:$0x1FBD0] =	vst v16;
	v16 =	vor.u32 $0x31, v60  }
0x299: {  	v3 =	vadd.f32 v34, v3;
	_ =	sdelay $0x1  }
0x29a: {  	[tilespmem:v15+s14+$0x0] =	vst.idx.msk $0xffff, v3  }
0x29b: {  	v2 =	vld [tilespmem:$0x660]  }
0x29c: {  	v3 =	vld.idx.msk [tilespmem:v16+s13+$0x0], $0xffff;
	_ =	sdelay $0x4  }
0x29d: {  	v33 =	vsub.f32 v2, v3  }
0x29e: {  	v17 =	vor.u32 $0x431, v60  }
0x29f: {  	v3 =	vadd.f32 v33, v3;
	_ =	sdelay $0x1  }
0x2a0: {  	[tilespmem:v16+s14+$0x0] =	vst.idx.msk $0xffff, v3  }
0x2a1: {  	v1 =	vld [tilespmem:$0x670]  }
0x2a2: {  	v3 =	vld.idx.msk [tilespmem:v17+s13+$0x0], $0xffff;
	_ =	sdelay $0x4  }
0x2a3: {  	v32 =	vsub.f32 v1, v3  }
0x2a4: {  	[tilespmem:$0x1FBE0] =	vst v18;
	v18 =	vor.u32 $0x32, v60  }
0x2a5: {  	v3 =	vadd.f32 v32, v3;
	_ =	sdelay $0x1  }
0x2a6: {  	[tilespmem:v17+s14+$0x0] =	vst.idx.msk $0xffff, v3  }
0x2a7: {  	v2 =	vld [tilespmem:$0x680]  }
0x2a8: {  	v3 =	vld.idx.msk [tilespmem:v18+s13+$0x0], $0xffff;
	_ =	sdelay $0x4  }
0x2a9: {  	v31 =	vsub.f32 v2, v3  }
0x2aa: {  	v19 =	vor.u32 $0x432, v60  }
0x2ab: {  	v3 =	vadd.f32 v31, v3;
	_ =	sdelay $0x1  }
0x2ac: {  	[tilespmem:v18+s14+$0x0] =	vst.idx.msk $0xffff, v3  }
0x2ad: {  	v1 =	vld [tilespmem:$0x690]  }
0x2ae: {  	v3 =	vld.idx.msk [tilespmem:v19+s13+$0x0], $0xffff;
	_ =	sdelay $0x4  }
0x2af: {  	v30 =	vsub.f32 v1, v3  }
0x2b0: {  	[tilespmem:$0x1FBF0] =	vst v20;
	v20 =	vor.u32 $0x33, v60  }
0x2b1: {  	v3 =	vadd.f32 v30, v3;
	_ =	sdelay $0x1  }
0x2b2: {  	[tilespmem:v19+s14+$0x0] =	vst.idx.msk $0xffff, v3  }
0x2b3: {  	v2 =	vld [tilespmem:$0x6A0]  }
0x2b4: {  	v3 =	vld.idx.msk [tilespmem:v20+s13+$0x0], $0xffff;
	_ =	sdelay $0x4  }
0x2b5: {  	v29 =	vsub.f32 v2, v3  }
0x2b6: {  	v21 =	vor.u32 $0x433, v60  }
0x2b7: {  	v3 =	vadd.f32 v29, v3;
	_ =	sdelay $0x1  }
0x2b8: {  	[tilespmem:v20+s14+$0x0] =	vst.idx.msk $0xffff, v3  }
0x2b9: {  	v1 =	vld [tilespmem:$0x6B0]  }
0x2ba: {  	v3 =	vld.idx.msk [tilespmem:v21+s13+$0x0], $0xffff;
	_ =	sdelay $0x4  }
0x2bb: {  	v28 =	vsub.f32 v1, v3  }
0x2bc: {  	[tilespmem:$0x1FC00] =	vst v22;
	v22 =	vor.u32 $0x34, v60  }
0x2bd: {  	v3 =	vadd.f32 v28, v3;
	_ =	sdelay $0x1  }
0x2be: {  	[tilespmem:v21+s14+$0x0] =	vst.idx.msk $0xffff, v3  }
0x2bf: {  	v2 =	vld [tilespmem:$0x6C0]  }
0x2c0: {  	v3 =	vld.idx.msk [tilespmem:v22+s13+$0x0], $0xffff;
	_ =	sdelay $0x4  }
0x2c1: {  	v27 =	vsub.f32 v2, v3  }
0x2c2: {  	v23 =	vor.u32 $0x434, v60  }
0x2c3: {  	v3 =	vadd.f32 v27, v3;
	_ =	sdelay $0x1  }
0x2c4: {  	[tilespmem:v22+s14+$0x0] =	vst.idx.msk $0xffff, v3  }
0x2c5: {  	v1 =	vld [tilespmem:$0x6D0]  }
0x2c6: {  	v3 =	vld.idx.msk [tilespmem:v23+s13+$0x0], $0xffff;
	_ =	sdelay $0x4  }
0x2c7: {  	v26 =	vsub.f32 v1, v3  }
0x2c8: {  	v62 =	vor.u32 $0x35, v60  }
0x2c9: {  	v3 =	vadd.f32 v26, v3;
	_ =	sdelay $0x1  }
0x2ca: {  	[tilespmem:v23+s14+$0x0] =	vst.idx.msk $0xffff, v3  }
0x2cb: {  	v2 =	vld [tilespmem:$0x6E0]  }
0x2cc: {  	v3 =	vld.idx.msk [tilespmem:v62+s13+$0x0], $0xffff;
	_ =	sdelay $0x4  }
0x2cd: {  	v25 =	vsub.f32 v2, v3  }
0x2ce: {  	v63 =	vor.u32 $0x435, v60  }
0x2cf: {  	v3 =	vadd.f32 v25, v3;
	_ =	sdelay $0x1  }
0x2d0: {  	[tilespmem:v62+s14+$0x0] =	vst.idx.msk $0xffff, v3  }
0x2d1: {  	v1 =	vld [tilespmem:$0x6F0]  }
0x2d2: {  	v3 =	vld.idx.msk [tilespmem:v63+s13+$0x0], $0xffff;
	_ =	sdelay $0x4  }
0x2d3: {  	v24 =	vsub.f32 v1, v3  }
0x2d4: {  	v6 =	vor.u32 $0x36, v60  }
0x2d5: {  	v3 =	vadd.f32 v24, v3;
	_ =	sdelay $0x1  }
0x2d6: {  	[tilespmem:v63+s14+$0x0] =	vst.idx.msk $0xffff, v3  }
0x2d7: {  	v2 =	vld [tilespmem:$0x700]  }
0x2d8: {  	v3 =	vld.idx.msk [tilespmem:v6+s13+$0x0], $0xffff;
	_ =	sdelay $0x4  }
0x2d9: {  	v23 =	vsub.f32 v2, v3  }
0x2da: {  	v11 =	vor.u32 $0x436, v60  }
0x2db: {  	v3 =	vadd.f32 v23, v3;
	_ =	sdelay $0x1  }
0x2dc: {  	[tilespmem:v6+s14+$0x0] =	vst.idx.msk $0xffff, v3  }
0x2dd: {  	v1 =	vld [tilespmem:$0x710]  }
0x2de: {  	v3 =	vld.idx.msk [tilespmem:v11+s13+$0x0], $0xffff;
	_ =	sdelay $0x4  }
0x2df: {  	v22 =	vsub.f32 v1, v3  }
0x2e0: {  	v12 =	vor.u32 $0x37, v60  }
0x2e1: {  	v3 =	vadd.f32 v22, v3;
	_ =	sdelay $0x1  }
0x2e2: {  	[tilespmem:v11+s14+$0x0] =	vst.idx.msk $0xffff, v3  }
0x2e3: {  	v2 =	vld [tilespmem:$0x720]  }
0x2e4: {  	v3 =	vld.idx.msk [tilespmem:v12+s13+$0x0], $0xffff;
	_ =	sdelay $0x4  }
0x2e5: {  	v21 =	vsub.f32 v2, v3  }
0x2e6: {  	v13 =	vor.u32 $0x437, v60  }
0x2e7: {  	v3 =	vadd.f32 v21, v3;
	_ =	sdelay $0x1  }
0x2e8: {  	[tilespmem:v12+s14+$0x0] =	vst.idx.msk $0xffff, v3  }
0x2e9: {  	v1 =	vld [tilespmem:$0x730]  }
0x2ea: {  	v3 =	vld.idx.msk [tilespmem:v13+s13+$0x0], $0xffff;
	_ =	sdelay $0x4  }
0x2eb: {  	v20 =	vsub.f32 v1, v3  }
0x2ec: {  	v14 =	vor.u32 $0x38, v60  }
0x2ed: {  	v3 =	vadd.f32 v20, v3;
	_ =	sdelay $0x1  }
0x2ee: {  	[tilespmem:v13+s14+$0x0] =	vst.idx.msk $0xffff, v3  }
0x2ef: {  	v2 =	vld [tilespmem:$0x740]  }
0x2f0: {  	v3 =	vld.idx.msk [tilespmem:v14+s13+$0x0], $0xffff;
	_ =	sdelay $0x4  }
0x2f1: {  	v19 =	vsub.f32 v2, v3  }
0x2f2: {  	v15 =	vor.u32 $0x438, v60  }
0x2f3: {  	v3 =	vadd.f32 v19, v3;
	_ =	sdelay $0x1  }
0x2f4: {  	[tilespmem:v14+s14+$0x0] =	vst.idx.msk $0xffff, v3  }
0x2f5: {  	v1 =	vld [tilespmem:$0x750]  }
0x2f6: {  	v3 =	vld.idx.msk [tilespmem:v15+s13+$0x0], $0xffff;
	_ =	sdelay $0x4  }
0x2f7: {  	v18 =	vsub.f32 v1, v3  }
0x2f8: {  	v62 =	vor.u32 $0x39, v60  }
0x2f9: {  	v3 =	vadd.f32 v18, v3;
	_ =	sdelay $0x1  }
0x2fa: {  	[tilespmem:v15+s14+$0x0] =	vst.idx.msk $0xffff, v3  }
0x2fb: {  	v2 =	vld [tilespmem:$0x760]  }
0x2fc: {  	v3 =	vld.idx.msk [tilespmem:v62+s13+$0x0], $0xffff;
	_ =	sdelay $0x4  }
0x2fd: {  	v17 =	vsub.f32 v2, v3  }
0x2fe: {  	v63 =	vor.u32 $0x439, v60  }
0x2ff: {  	v3 =	vadd.f32 v17, v3;
	_ =	sdelay $0x1  }
0x300: {  	[tilespmem:v62+s14+$0x0] =	vst.idx.msk $0xffff, v3  }
0x301: {  	v1 =	vld [tilespmem:$0x770]  }
0x302: {  	v3 =	vld.idx.msk [tilespmem:v63+s13+$0x0], $0xffff;
	_ =	sdelay $0x4  }
0x303: {  	v16 =	vsub.f32 v1, v3  }
0x304: {  	v6 =	vor.u32 $0x3A, v60  }
0x305: {  	v3 =	vadd.f32 v16, v3;
	_ =	sdelay $0x1  }
0x306: {  	[tilespmem:v63+s14+$0x0] =	vst.idx.msk $0xffff, v3  }
0x307: {  	v2 =	vld [tilespmem:$0x780]  }
0x308: {  	v3 =	vld.idx.msk [tilespmem:v6+s13+$0x0], $0xffff;
	_ =	sdelay $0x4  }
0x309: {  	v15 =	vsub.f32 v2, v3  }
0x30a: {  	v11 =	vor.u32 $0x43A, v60  }
0x30b: {  	v3 =	vadd.f32 v15, v3;
	_ =	sdelay $0x1  }
0x30c: {  	[tilespmem:v6+s14+$0x0] =	vst.idx.msk $0xffff, v3  }
0x30d: {  	v1 =	vld [tilespmem:$0x790]  }
0x30e: {  	v3 =	vld.idx.msk [tilespmem:v11+s13+$0x0], $0xffff;
	_ =	sdelay $0x4  }
0x30f: {  	v14 =	vsub.f32 v1, v3  }
0x310: {  	v62 =	vor.u32 $0x3B, v60  }
0x311: {  	v3 =	vadd.f32 v14, v3;
	_ =	sdelay $0x1  }
0x312: {  	[tilespmem:v11+s14+$0x0] =	vst.idx.msk $0xffff, v3  }
0x313: {  	v2 =	vld [tilespmem:$0x7A0]  }
0x314: {  	v3 =	vld.idx.msk [tilespmem:v62+s13+$0x0], $0xffff;
	_ =	sdelay $0x4  }
0x315: {  	v13 =	vsub.f32 v2, v3  }
0x316: {  	v63 =	vor.u32 $0x43B, v60  }
0x317: {  	v3 =	vadd.f32 v13, v3;
	_ =	sdelay $0x1  }
0x318: {  	[tilespmem:v62+s14+$0x0] =	vst.idx.msk $0xffff, v3  }
0x319: {  	v1 =	vld [tilespmem:$0x7B0]  }
0x31a: {  	v3 =	vld.idx.msk [tilespmem:v63+s13+$0x0], $0xffff;
	_ =	sdelay $0x4  }
0x31b: {  	v12 =	vsub.f32 v1, v3  }
0x31c: {  	v6 =	vor.u32 $0x3C, v60  }
0x31d: {  	v3 =	vadd.f32 v12, v3;
	_ =	sdelay $0x1  }
0x31e: {  	[tilespmem:v63+s14+$0x0] =	vst.idx.msk $0xffff, v3  }
0x31f: {  	v2 =	vld [tilespmem:$0x7C0]  }
0x320: {  	v3 =	vld.idx.msk [tilespmem:v6+s13+$0x0], $0xffff;
	_ =	sdelay $0x4  }
0x321: {  	v11 =	vsub.f32 v2, v3  }
0x322: {  	v2 =	vor.u32 $0x43C, v60  }
0x323: {  	v3 =	vadd.f32 v11, v3;
	_ =	sdelay $0x1  }
0x324: {  	v62 =	vmul.f32 v9, v9;
	v9 =	vld [tilespmem:$0x1F800];
	[tilespmem:v6+s14+$0x0] =	vst.idx.msk $0xffff, v3  }
0x325: {  	v0 =	vmul.f32 v4, v4;
	v6 =	vld [tilespmem:$0x7D0]  }
0x326: {  	v4 =	vmul.f32 v7, v7;
	v63 =	vmul.f32 v61, v61;
	v1 =	vld.idx.msk [tilespmem:v2+s13+$0x0], $0xffff  }
0x327: {  	v61 =	vld [tilespmem:$0x1F810]  }
0x328: {  	v4 =	vadd.f32 v63, v4;
	v63 =	vld [tilespmem:$0x1F820];
	_ =	sdelay $0x1  }
0x329: {  	v62 =	vadd.f32 v62, v0;
	v0 =	vmul.f32 v10, v10;
	v3 =	vmul.f32 v5, v5  }
0x32a: {  	v10 =	vsub.f32 v6, v1  }
0x32b: {  	v6 =	vadd.f32 v0, v3;
	v0 =	vmul.f32 v61, v61  }
0x32c: {  	v3 =	vmul.f32 v9, v9;
	v9 =	vmul.f32 v63, v63;
	v1 =	vadd.f32 v10, v1  }
0x32d: {  	v0 =	vadd.f32 v0, v62;
	v62 =	vld [tilespmem:$0x1F830]  }
0x32e: {  	[tilespmem:v2+s14+$0x0] =	vst.idx.msk $0xffff, v1;
	v1 =	vadd.f32 v9, v6;
	v9 =	vld [tilespmem:$0x1F860]  }
0x32f: {  	v5 =	vmul.f32 v8, v8;
	v8 =	vld [tilespmem:$0x1F850]  }
0x330: {  	v7 =	vld [tilespmem:$0x1F840];
	_ =	sdelay $0x1  }
0x331: {  	v63 =	vld [tilespmem:$0x1F880];
	v3 =	vadd.f32 v3, v5;
	v5 =	vmul.f32 v62, v62  }
0x332: {  	v61 =	vld [tilespmem:$0x1F870];
	v62 =	vmul.f32 v9, v9  }
0x333: {  	v4 =	vadd.f32 v5, v4;
	v5 =	vmul.f32 v8, v8;
	v8 =	vld [tilespmem:$0x1F8A0]  }
0x334: {  	v2 =	vmul.f32 v7, v7;
	v1 =	vadd.f32 v62, v1;
	v62 =	vld [tilespmem:$0x1F890];
	_ =	sdelay $0x1  }
0x335: {  	v2 =	vadd.f32 v2, v3;
	v9 =	vmul.f32 v63, v63;
	_ =	sdelay $0x1  }
0x336: {  	v3 =	vmul.f32 v61, v61;
	v61 =	vld [tilespmem:$0x1F8E0];
	v6 =	vadd.f32 v9, v2;
	v9 =	vmul.f32 v8, v8  }
0x337: {  	v0 =	vadd.f32 v5, v0;
	v8 =	vld [tilespmem:$0x1F8C0];
	v5 =	vmul.f32 v62, v62  }
0x338: {  	v1 =	vadd.f32 v9, v1;
	v9 =	vld [tilespmem:$0x1F8D0]  }
0x339: {  	v2 =	vadd.f32 v5, v0;
	v5 =	vld [tilespmem:$0x1F8B0];
	_ =	sdelay $0x2  }
0x33a: {  	v7 =	vor.u32 $0x3D, v60  }
0x33b: {  	v3 =	vadd.f32 v3, v4;
	v4 =	vmul.f32 v9, v9;
	v9 =	vmul.f32 v61, v61  }
0x33c: {  	v63 =	vmul.f32 v8, v8;
	v5 =	vmul.f32 v5, v5  }
0x33d: {  	v1 =	vadd.f32 v9, v1;
	v9 =	vld [tilespmem:$0x1F900]  }
0x33e: {  	v3 =	vadd.f32 v5, v3;
	v5 =	vadd.f32 v63, v6;
	v63 =	vld [tilespmem:$0x1F8F0]  }
0x33f: {  	v62 =	vld [tilespmem:$0x7E0]  }
0x340: {  	v0 =	vld.idx.msk [tilespmem:v7+s13+$0x0], $0xffff  }
0x341: {  	v61 =	vld [tilespmem:$0x1F910]  }
0x342: {  	v4 =	vadd.f32 v4, v2;
	v2 =	vmul.f32 v9, v9;
	v9 =	vld [tilespmem:$0x1F930]  }
0x343: {  	v6 =	vmul.f32 v63, v63;
	v63 =	vld [tilespmem:$0x1F920];
	_ =	sdelay $0x3  }
0x344: {  	v3 =	vadd.f32 v6, v3;
	v6 =	vmul.f32 v61, v61  }
0x345: {  	v61 =	vmul.f32 v63, v63;
	v63 =	vmul.f32 v9, v9;
	v9 =	vsub.f32 v62, v0;
	v62 =	vld [tilespmem:$0x1F940];
	_ =	sdelay $0x1  }
0x346: {  	v3 =	vadd.f32 v63, v3;
	v63 =	vld [tilespmem:$0x1F950];
	_ =	sdelay $0x2  }
0x347: {  	v5 =	vadd.f32 v2, v5;
	v4 =	vadd.f32 v6, v4;
	v6 =	vmul.f32 v62, v62  }
0x348: {  	v1 =	vadd.f32 v61, v1  }
0x349: {  	v0 =	vadd.f32 v9, v0;
	v61 =	vmul.f32 v63, v63;
	v5 =	vadd.f32 v6, v5;
	v6 =	vld [tilespmem:$0x1F960]  }
0x34a: {  	v8 =	vld [tilespmem:$0x1F970]  }
0x34b: {  	[tilespmem:v7+s14+$0x0] =	vst.idx.msk $0xffff, v0;
	v0 =	vadd.f32 v61, v4;
	v61 =	vld [tilespmem:$0x1F980];
	_ =	sdelay $0x2  }
0x34c: {  	v6 =	vmul.f32 v6, v6  }
0x34d: {  	v62 =	vmul.f32 v8, v8;
	v8 =	vld [tilespmem:$0x1F9A0]  }
0x34e: {  	v63 =	vmul.f32 v61, v61;
	v1 =	vadd.f32 v6, v1;
	v6 =	vld [tilespmem:$0x1F990];
	_ =	sdelay $0x1  }
0x34f: {  	v4 =	vadd.f32 v63, v5;
	v63 =	vld [tilespmem:$0x1F9D0];
	_ =	sdelay $0x2  }
0x350: {  	v5 =	vmul.f32 v8, v8;
	v6 =	vmul.f32 v6, v6;
	_ =	sdelay $0x1  }
0x351: {  	v1 =	vadd.f32 v5, v1;
	v5 =	vld [tilespmem:$0x1F9E0];
	v0 =	vadd.f32 v6, v0;
	v8 =	vmul.f32 v63, v63;
	_ =	sdelay $0x1  }
0x352: {  	v2 =	vadd.f32 v8, v0;
	v8 =	vld [tilespmem:$0x1FA00];
	_ =	sdelay $0x1  }
0x353: {  	v63 =	vld [tilespmem:$0x1FA10]  }
0x354: {  	v5 =	vmul.f32 v5, v5  }
0x355: {  	v3 =	vadd.f32 v62, v3;
	v62 =	vld [tilespmem:$0x1F9C0]  }
0x356: {  	v1 =	vadd.f32 v5, v1;
	v5 =	vmul.f32 v8, v8;
	v8 =	vld [tilespmem:$0x1FA30]  }
0x357: {  	v61 =	vld [tilespmem:$0x1F9B0]  }
0x358: {  	v63 =	vmul.f32 v63, v63;
	_ =	sdelay $0x1  }
0x359: {  	v7 =	vor.u32 $0x43D, v60;
	v2 =	vadd.f32 v63, v2;
	v63 =	vld [tilespmem:$0x1FA40]  }
0x35a: {  	v0 =	vmul.f32 v8, v8;
	v8 =	vld [tilespmem:$0x1FA50]  }
0x35b: {  	v61 =	vmul.f32 v61, v61;
	v6 =	vmul.f32 v62, v62;
	_ =	sdelay $0x1  }
0x35c: {  	v3 =	vadd.f32 v61, v3;
	v61 =	vld [tilespmem:$0x7F0];
	v4 =	vadd.f32 v6, v4  }
0x35d: {  	v62 =	vld.idx.msk [tilespmem:v7+s13+$0x0], $0xffff  }
0x35e: {  	v4 =	vadd.f32 v5, v4;
	v5 =	vmul.f32 v63, v63;
	v63 =	vmul.f32 v8, v8;
	v8 =	vld [tilespmem:$0x1FA60]  }
0x35f: {  	v6 =	vld [tilespmem:$0x1F9F0];
	_ =	sdelay $0x2  }
0x360: {  	v2 =	vadd.f32 v63, v2;
	v63 =	vld [tilespmem:$0x1FA70]  }
0x361: {  	v4 =	vadd.f32 v5, v4;
	v5 =	vmul.f32 v8, v8;
	v8 =	vsub.f32 v61, v62;
	v61 =	vld [tilespmem:$0x1FA80]  }
0x362: {  	v6 =	vmul.f32 v6, v6;
	_ =	sdelay $0x1  }
0x363: {  	v3 =	vadd.f32 v6, v3;
	v6 =	vld [tilespmem:$0x1FA20];
	_ =	sdelay $0x1  }
0x364: {  	v0 =	vadd.f32 v0, v3;
	v3 =	vmul.f32 v63, v63;
	v61 =	vmul.f32 v61, v61  }
0x365: {  	v63 =	vld [tilespmem:$0x1FA90]  }
0x366: {  	v0 =	vadd.f32 v3, v0;
	v3 =	vadd.f32 v61, v4;
	v4 =	vld [tilespmem:$0x1FAA0]  }
0x367: {  	v6 =	vmul.f32 v6, v6;
	_ =	sdelay $0x1  }
0x368: {  	v6 =	vadd.f32 v6, v1;
	_ =	sdelay $0x1  }
0x369: {  	v5 =	vadd.f32 v5, v6;
	v6 =	vmul.f32 v63, v63;
	v63 =	vld [tilespmem:$0x1FAB0];
	v61 =	vmul.f32 v4, v4;
	_ =	sdelay $0x1  }
0x36a: {  	v62 =	vadd.f32 v8, v62;
	v4 =	vadd.f32 v61, v5;
	v61 =	vld [tilespmem:$0x1FAD0]  }
0x36b: {  	v5 =	vld [tilespmem:$0x1FAC0]  }
0x36c: {  	[tilespmem:v7+s14+$0x0] =	vst.idx.msk $0xffff, v62;
	v62 =	vld [tilespmem:$0x1FAE0]  }
0x36d: {  	v2 =	vadd.f32 v6, v2;
	v6 =	vmul.f32 v63, v63;
	v63 =	vld [tilespmem:$0x1FAF0];
	_ =	sdelay $0x1  }
0x36e: {  	v61 =	vmul.f32 v61, v61  }
0x36f: {  	v5 =	vmul.f32 v5, v5  }
0x370: {  	v0 =	vadd.f32 v6, v0;
	v2 =	vadd.f32 v61, v2;
	v61 =	vld [tilespmem:$0x1FB10]  }
0x371: {  	v6 =	vmul.f32 v62, v62;
	v62 =	vmul.f32 v63, v63;
	v3 =	vadd.f32 v5, v3;
	v5 =	vld [tilespmem:$0x1FB00]  }
0x372: {  	v63 =	vld [tilespmem:$0x1FB30]  }
0x373: {  	v1 =	vadd.f32 v62, v0;
	v62 =	vld [tilespmem:$0x1FB20];
	_ =	sdelay $0x1  }
0x374: {  	v4 =	vadd.f32 v6, v4;
	v6 =	vmul.f32 v61, v61  }
0x375: {  	v5 =	vmul.f32 v5, v5  }
0x376: {  	v2 =	vadd.f32 v6, v2;
	v6 =	vld [tilespmem:$0x1FB40]  }
0x377: {  	v3 =	vadd.f32 v5, v3;
	v5 =	vmul.f32 v62, v62;
	v62 =	vmul.f32 v63, v63;
	_ =	sdelay $0x1  }
0x378: {  	v1 =	vadd.f32 v62, v1;
	v62 =	vld [tilespmem:$0x1FB60];
	_ =	sdelay $0x1  }
0x379: {  	v7 =	vor.u32 $0x3E, v60;
	v0 =	vld [tilespmem:$0x1FB50];
	v6 =	vmul.f32 v6, v6;
	_ =	sdelay $0x1  }
0x37a: {  	v3 =	vadd.f32 v6, v3;
	v6 =	vld [tilespmem:$0x1FB70]  }
0x37b: {  	v4 =	vadd.f32 v5, v4;
	v5 =	vmul.f32 v62, v62;
	v62 =	vld [tilespmem:$0x1FB80]  }
0x37c: {  	v61 =	vld [tilespmem:$0x800]  }
0x37d: {  	v0 =	vmul.f32 v0, v0;
	v63 =	vld.idx.msk [tilespmem:v7+s13+$0x0], $0xffff;
	_ =	sdelay $0x1  }
0x37e: {  	v0 =	vadd.f32 v0, v2  }
0x37f: {  	v4 =	vadd.f32 v5, v4;
	v2 =	vmul.f32 v6, v6;
	v5 =	vmul.f32 v62, v62;
	v62 =	vld [tilespmem:$0x1FB90];
	_ =	sdelay $0x1  }
0x380: {  	v1 =	vadd.f32 v2, v1;
	v2 =	vmul.f32 v59, v59;
	v59 =	vsub.f32 v61, v63;
	v61 =	vld [tilespmem:$0x1FBB0];
	_ =	sdelay $0x1  }
0x381: {  	v56 =	vmul.f32 v56, v56;
	v52 =	vmul.f32 v52, v52  }
0x382: {  	v50 =	vmul.f32 v50, v50;
	v6 =	vmul.f32 v62, v62;
	v62 =	vld [tilespmem:$0x1FBA0]  }
0x383: {  	v45 =	vmul.f32 v45, v45;
	v40 =	vmul.f32 v40, v40  }
0x384: {  	v38 =	vmul.f32 v38, v38;
	v2 =	vadd.f32 v2, v4;
	v4 =	vmul.f32 v61, v61;
	v61 =	vld [tilespmem:$0x1FBD0]  }
0x385: {  	v34 =	vmul.f32 v34, v34;
	v32 =	vmul.f32 v32, v32  }
0x386: {  	v28 =	vmul.f32 v28, v28;
	v0 =	vadd.f32 v6, v0;
	v6 =	vadd.f32 v59, v63;
	v63 =	vld [tilespmem:$0x1FBE0]  }
0x387: {  	v23 =	vmul.f32 v23, v23;
	v3 =	vadd.f32 v5, v3;
	v5 =	vmul.f32 v62, v62;
	v62 =	vld [tilespmem:$0x1FBC0]  }
0x388: {  	v19 =	vmul.f32 v19, v19;
	v17 =	vmul.f32 v17, v17  }
0x389: {  	v13 =	vmul.f32 v13, v13;
	v61 =	vmul.f32 v61, v61  }
0x38a: {  	v11 =	vmul.f32 v11, v11;
	[tilespmem:v7+s14+$0x0] =	vst.idx.msk $0xffff, v6;
	v3 =	vadd.f32 v4, v3;
	v6 =	vor.u32 $0x43E, v60  }
0x38b: {  	v4 =	vmul.f32 v63, v63;
	v63 =	vmul.f32 v58, v58;
	v2 =	vadd.f32 v61, v2;
	v61 =	vld [tilespmem:$0x1FBF0]  }
0x38c: {  	v59 =	vmul.f32 v59, v59;
	v1 =	vadd.f32 v5, v1;
	v5 =	vmul.f32 v62, v62;
	v62 =	vld [tilespmem:$0x1FC00]  }
0x38d: {  	v58 =	vmul.f32 v51, v51;
	v2 =	vadd.f32 v63, v2;
	v63 =	vmul.f32 v54, v54  }
0x38e: {  	v7 =	vld [tilespmem:$0x810];
	v51 =	vmul.f32 v43, v43;
	v43 =	vmul.f32 v24, v24;
	v1 =	vadd.f32 v4, v1  }
0x38f: {  	v54 =	vld.idx.msk [tilespmem:v6+s13+$0x0], $0xffff;
	v2 =	vadd.f32 v63, v2;
	v63 =	vmul.f32 v47, v47;
	v47 =	vmul.f32 v20, v20  }
0x390: {  	v0 =	vadd.f32 v5, v0;
	v5 =	vmul.f32 v61, v61;
	v61 =	vmul.f32 v57, v57  }
0x391: {  	v57 =	vmul.f32 v53, v53;
	v53 =	vor.u32 $0x3F, v60;
	v4 =	vmul.f32 v62, v62  }
0x392: {  	v62 =	vmul.f32 v55, v55;
	v2 =	vadd.f32 v50, v2;
	v55 =	vmul.f32 v39, v39  }
0x393: {  	v3 =	vadd.f32 v5, v3;
	v1 =	vadd.f32 v61, v1;
	v61 =	vmul.f32 v49, v49  }
0x394: {  	v7 =	vsub.f32 v7, v54;
	v49 =	vmul.f32 v44, v44;
	v0 =	vadd.f32 v4, v0  }
0x395: {  	v44 =	vmul.f32 v22, v22;
	v3 =	vadd.f32 v56, v3;
	v1 =	vadd.f32 v57, v1  }
0x396: {  	v50 =	vadd.f32 v7, v54;
	v54 =	vmul.f32 v41, v41;
	v56 =	vmul.f32 v37, v37  }
0x397: {  	v57 =	vmul.f32 v36, v36;
	v37 =	vmul.f32 v29, v29;
	v0 =	vadd.f32 v62, v0  }
0x398: {  	v62 =	vmul.f32 v48, v48;
	v48 =	vmul.f32 v46, v46;
	v3 =	vadd.f32 v52, v3  }
0x399: {  	v1 =	vadd.f32 v61, v1;
	[tilespmem:v6+s14+$0x0] =	vst.idx.msk $0xffff, v50;
	v0 =	vadd.f32 v58, v0  }
0x39a: {  	v52 =	vmul.f32 v42, v42;
	v2 =	vadd.f32 v48, v2;
	v58 =	vld [tilespmem:$0x820];
	v3 =	vadd.f32 v62, v3  }
0x39b: {  	v41 =	vmul.f32 v25, v25;
	v1 =	vadd.f32 v45, v1;
	v62 =	vld.idx.msk [tilespmem:v53+s13+$0x0], $0xffff;
	v0 =	vadd.f32 v63, v0  }
0x39c: {  	v7 =	vmul.f32 v7, v7;
	v2 =	vadd.f32 v52, v2;
	v3 =	vadd.f32 v49, v3  }
0x39d: {  	v46 =	vmul.f32 v21, v21;
	v1 =	vadd.f32 v54, v1;
	v0 =	vadd.f32 v51, v0  }
0x39e: {  	v61 =	vmul.f32 v35, v35;
	v2 =	vadd.f32 v38, v2;
	v3 =	vadd.f32 v40, v3  }
0x39f: {  	v63 =	vmul.f32 v33, v33;
	v1 =	vadd.f32 v56, v1;
	v0 =	vadd.f32 v55, v0  }
0x3a0: {  	v2 =	vadd.f32 v34, v2;
	v34 =	vmul.f32 v30, v30;
	v39 =	vsub.f32 v58, v62  }
0x3a1: {  	v45 =	vor.u32 $0x43F, v60;
	v3 =	vadd.f32 v57, v3;
	v1 =	vadd.f32 v63, v1  }
0x3a2: {  	v33 =	vmul.f32 v31, v31;
	v0 =	vadd.f32 v61, v0;
	v2 =	vadd.f32 v34, v2  }
0x3a3: {  	v40 =	vmul.f32 v26, v26;
	v42 =	vadd.f32 v39, v62;
	v3 =	vadd.f32 v32, v3  }
0x3a4: {  	v38 =	vmul.f32 v27, v27;
	v1 =	vadd.f32 v37, v1;
	v0 =	vadd.f32 v33, v0  }
0x3a5: {  	v2 =	vadd.f32 v40, v2;
	[tilespmem:v53+s14+$0x0] =	vst.idx.msk $0xffff, v42;
	v3 =	vadd.f32 v28, v3  }
0x3a6: {  	v48 =	vmul.f32 v18, v18;
	v1 =	vadd.f32 v41, v1;
	v50 =	vld [tilespmem:$0x830];
	v0 =	vadd.f32 v38, v0  }
0x3a7: {  	v49 =	vmul.f32 v16, v16;
	v52 =	vld.idx.msk [tilespmem:v45+s13+$0x0], $0xffff;
	v2 =	vadd.f32 v44, v2;
	v3 =	vadd.f32 v43, v3  }
0x3a8: {  	v54 =	vmul.f32 v12, v12;
	v1 =	vadd.f32 v46, v1;
	v0 =	vadd.f32 v23, v0  }
0x3a9: {  	v53 =	vmul.f32 v14, v14;
	v2 =	vadd.f32 v48, v2;
	v3 =	vadd.f32 v47, v3  }
0x3aa: {  	v51 =	vmul.f32 v15, v15;
	v1 =	vadd.f32 v17, v1;
	v0 =	vadd.f32 v19, v0  }
0x3ab: {  	v56 =	vmul.f32 v9, v9;
	v2 =	vadd.f32 v53, v2;
	v3 =	vadd.f32 v49, v3  }
0x3ac: {  	v55 =	vmul.f32 v10, v10;
	v58 =	vsub.f32 v50, v52;
	v1 =	vadd.f32 v13, v1  }
0x3ad: {  	v57 =	vmul.f32 v8, v8;
	v0 =	vadd.f32 v51, v0;
	v3 =	vadd.f32 v54, v3  }
0x3ae: {  	v61 =	vmul.f32 v39, v39;
	v2 =	vadd.f32 v55, v2;
	v1 =	vadd.f32 v56, v1  }
0x3af: {  	v62 =	vmul.f32 v58, v58;
	v0 =	vadd.f32 v11, v0;
	v3 =	vadd.f32 v57, v3  }
0x3b0: {  	v2 =	vadd.f32 v7, v2;
	v1 =	vadd.f32 v61, v1  }
0x3b1: {  	v0 =	vadd.f32 v59, v0;
	v3 =	vadd.f32 v62, v3;
	_ =	sdelay $0x1  }
0x3b2: {  	v0 =	vadd.f32 v2, v0;
	v1 =	vadd.f32 v3, v1  }
0x3b3: {  	v63 =	vadd.f32 v58, v52  }
0x3b4: {  	v0 =	vadd.f32 v1, v0  }
0x3b5: {  	[tilespmem:v45+s14+$0x0] =	vst.idx.msk $0xffff, v63  }
0x3b6: {  	[tilespmem:$0x1840] =	vst v0  }
0x3b7: {  	[hbm4b:s6+s10] =	stream.strided.scatter [tilespmem:s14], [sflag:$0x2], $0x800, s12, s10, $0x38;
	[tilespmem:$0x1850] =	vst v63  }
0x3b8: {  	_ =	swait.ge [sflag:s9], $0x800  }
0x3b9: {  	p0 =	sne.s32 s8, $0x1;
	[sflag:s9] =	ssyncset.done $0x0  }
.Ltmp0:
0x3ba: {  	[sflag:s9] =	ssyncadd.s32 $0xFFFFF800;
	(pc) =	sbr.rel @p0 .LBB2_1-.Ltmp0, $4  }
0x3bb: {  	[hbm4b:s7+s3] =	stream.linear.scatter [tilespmem:s15], [sflag:$0x2], $0x10, $0x38;
	[tilespmem:$0x1850] =	vst v63  }
0x3bc: {  	_ =	swait.ge [sflag:s9], $0x10  }
0x3bd: {  	[sflag:s9] =	ssyncset.done $0x0  }
0x3be: {  	s8 =	sadd.s32 $0xFFFFFFFF, s8;
	[sflag:s9] =	ssyncadd.s32 $0xFFFFFFF0  }
0x3bf: {  	_ =	sfence.sel $0x180000  }
0x3c0: {  	[bflag:$0x0] =	sbarrier.arrive $0xFFFF  }
0x3c1: {  	p0 =	sne.s32 s1, $0x0;
	_ =	strace $0x90000047  }
0x3c2: {  	s0 =	sadd.s32 @!p0 $0x100000, s2;
	[bflag:$0x2] =	sbarrier.arrive $0xFFFF  }
0x3c3: {  	[sflag:s0] =	ssyncadd.tile.s32 @!p0 $0x1;
	_ =	shalt  }
.Lfunc_end2:
_tile_overlayer_lowered:
.L_overlay_start_2:
0x3c4: {  	(tag) =	ssettag $0x2  }
0x3c5: {  	s0 =	rddreg [dreg:$0x0];
	s2 =	stileid.u32  }
0x3c6: {  	s1 =	rddreg [dreg:$0x1];
	p0 =	sne.s32 s2, $0x0  }
0x3c7: {  	s3 =	rddreg [dreg:$0x2];
	[bflag:$0x3] =	sbarrier.arrive $0xFFFF;
	s2 =	simm.s32 @!p0 $0x1C02  }
0x3c8: {  	[timem:s3], [sflag:s2] =	dma.local @!p0 [hbm:s0], s1  }
0x3c9: {  	s0 =	simm.s32 @!p0 $0x2  }
0x3ca: {  	_ =	swait.ge @!p0 [sflag:s0], s1  }
0x3cb: {  	s1 =	ssub.s32 @!p0 $0x0, s1;
	[sflag:s0] =	ssyncset.done @!p0 $0x0  }
0x3cc: {  	[sflag:s0] =	ssyncadd.s32 @!p0 s1  }
0x3cd: {  	[bflag:$0x3] =	sbarrier.arrive $0xFFFF  }
0x3ce: {  	_ =	shalt  }

</sc_bundles>
